<compile_context>
chip_gen: v7x
topology: tpu7x:2x2x1
jax: 0.10.2.dev20260603
libtpu: 0.0.44.dev20260713+nightly
codegen_flags: <defaults>
</compile_context>

<pallas_src>
import functools

import jax
import jax.numpy as jnp
from jax import lax
from jax.experimental import pallas as pl
from jax.experimental.pallas import tpu as pltpu
from jax.experimental.pallas import tpu_sc as plsc

BATCH = 16384
EMBED = 16
NC = 2
NS = 16
L = 16
NW = NC * NS
BPW = BATCH // NW
CQ = 4
NCHUNK = BPW // CQ
W = 128
CW = CQ * W
DEPTH = 7


def _mf_body(user_hbm, item_hbm, ut_hbm, it_hbm, out_hbm,
             uidx_v, iidx_v, ucols_v, icols_v, out_v, sems):
    wid = lax.axis_index("s") * NC + lax.axis_index("c")
    base = wid * BPW
    pltpu.sync_copy(user_hbm.at[pl.ds(base, BPW)], uidx_v.at[pl.ds(0, BPW)])
    pltpu.sync_copy(item_hbm.at[pl.ds(base, BPW)], iidx_v.at[pl.ds(0, BPW)])

    iot = lax.iota(jnp.int32, L)

    def fire(k, p):
        uvec = uidx_v[pl.ds(k * CQ, L)]
        ivec = iidx_v[pl.ds(k * CQ, L)]
        ustart = uvec & ~127
        istart = ivec & ~127
        sem = sems.at[p]
        for j in range(CQ):
            dst = pl.ds(p * CW + j * W, W)
            pltpu.async_copy(
                ut_hbm.at[:, pl.ds(pl.multiple_of(ustart[j], 128), W)],
                ucols_v.at[:, dst], sem)
            pltpu.async_copy(
                it_hbm.at[:, pl.ds(pl.multiple_of(istart[j], 128), W)],
                icols_v.at[:, dst], sem)

    def drain(p):
        sem = sems.at[p]
        for j in range(CQ):
            dst = pl.ds(p * CW + j * W, W)
            pltpu.make_async_copy(
                ut_hbm.at[:, pl.ds(0, W)], ucols_v.at[:, dst], sem).wait()
            pltpu.make_async_copy(
                it_hbm.at[:, pl.ds(0, W)], icols_v.at[:, dst], sem).wait()

    def comp(k, p):
        uvec = uidx_v[pl.ds(k * CQ, L)]
        ivec = iidx_v[pl.ds(k * CQ, L)]
        cbase = p * CW + (iot & (CQ - 1)) * W
        ucol = cbase + (uvec & 127)
        icol = cbase + (ivec & 127)
        acc = jnp.zeros((L,), jnp.float32)
        for d in range(EMBED):
            drow = jnp.full((L,), d, jnp.int32)
            uu = plsc.load_gather(ucols_v, [drow, ucol])
            ii = plsc.load_gather(icols_v, [drow, icol])
            acc = acc + uu * ii
        out_v[pl.ds(k * CQ, L)] = acc

    for p in range(DEPTH):
        fire(p, p)

    def step(g, carry):
        p = lax.rem(g, DEPTH)
        drain(p)
        comp(g, p)
        fire(g + DEPTH, p)
        return carry

    lax.fori_loop(0, NCHUNK - DEPTH, step, 0)
    for k in range(NCHUNK - DEPTH, NCHUNK):
        p = k % DEPTH
        drain(p)
        comp(k, p)

    pltpu.sync_copy(out_v.at[pl.ds(0, BPW)], out_hbm.at[pl.ds(base, BPW)])


def kernel(user, item, U, I):
    user = user.astype(jnp.int32)
    item = item.astype(jnp.int32)
    Ut = U.T
    It = I.T
    mesh = plsc.VectorSubcoreMesh(core_axis_name="c", subcore_axis_name="s")
    k = functools.partial(
        pl.kernel,
        out_type=jax.ShapeDtypeStruct((BATCH,), jnp.float32),
        mesh=mesh,
        compiler_params=pltpu.CompilerParams(
            needs_layout_passes=False, use_tc_tiling_on_sc=True
        ),
        scratch_types=[
            pltpu.VMEM((BPW + L,), jnp.int32),
            pltpu.VMEM((BPW + L,), jnp.int32),
            pltpu.VMEM((EMBED, DEPTH * CW), jnp.float32),
            pltpu.VMEM((EMBED, DEPTH * CW), jnp.float32),
            pltpu.VMEM((BPW + L,), jnp.float32),
            pltpu.SemaphoreType.DMA((DEPTH,)),
        ],
    )(_mf_body)
    return k(user, item, Ut, It)

# --- scband reference (transcript-rebuilt; emitter-appended) ---
"""Pipeline reference for scband-mf-78151224918651 (READ-ONLY COPY).

The authoritative reference and input builder live on the scoring server;
editing this copy changes nothing except your own understanding.
"""

import jax, jax.numpy as jnp
import numpy as np

USER_NUM = 1000000
ITEM_NUM = 1000000
EMBED = 16
BATCH = 16384

def setup_inputs(seed: int = 0) -> dict:
    key = jax.random.key(seed)
    k1, k2, k3, k4 = jax.random.split(key, 4)
    user = jax.random.randint(k1, (BATCH,), 0, USER_NUM, dtype=jnp.int64 if jax.config.jax_enable_x64 else jnp.int32)
    item = jax.random.randint(k2, (BATCH,), 0, ITEM_NUM, dtype=jnp.int64 if jax.config.jax_enable_x64 else jnp.int32)
    U = jax.random.normal(k3, (USER_NUM, EMBED), dtype=jnp.float32)
    I = jax.random.normal(k4, (ITEM_NUM, EMBED), dtype=jnp.float32)
    return {"user": user, "item": item, "U": U, "I": I}

def reference(user, item, U, I):
    u = jnp.take(U, user, axis=0)
    i = jnp.take(I, item, axis=0)
    pred = jnp.sum(u * i, axis=1)
    return pred

if __name__ == "__main__":
    import jax
    _d = setup_inputs()
    print(jax.jit(kernel)(*tuple(_d.values())))

</pallas_src>

<mosaic_0001>
#map = affine_map<(d0, d1) -> (0)>
#map1 = affine_map<(d0, d1) -> (0, 0)>
module attributes {stable_mosaic.version = 14 : i64} {
  func.func @_mf_body(%arg0: i32, %arg1: i32, %arg2: memref<16384xi32, #tpu.memory_space<hbm>>, %arg3: memref<16384xi32, #tpu.memory_space<hbm>>, %arg4: memref<16x1000000xf32, #tpu.memory_space<hbm>>, %arg5: memref<16x1000000xf32, #tpu.memory_space<hbm>>, %arg6: memref<16384xf32, #tpu.memory_space<hbm>>, %arg7: memref<528xi32, #tpu.memory_space<vmem>>, %arg8: memref<528xi32, #tpu.memory_space<vmem>>, %arg9: memref<16x3584xf32, #tpu.memory_space<vmem>>, %arg10: memref<16x3584xf32, #tpu.memory_space<vmem>>, %arg11: memref<528xf32, #tpu.memory_space<vmem>>, %arg12: memref<7x!tpu.dma_semaphore, #tpu.memory_space<semaphore_mem>>) attributes {dimension_semantics = [#tpu.dimension_semantics<core_parallel>, #tpu.dimension_semantics<subcore_parallel>], iteration_bounds = array<i64: 2, 16>, scalar_prefetch = 0 : i64, scratch_operands = 6 : i64, tpu.core_type = #tpu.core_type<sc_vector_subcore>, window_params = [{transform_indices = #map}, {transform_indices = #map}, {transform_indices = #map1}, {transform_indices = #map1}, {transform_indices = #map}]} {
    %mul3A = arith.constant 2 : i32
    %mul3A_0 = arith.muli %arg1, %mul3A : i32
    %add3A = arith.addi %mul3A_0, %arg0 : i32
    %mul3A_1 = arith.constant 512 : i32
    %mul3A_2 = arith.muli %add3A, %mul3A_1 : i32
    "tpu.region"() ({
      %run_scoped3A = tpu.sem_alloc : memref<!tpu.dma_semaphore, #tpu.memory_space<semaphore_mem>>
      %dma_start3A_2651 = arith.constant 0 : i32
      %dma_start3A_2652 = tpu.memref_slice %arg7[%dma_start3A_2651] : memref<528xi32, #tpu.memory_space<vmem>> -> memref<512xi32, #tpu.memory_space<vmem>>
      %dma_start3A_2653 = tpu.memref_slice %arg2[%mul3A_2] : memref<16384xi32, #tpu.memory_space<hbm>> -> memref<512xi32, #tpu.memory_space<hbm>>
      %dma_start3A_2654 = arith.constant 0 : i32
      %dma_start3A_2655 = tpu.memref_slice %arg7[%dma_start3A_2654] : memref<528xi32, #tpu.memory_space<vmem>> -> memref<512xi32, #tpu.memory_space<vmem>>
      %dma_start3A_2656 = tpu.memref_slice %arg2[%mul3A_2] : memref<16384xi32, #tpu.memory_space<hbm>> -> memref<512xi32, #tpu.memory_space<hbm>>
      tpu.enqueue_dma source(%dma_start3A_2656 : memref<512xi32, #tpu.memory_space<hbm>>) target(%dma_start3A_2655 : memref<512xi32, #tpu.memory_space<vmem>>) target_semaphore(%run_scoped3A : memref<!tpu.dma_semaphore, #tpu.memory_space<semaphore_mem>>)
      %dma_wait3A_2657 = arith.constant 0 : i32
      %dma_wait3A_2658 = tpu.memref_slice %arg7[%dma_wait3A_2657] : memref<528xi32, #tpu.memory_space<vmem>> -> memref<512xi32, #tpu.memory_space<vmem>>
      %dma_wait3A_2659 = tpu.memref_slice %arg2[%mul3A_2] : memref<16384xi32, #tpu.memory_space<hbm>> -> memref<512xi32, #tpu.memory_space<hbm>>
      %dma_wait3A_2660 = arith.constant 0 : i32
      %dma_wait3A_2661 = tpu.memref_slice %arg7[%dma_wait3A_2660] : memref<528xi32, #tpu.memory_space<vmem>> -> memref<512xi32, #tpu.memory_space<vmem>>
      %dma_wait3A_2662 = tpu.memref_slice %arg2[%mul3A_2] : memref<16384xi32, #tpu.memory_space<hbm>> -> memref<512xi32, #tpu.memory_space<hbm>>
      tpu.wait_dma2 semaphore(%run_scoped3A : memref<!tpu.dma_semaphore, #tpu.memory_space<semaphore_mem>>) src(%dma_wait3A_2662 : memref<512xi32, #tpu.memory_space<hbm>>) dst(%dma_wait3A_2661 : memref<512xi32, #tpu.memory_space<vmem>>)
      tpu.yield
    }) : () -> ()
    "tpu.region"() ({
      %run_scoped3A = tpu.sem_alloc : memref<!tpu.dma_semaphore, #tpu.memory_space<semaphore_mem>>
      %dma_start3A_2651 = arith.constant 0 : i32
      %dma_start3A_2652 = tpu.memref_slice %arg8[%dma_start3A_2651] : memref<528xi32, #tpu.memory_space<vmem>> -> memref<512xi32, #tpu.memory_space<vmem>>
      %dma_start3A_2653 = tpu.memref_slice %arg3[%mul3A_2] : memref<16384xi32, #tpu.memory_space<hbm>> -> memref<512xi32, #tpu.memory_space<hbm>>
      %dma_start3A_2654 = arith.constant 0 : i32
      %dma_start3A_2655 = tpu.memref_slice %arg8[%dma_start3A_2654] : memref<528xi32, #tpu.memory_space<vmem>> -> memref<512xi32, #tpu.memory_space<vmem>>
      %dma_start3A_2656 = tpu.memref_slice %arg3[%mul3A_2] : memref<16384xi32, #tpu.memory_space<hbm>> -> memref<512xi32, #tpu.memory_space<hbm>>
      tpu.enqueue_dma source(%dma_start3A_2656 : memref<512xi32, #tpu.memory_space<hbm>>) target(%dma_start3A_2655 : memref<512xi32, #tpu.memory_space<vmem>>) target_semaphore(%run_scoped3A : memref<!tpu.dma_semaphore, #tpu.memory_space<semaphore_mem>>)
      %dma_wait3A_2657 = arith.constant 0 : i32
      %dma_wait3A_2658 = tpu.memref_slice %arg8[%dma_wait3A_2657] : memref<528xi32, #tpu.memory_space<vmem>> -> memref<512xi32, #tpu.memory_space<vmem>>
      %dma_wait3A_2659 = tpu.memref_slice %arg3[%mul3A_2] : memref<16384xi32, #tpu.memory_space<hbm>> -> memref<512xi32, #tpu.memory_space<hbm>>
      %dma_wait3A_2660 = arith.constant 0 : i32
      %dma_wait3A_2661 = tpu.memref_slice %arg8[%dma_wait3A_2660] : memref<528xi32, #tpu.memory_space<vmem>> -> memref<512xi32, #tpu.memory_space<vmem>>
      %dma_wait3A_2662 = tpu.memref_slice %arg3[%mul3A_2] : memref<16384xi32, #tpu.memory_space<hbm>> -> memref<512xi32, #tpu.memory_space<hbm>>
      tpu.wait_dma2 semaphore(%run_scoped3A : memref<!tpu.dma_semaphore, #tpu.memory_space<semaphore_mem>>) src(%dma_wait3A_2662 : memref<512xi32, #tpu.memory_space<hbm>>) dst(%dma_wait3A_2661 : memref<512xi32, #tpu.memory_space<vmem>>)
      tpu.yield
    }) : () -> ()
    %iota3A = tpu.iota {dimensions = array<i32: 0>} : vector<16xi32>
    %get3A = arith.constant 0 : index
    %get3A_3 = tpu.vector_load %arg7[%get3A] {strides = array<i32>} : memref<528xi32, #tpu.memory_space<vmem>>, vector<16xi32>,
    %get3A_4 = arith.constant 0 : index
    %get3A_5 = tpu.vector_load %arg8[%get3A_4] {strides = array<i32>} : memref<528xi32, #tpu.memory_space<vmem>>, vector<16xi32>,
    %and3A = arith.constant -128 : i32
    %and3A_6 = vector.broadcast %and3A : i32 to vector<16xi32>
    %and3A_7 = arith.andi %get3A_3, %and3A_6 : vector<16xi32>
    %and3A_8 = arith.constant -128 : i32
    %and3A_9 = vector.broadcast %and3A_8 : i32 to vector<16xi32>
    %and3A_10 = arith.andi %get3A_5, %and3A_9 : vector<16xi32>
    %slice3A = vector.extract_strided_slice %and3A_7 {offsets = [0], sizes = [1], strides = [1]} : vector<16xi32> to vector<1xi32>
    %squeeze3A = vector.extract %slice3A[0] : i32 from vector<1xi32>
    %multiple_of3A = tpu.assume_multiple %squeeze3A, 128 : i32
    %dma_start3A = arith.constant 0 : i32
    %dma_start3A_11 = arith.constant 0 : i32
    %dma_start3A_12 = arith.constant 0 : i32
    %dma_start3A_13 = tpu.memref_slice %arg9[%dma_start3A_11, %dma_start3A_12] : memref<16x3584xf32, #tpu.memory_space<vmem>> -> memref<16x128xf32, #tpu.memory_space<vmem>>
    %dma_start3A_14 = arith.constant 0 : i32
    %dma_start3A_15 = tpu.memref_slice %arg4[%dma_start3A_14, %multiple_of3A] : memref<16x1000000xf32, #tpu.memory_space<hbm>> -> memref<16x128xf32, #tpu.memory_space<hbm>>
    %dma_start3A_16 = tpu.memref_slice %arg12[%dma_start3A] : memref<7x!tpu.dma_semaphore, #tpu.memory_space<semaphore_mem>> -> memref<1x!tpu.dma_semaphore, #tpu.memory_space<semaphore_mem>>
    %dma_start3A_17 = tpu.memref_squeeze %dma_start3A_16 : memref<1x!tpu.dma_semaphore, #tpu.memory_space<semaphore_mem>> -> memref<!tpu.dma_semaphore, #tpu.memory_space<semaphore_mem>>
    %dma_start3A_18 = arith.constant 0 : i32
    %dma_start3A_19 = arith.constant 0 : i32
    %dma_start3A_20 = tpu.memref_slice %arg9[%dma_start3A_18, %dma_start3A_19] : memref<16x3584xf32, #tpu.memory_space<vmem>> -> memref<16x128xf32, #tpu.memory_space<vmem>>
    %dma_start3A_21 = arith.constant 0 : i32
    %dma_start3A_22 = tpu.memref_slice %arg4[%dma_start3A_21, %multiple_of3A] : memref<16x1000000xf32, #tpu.memory_space<hbm>> -> memref<16x128xf32, #tpu.memory_space<hbm>>
    tpu.enqueue_dma source(%dma_start3A_22 : memref<16x128xf32, #tpu.memory_space<hbm>>) target(%dma_start3A_20 : memref<16x128xf32, #tpu.memory_space<vmem>>) target_semaphore(%dma_start3A_17 : memref<!tpu.dma_semaphore, #tpu.memory_space<semaphore_mem>>)
    %slice3A_23 = vector.extract_strided_slice %and3A_10 {offsets = [0], sizes = [1], strides = [1]} : vector<16xi32> to vector<1xi32>
    %squeeze3A_24 = vector.extract %slice3A_23[0] : i32 from vector<1xi32>
    %multiple_of3A_25 = tpu.assume_multiple %squeeze3A_24, 128 : i32
    %dma_start3A_26 = arith.constant 0 : i32
    %dma_start3A_27 = arith.constant 0 : i32
    %dma_start3A_28 = arith.constant 0 : i32
    %dma_start3A_29 = tpu.memref_slice %arg10[%dma_start3A_27, %dma_start3A_28] : memref<16x3584xf32, #tpu.memory_space<vmem>> -> memref<16x128xf32, #tpu.memory_space<vmem>>
    %dma_start3A_30 = arith.constant 0 : i32
    %dma_start3A_31 = tpu.memref_slice %arg5[%dma_start3A_30, %multiple_of3A_25] : memref<16x1000000xf32, #tpu.memory_space<hbm>> -> memref<16x128xf32, #tpu.memory_space<hbm>>
    %dma_start3A_32 = tpu.memref_slice %arg12[%dma_start3A_26] : memref<7x!tpu.dma_semaphore, #tpu.memory_space<semaphore_mem>> -> memref<1x!tpu.dma_semaphore, #tpu.memory_space<semaphore_mem>>
    %dma_start3A_33 = tpu.memref_squeeze %dma_start3A_32 : memref<1x!tpu.dma_semaphore, #tpu.memory_space<semaphore_mem>> -> memref<!tpu.dma_semaphore, #tpu.memory_space<semaphore_mem>>
    %dma_start3A_34 = arith.constant 0 : i32
    %dma_start3A_35 = arith.constant 0 : i32
    %dma_start3A_36 = tpu.memref_slice %arg10[%dma_start3A_34, %dma_start3A_35] : memref<16x3584xf32, #tpu.memory_space<vmem>> -> memref<16x128xf32, #tpu.memory_space<vmem>>
    %dma_start3A_37 = arith.constant 0 : i32
    %dma_start3A_38 = tpu.memref_slice %arg5[%dma_start3A_37, %multiple_of3A_25] : memref<16x1000000xf32, #tpu.memory_space<hbm>> -> memref<16x128xf32, #tpu.memory_space<hbm>>
    tpu.enqueue_dma source(%dma_start3A_38 : memref<16x128xf32, #tpu.memory_space<hbm>>) target(%dma_start3A_36 : memref<16x128xf32, #tpu.memory_space<vmem>>) target_semaphore(%dma_start3A_33 : memref<!tpu.dma_semaphore, #tpu.memory_space<semaphore_mem>>)
    %slice3A_39 = vector.extract_strided_slice %and3A_7 {offsets = [1], sizes = [1], strides = [1]} : vector<16xi32> to vector<1xi32>
    %squeeze3A_40 = vector.extract %slice3A_39[0] : i32 from vector<1xi32>
    %multiple_of3A_41 = tpu.assume_multiple %squeeze3A_40, 128 : i32
    %dma_start3A_42 = arith.constant 0 : i32
    %dma_start3A_43 = arith.constant 0 : i32
    %dma_start3A_44 = arith.constant 128 : i32
    %dma_start3A_45 = tpu.memref_slice %arg9[%dma_start3A_43, %dma_start3A_44] : memref<16x3584xf32, #tpu.memory_space<vmem>> -> memref<16x128xf32, #tpu.memory_space<vmem>>
    %dma_start3A_46 = arith.constant 0 : i32
    %dma_start3A_47 = tpu.memref_slice %arg4[%dma_start3A_46, %multiple_of3A_41] : memref<16x1000000xf32, #tpu.memory_space<hbm>> -> memref<16x128xf32, #tpu.memory_space<hbm>>
    %dma_start3A_48 = tpu.memref_slice %arg12[%dma_start3A_42] : memref<7x!tpu.dma_semaphore, #tpu.memory_space<semaphore_mem>> -> memref<1x!tpu.dma_semaphore, #tpu.memory_space<semaphore_mem>>
    %dma_start3A_49 = tpu.memref_squeeze %dma_start3A_48 : memref<1x!tpu.dma_semaphore, #tpu.memory_space<semaphore_mem>> -> memref<!tpu.dma_semaphore, #tpu.memory_space<semaphore_mem>>
    %dma_start3A_50 = arith.constant 0 : i32
    %dma_start3A_51 = arith.constant 128 : i32
    %dma_start3A_52 = tpu.memref_slice %arg9[%dma_start3A_50, %dma_start3A_51] : memref<16x3584xf32, #tpu.memory_space<vmem>> -> memref<16x128xf32, #tpu.memory_space<vmem>>
    %dma_start3A_53 = arith.constant 0 : i32
    %dma_start3A_54 = tpu.memref_slice %arg4[%dma_start3A_53, %multiple_of3A_41] : memref<16x1000000xf32, #tpu.memory_space<hbm>> -> memref<16x128xf32, #tpu.memory_space<hbm>>
    tpu.enqueue_dma source(%dma_start3A_54 : memref<16x128xf32, #tpu.memory_space<hbm>>) target(%dma_start3A_52 : memref<16x128xf32, #tpu.memory_space<vmem>>) target_semaphore(%dma_start3A_49 : memref<!tpu.dma_semaphore, #tpu.memory_space<semaphore_mem>>)
    %slice3A_55 = vector.extract_strided_slice %and3A_10 {offsets = [1], sizes = [1], strides = [1]} : vector<16xi32> to vector<1xi32>
    %squeeze3A_56 = vector.extract %slice3A_55[0] : i32 from vector<1xi32>
    %multiple_of3A_57 = tpu.assume_multiple %squeeze3A_56, 128 : i32
    %dma_start3A_58 = arith.constant 0 : i32
    %dma_start3A_59 = arith.constant 0 : i32
    %dma_start3A_60 = arith.constant 128 : i32
    %dma_start3A_61 = tpu.memref_slice %arg10[%dma_start3A_59, %dma_start3A_60] : memref<16x3584xf32, #tpu.memory_space<vmem>> -> memref<16x128xf32, #tpu.memory_space<vmem>>
    %dma_start3A_62 = arith.constant 0 : i32
    %dma_start3A_63 = tpu.memref_slice %arg5[%dma_start3A_62, %multiple_of3A_57] : memref<16x1000000xf32, #tpu.memory_space<hbm>> -> memref<16x128xf32, #tpu.memory_space<hbm>>
    %dma_start3A_64 = tpu.memref_slice %arg12[%dma_start3A_58] : memref<7x!tpu.dma_semaphore, #tpu.memory_space<semaphore_mem>> -> memref<1x!tpu.dma_semaphore, #tpu.memory_space<semaphore_mem>>
    %dma_start3A_65 = tpu.memref_squeeze %dma_start3A_64 : memref<1x!tpu.dma_semaphore, #tpu.memory_space<semaphore_mem>> -> memref<!tpu.dma_semaphore, #tpu.memory_space<semaphore_mem>>
    %dma_start3A_66 = arith.constant 0 : i32
    %dma_start3A_67 = arith.constant 128 : i32
    %dma_start3A_68 = tpu.memref_slice %arg10[%dma_start3A_66, %dma_start3A_67] : memref<16x3584xf32, #tpu.memory_space<vmem>> -> memref<16x128xf32, #tpu.memory_space<vmem>>
    %dma_start3A_69 = arith.constant 0 : i32
    %dma_start3A_70 = tpu.memref_slice %arg5[%dma_start3A_69, %multiple_of3A_57] : memref<16x1000000xf32, #tpu.memory_space<hbm>> -> memref<16x128xf32, #tpu.memory_space<hbm>>
    tpu.enqueue_dma source(%dma_start3A_70 : memref<16x128xf32, #tpu.memory_space<hbm>>) target(%dma_start3A_68 : memref<16x128xf32, #tpu.memory_space<vmem>>) target_semaphore(%dma_start3A_65 : memref<!tpu.dma_semaphore, #tpu.memory_space<semaphore_mem>>)
    %slice3A_71 = vector.extract_strided_slice %and3A_7 {offsets = [2], sizes = [1], strides = [1]} : vector<16xi32> to vector<1xi32>
    %squeeze3A_72 = vector.extract %slice3A_71[0] : i32 from vector<1xi32>
    %multiple_of3A_73 = tpu.assume_multiple %squeeze3A_72, 128 : i32
    %dma_start3A_74 = arith.constant 0 : i32
    %dma_start3A_75 = arith.constant 0 : i32
    %dma_start3A_76 = arith.constant 256 : i32
    %dma_start3A_77 = tpu.memref_slice %arg9[%dma_start3A_75, %dma_start3A_76] : memref<16x3584xf32, #tpu.memory_space<vmem>> -> memref<16x128xf32, #tpu.memory_space<vmem>>
    %dma_start3A_78 = arith.constant 0 : i32
    %dma_start3A_79 = tpu.memref_slice %arg4[%dma_start3A_78, %multiple_of3A_73] : memref<16x1000000xf32, #tpu.memory_space<hbm>> -> memref<16x128xf32, #tpu.memory_space<hbm>>
    %dma_start3A_80 = tpu.memref_slice %arg12[%dma_start3A_74] : memref<7x!tpu.dma_semaphore, #tpu.memory_space<semaphore_mem>> -> memref<1x!tpu.dma_semaphore, #tpu.memory_space<semaphore_mem>>
    %dma_start3A_81 = tpu.memref_squeeze %dma_start3A_80 : memref<1x!tpu.dma_semaphore, #tpu.memory_space<semaphore_mem>> -> memref<!tpu.dma_semaphore, #tpu.memory_space<semaphore_mem>>
    %dma_start3A_82 = arith.constant 0 : i32
    %dma_start3A_83 = arith.constant 256 : i32
    %dma_start3A_84 = tpu.memref_slice %arg9[%dma_start3A_82, %dma_start3A_83] : memref<16x3584xf32, #tpu.memory_space<vmem>> -> memref<16x128xf32, #tpu.memory_space<vmem>>
    %dma_start3A_85 = arith.constant 0 : i32
    %dma_start3A_86 = tpu.memref_slice %arg4[%dma_start3A_85, %multiple_of3A_73] : memref<16x1000000xf32, #tpu.memory_space<hbm>> -> memref<16x128xf32, #tpu.memory_space<hbm>>
    tpu.enqueue_dma source(%dma_start3A_86 : memref<16x128xf32, #tpu.memory_space<hbm>>) target(%dma_start3A_84 : memref<16x128xf32, #tpu.memory_space<vmem>>) target_semaphore(%dma_start3A_81 : memref<!tpu.dma_semaphore, #tpu.memory_space<semaphore_mem>>)
    %slice3A_87 = vector.extract_strided_slice %and3A_10 {offsets = [2], sizes = [1], strides = [1]} : vector<16xi32> to vector<1xi32>
    %squeeze3A_88 = vector.extract %slice3A_87[0] : i32 from vector<1xi32>
    %multiple_of3A_89 = tpu.assume_multiple %squeeze3A_88, 128 : i32
    %dma_start3A_90 = arith.constant 0 : i32
    %dma_start3A_91 = arith.constant 0 : i32
    %dma_start3A_92 = arith.constant 256 : i32
    %dma_start3A_93 = tpu.memref_slice %arg10[%dma_start3A_91, %dma_start3A_92] : memref<16x3584xf32, #tpu.memory_space<vmem>> -> memref<16x128xf32, #tpu.memory_space<vmem>>
    %dma_start3A_94 = arith.constant 0 : i32
    %dma_start3A_95 = tpu.memref_slice %arg5[%dma_start3A_94, %multiple_of3A_89] : memref<16x1000000xf32, #tpu.memory_space<hbm>> -> memref<16x128xf32, #tpu.memory_space<hbm>>
    %dma_start3A_96 = tpu.memref_slice %arg12[%dma_start3A_90] : memref<7x!tpu.dma_semaphore, #tpu.memory_space<semaphore_mem>> -> memref<1x!tpu.dma_semaphore, #tpu.memory_space<semaphore_mem>>
    %dma_start3A_97 = tpu.memref_squeeze %dma_start3A_96 : memref<1x!tpu.dma_semaphore, #tpu.memory_space<semaphore_mem>> -> memref<!tpu.dma_semaphore, #tpu.memory_space<semaphore_mem>>
    %dma_start3A_98 = arith.constant 0 : i32
    %dma_start3A_99 = arith.constant 256 : i32
    %dma_start3A_100 = tpu.memref_slice %arg10[%dma_start3A_98, %dma_start3A_99] : memref<16x3584xf32, #tpu.memory_space<vmem>> -> memref<16x128xf32, #tpu.memory_space<vmem>>
    %dma_start3A_101 = arith.constant 0 : i32
    %dma_start3A_102 = tpu.memref_slice %arg5[%dma_start3A_101, %multiple_of3A_89] : memref<16x1000000xf32, #tpu.memory_space<hbm>> -> memref<16x128xf32, #tpu.memory_space<hbm>>
    tpu.enqueue_dma source(%dma_start3A_102 : memref<16x128xf32, #tpu.memory_space<hbm>>) target(%dma_start3A_100 : memref<16x128xf32, #tpu.memory_space<vmem>>) target_semaphore(%dma_start3A_97 : memref<!tpu.dma_semaphore, #tpu.memory_space<semaphore_mem>>)
    %slice3A_103 = vector.extract_strided_slice %and3A_7 {offsets = [3], sizes = [1], strides = [1]} : vector<16xi32> to vector<1xi32>
    %squeeze3A_104 = vector.extract %slice3A_103[0] : i32 from vector<1xi32>
    %multiple_of3A_105 = tpu.assume_multiple %squeeze3A_104, 128 : i32
    %dma_start3A_106 = arith.constant 0 : i32
    %dma_start3A_107 = arith.constant 0 : i32
    %dma_start3A_108 = arith.constant 384 : i32
    %dma_start3A_109 = tpu.memref_slice %arg9[%dma_start3A_107, %dma_start3A_108] : memref<16x3584xf32, #tpu.memory_space<vmem>> -> memref<16x128xf32, #tpu.memory_space<vmem>>
    %dma_start3A_110 = arith.constant 0 : i32
    %dma_start3A_111 = tpu.memref_slice %arg4[%dma_start3A_110, %multiple_of3A_105] : memref<16x1000000xf32, #tpu.memory_space<hbm>> -> memref<16x128xf32, #tpu.memory_space<hbm>>
    %dma_start3A_112 = tpu.memref_slice %arg12[%dma_start3A_106] : memref<7x!tpu.dma_semaphore, #tpu.memory_space<semaphore_mem>> -> memref<1x!tpu.dma_semaphore, #tpu.memory_space<semaphore_mem>>
    %dma_start3A_113 = tpu.memref_squeeze %dma_start3A_112 : memref<1x!tpu.dma_semaphore, #tpu.memory_space<semaphore_mem>> -> memref<!tpu.dma_semaphore, #tpu.memory_space<semaphore_mem>>
    %dma_start3A_114 = arith.constant 0 : i32
    %dma_start3A_115 = arith.constant 384 : i32
    %dma_start3A_116 = tpu.memref_slice %arg9[%dma_start3A_114, %dma_start3A_115] : memref<16x3584xf32, #tpu.memory_space<vmem>> -> memref<16x128xf32, #tpu.memory_space<vmem>>
    %dma_start3A_117 = arith.constant 0 : i32
    %dma_start3A_118 = tpu.memref_slice %arg4[%dma_start3A_117, %multiple_of3A_105] : memref<16x1000000xf32, #tpu.memory_space<hbm>> -> memref<16x128xf32, #tpu.memory_space<hbm>>
    tpu.enqueue_dma source(%dma_start3A_118 : memref<16x128xf32, #tpu.memory_space<hbm>>) target(%dma_start3A_116 : memref<16x128xf32, #tpu.memory_space<vmem>>) target_semaphore(%dma_start3A_113 : memref<!tpu.dma_semaphore, #tpu.memory_space<semaphore_mem>>)
    %slice3A_119 = vector.extract_strided_slice %and3A_10 {offsets = [3], sizes = [1], strides = [1]} : vector<16xi32> to vector<1xi32>
    %squeeze3A_120 = vector.extract %slice3A_119[0] : i32 from vector<1xi32>
    %multiple_of3A_121 = tpu.assume_multiple %squeeze3A_120, 128 : i32
    %dma_start3A_122 = arith.constant 0 : i32
    %dma_start3A_123 = arith.constant 0 : i32
    %dma_start3A_124 = arith.constant 384 : i32
    %dma_start3A_125 = tpu.memref_slice %arg10[%dma_start3A_123, %dma_start3A_124] : memref<16x3584xf32, #tpu.memory_space<vmem>> -> memref<16x128xf32, #tpu.memory_space<vmem>>
    %dma_start3A_126 = arith.constant 0 : i32
    %dma_start3A_127 = tpu.memref_slice %arg5[%dma_start3A_126, %multiple_of3A_121] : memref<16x1000000xf32, #tpu.memory_space<hbm>> -> memref<16x128xf32, #tpu.memory_space<hbm>>
    %dma_start3A_128 = tpu.memref_slice %arg12[%dma_start3A_122] : memref<7x!tpu.dma_semaphore, #tpu.memory_space<semaphore_mem>> -> memref<1x!tpu.dma_semaphore, #tpu.memory_space<semaphore_mem>>
    %dma_start3A_129 = tpu.memref_squeeze %dma_start3A_128 : memref<1x!tpu.dma_semaphore, #tpu.memory_space<semaphore_mem>> -> memref<!tpu.dma_semaphore, #tpu.memory_space<semaphore_mem>>
    %dma_start3A_130 = arith.constant 0 : i32
    %dma_start3A_131 = arith.constant 384 : i32
    %dma_start3A_132 = tpu.memref_slice %arg10[%dma_start3A_130, %dma_start3A_131] : memref<16x3584xf32, #tpu.memory_space<vmem>> -> memref<16x128xf32, #tpu.memory_space<vmem>>
    %dma_start3A_133 = arith.constant 0 : i32
    %dma_start3A_134 = tpu.memref_slice %arg5[%dma_start3A_133, %multiple_of3A_121] : memref<16x1000000xf32, #tpu.memory_space<hbm>> -> memref<16x128xf32, #tpu.memory_space<hbm>>
    tpu.enqueue_dma source(%dma_start3A_134 : memref<16x128xf32, #tpu.memory_space<hbm>>) target(%dma_start3A_132 : memref<16x128xf32, #tpu.memory_space<vmem>>) target_semaphore(%dma_start3A_129 : memref<!tpu.dma_semaphore, #tpu.memory_space<semaphore_mem>>)
    %get3A_135 = arith.constant 4 : index
    %get3A_136 = tpu.vector_load %arg7[%get3A_135] {strides = array<i32>} : memref<528xi32, #tpu.memory_space<vmem>>, vector<16xi32>,
    %get3A_137 = arith.constant 4 : index
    %get3A_138 = tpu.vector_load %arg8[%get3A_137] {strides = array<i32>} : memref<528xi32, #tpu.memory_space<vmem>>, vector<16xi32>,
    %and3A_139 = arith.constant -128 : i32
    %and3A_140 = vector.broadcast %and3A_139 : i32 to vector<16xi32>
    %and3A_141 = arith.andi %get3A_136, %and3A_140 : vector<16xi32>
    %and3A_142 = arith.constant -128 : i32
    %and3A_143 = vector.broadcast %and3A_142 : i32 to vector<16xi32>
    %and3A_144 = arith.andi %get3A_138, %and3A_143 : vector<16xi32>
    %slice3A_145 = vector.extract_strided_slice %and3A_141 {offsets = [0], sizes = [1], strides = [1]} : vector<16xi32> to vector<1xi32>
    %squeeze3A_146 = vector.extract %slice3A_145[0] : i32 from vector<1xi32>
    %multiple_of3A_147 = tpu.assume_multiple %squeeze3A_146, 128 : i32
    %dma_start3A_148 = arith.constant 1 : i32
    %dma_start3A_149 = arith.constant 0 : i32
    %dma_start3A_150 = arith.constant 512 : i32
    %dma_start3A_151 = tpu.memref_slice %arg9[%dma_start3A_149, %dma_start3A_150] : memref<16x3584xf32, #tpu.memory_space<vmem>> -> memref<16x128xf32, #tpu.memory_space<vmem>>
    %dma_start3A_152 = arith.constant 0 : i32
    %dma_start3A_153 = tpu.memref_slice %arg4[%dma_start3A_152, %multiple_of3A_147] : memref<16x1000000xf32, #tpu.memory_space<hbm>> -> memref<16x128xf32, #tpu.memory_space<hbm>>
    %dma_start3A_154 = tpu.memref_slice %arg12[%dma_start3A_148] : memref<7x!tpu.dma_semaphore, #tpu.memory_space<semaphore_mem>> -> memref<1x!tpu.dma_semaphore, #tpu.memory_space<semaphore_mem>>
    %dma_start3A_155 = tpu.memref_squeeze %dma_start3A_154 : memref<1x!tpu.dma_semaphore, #tpu.memory_space<semaphore_mem>> -> memref<!tpu.dma_semaphore, #tpu.memory_space<semaphore_mem>>
    %dma_start3A_156 = arith.constant 0 : i32
    %dma_start3A_157 = arith.constant 512 : i32
    %dma_start3A_158 = tpu.memref_slice %arg9[%dma_start3A_156, %dma_start3A_157] : memref<16x3584xf32, #tpu.memory_space<vmem>> -> memref<16x128xf32, #tpu.memory_space<vmem>>
    %dma_start3A_159 = arith.constant 0 : i32
    %dma_start3A_160 = tpu.memref_slice %arg4[%dma_start3A_159, %multiple_of3A_147] : memref<16x1000000xf32, #tpu.memory_space<hbm>> -> memref<16x128xf32, #tpu.memory_space<hbm>>
    tpu.enqueue_dma source(%dma_start3A_160 : memref<16x128xf32, #tpu.memory_space<hbm>>) target(%dma_start3A_158 : memref<16x128xf32, #tpu.memory_space<vmem>>) target_semaphore(%dma_start3A_155 : memref<!tpu.dma_semaphore, #tpu.memory_space<semaphore_mem>>)
    %slice3A_161 = vector.extract_strided_slice %and3A_144 {offsets = [0], sizes = [1], strides = [1]} : vector<16xi32> to vector<1xi32>
    %squeeze3A_162 = vector.extract %slice3A_161[0] : i32 from vector<1xi32>
    %multiple_of3A_163 = tpu.assume_multiple %squeeze3A_162, 128 : i32
    %dma_start3A_164 = arith.constant 1 : i32
    %dma_start3A_165 = arith.constant 0 : i32
    %dma_start3A_166 = arith.constant 512 : i32
    %dma_start3A_167 = tpu.memref_slice %arg10[%dma_start3A_165, %dma_start3A_166] : memref<16x3584xf32, #tpu.memory_space<vmem>> -> memref<16x128xf32, #tpu.memory_space<vmem>>
    %dma_start3A_168 = arith.constant 0 : i32
    %dma_start3A_169 = tpu.memref_slice %arg5[%dma_start3A_168, %multiple_of3A_163] : memref<16x1000000xf32, #tpu.memory_space<hbm>> -> memref<16x128xf32, #tpu.memory_space<hbm>>
    %dma_start3A_170 = tpu.memref_slice %arg12[%dma_start3A_164] : memref<7x!tpu.dma_semaphore, #tpu.memory_space<semaphore_mem>> -> memref<1x!tpu.dma_semaphore, #tpu.memory_space<semaphore_mem>>
    %dma_start3A_171 = tpu.memref_squeeze %dma_start3A_170 : memref<1x!tpu.dma_semaphore, #tpu.memory_space<semaphore_mem>> -> memref<!tpu.dma_semaphore, #tpu.memory_space<semaphore_mem>>
    %dma_start3A_172 = arith.constant 0 : i32
    %dma_start3A_173 = arith.constant 512 : i32
    %dma_start3A_174 = tpu.memref_slice %arg10[%dma_start3A_172, %dma_start3A_173] : memref<16x3584xf32, #tpu.memory_space<vmem>> -> memref<16x128xf32, #tpu.memory_space<vmem>>
    %dma_start3A_175 = arith.constant 0 : i32
    %dma_start3A_176 = tpu.memref_slice %arg5[%dma_start3A_175, %multiple_of3A_163] : memref<16x1000000xf32, #tpu.memory_space<hbm>> -> memref<16x128xf32, #tpu.memory_space<hbm>>
    tpu.enqueue_dma source(%dma_start3A_176 : memref<16x128xf32, #tpu.memory_space<hbm>>) target(%dma_start3A_174 : memref<16x128xf32, #tpu.memory_space<vmem>>) target_semaphore(%dma_start3A_171 : memref<!tpu.dma_semaphore, #tpu.memory_space<semaphore_mem>>)
    %slice3A_177 = vector.extract_strided_slice %and3A_141 {offsets = [1], sizes = [1], strides = [1]} : vector<16xi32> to vector<1xi32>
    %squeeze3A_178 = vector.extract %slice3A_177[0] : i32 from vector<1xi32>
    %multiple_of3A_179 = tpu.assume_multiple %squeeze3A_178, 128 : i32
    %dma_start3A_180 = arith.constant 1 : i32
    %dma_start3A_181 = arith.constant 0 : i32
    %dma_start3A_182 = arith.constant 640 : i32
    %dma_start3A_183 = tpu.memref_slice %arg9[%dma_start3A_181, %dma_start3A_182] : memref<16x3584xf32, #tpu.memory_space<vmem>> -> memref<16x128xf32, #tpu.memory_space<vmem>>
    %dma_start3A_184 = arith.constant 0 : i32
    %dma_start3A_185 = tpu.memref_slice %arg4[%dma_start3A_184, %multiple_of3A_179] : memref<16x1000000xf32, #tpu.memory_space<hbm>> -> memref<16x128xf32, #tpu.memory_space<hbm>>
    %dma_start3A_186 = tpu.memref_slice %arg12[%dma_start3A_180] : memref<7x!tpu.dma_semaphore, #tpu.memory_space<semaphore_mem>> -> memref<1x!tpu.dma_semaphore, #tpu.memory_space<semaphore_mem>>
    %dma_start3A_187 = tpu.memref_squeeze %dma_start3A_186 : memref<1x!tpu.dma_semaphore, #tpu.memory_space<semaphore_mem>> -> memref<!tpu.dma_semaphore, #tpu.memory_space<semaphore_mem>>
    %dma_start3A_188 = arith.constant 0 : i32
    %dma_start3A_189 = arith.constant 640 : i32
    %dma_start3A_190 = tpu.memref_slice %arg9[%dma_start3A_188, %dma_start3A_189] : memref<16x3584xf32, #tpu.memory_space<vmem>> -> memref<16x128xf32, #tpu.memory_space<vmem>>
    %dma_start3A_191 = arith.constant 0 : i32
    %dma_start3A_192 = tpu.memref_slice %arg4[%dma_start3A_191, %multiple_of3A_179] : memref<16x1000000xf32, #tpu.memory_space<hbm>> -> memref<16x128xf32, #tpu.memory_space<hbm>>
    tpu.enqueue_dma source(%dma_start3A_192 : memref<16x128xf32, #tpu.memory_space<hbm>>) target(%dma_start3A_190 : memref<16x128xf32, #tpu.memory_space<vmem>>) target_semaphore(%dma_start3A_187 : memref<!tpu.dma_semaphore, #tpu.memory_space<semaphore_mem>>)
    %slice3A_193 = vector.extract_strided_slice %and3A_144 {offsets = [1], sizes = [1], strides = [1]} : vector<16xi32> to vector<1xi32>
    %squeeze3A_194 = vector.extract %slice3A_193[0] : i32 from vector<1xi32>
    %multiple_of3A_195 = tpu.assume_multiple %squeeze3A_194, 128 : i32
    %dma_start3A_196 = arith.constant 1 : i32
    %dma_start3A_197 = arith.constant 0 : i32
    %dma_start3A_198 = arith.constant 640 : i32
    %dma_start3A_199 = tpu.memref_slice %arg10[%dma_start3A_197, %dma_start3A_198] : memref<16x3584xf32, #tpu.memory_space<vmem>> -> memref<16x128xf32, #tpu.memory_space<vmem>>
    %dma_start3A_200 = arith.constant 0 : i32
    %dma_start3A_201 = tpu.memref_slice %arg5[%dma_start3A_200, %multiple_of3A_195] : memref<16x1000000xf32, #tpu.memory_space<hbm>> -> memref<16x128xf32, #tpu.memory_space<hbm>>
    %dma_start3A_202 = tpu.memref_slice %arg12[%dma_start3A_196] : memref<7x!tpu.dma_semaphore, #tpu.memory_space<semaphore_mem>> -> memref<1x!tpu.dma_semaphore, #tpu.memory_space<semaphore_mem>>
    %dma_start3A_203 = tpu.memref_squeeze %dma_start3A_202 : memref<1x!tpu.dma_semaphore, #tpu.memory_space<semaphore_mem>> -> memref<!tpu.dma_semaphore, #tpu.memory_space<semaphore_mem>>
    %dma_start3A_204 = arith.constant 0 : i32
    %dma_start3A_205 = arith.constant 640 : i32
    %dma_start3A_206 = tpu.memref_slice %arg10[%dma_start3A_204, %dma_start3A_205] : memref<16x3584xf32, #tpu.memory_space<vmem>> -> memref<16x128xf32, #tpu.memory_space<vmem>>
    %dma_start3A_207 = arith.constant 0 : i32
    %dma_start3A_208 = tpu.memref_slice %arg5[%dma_start3A_207, %multiple_of3A_195] : memref<16x1000000xf32, #tpu.memory_space<hbm>> -> memref<16x128xf32, #tpu.memory_space<hbm>>
    tpu.enqueue_dma source(%dma_start3A_208 : memref<16x128xf32, #tpu.memory_space<hbm>>) target(%dma_start3A_206 : memref<16x128xf32, #tpu.memory_space<vmem>>) target_semaphore(%dma_start3A_203 : memref<!tpu.dma_semaphore, #tpu.memory_space<semaphore_mem>>)
    %slice3A_209 = vector.extract_strided_slice %and3A_141 {offsets = [2], sizes = [1], strides = [1]} : vector<16xi32> to vector<1xi32>
    %squeeze3A_210 = vector.extract %slice3A_209[0] : i32 from vector<1xi32>
    %multiple_of3A_211 = tpu.assume_multiple %squeeze3A_210, 128 : i32
    %dma_start3A_212 = arith.constant 1 : i32
    %dma_start3A_213 = arith.constant 0 : i32
    %dma_start3A_214 = arith.constant 768 : i32
    %dma_start3A_215 = tpu.memref_slice %arg9[%dma_start3A_213, %dma_start3A_214] : memref<16x3584xf32, #tpu.memory_space<vmem>> -> memref<16x128xf32, #tpu.memory_space<vmem>>
    %dma_start3A_216 = arith.constant 0 : i32
    %dma_start3A_217 = tpu.memref_slice %arg4[%dma_start3A_216, %multiple_of3A_211] : memref<16x1000000xf32, #tpu.memory_space<hbm>> -> memref<16x128xf32, #tpu.memory_space<hbm>>
    %dma_start3A_218 = tpu.memref_slice %arg12[%dma_start3A_212] : memref<7x!tpu.dma_semaphore, #tpu.memory_space<semaphore_mem>> -> memref<1x!tpu.dma_semaphore, #tpu.memory_space<semaphore_mem>>
    %dma_start3A_219 = tpu.memref_squeeze %dma_start3A_218 : memref<1x!tpu.dma_semaphore, #tpu.memory_space<semaphore_mem>> -> memref<!tpu.dma_semaphore, #tpu.memory_space<semaphore_mem>>
    %dma_start3A_220 = arith.constant 0 : i32
    %dma_start3A_221 = arith.constant 768 : i32
    %dma_start3A_222 = tpu.memref_slice %arg9[%dma_start3A_220, %dma_start3A_221] : memref<16x3584xf32, #tpu.memory_space<vmem>> -> memref<16x128xf32, #tpu.memory_space<vmem>>
    %dma_start3A_223 = arith.constant 0 : i32
    %dma_start3A_224 = tpu.memref_slice %arg4[%dma_start3A_223, %multiple_of3A_211] : memref<16x1000000xf32, #tpu.memory_space<hbm>> -> memref<16x128xf32, #tpu.memory_space<hbm>>
    tpu.enqueue_dma source(%dma_start3A_224 : memref<16x128xf32, #tpu.memory_space<hbm>>) target(%dma_start3A_222 : memref<16x128xf32, #tpu.memory_space<vmem>>) target_semaphore(%dma_start3A_219 : memref<!tpu.dma_semaphore, #tpu.memory_space<semaphore_mem>>)
    %slice3A_225 = vector.extract_strided_slice %and3A_144 {offsets = [2], sizes = [1], strides = [1]} : vector<16xi32> to vector<1xi32>
    %squeeze3A_226 = vector.extract %slice3A_225[0] : i32 from vector<1xi32>
    %multiple_of3A_227 = tpu.assume_multiple %squeeze3A_226, 128 : i32
    %dma_start3A_228 = arith.constant 1 : i32
    %dma_start3A_229 = arith.constant 0 : i32
    %dma_start3A_230 = arith.constant 768 : i32
    %dma_start3A_231 = tpu.memref_slice %arg10[%dma_start3A_229, %dma_start3A_230] : memref<16x3584xf32, #tpu.memory_space<vmem>> -> memref<16x128xf32, #tpu.memory_space<vmem>>
    %dma_start3A_232 = arith.constant 0 : i32
    %dma_start3A_233 = tpu.memref_slice %arg5[%dma_start3A_232, %multiple_of3A_227] : memref<16x1000000xf32, #tpu.memory_space<hbm>> -> memref<16x128xf32, #tpu.memory_space<hbm>>
    %dma_start3A_234 = tpu.memref_slice %arg12[%dma_start3A_228] : memref<7x!tpu.dma_semaphore, #tpu.memory_space<semaphore_mem>> -> memref<1x!tpu.dma_semaphore, #tpu.memory_space<semaphore_mem>>
    %dma_start3A_235 = tpu.memref_squeeze %dma_start3A_234 : memref<1x!tpu.dma_semaphore, #tpu.memory_space<semaphore_mem>> -> memref<!tpu.dma_semaphore, #tpu.memory_space<semaphore_mem>>
    %dma_start3A_236 = arith.constant 0 : i32
    %dma_start3A_237 = arith.constant 768 : i32
    %dma_start3A_238 = tpu.memref_slice %arg10[%dma_start3A_236, %dma_start3A_237] : memref<16x3584xf32, #tpu.memory_space<vmem>> -> memref<16x128xf32, #tpu.memory_space<vmem>>
    %dma_start3A_239 = arith.constant 0 : i32
    %dma_start3A_240 = tpu.memref_slice %arg5[%dma_start3A_239, %multiple_of3A_227] : memref<16x1000000xf32, #tpu.memory_space<hbm>> -> memref<16x128xf32, #tpu.memory_space<hbm>>
    tpu.enqueue_dma source(%dma_start3A_240 : memref<16x128xf32, #tpu.memory_space<hbm>>) target(%dma_start3A_238 : memref<16x128xf32, #tpu.memory_space<vmem>>) target_semaphore(%dma_start3A_235 : memref<!tpu.dma_semaphore, #tpu.memory_space<semaphore_mem>>)
    %slice3A_241 = vector.extract_strided_slice %and3A_141 {offsets = [3], sizes = [1], strides = [1]} : vector<16xi32> to vector<1xi32>
    %squeeze3A_242 = vector.extract %slice3A_241[0] : i32 from vector<1xi32>
    %multiple_of3A_243 = tpu.assume_multiple %squeeze3A_242, 128 : i32
    %dma_start3A_244 = arith.constant 1 : i32
    %dma_start3A_245 = arith.constant 0 : i32
    %dma_start3A_246 = arith.constant 896 : i32
    %dma_start3A_247 = tpu.memref_slice %arg9[%dma_start3A_245, %dma_start3A_246] : memref<16x3584xf32, #tpu.memory_space<vmem>> -> memref<16x128xf32, #tpu.memory_space<vmem>>
    %dma_start3A_248 = arith.constant 0 : i32
    %dma_start3A_249 = tpu.memref_slice %arg4[%dma_start3A_248, %multiple_of3A_243] : memref<16x1000000xf32, #tpu.memory_space<hbm>> -> memref<16x128xf32, #tpu.memory_space<hbm>>
    %dma_start3A_250 = tpu.memref_slice %arg12[%dma_start3A_244] : memref<7x!tpu.dma_semaphore, #tpu.memory_space<semaphore_mem>> -> memref<1x!tpu.dma_semaphore, #tpu.memory_space<semaphore_mem>>
    %dma_start3A_251 = tpu.memref_squeeze %dma_start3A_250 : memref<1x!tpu.dma_semaphore, #tpu.memory_space<semaphore_mem>> -> memref<!tpu.dma_semaphore, #tpu.memory_space<semaphore_mem>>
    %dma_start3A_252 = arith.constant 0 : i32
    %dma_start3A_253 = arith.constant 896 : i32
    %dma_start3A_254 = tpu.memref_slice %arg9[%dma_start3A_252, %dma_start3A_253] : memref<16x3584xf32, #tpu.memory_space<vmem>> -> memref<16x128xf32, #tpu.memory_space<vmem>>
    %dma_start3A_255 = arith.constant 0 : i32
    %dma_start3A_256 = tpu.memref_slice %arg4[%dma_start3A_255, %multiple_of3A_243] : memref<16x1000000xf32, #tpu.memory_space<hbm>> -> memref<16x128xf32, #tpu.memory_space<hbm>>
    tpu.enqueue_dma source(%dma_start3A_256 : memref<16x128xf32, #tpu.memory_space<hbm>>) target(%dma_start3A_254 : memref<16x128xf32, #tpu.memory_space<vmem>>) target_semaphore(%dma_start3A_251 : memref<!tpu.dma_semaphore, #tpu.memory_space<semaphore_mem>>)
    %slice3A_257 = vector.extract_strided_slice %and3A_144 {offsets = [3], sizes = [1], strides = [1]} : vector<16xi32> to vector<1xi32>
    %squeeze3A_258 = vector.extract %slice3A_257[0] : i32 from vector<1xi32>
    %multiple_of3A_259 = tpu.assume_multiple %squeeze3A_258, 128 : i32
    %dma_start3A_260 = arith.constant 1 : i32
    %dma_start3A_261 = arith.constant 0 : i32
    %dma_start3A_262 = arith.constant 896 : i32
    %dma_start3A_263 = tpu.memref_slice %arg10[%dma_start3A_261, %dma_start3A_262] : memref<16x3584xf32, #tpu.memory_space<vmem>> -> memref<16x128xf32, #tpu.memory_space<vmem>>
    %dma_start3A_264 = arith.constant 0 : i32
    %dma_start3A_265 = tpu.memref_slice %arg5[%dma_start3A_264, %multiple_of3A_259] : memref<16x1000000xf32, #tpu.memory_space<hbm>> -> memref<16x128xf32, #tpu.memory_space<hbm>>
    %dma_start3A_266 = tpu.memref_slice %arg12[%dma_start3A_260] : memref<7x!tpu.dma_semaphore, #tpu.memory_space<semaphore_mem>> -> memref<1x!tpu.dma_semaphore, #tpu.memory_space<semaphore_mem>>
    %dma_start3A_267 = tpu.memref_squeeze %dma_start3A_266 : memref<1x!tpu.dma_semaphore, #tpu.memory_space<semaphore_mem>> -> memref<!tpu.dma_semaphore, #tpu.memory_space<semaphore_mem>>
    %dma_start3A_268 = arith.constant 0 : i32
    %dma_start3A_269 = arith.constant 896 : i32
    %dma_start3A_270 = tpu.memref_slice %arg10[%dma_start3A_268, %dma_start3A_269] : memref<16x3584xf32, #tpu.memory_space<vmem>> -> memref<16x128xf32, #tpu.memory_space<vmem>>
    %dma_start3A_271 = arith.constant 0 : i32
    %dma_start3A_272 = tpu.memref_slice %arg5[%dma_start3A_271, %multiple_of3A_259] : memref<16x1000000xf32, #tpu.memory_space<hbm>> -> memref<16x128xf32, #tpu.memory_space<hbm>>
    tpu.enqueue_dma source(%dma_start3A_272 : memref<16x128xf32, #tpu.memory_space<hbm>>) target(%dma_start3A_270 : memref<16x128xf32, #tpu.memory_space<vmem>>) target_semaphore(%dma_start3A_267 : memref<!tpu.dma_semaphore, #tpu.memory_space<semaphore_mem>>)
    %get3A_273 = arith.constant 8 : index
    %get3A_274 = tpu.vector_load %arg7[%get3A_273] {strides = array<i32>} : memref<528xi32, #tpu.memory_space<vmem>>, vector<16xi32>,
    %get3A_275 = arith.constant 8 : index
    %get3A_276 = tpu.vector_load %arg8[%get3A_275] {strides = array<i32>} : memref<528xi32, #tpu.memory_space<vmem>>, vector<16xi32>,
    %and3A_277 = arith.constant -128 : i32
    %and3A_278 = vector.broadcast %and3A_277 : i32 to vector<16xi32>
    %and3A_279 = arith.andi %get3A_274, %and3A_278 : vector<16xi32>
    %and3A_280 = arith.constant -128 : i32
    %and3A_281 = vector.broadcast %and3A_280 : i32 to vector<16xi32>
    %and3A_282 = arith.andi %get3A_276, %and3A_281 : vector<16xi32>
    %slice3A_283 = vector.extract_strided_slice %and3A_279 {offsets = [0], sizes = [1], strides = [1]} : vector<16xi32> to vector<1xi32>
    %squeeze3A_284 = vector.extract %slice3A_283[0] : i32 from vector<1xi32>
    %multiple_of3A_285 = tpu.assume_multiple %squeeze3A_284, 128 : i32
    %dma_start3A_286 = arith.constant 2 : i32
    %dma_start3A_287 = arith.constant 0 : i32
    %dma_start3A_288 = arith.constant 1024 : i32
    %dma_start3A_289 = tpu.memref_slice %arg9[%dma_start3A_287, %dma_start3A_288] : memref<16x3584xf32, #tpu.memory_space<vmem>> -> memref<16x128xf32, #tpu.memory_space<vmem>>
    %dma_start3A_290 = arith.constant 0 : i32
    %dma_start3A_291 = tpu.memref_slice %arg4[%dma_start3A_290, %multiple_of3A_285] : memref<16x1000000xf32, #tpu.memory_space<hbm>> -> memref<16x128xf32, #tpu.memory_space<hbm>>
    %dma_start3A_292 = tpu.memref_slice %arg12[%dma_start3A_286] : memref<7x!tpu.dma_semaphore, #tpu.memory_space<semaphore_mem>> -> memref<1x!tpu.dma_semaphore, #tpu.memory_space<semaphore_mem>>
    %dma_start3A_293 = tpu.memref_squeeze %dma_start3A_292 : memref<1x!tpu.dma_semaphore, #tpu.memory_space<semaphore_mem>> -> memref<!tpu.dma_semaphore, #tpu.memory_space<semaphore_mem>>
    %dma_start3A_294 = arith.constant 0 : i32
    %dma_start3A_295 = arith.constant 1024 : i32
    %dma_start3A_296 = tpu.memref_slice %arg9[%dma_start3A_294, %dma_start3A_295] : memref<16x3584xf32, #tpu.memory_space<vmem>> -> memref<16x128xf32, #tpu.memory_space<vmem>>
    %dma_start3A_297 = arith.constant 0 : i32
    %dma_start3A_298 = tpu.memref_slice %arg4[%dma_start3A_297, %multiple_of3A_285] : memref<16x1000000xf32, #tpu.memory_space<hbm>> -> memref<16x128xf32, #tpu.memory_space<hbm>>
    tpu.enqueue_dma source(%dma_start3A_298 : memref<16x128xf32, #tpu.memory_space<hbm>>) target(%dma_start3A_296 : memref<16x128xf32, #tpu.memory_space<vmem>>) target_semaphore(%dma_start3A_293 : memref<!tpu.dma_semaphore, #tpu.memory_space<semaphore_mem>>)
    %slice3A_299 = vector.extract_strided_slice %and3A_282 {offsets = [0], sizes = [1], strides = [1]} : vector<16xi32> to vector<1xi32>
    %squeeze3A_300 = vector.extract %slice3A_299[0] : i32 from vector<1xi32>
    %multiple_of3A_301 = tpu.assume_multiple %squeeze3A_300, 128 : i32
    %dma_start3A_302 = arith.constant 2 : i32
    %dma_start3A_303 = arith.constant 0 : i32
    %dma_start3A_304 = arith.constant 1024 : i32
    %dma_start3A_305 = tpu.memref_slice %arg10[%dma_start3A_303, %dma_start3A_304] : memref<16x3584xf32, #tpu.memory_space<vmem>> -> memref<16x128xf32, #tpu.memory_space<vmem>>
    %dma_start3A_306 = arith.constant 0 : i32
    %dma_start3A_307 = tpu.memref_slice %arg5[%dma_start3A_306, %multiple_of3A_301] : memref<16x1000000xf32, #tpu.memory_space<hbm>> -> memref<16x128xf32, #tpu.memory_space<hbm>>
    %dma_start3A_308 = tpu.memref_slice %arg12[%dma_start3A_302] : memref<7x!tpu.dma_semaphore, #tpu.memory_space<semaphore_mem>> -> memref<1x!tpu.dma_semaphore, #tpu.memory_space<semaphore_mem>>
    %dma_start3A_309 = tpu.memref_squeeze %dma_start3A_308 : memref<1x!tpu.dma_semaphore, #tpu.memory_space<semaphore_mem>> -> memref<!tpu.dma_semaphore, #tpu.memory_space<semaphore_mem>>
    %dma_start3A_310 = arith.constant 0 : i32
    %dma_start3A_311 = arith.constant 1024 : i32
    %dma_start3A_312 = tpu.memref_slice %arg10[%dma_start3A_310, %dma_start3A_311] : memref<16x3584xf32, #tpu.memory_space<vmem>> -> memref<16x128xf32, #tpu.memory_space<vmem>>
    %dma_start3A_313 = arith.constant 0 : i32
    %dma_start3A_314 = tpu.memref_slice %arg5[%dma_start3A_313, %multiple_of3A_301] : memref<16x1000000xf32, #tpu.memory_space<hbm>> -> memref<16x128xf32, #tpu.memory_space<hbm>>
    tpu.enqueue_dma source(%dma_start3A_314 : memref<16x128xf32, #tpu.memory_space<hbm>>) target(%dma_start3A_312 : memref<16x128xf32, #tpu.memory_space<vmem>>) target_semaphore(%dma_start3A_309 : memref<!tpu.dma_semaphore, #tpu.memory_space<semaphore_mem>>)
    %slice3A_315 = vector.extract_strided_slice %and3A_279 {offsets = [1], sizes = [1], strides = [1]} : vector<16xi32> to vector<1xi32>
    %squeeze3A_316 = vector.extract %slice3A_315[0] : i32 from vector<1xi32>
    %multiple_of3A_317 = tpu.assume_multiple %squeeze3A_316, 128 : i32
    %dma_start3A_318 = arith.constant 2 : i32
    %dma_start3A_319 = arith.constant 0 : i32
    %dma_start3A_320 = arith.constant 1152 : i32
    %dma_start3A_321 = tpu.memref_slice %arg9[%dma_start3A_319, %dma_start3A_320] : memref<16x3584xf32, #tpu.memory_space<vmem>> -> memref<16x128xf32, #tpu.memory_space<vmem>>
    %dma_start3A_322 = arith.constant 0 : i32
    %dma_start3A_323 = tpu.memref_slice %arg4[%dma_start3A_322, %multiple_of3A_317] : memref<16x1000000xf32, #tpu.memory_space<hbm>> -> memref<16x128xf32, #tpu.memory_space<hbm>>
    %dma_start3A_324 = tpu.memref_slice %arg12[%dma_start3A_318] : memref<7x!tpu.dma_semaphore, #tpu.memory_space<semaphore_mem>> -> memref<1x!tpu.dma_semaphore, #tpu.memory_space<semaphore_mem>>
    %dma_start3A_325 = tpu.memref_squeeze %dma_start3A_324 : memref<1x!tpu.dma_semaphore, #tpu.memory_space<semaphore_mem>> -> memref<!tpu.dma_semaphore, #tpu.memory_space<semaphore_mem>>
    %dma_start3A_326 = arith.constant 0 : i32
    %dma_start3A_327 = arith.constant 1152 : i32
    %dma_start3A_328 = tpu.memref_slice %arg9[%dma_start3A_326, %dma_start3A_327] : memref<16x3584xf32, #tpu.memory_space<vmem>> -> memref<16x128xf32, #tpu.memory_space<vmem>>
    %dma_start3A_329 = arith.constant 0 : i32
    %dma_start3A_330 = tpu.memref_slice %arg4[%dma_start3A_329, %multiple_of3A_317] : memref<16x1000000xf32, #tpu.memory_space<hbm>> -> memref<16x128xf32, #tpu.memory_space<hbm>>
    tpu.enqueue_dma source(%dma_start3A_330 : memref<16x128xf32, #tpu.memory_space<hbm>>) target(%dma_start3A_328 : memref<16x128xf32, #tpu.memory_space<vmem>>) target_semaphore(%dma_start3A_325 : memref<!tpu.dma_semaphore, #tpu.memory_space<semaphore_mem>>)
    %slice3A_331 = vector.extract_strided_slice %and3A_282 {offsets = [1], sizes = [1], strides = [1]} : vector<16xi32> to vector<1xi32>
    %squeeze3A_332 = vector.extract %slice3A_331[0] : i32 from vector<1xi32>
    %multiple_of3A_333 = tpu.assume_multiple %squeeze3A_332, 128 : i32
    %dma_start3A_334 = arith.constant 2 : i32
    %dma_start3A_335 = arith.constant 0 : i32
    %dma_start3A_336 = arith.constant 1152 : i32
    %dma_start3A_337 = tpu.memref_slice %arg10[%dma_start3A_335, %dma_start3A_336] : memref<16x3584xf32, #tpu.memory_space<vmem>> -> memref<16x128xf32, #tpu.memory_space<vmem>>
    %dma_start3A_338 = arith.constant 0 : i32
    %dma_start3A_339 = tpu.memref_slice %arg5[%dma_start3A_338, %multiple_of3A_333] : memref<16x1000000xf32, #tpu.memory_space<hbm>> -> memref<16x128xf32, #tpu.memory_space<hbm>>
    %dma_start3A_340 = tpu.memref_slice %arg12[%dma_start3A_334] : memref<7x!tpu.dma_semaphore, #tpu.memory_space<semaphore_mem>> -> memref<1x!tpu.dma_semaphore, #tpu.memory_space<semaphore_mem>>
    %dma_start3A_341 = tpu.memref_squeeze %dma_start3A_340 : memref<1x!tpu.dma_semaphore, #tpu.memory_space<semaphore_mem>> -> memref<!tpu.dma_semaphore, #tpu.memory_space<semaphore_mem>>
    %dma_start3A_342 = arith.constant 0 : i32
    %dma_start3A_343 = arith.constant 1152 : i32
    %dma_start3A_344 = tpu.memref_slice %arg10[%dma_start3A_342, %dma_start3A_343] : memref<16x3584xf32, #tpu.memory_space<vmem>> -> memref<16x128xf32, #tpu.memory_space<vmem>>
    %dma_start3A_345 = arith.constant 0 : i32
    %dma_start3A_346 = tpu.memref_slice %arg5[%dma_start3A_345, %multiple_of3A_333] : memref<16x1000000xf32, #tpu.memory_space<hbm>> -> memref<16x128xf32, #tpu.memory_space<hbm>>
    tpu.enqueue_dma source(%dma_start3A_346 : memref<16x128xf32, #tpu.memory_space<hbm>>) target(%dma_start3A_344 : memref<16x128xf32, #tpu.memory_space<vmem>>) target_semaphore(%dma_start3A_341 : memref<!tpu.dma_semaphore, #tpu.memory_space<semaphore_mem>>)
    %slice3A_347 = vector.extract_strided_slice %and3A_279 {offsets = [2], sizes = [1], strides = [1]} : vector<16xi32> to vector<1xi32>
    %squeeze3A_348 = vector.extract %slice3A_347[0] : i32 from vector<1xi32>
    %multiple_of3A_349 = tpu.assume_multiple %squeeze3A_348, 128 : i32
    %dma_start3A_350 = arith.constant 2 : i32
    %dma_start3A_351 = arith.constant 0 : i32
    %dma_start3A_352 = arith.constant 1280 : i32
    %dma_start3A_353 = tpu.memref_slice %arg9[%dma_start3A_351, %dma_start3A_352] : memref<16x3584xf32, #tpu.memory_space<vmem>> -> memref<16x128xf32, #tpu.memory_space<vmem>>
    %dma_start3A_354 = arith.constant 0 : i32
    %dma_start3A_355 = tpu.memref_slice %arg4[%dma_start3A_354, %multiple_of3A_349] : memref<16x1000000xf32, #tpu.memory_space<hbm>> -> memref<16x128xf32, #tpu.memory_space<hbm>>
    %dma_start3A_356 = tpu.memref_slice %arg12[%dma_start3A_350] : memref<7x!tpu.dma_semaphore, #tpu.memory_space<semaphore_mem>> -> memref<1x!tpu.dma_semaphore, #tpu.memory_space<semaphore_mem>>
    %dma_start3A_357 = tpu.memref_squeeze %dma_start3A_356 : memref<1x!tpu.dma_semaphore, #tpu.memory_space<semaphore_mem>> -> memref<!tpu.dma_semaphore, #tpu.memory_space<semaphore_mem>>
    %dma_start3A_358 = arith.constant 0 : i32
    %dma_start3A_359 = arith.constant 1280 : i32
    %dma_start3A_360 = tpu.memref_slice %arg9[%dma_start3A_358, %dma_start3A_359] : memref<16x3584xf32, #tpu.memory_space<vmem>> -> memref<16x128xf32, #tpu.memory_space<vmem>>
    %dma_start3A_361 = arith.constant 0 : i32
    %dma_start3A_362 = tpu.memref_slice %arg4[%dma_start3A_361, %multiple_of3A_349] : memref<16x1000000xf32, #tpu.memory_space<hbm>> -> memref<16x128xf32, #tpu.memory_space<hbm>>
    tpu.enqueue_dma source(%dma_start3A_362 : memref<16x128xf32, #tpu.memory_space<hbm>>) target(%dma_start3A_360 : memref<16x128xf32, #tpu.memory_space<vmem>>) target_semaphore(%dma_start3A_357 : memref<!tpu.dma_semaphore, #tpu.memory_space<semaphore_mem>>)
    %slice3A_363 = vector.extract_strided_slice %and3A_282 {offsets = [2], sizes = [1], strides = [1]} : vector<16xi32> to vector<1xi32>
    %squeeze3A_364 = vector.extract %slice3A_363[0] : i32 from vector<1xi32>
    %multiple_of3A_365 = tpu.assume_multiple %squeeze3A_364, 128 : i32
    %dma_start3A_366 = arith.constant 2 : i32
    %dma_start3A_367 = arith.constant 0 : i32
    %dma_start3A_368 = arith.constant 1280 : i32
    %dma_start3A_369 = tpu.memref_slice %arg10[%dma_start3A_367, %dma_start3A_368] : memref<16x3584xf32, #tpu.memory_space<vmem>> -> memref<16x128xf32, #tpu.memory_space<vmem>>
    %dma_start3A_370 = arith.constant 0 : i32
    %dma_start3A_371 = tpu.memref_slice %arg5[%dma_start3A_370, %multiple_of3A_365] : memref<16x1000000xf32, #tpu.memory_space<hbm>> -> memref<16x128xf32, #tpu.memory_space<hbm>>
    %dma_start3A_372 = tpu.memref_slice %arg12[%dma_start3A_366] : memref<7x!tpu.dma_semaphore, #tpu.memory_space<semaphore_mem>> -> memref<1x!tpu.dma_semaphore, #tpu.memory_space<semaphore_mem>>
    %dma_start3A_373 = tpu.memref_squeeze %dma_start3A_372 : memref<1x!tpu.dma_semaphore, #tpu.memory_space<semaphore_mem>> -> memref<!tpu.dma_semaphore, #tpu.memory_space<semaphore_mem>>
    %dma_start3A_374 = arith.constant 0 : i32
    %dma_start3A_375 = arith.constant 1280 : i32
    %dma_start3A_376 = tpu.memref_slice %arg10[%dma_start3A_374, %dma_start3A_375] : memref<16x3584xf32, #tpu.memory_space<vmem>> -> memref<16x128xf32, #tpu.memory_space<vmem>>
    %dma_start3A_377 = arith.constant 0 : i32
    %dma_start3A_378 = tpu.memref_slice %arg5[%dma_start3A_377, %multiple_of3A_365] : memref<16x1000000xf32, #tpu.memory_space<hbm>> -> memref<16x128xf32, #tpu.memory_space<hbm>>
    tpu.enqueue_dma source(%dma_start3A_378 : memref<16x128xf32, #tpu.memory_space<hbm>>) target(%dma_start3A_376 : memref<16x128xf32, #tpu.memory_space<vmem>>) target_semaphore(%dma_start3A_373 : memref<!tpu.dma_semaphore, #tpu.memory_space<semaphore_mem>>)
    %slice3A_379 = vector.extract_strided_slice %and3A_279 {offsets = [3], sizes = [1], strides = [1]} : vector<16xi32> to vector<1xi32>
    %squeeze3A_380 = vector.extract %slice3A_379[0] : i32 from vector<1xi32>
    %multiple_of3A_381 = tpu.assume_multiple %squeeze3A_380, 128 : i32
    %dma_start3A_382 = arith.constant 2 : i32
    %dma_start3A_383 = arith.constant 0 : i32
    %dma_start3A_384 = arith.constant 1408 : i32
    %dma_start3A_385 = tpu.memref_slice %arg9[%dma_start3A_383, %dma_start3A_384] : memref<16x3584xf32, #tpu.memory_space<vmem>> -> memref<16x128xf32, #tpu.memory_space<vmem>>
    %dma_start3A_386 = arith.constant 0 : i32
    %dma_start3A_387 = tpu.memref_slice %arg4[%dma_start3A_386, %multiple_of3A_381] : memref<16x1000000xf32, #tpu.memory_space<hbm>> -> memref<16x128xf32, #tpu.memory_space<hbm>>
    %dma_start3A_388 = tpu.memref_slice %arg12[%dma_start3A_382] : memref<7x!tpu.dma_semaphore, #tpu.memory_space<semaphore_mem>> -> memref<1x!tpu.dma_semaphore, #tpu.memory_space<semaphore_mem>>
    %dma_start3A_389 = tpu.memref_squeeze %dma_start3A_388 : memref<1x!tpu.dma_semaphore, #tpu.memory_space<semaphore_mem>> -> memref<!tpu.dma_semaphore, #tpu.memory_space<semaphore_mem>>
    %dma_start3A_390 = arith.constant 0 : i32
    %dma_start3A_391 = arith.constant 1408 : i32
    %dma_start3A_392 = tpu.memref_slice %arg9[%dma_start3A_390, %dma_start3A_391] : memref<16x3584xf32, #tpu.memory_space<vmem>> -> memref<16x128xf32, #tpu.memory_space<vmem>>
    %dma_start3A_393 = arith.constant 0 : i32
    %dma_start3A_394 = tpu.memref_slice %arg4[%dma_start3A_393, %multiple_of3A_381] : memref<16x1000000xf32, #tpu.memory_space<hbm>> -> memref<16x128xf32, #tpu.memory_space<hbm>>
    tpu.enqueue_dma source(%dma_start3A_394 : memref<16x128xf32, #tpu.memory_space<hbm>>) target(%dma_start3A_392 : memref<16x128xf32, #tpu.memory_space<vmem>>) target_semaphore(%dma_start3A_389 : memref<!tpu.dma_semaphore, #tpu.memory_space<semaphore_mem>>)
    %slice3A_395 = vector.extract_strided_slice %and3A_282 {offsets = [3], sizes = [1], strides = [1]} : vector<16xi32> to vector<1xi32>
    %squeeze3A_396 = vector.extract %slice3A_395[0] : i32 from vector<1xi32>
    %multiple_of3A_397 = tpu.assume_multiple %squeeze3A_396, 128 : i32
    %dma_start3A_398 = arith.constant 2 : i32
    %dma_start3A_399 = arith.constant 0 : i32
    %dma_start3A_400 = arith.constant 1408 : i32
    %dma_start3A_401 = tpu.memref_slice %arg10[%dma_start3A_399, %dma_start3A_400] : memref<16x3584xf32, #tpu.memory_space<vmem>> -> memref<16x128xf32, #tpu.memory_space<vmem>>
    %dma_start3A_402 = arith.constant 0 : i32
    %dma_start3A_403 = tpu.memref_slice %arg5[%dma_start3A_402, %multiple_of3A_397] : memref<16x1000000xf32, #tpu.memory_space<hbm>> -> memref<16x128xf32, #tpu.memory_space<hbm>>
    %dma_start3A_404 = tpu.memref_slice %arg12[%dma_start3A_398] : memref<7x!tpu.dma_semaphore, #tpu.memory_space<semaphore_mem>> -> memref<1x!tpu.dma_semaphore, #tpu.memory_space<semaphore_mem>>
    %dma_start3A_405 = tpu.memref_squeeze %dma_start3A_404 : memref<1x!tpu.dma_semaphore, #tpu.memory_space<semaphore_mem>> -> memref<!tpu.dma_semaphore, #tpu.memory_space<semaphore_mem>>
    %dma_start3A_406 = arith.constant 0 : i32
    %dma_start3A_407 = arith.constant 1408 : i32
    %dma_start3A_408 = tpu.memref_slice %arg10[%dma_start3A_406, %dma_start3A_407] : memref<16x3584xf32, #tpu.memory_space<vmem>> -> memref<16x128xf32, #tpu.memory_space<vmem>>
    %dma_start3A_409 = arith.constant 0 : i32
    %dma_start3A_410 = tpu.memref_slice %arg5[%dma_start3A_409, %multiple_of3A_397] : memref<16x1000000xf32, #tpu.memory_space<hbm>> -> memref<16x128xf32, #tpu.memory_space<hbm>>
    tpu.enqueue_dma source(%dma_start3A_410 : memref<16x128xf32, #tpu.memory_space<hbm>>) target(%dma_start3A_408 : memref<16x128xf32, #tpu.memory_space<vmem>>) target_semaphore(%dma_start3A_405 : memref<!tpu.dma_semaphore, #tpu.memory_space<semaphore_mem>>)
    %get3A_411 = arith.constant 12 : index
    %get3A_412 = tpu.vector_load %arg7[%get3A_411] {strides = array<i32>} : memref<528xi32, #tpu.memory_space<vmem>>, vector<16xi32>,
    %get3A_413 = arith.constant 12 : index
    %get3A_414 = tpu.vector_load %arg8[%get3A_413] {strides = array<i32>} : memref<528xi32, #tpu.memory_space<vmem>>, vector<16xi32>,
    %and3A_415 = arith.constant -128 : i32
    %and3A_416 = vector.broadcast %and3A_415 : i32 to vector<16xi32>
    %and3A_417 = arith.andi %get3A_412, %and3A_416 : vector<16xi32>
    %and3A_418 = arith.constant -128 : i32
    %and3A_419 = vector.broadcast %and3A_418 : i32 to vector<16xi32>
    %and3A_420 = arith.andi %get3A_414, %and3A_419 : vector<16xi32>
    %slice3A_421 = vector.extract_strided_slice %and3A_417 {offsets = [0], sizes = [1], strides = [1]} : vector<16xi32> to vector<1xi32>
    %squeeze3A_422 = vector.extract %slice3A_421[0] : i32 from vector<1xi32>
    %multiple_of3A_423 = tpu.assume_multiple %squeeze3A_422, 128 : i32
    %dma_start3A_424 = arith.constant 3 : i32
    %dma_start3A_425 = arith.constant 0 : i32
    %dma_start3A_426 = arith.constant 1536 : i32
    %dma_start3A_427 = tpu.memref_slice %arg9[%dma_start3A_425, %dma_start3A_426] : memref<16x3584xf32, #tpu.memory_space<vmem>> -> memref<16x128xf32, #tpu.memory_space<vmem>>
    %dma_start3A_428 = arith.constant 0 : i32
    %dma_start3A_429 = tpu.memref_slice %arg4[%dma_start3A_428, %multiple_of3A_423] : memref<16x1000000xf32, #tpu.memory_space<hbm>> -> memref<16x128xf32, #tpu.memory_space<hbm>>
    %dma_start3A_430 = tpu.memref_slice %arg12[%dma_start3A_424] : memref<7x!tpu.dma_semaphore, #tpu.memory_space<semaphore_mem>> -> memref<1x!tpu.dma_semaphore, #tpu.memory_space<semaphore_mem>>
    %dma_start3A_431 = tpu.memref_squeeze %dma_start3A_430 : memref<1x!tpu.dma_semaphore, #tpu.memory_space<semaphore_mem>> -> memref<!tpu.dma_semaphore, #tpu.memory_space<semaphore_mem>>
    %dma_start3A_432 = arith.constant 0 : i32
    %dma_start3A_433 = arith.constant 1536 : i32
    %dma_start3A_434 = tpu.memref_slice %arg9[%dma_start3A_432, %dma_start3A_433] : memref<16x3584xf32, #tpu.memory_space<vmem>> -> memref<16x128xf32, #tpu.memory_space<vmem>>
    %dma_start3A_435 = arith.constant 0 : i32
    %dma_start3A_436 = tpu.memref_slice %arg4[%dma_start3A_435, %multiple_of3A_423] : memref<16x1000000xf32, #tpu.memory_space<hbm>> -> memref<16x128xf32, #tpu.memory_space<hbm>>
    tpu.enqueue_dma source(%dma_start3A_436 : memref<16x128xf32, #tpu.memory_space<hbm>>) target(%dma_start3A_434 : memref<16x128xf32, #tpu.memory_space<vmem>>) target_semaphore(%dma_start3A_431 : memref<!tpu.dma_semaphore, #tpu.memory_space<semaphore_mem>>)
    %slice3A_437 = vector.extract_strided_slice %and3A_420 {offsets = [0], sizes = [1], strides = [1]} : vector<16xi32> to vector<1xi32>
    %squeeze3A_438 = vector.extract %slice3A_437[0] : i32 from vector<1xi32>
    %multiple_of3A_439 = tpu.assume_multiple %squeeze3A_438, 128 : i32
    %dma_start3A_440 = arith.constant 3 : i32
    %dma_start3A_441 = arith.constant 0 : i32
    %dma_start3A_442 = arith.constant 1536 : i32
    %dma_start3A_443 = tpu.memref_slice %arg10[%dma_start3A_441, %dma_start3A_442] : memref<16x3584xf32, #tpu.memory_space<vmem>> -> memref<16x128xf32, #tpu.memory_space<vmem>>
    %dma_start3A_444 = arith.constant 0 : i32
    %dma_start3A_445 = tpu.memref_slice %arg5[%dma_start3A_444, %multiple_of3A_439] : memref<16x1000000xf32, #tpu.memory_space<hbm>> -> memref<16x128xf32, #tpu.memory_space<hbm>>
    %dma_start3A_446 = tpu.memref_slice %arg12[%dma_start3A_440] : memref<7x!tpu.dma_semaphore, #tpu.memory_space<semaphore_mem>> -> memref<1x!tpu.dma_semaphore, #tpu.memory_space<semaphore_mem>>
    %dma_start3A_447 = tpu.memref_squeeze %dma_start3A_446 : memref<1x!tpu.dma_semaphore, #tpu.memory_space<semaphore_mem>> -> memref<!tpu.dma_semaphore, #tpu.memory_space<semaphore_mem>>
    %dma_start3A_448 = arith.constant 0 : i32
    %dma_start3A_449 = arith.constant 1536 : i32
    %dma_start3A_450 = tpu.memref_slice %arg10[%dma_start3A_448, %dma_start3A_449] : memref<16x3584xf32, #tpu.memory_space<vmem>> -> memref<16x128xf32, #tpu.memory_space<vmem>>
    %dma_start3A_451 = arith.constant 0 : i32
    %dma_start3A_452 = tpu.memref_slice %arg5[%dma_start3A_451, %multiple_of3A_439] : memref<16x1000000xf32, #tpu.memory_space<hbm>> -> memref<16x128xf32, #tpu.memory_space<hbm>>
    tpu.enqueue_dma source(%dma_start3A_452 : memref<16x128xf32, #tpu.memory_space<hbm>>) target(%dma_start3A_450 : memref<16x128xf32, #tpu.memory_space<vmem>>) target_semaphore(%dma_start3A_447 : memref<!tpu.dma_semaphore, #tpu.memory_space<semaphore_mem>>)
    %slice3A_453 = vector.extract_strided_slice %and3A_417 {offsets = [1], sizes = [1], strides = [1]} : vector<16xi32> to vector<1xi32>
    %squeeze3A_454 = vector.extract %slice3A_453[0] : i32 from vector<1xi32>
    %multiple_of3A_455 = tpu.assume_multiple %squeeze3A_454, 128 : i32
    %dma_start3A_456 = arith.constant 3 : i32
    %dma_start3A_457 = arith.constant 0 : i32
    %dma_start3A_458 = arith.constant 1664 : i32
    %dma_start3A_459 = tpu.memref_slice %arg9[%dma_start3A_457, %dma_start3A_458] : memref<16x3584xf32, #tpu.memory_space<vmem>> -> memref<16x128xf32, #tpu.memory_space<vmem>>
    %dma_start3A_460 = arith.constant 0 : i32
    %dma_start3A_461 = tpu.memref_slice %arg4[%dma_start3A_460, %multiple_of3A_455] : memref<16x1000000xf32, #tpu.memory_space<hbm>> -> memref<16x128xf32, #tpu.memory_space<hbm>>
    %dma_start3A_462 = tpu.memref_slice %arg12[%dma_start3A_456] : memref<7x!tpu.dma_semaphore, #tpu.memory_space<semaphore_mem>> -> memref<1x!tpu.dma_semaphore, #tpu.memory_space<semaphore_mem>>
    %dma_start3A_463 = tpu.memref_squeeze %dma_start3A_462 : memref<1x!tpu.dma_semaphore, #tpu.memory_space<semaphore_mem>> -> memref<!tpu.dma_semaphore, #tpu.memory_space<semaphore_mem>>
    %dma_start3A_464 = arith.constant 0 : i32
    %dma_start3A_465 = arith.constant 1664 : i32
    %dma_start3A_466 = tpu.memref_slice %arg9[%dma_start3A_464, %dma_start3A_465] : memref<16x3584xf32, #tpu.memory_space<vmem>> -> memref<16x128xf32, #tpu.memory_space<vmem>>
    %dma_start3A_467 = arith.constant 0 : i32
    %dma_start3A_468 = tpu.memref_slice %arg4[%dma_start3A_467, %multiple_of3A_455] : memref<16x1000000xf32, #tpu.memory_space<hbm>> -> memref<16x128xf32, #tpu.memory_space<hbm>>
    tpu.enqueue_dma source(%dma_start3A_468 : memref<16x128xf32, #tpu.memory_space<hbm>>) target(%dma_start3A_466 : memref<16x128xf32, #tpu.memory_space<vmem>>) target_semaphore(%dma_start3A_463 : memref<!tpu.dma_semaphore, #tpu.memory_space<semaphore_mem>>)
    %slice3A_469 = vector.extract_strided_slice %and3A_420 {offsets = [1], sizes = [1], strides = [1]} : vector<16xi32> to vector<1xi32>
    %squeeze3A_470 = vector.extract %slice3A_469[0] : i32 from vector<1xi32>
    %multiple_of3A_471 = tpu.assume_multiple %squeeze3A_470, 128 : i32
    %dma_start3A_472 = arith.constant 3 : i32
    %dma_start3A_473 = arith.constant 0 : i32
    %dma_start3A_474 = arith.constant 1664 : i32
    %dma_start3A_475 = tpu.memref_slice %arg10[%dma_start3A_473, %dma_start3A_474] : memref<16x3584xf32, #tpu.memory_space<vmem>> -> memref<16x128xf32, #tpu.memory_space<vmem>>
    %dma_start3A_476 = arith.constant 0 : i32
    %dma_start3A_477 = tpu.memref_slice %arg5[%dma_start3A_476, %multiple_of3A_471] : memref<16x1000000xf32, #tpu.memory_space<hbm>> -> memref<16x128xf32, #tpu.memory_space<hbm>>
    %dma_start3A_478 = tpu.memref_slice %arg12[%dma_start3A_472] : memref<7x!tpu.dma_semaphore, #tpu.memory_space<semaphore_mem>> -> memref<1x!tpu.dma_semaphore, #tpu.memory_space<semaphore_mem>>
    %dma_start3A_479 = tpu.memref_squeeze %dma_start3A_478 : memref<1x!tpu.dma_semaphore, #tpu.memory_space<semaphore_mem>> -> memref<!tpu.dma_semaphore, #tpu.memory_space<semaphore_mem>>
    %dma_start3A_480 = arith.constant 0 : i32
    %dma_start3A_481 = arith.constant 1664 : i32
    %dma_start3A_482 = tpu.memref_slice %arg10[%dma_start3A_480, %dma_start3A_481] : memref<16x3584xf32, #tpu.memory_space<vmem>> -> memref<16x128xf32, #tpu.memory_space<vmem>>
    %dma_start3A_483 = arith.constant 0 : i32
    %dma_start3A_484 = tpu.memref_slice %arg5[%dma_start3A_483, %multiple_of3A_471] : memref<16x1000000xf32, #tpu.memory_space<hbm>> -> memref<16x128xf32, #tpu.memory_space<hbm>>
    tpu.enqueue_dma source(%dma_start3A_484 : memref<16x128xf32, #tpu.memory_space<hbm>>) target(%dma_start3A_482 : memref<16x128xf32, #tpu.memory_space<vmem>>) target_semaphore(%dma_start3A_479 : memref<!tpu.dma_semaphore, #tpu.memory_space<semaphore_mem>>)
    %slice3A_485 = vector.extract_strided_slice %and3A_417 {offsets = [2], sizes = [1], strides = [1]} : vector<16xi32> to vector<1xi32>
    %squeeze3A_486 = vector.extract %slice3A_485[0] : i32 from vector<1xi32>
    %multiple_of3A_487 = tpu.assume_multiple %squeeze3A_486, 128 : i32
    %dma_start3A_488 = arith.constant 3 : i32
    %dma_start3A_489 = arith.constant 0 : i32
    %dma_start3A_490 = arith.constant 1792 : i32
    %dma_start3A_491 = tpu.memref_slice %arg9[%dma_start3A_489, %dma_start3A_490] : memref<16x3584xf32, #tpu.memory_space<vmem>> -> memref<16x128xf32, #tpu.memory_space<vmem>>
    %dma_start3A_492 = arith.constant 0 : i32
    %dma_start3A_493 = tpu.memref_slice %arg4[%dma_start3A_492, %multiple_of3A_487] : memref<16x1000000xf32, #tpu.memory_space<hbm>> -> memref<16x128xf32, #tpu.memory_space<hbm>>
    %dma_start3A_494 = tpu.memref_slice %arg12[%dma_start3A_488] : memref<7x!tpu.dma_semaphore, #tpu.memory_space<semaphore_mem>> -> memref<1x!tpu.dma_semaphore, #tpu.memory_space<semaphore_mem>>
    %dma_start3A_495 = tpu.memref_squeeze %dma_start3A_494 : memref<1x!tpu.dma_semaphore, #tpu.memory_space<semaphore_mem>> -> memref<!tpu.dma_semaphore, #tpu.memory_space<semaphore_mem>>
    %dma_start3A_496 = arith.constant 0 : i32
    %dma_start3A_497 = arith.constant 1792 : i32
    %dma_start3A_498 = tpu.memref_slice %arg9[%dma_start3A_496, %dma_start3A_497] : memref<16x3584xf32, #tpu.memory_space<vmem>> -> memref<16x128xf32, #tpu.memory_space<vmem>>
    %dma_start3A_499 = arith.constant 0 : i32
    %dma_start3A_500 = tpu.memref_slice %arg4[%dma_start3A_499, %multiple_of3A_487] : memref<16x1000000xf32, #tpu.memory_space<hbm>> -> memref<16x128xf32, #tpu.memory_space<hbm>>
    tpu.enqueue_dma source(%dma_start3A_500 : memref<16x128xf32, #tpu.memory_space<hbm>>) target(%dma_start3A_498 : memref<16x128xf32, #tpu.memory_space<vmem>>) target_semaphore(%dma_start3A_495 : memref<!tpu.dma_semaphore, #tpu.memory_space<semaphore_mem>>)
    %slice3A_501 = vector.extract_strided_slice %and3A_420 {offsets = [2], sizes = [1], strides = [1]} : vector<16xi32> to vector<1xi32>
    %squeeze3A_502 = vector.extract %slice3A_501[0] : i32 from vector<1xi32>
    %multiple_of3A_503 = tpu.assume_multiple %squeeze3A_502, 128 : i32
    %dma_start3A_504 = arith.constant 3 : i32
    %dma_start3A_505 = arith.constant 0 : i32
    %dma_start3A_506 = arith.constant 1792 : i32
    %dma_start3A_507 = tpu.memref_slice %arg10[%dma_start3A_505, %dma_start3A_506] : memref<16x3584xf32, #tpu.memory_space<vmem>> -> memref<16x128xf32, #tpu.memory_space<vmem>>
    %dma_start3A_508 = arith.constant 0 : i32
    %dma_start3A_509 = tpu.memref_slice %arg5[%dma_start3A_508, %multiple_of3A_503] : memref<16x1000000xf32, #tpu.memory_space<hbm>> -> memref<16x128xf32, #tpu.memory_space<hbm>>
    %dma_start3A_510 = tpu.memref_slice %arg12[%dma_start3A_504] : memref<7x!tpu.dma_semaphore, #tpu.memory_space<semaphore_mem>> -> memref<1x!tpu.dma_semaphore, #tpu.memory_space<semaphore_mem>>
    %dma_start3A_511 = tpu.memref_squeeze %dma_start3A_510 : memref<1x!tpu.dma_semaphore, #tpu.memory_space<semaphore_mem>> -> memref<!tpu.dma_semaphore, #tpu.memory_space<semaphore_mem>>
    %dma_start3A_512 = arith.constant 0 : i32
    %dma_start3A_513 = arith.constant 1792 : i32
    %dma_start3A_514 = tpu.memref_slice %arg10[%dma_start3A_512, %dma_start3A_513] : memref<16x3584xf32, #tpu.memory_space<vmem>> -> memref<16x128xf32, #tpu.memory_space<vmem>>
    %dma_start3A_515 = arith.constant 0 : i32
    %dma_start3A_516 = tpu.memref_slice %arg5[%dma_start3A_515, %multiple_of3A_503] : memref<16x1000000xf32, #tpu.memory_space<hbm>> -> memref<16x128xf32, #tpu.memory_space<hbm>>
    tpu.enqueue_dma source(%dma_start3A_516 : memref<16x128xf32, #tpu.memory_space<hbm>>) target(%dma_start3A_514 : memref<16x128xf32, #tpu.memory_space<vmem>>) target_semaphore(%dma_start3A_511 : memref<!tpu.dma_semaphore, #tpu.memory_space<semaphore_mem>>)
    %slice3A_517 = vector.extract_strided_slice %and3A_417 {offsets = [3], sizes = [1], strides = [1]} : vector<16xi32> to vector<1xi32>
    %squeeze3A_518 = vector.extract %slice3A_517[0] : i32 from vector<1xi32>
    %multiple_of3A_519 = tpu.assume_multiple %squeeze3A_518, 128 : i32
    %dma_start3A_520 = arith.constant 3 : i32
    %dma_start3A_521 = arith.constant 0 : i32
    %dma_start3A_522 = arith.constant 1920 : i32
    %dma_start3A_523 = tpu.memref_slice %arg9[%dma_start3A_521, %dma_start3A_522] : memref<16x3584xf32, #tpu.memory_space<vmem>> -> memref<16x128xf32, #tpu.memory_space<vmem>>
    %dma_start3A_524 = arith.constant 0 : i32
    %dma_start3A_525 = tpu.memref_slice %arg4[%dma_start3A_524, %multiple_of3A_519] : memref<16x1000000xf32, #tpu.memory_space<hbm>> -> memref<16x128xf32, #tpu.memory_space<hbm>>
    %dma_start3A_526 = tpu.memref_slice %arg12[%dma_start3A_520] : memref<7x!tpu.dma_semaphore, #tpu.memory_space<semaphore_mem>> -> memref<1x!tpu.dma_semaphore, #tpu.memory_space<semaphore_mem>>
    %dma_start3A_527 = tpu.memref_squeeze %dma_start3A_526 : memref<1x!tpu.dma_semaphore, #tpu.memory_space<semaphore_mem>> -> memref<!tpu.dma_semaphore, #tpu.memory_space<semaphore_mem>>
    %dma_start3A_528 = arith.constant 0 : i32
    %dma_start3A_529 = arith.constant 1920 : i32
    %dma_start3A_530 = tpu.memref_slice %arg9[%dma_start3A_528, %dma_start3A_529] : memref<16x3584xf32, #tpu.memory_space<vmem>> -> memref<16x128xf32, #tpu.memory_space<vmem>>
    %dma_start3A_531 = arith.constant 0 : i32
    %dma_start3A_532 = tpu.memref_slice %arg4[%dma_start3A_531, %multiple_of3A_519] : memref<16x1000000xf32, #tpu.memory_space<hbm>> -> memref<16x128xf32, #tpu.memory_space<hbm>>
    tpu.enqueue_dma source(%dma_start3A_532 : memref<16x128xf32, #tpu.memory_space<hbm>>) target(%dma_start3A_530 : memref<16x128xf32, #tpu.memory_space<vmem>>) target_semaphore(%dma_start3A_527 : memref<!tpu.dma_semaphore, #tpu.memory_space<semaphore_mem>>)
    %slice3A_533 = vector.extract_strided_slice %and3A_420 {offsets = [3], sizes = [1], strides = [1]} : vector<16xi32> to vector<1xi32>
    %squeeze3A_534 = vector.extract %slice3A_533[0] : i32 from vector<1xi32>
    %multiple_of3A_535 = tpu.assume_multiple %squeeze3A_534, 128 : i32
    %dma_start3A_536 = arith.constant 3 : i32
    %dma_start3A_537 = arith.constant 0 : i32
    %dma_start3A_538 = arith.constant 1920 : i32
    %dma_start3A_539 = tpu.memref_slice %arg10[%dma_start3A_537, %dma_start3A_538] : memref<16x3584xf32, #tpu.memory_space<vmem>> -> memref<16x128xf32, #tpu.memory_space<vmem>>
    %dma_start3A_540 = arith.constant 0 : i32
    %dma_start3A_541 = tpu.memref_slice %arg5[%dma_start3A_540, %multiple_of3A_535] : memref<16x1000000xf32, #tpu.memory_space<hbm>> -> memref<16x128xf32, #tpu.memory_space<hbm>>
    %dma_start3A_542 = tpu.memref_slice %arg12[%dma_start3A_536] : memref<7x!tpu.dma_semaphore, #tpu.memory_space<semaphore_mem>> -> memref<1x!tpu.dma_semaphore, #tpu.memory_space<semaphore_mem>>
    %dma_start3A_543 = tpu.memref_squeeze %dma_start3A_542 : memref<1x!tpu.dma_semaphore, #tpu.memory_space<semaphore_mem>> -> memref<!tpu.dma_semaphore, #tpu.memory_space<semaphore_mem>>
    %dma_start3A_544 = arith.constant 0 : i32
    %dma_start3A_545 = arith.constant 1920 : i32
    %dma_start3A_546 = tpu.memref_slice %arg10[%dma_start3A_544, %dma_start3A_545] : memref<16x3584xf32, #tpu.memory_space<vmem>> -> memref<16x128xf32, #tpu.memory_space<vmem>>
    %dma_start3A_547 = arith.constant 0 : i32
    %dma_start3A_548 = tpu.memref_slice %arg5[%dma_start3A_547, %multiple_of3A_535] : memref<16x1000000xf32, #tpu.memory_space<hbm>> -> memref<16x128xf32, #tpu.memory_space<hbm>>
    tpu.enqueue_dma source(%dma_start3A_548 : memref<16x128xf32, #tpu.memory_space<hbm>>) target(%dma_start3A_546 : memref<16x128xf32, #tpu.memory_space<vmem>>) target_semaphore(%dma_start3A_543 : memref<!tpu.dma_semaphore, #tpu.memory_space<semaphore_mem>>)
    %get3A_549 = arith.constant 16 : index
    %get3A_550 = tpu.vector_load %arg7[%get3A_549] {strides = array<i32>} : memref<528xi32, #tpu.memory_space<vmem>>, vector<16xi32>,
    %get3A_551 = arith.constant 16 : index
    %get3A_552 = tpu.vector_load %arg8[%get3A_551] {strides = array<i32>} : memref<528xi32, #tpu.memory_space<vmem>>, vector<16xi32>,
    %and3A_553 = arith.constant -128 : i32
    %and3A_554 = vector.broadcast %and3A_553 : i32 to vector<16xi32>
    %and3A_555 = arith.andi %get3A_550, %and3A_554 : vector<16xi32>
    %and3A_556 = arith.constant -128 : i32
    %and3A_557 = vector.broadcast %and3A_556 : i32 to vector<16xi32>
    %and3A_558 = arith.andi %get3A_552, %and3A_557 : vector<16xi32>
    %slice3A_559 = vector.extract_strided_slice %and3A_555 {offsets = [0], sizes = [1], strides = [1]} : vector<16xi32> to vector<1xi32>
    %squeeze3A_560 = vector.extract %slice3A_559[0] : i32 from vector<1xi32>
    %multiple_of3A_561 = tpu.assume_multiple %squeeze3A_560, 128 : i32
    %dma_start3A_562 = arith.constant 4 : i32
    %dma_start3A_563 = arith.constant 0 : i32
    %dma_start3A_564 = arith.constant 2048 : i32
    %dma_start3A_565 = tpu.memref_slice %arg9[%dma_start3A_563, %dma_start3A_564] : memref<16x3584xf32, #tpu.memory_space<vmem>> -> memref<16x128xf32, #tpu.memory_space<vmem>>
    %dma_start3A_566 = arith.constant 0 : i32
    %dma_start3A_567 = tpu.memref_slice %arg4[%dma_start3A_566, %multiple_of3A_561] : memref<16x1000000xf32, #tpu.memory_space<hbm>> -> memref<16x128xf32, #tpu.memory_space<hbm>>
    %dma_start3A_568 = tpu.memref_slice %arg12[%dma_start3A_562] : memref<7x!tpu.dma_semaphore, #tpu.memory_space<semaphore_mem>> -> memref<1x!tpu.dma_semaphore, #tpu.memory_space<semaphore_mem>>
    %dma_start3A_569 = tpu.memref_squeeze %dma_start3A_568 : memref<1x!tpu.dma_semaphore, #tpu.memory_space<semaphore_mem>> -> memref<!tpu.dma_semaphore, #tpu.memory_space<semaphore_mem>>
    %dma_start3A_570 = arith.constant 0 : i32
    %dma_start3A_571 = arith.constant 2048 : i32
    %dma_start3A_572 = tpu.memref_slice %arg9[%dma_start3A_570, %dma_start3A_571] : memref<16x3584xf32, #tpu.memory_space<vmem>> -> memref<16x128xf32, #tpu.memory_space<vmem>>
    %dma_start3A_573 = arith.constant 0 : i32
    %dma_start3A_574 = tpu.memref_slice %arg4[%dma_start3A_573, %multiple_of3A_561] : memref<16x1000000xf32, #tpu.memory_space<hbm>> -> memref<16x128xf32, #tpu.memory_space<hbm>>
    tpu.enqueue_dma source(%dma_start3A_574 : memref<16x128xf32, #tpu.memory_space<hbm>>) target(%dma_start3A_572 : memref<16x128xf32, #tpu.memory_space<vmem>>) target_semaphore(%dma_start3A_569 : memref<!tpu.dma_semaphore, #tpu.memory_space<semaphore_mem>>)
    %slice3A_575 = vector.extract_strided_slice %and3A_558 {offsets = [0], sizes = [1], strides = [1]} : vector<16xi32> to vector<1xi32>
    %squeeze3A_576 = vector.extract %slice3A_575[0] : i32 from vector<1xi32>
    %multiple_of3A_577 = tpu.assume_multiple %squeeze3A_576, 128 : i32
    %dma_start3A_578 = arith.constant 4 : i32
    %dma_start3A_579 = arith.constant 0 : i32
    %dma_start3A_580 = arith.constant 2048 : i32
    %dma_start3A_581 = tpu.memref_slice %arg10[%dma_start3A_579, %dma_start3A_580] : memref<16x3584xf32, #tpu.memory_space<vmem>> -> memref<16x128xf32, #tpu.memory_space<vmem>>
    %dma_start3A_582 = arith.constant 0 : i32
    %dma_start3A_583 = tpu.memref_slice %arg5[%dma_start3A_582, %multiple_of3A_577] : memref<16x1000000xf32, #tpu.memory_space<hbm>> -> memref<16x128xf32, #tpu.memory_space<hbm>>
    %dma_start3A_584 = tpu.memref_slice %arg12[%dma_start3A_578] : memref<7x!tpu.dma_semaphore, #tpu.memory_space<semaphore_mem>> -> memref<1x!tpu.dma_semaphore, #tpu.memory_space<semaphore_mem>>
    %dma_start3A_585 = tpu.memref_squeeze %dma_start3A_584 : memref<1x!tpu.dma_semaphore, #tpu.memory_space<semaphore_mem>> -> memref<!tpu.dma_semaphore, #tpu.memory_space<semaphore_mem>>
    %dma_start3A_586 = arith.constant 0 : i32
    %dma_start3A_587 = arith.constant 2048 : i32
    %dma_start3A_588 = tpu.memref_slice %arg10[%dma_start3A_586, %dma_start3A_587] : memref<16x3584xf32, #tpu.memory_space<vmem>> -> memref<16x128xf32, #tpu.memory_space<vmem>>
    %dma_start3A_589 = arith.constant 0 : i32
    %dma_start3A_590 = tpu.memref_slice %arg5[%dma_start3A_589, %multiple_of3A_577] : memref<16x1000000xf32, #tpu.memory_space<hbm>> -> memref<16x128xf32, #tpu.memory_space<hbm>>
    tpu.enqueue_dma source(%dma_start3A_590 : memref<16x128xf32, #tpu.memory_space<hbm>>) target(%dma_start3A_588 : memref<16x128xf32, #tpu.memory_space<vmem>>) target_semaphore(%dma_start3A_585 : memref<!tpu.dma_semaphore, #tpu.memory_space<semaphore_mem>>)
    %slice3A_591 = vector.extract_strided_slice %and3A_555 {offsets = [1], sizes = [1], strides = [1]} : vector<16xi32> to vector<1xi32>
    %squeeze3A_592 = vector.extract %slice3A_591[0] : i32 from vector<1xi32>
    %multiple_of3A_593 = tpu.assume_multiple %squeeze3A_592, 128 : i32
    %dma_start3A_594 = arith.constant 4 : i32
    %dma_start3A_595 = arith.constant 0 : i32
    %dma_start3A_596 = arith.constant 2176 : i32
    %dma_start3A_597 = tpu.memref_slice %arg9[%dma_start3A_595, %dma_start3A_596] : memref<16x3584xf32, #tpu.memory_space<vmem>> -> memref<16x128xf32, #tpu.memory_space<vmem>>
    %dma_start3A_598 = arith.constant 0 : i32
    %dma_start3A_599 = tpu.memref_slice %arg4[%dma_start3A_598, %multiple_of3A_593] : memref<16x1000000xf32, #tpu.memory_space<hbm>> -> memref<16x128xf32, #tpu.memory_space<hbm>>
    %dma_start3A_600 = tpu.memref_slice %arg12[%dma_start3A_594] : memref<7x!tpu.dma_semaphore, #tpu.memory_space<semaphore_mem>> -> memref<1x!tpu.dma_semaphore, #tpu.memory_space<semaphore_mem>>
    %dma_start3A_601 = tpu.memref_squeeze %dma_start3A_600 : memref<1x!tpu.dma_semaphore, #tpu.memory_space<semaphore_mem>> -> memref<!tpu.dma_semaphore, #tpu.memory_space<semaphore_mem>>
    %dma_start3A_602 = arith.constant 0 : i32
    %dma_start3A_603 = arith.constant 2176 : i32
    %dma_start3A_604 = tpu.memref_slice %arg9[%dma_start3A_602, %dma_start3A_603] : memref<16x3584xf32, #tpu.memory_space<vmem>> -> memref<16x128xf32, #tpu.memory_space<vmem>>
    %dma_start3A_605 = arith.constant 0 : i32
    %dma_start3A_606 = tpu.memref_slice %arg4[%dma_start3A_605, %multiple_of3A_593] : memref<16x1000000xf32, #tpu.memory_space<hbm>> -> memref<16x128xf32, #tpu.memory_space<hbm>>
    tpu.enqueue_dma source(%dma_start3A_606 : memref<16x128xf32, #tpu.memory_space<hbm>>) target(%dma_start3A_604 : memref<16x128xf32, #tpu.memory_space<vmem>>) target_semaphore(%dma_start3A_601 : memref<!tpu.dma_semaphore, #tpu.memory_space<semaphore_mem>>)
    %slice3A_607 = vector.extract_strided_slice %and3A_558 {offsets = [1], sizes = [1], strides = [1]} : vector<16xi32> to vector<1xi32>
    %squeeze3A_608 = vector.extract %slice3A_607[0] : i32 from vector<1xi32>
    %multiple_of3A_609 = tpu.assume_multiple %squeeze3A_608, 128 : i32
    %dma_start3A_610 = arith.constant 4 : i32
    %dma_start3A_611 = arith.constant 0 : i32
    %dma_start3A_612 = arith.constant 2176 : i32
    %dma_start3A_613 = tpu.memref_slice %arg10[%dma_start3A_611, %dma_start3A_612] : memref<16x3584xf32, #tpu.memory_space<vmem>> -> memref<16x128xf32, #tpu.memory_space<vmem>>
    %dma_start3A_614 = arith.constant 0 : i32
    %dma_start3A_615 = tpu.memref_slice %arg5[%dma_start3A_614, %multiple_of3A_609] : memref<16x1000000xf32, #tpu.memory_space<hbm>> -> memref<16x128xf32, #tpu.memory_space<hbm>>
    %dma_start3A_616 = tpu.memref_slice %arg12[%dma_start3A_610] : memref<7x!tpu.dma_semaphore, #tpu.memory_space<semaphore_mem>> -> memref<1x!tpu.dma_semaphore, #tpu.memory_space<semaphore_mem>>
    %dma_start3A_617 = tpu.memref_squeeze %dma_start3A_616 : memref<1x!tpu.dma_semaphore, #tpu.memory_space<semaphore_mem>> -> memref<!tpu.dma_semaphore, #tpu.memory_space<semaphore_mem>>
    %dma_start3A_618 = arith.constant 0 : i32
    %dma_start3A_619 = arith.constant 2176 : i32
    %dma_start3A_620 = tpu.memref_slice %arg10[%dma_start3A_618, %dma_start3A_619] : memref<16x3584xf32, #tpu.memory_space<vmem>> -> memref<16x128xf32, #tpu.memory_space<vmem>>
    %dma_start3A_621 = arith.constant 0 : i32
    %dma_start3A_622 = tpu.memref_slice %arg5[%dma_start3A_621, %multiple_of3A_609] : memref<16x1000000xf32, #tpu.memory_space<hbm>> -> memref<16x128xf32, #tpu.memory_space<hbm>>
    tpu.enqueue_dma source(%dma_start3A_622 : memref<16x128xf32, #tpu.memory_space<hbm>>) target(%dma_start3A_620 : memref<16x128xf32, #tpu.memory_space<vmem>>) target_semaphore(%dma_start3A_617 : memref<!tpu.dma_semaphore, #tpu.memory_space<semaphore_mem>>)
    %slice3A_623 = vector.extract_strided_slice %and3A_555 {offsets = [2], sizes = [1], strides = [1]} : vector<16xi32> to vector<1xi32>
    %squeeze3A_624 = vector.extract %slice3A_623[0] : i32 from vector<1xi32>
    %multiple_of3A_625 = tpu.assume_multiple %squeeze3A_624, 128 : i32
    %dma_start3A_626 = arith.constant 4 : i32
    %dma_start3A_627 = arith.constant 0 : i32
    %dma_start3A_628 = arith.constant 2304 : i32
    %dma_start3A_629 = tpu.memref_slice %arg9[%dma_start3A_627, %dma_start3A_628] : memref<16x3584xf32, #tpu.memory_space<vmem>> -> memref<16x128xf32, #tpu.memory_space<vmem>>
    %dma_start3A_630 = arith.constant 0 : i32
    %dma_start3A_631 = tpu.memref_slice %arg4[%dma_start3A_630, %multiple_of3A_625] : memref<16x1000000xf32, #tpu.memory_space<hbm>> -> memref<16x128xf32, #tpu.memory_space<hbm>>
    %dma_start3A_632 = tpu.memref_slice %arg12[%dma_start3A_626] : memref<7x!tpu.dma_semaphore, #tpu.memory_space<semaphore_mem>> -> memref<1x!tpu.dma_semaphore, #tpu.memory_space<semaphore_mem>>
    %dma_start3A_633 = tpu.memref_squeeze %dma_start3A_632 : memref<1x!tpu.dma_semaphore, #tpu.memory_space<semaphore_mem>> -> memref<!tpu.dma_semaphore, #tpu.memory_space<semaphore_mem>>
    %dma_start3A_634 = arith.constant 0 : i32
    %dma_start3A_635 = arith.constant 2304 : i32
    %dma_start3A_636 = tpu.memref_slice %arg9[%dma_start3A_634, %dma_start3A_635] : memref<16x3584xf32, #tpu.memory_space<vmem>> -> memref<16x128xf32, #tpu.memory_space<vmem>>
    %dma_start3A_637 = arith.constant 0 : i32
    %dma_start3A_638 = tpu.memref_slice %arg4[%dma_start3A_637, %multiple_of3A_625] : memref<16x1000000xf32, #tpu.memory_space<hbm>> -> memref<16x128xf32, #tpu.memory_space<hbm>>
    tpu.enqueue_dma source(%dma_start3A_638 : memref<16x128xf32, #tpu.memory_space<hbm>>) target(%dma_start3A_636 : memref<16x128xf32, #tpu.memory_space<vmem>>) target_semaphore(%dma_start3A_633 : memref<!tpu.dma_semaphore, #tpu.memory_space<semaphore_mem>>)
    %slice3A_639 = vector.extract_strided_slice %and3A_558 {offsets = [2], sizes = [1], strides = [1]} : vector<16xi32> to vector<1xi32>
    %squeeze3A_640 = vector.extract %slice3A_639[0] : i32 from vector<1xi32>
    %multiple_of3A_641 = tpu.assume_multiple %squeeze3A_640, 128 : i32
    %dma_start3A_642 = arith.constant 4 : i32
    %dma_start3A_643 = arith.constant 0 : i32
    %dma_start3A_644 = arith.constant 2304 : i32
    %dma_start3A_645 = tpu.memref_slice %arg10[%dma_start3A_643, %dma_start3A_644] : memref<16x3584xf32, #tpu.memory_space<vmem>> -> memref<16x128xf32, #tpu.memory_space<vmem>>
    %dma_start3A_646 = arith.constant 0 : i32
    %dma_start3A_647 = tpu.memref_slice %arg5[%dma_start3A_646, %multiple_of3A_641] : memref<16x1000000xf32, #tpu.memory_space<hbm>> -> memref<16x128xf32, #tpu.memory_space<hbm>>
    %dma_start3A_648 = tpu.memref_slice %arg12[%dma_start3A_642] : memref<7x!tpu.dma_semaphore, #tpu.memory_space<semaphore_mem>> -> memref<1x!tpu.dma_semaphore, #tpu.memory_space<semaphore_mem>>
    %dma_start3A_649 = tpu.memref_squeeze %dma_start3A_648 : memref<1x!tpu.dma_semaphore, #tpu.memory_space<semaphore_mem>> -> memref<!tpu.dma_semaphore, #tpu.memory_space<semaphore_mem>>
    %dma_start3A_650 = arith.constant 0 : i32
    %dma_start3A_651 = arith.constant 2304 : i32
    %dma_start3A_652 = tpu.memref_slice %arg10[%dma_start3A_650, %dma_start3A_651] : memref<16x3584xf32, #tpu.memory_space<vmem>> -> memref<16x128xf32, #tpu.memory_space<vmem>>
    %dma_start3A_653 = arith.constant 0 : i32
    %dma_start3A_654 = tpu.memref_slice %arg5[%dma_start3A_653, %multiple_of3A_641] : memref<16x1000000xf32, #tpu.memory_space<hbm>> -> memref<16x128xf32, #tpu.memory_space<hbm>>
    tpu.enqueue_dma source(%dma_start3A_654 : memref<16x128xf32, #tpu.memory_space<hbm>>) target(%dma_start3A_652 : memref<16x128xf32, #tpu.memory_space<vmem>>) target_semaphore(%dma_start3A_649 : memref<!tpu.dma_semaphore, #tpu.memory_space<semaphore_mem>>)
    %slice3A_655 = vector.extract_strided_slice %and3A_555 {offsets = [3], sizes = [1], strides = [1]} : vector<16xi32> to vector<1xi32>
    %squeeze3A_656 = vector.extract %slice3A_655[0] : i32 from vector<1xi32>
    %multiple_of3A_657 = tpu.assume_multiple %squeeze3A_656, 128 : i32
    %dma_start3A_658 = arith.constant 4 : i32
    %dma_start3A_659 = arith.constant 0 : i32
    %dma_start3A_660 = arith.constant 2432 : i32
    %dma_start3A_661 = tpu.memref_slice %arg9[%dma_start3A_659, %dma_start3A_660] : memref<16x3584xf32, #tpu.memory_space<vmem>> -> memref<16x128xf32, #tpu.memory_space<vmem>>
    %dma_start3A_662 = arith.constant 0 : i32
    %dma_start3A_663 = tpu.memref_slice %arg4[%dma_start3A_662, %multiple_of3A_657] : memref<16x1000000xf32, #tpu.memory_space<hbm>> -> memref<16x128xf32, #tpu.memory_space<hbm>>
    %dma_start3A_664 = tpu.memref_slice %arg12[%dma_start3A_658] : memref<7x!tpu.dma_semaphore, #tpu.memory_space<semaphore_mem>> -> memref<1x!tpu.dma_semaphore, #tpu.memory_space<semaphore_mem>>
    %dma_start3A_665 = tpu.memref_squeeze %dma_start3A_664 : memref<1x!tpu.dma_semaphore, #tpu.memory_space<semaphore_mem>> -> memref<!tpu.dma_semaphore, #tpu.memory_space<semaphore_mem>>
    %dma_start3A_666 = arith.constant 0 : i32
    %dma_start3A_667 = arith.constant 2432 : i32
    %dma_start3A_668 = tpu.memref_slice %arg9[%dma_start3A_666, %dma_start3A_667] : memref<16x3584xf32, #tpu.memory_space<vmem>> -> memref<16x128xf32, #tpu.memory_space<vmem>>
    %dma_start3A_669 = arith.constant 0 : i32
    %dma_start3A_670 = tpu.memref_slice %arg4[%dma_start3A_669, %multiple_of3A_657] : memref<16x1000000xf32, #tpu.memory_space<hbm>> -> memref<16x128xf32, #tpu.memory_space<hbm>>
    tpu.enqueue_dma source(%dma_start3A_670 : memref<16x128xf32, #tpu.memory_space<hbm>>) target(%dma_start3A_668 : memref<16x128xf32, #tpu.memory_space<vmem>>) target_semaphore(%dma_start3A_665 : memref<!tpu.dma_semaphore, #tpu.memory_space<semaphore_mem>>)
    %slice3A_671 = vector.extract_strided_slice %and3A_558 {offsets = [3], sizes = [1], strides = [1]} : vector<16xi32> to vector<1xi32>
    %squeeze3A_672 = vector.extract %slice3A_671[0] : i32 from vector<1xi32>
    %multiple_of3A_673 = tpu.assume_multiple %squeeze3A_672, 128 : i32
    %dma_start3A_674 = arith.constant 4 : i32
    %dma_start3A_675 = arith.constant 0 : i32
    %dma_start3A_676 = arith.constant 2432 : i32
    %dma_start3A_677 = tpu.memref_slice %arg10[%dma_start3A_675, %dma_start3A_676] : memref<16x3584xf32, #tpu.memory_space<vmem>> -> memref<16x128xf32, #tpu.memory_space<vmem>>
    %dma_start3A_678 = arith.constant 0 : i32
    %dma_start3A_679 = tpu.memref_slice %arg5[%dma_start3A_678, %multiple_of3A_673] : memref<16x1000000xf32, #tpu.memory_space<hbm>> -> memref<16x128xf32, #tpu.memory_space<hbm>>
    %dma_start3A_680 = tpu.memref_slice %arg12[%dma_start3A_674] : memref<7x!tpu.dma_semaphore, #tpu.memory_space<semaphore_mem>> -> memref<1x!tpu.dma_semaphore, #tpu.memory_space<semaphore_mem>>
    %dma_start3A_681 = tpu.memref_squeeze %dma_start3A_680 : memref<1x!tpu.dma_semaphore, #tpu.memory_space<semaphore_mem>> -> memref<!tpu.dma_semaphore, #tpu.memory_space<semaphore_mem>>
    %dma_start3A_682 = arith.constant 0 : i32
    %dma_start3A_683 = arith.constant 2432 : i32
    %dma_start3A_684 = tpu.memref_slice %arg10[%dma_start3A_682, %dma_start3A_683] : memref<16x3584xf32, #tpu.memory_space<vmem>> -> memref<16x128xf32, #tpu.memory_space<vmem>>
    %dma_start3A_685 = arith.constant 0 : i32
    %dma_start3A_686 = tpu.memref_slice %arg5[%dma_start3A_685, %multiple_of3A_673] : memref<16x1000000xf32, #tpu.memory_space<hbm>> -> memref<16x128xf32, #tpu.memory_space<hbm>>
    tpu.enqueue_dma source(%dma_start3A_686 : memref<16x128xf32, #tpu.memory_space<hbm>>) target(%dma_start3A_684 : memref<16x128xf32, #tpu.memory_space<vmem>>) target_semaphore(%dma_start3A_681 : memref<!tpu.dma_semaphore, #tpu.memory_space<semaphore_mem>>)
    %get3A_687 = arith.constant 20 : index
    %get3A_688 = tpu.vector_load %arg7[%get3A_687] {strides = array<i32>} : memref<528xi32, #tpu.memory_space<vmem>>, vector<16xi32>,
    %get3A_689 = arith.constant 20 : index
    %get3A_690 = tpu.vector_load %arg8[%get3A_689] {strides = array<i32>} : memref<528xi32, #tpu.memory_space<vmem>>, vector<16xi32>,
    %and3A_691 = arith.constant -128 : i32
    %and3A_692 = vector.broadcast %and3A_691 : i32 to vector<16xi32>
    %and3A_693 = arith.andi %get3A_688, %and3A_692 : vector<16xi32>
    %and3A_694 = arith.constant -128 : i32
    %and3A_695 = vector.broadcast %and3A_694 : i32 to vector<16xi32>
    %and3A_696 = arith.andi %get3A_690, %and3A_695 : vector<16xi32>
    %slice3A_697 = vector.extract_strided_slice %and3A_693 {offsets = [0], sizes = [1], strides = [1]} : vector<16xi32> to vector<1xi32>
    %squeeze3A_698 = vector.extract %slice3A_697[0] : i32 from vector<1xi32>
    %multiple_of3A_699 = tpu.assume_multiple %squeeze3A_698, 128 : i32
    %dma_start3A_700 = arith.constant 5 : i32
    %dma_start3A_701 = arith.constant 0 : i32
    %dma_start3A_702 = arith.constant 2560 : i32
    %dma_start3A_703 = tpu.memref_slice %arg9[%dma_start3A_701, %dma_start3A_702] : memref<16x3584xf32, #tpu.memory_space<vmem>> -> memref<16x128xf32, #tpu.memory_space<vmem>>
    %dma_start3A_704 = arith.constant 0 : i32
    %dma_start3A_705 = tpu.memref_slice %arg4[%dma_start3A_704, %multiple_of3A_699] : memref<16x1000000xf32, #tpu.memory_space<hbm>> -> memref<16x128xf32, #tpu.memory_space<hbm>>
    %dma_start3A_706 = tpu.memref_slice %arg12[%dma_start3A_700] : memref<7x!tpu.dma_semaphore, #tpu.memory_space<semaphore_mem>> -> memref<1x!tpu.dma_semaphore, #tpu.memory_space<semaphore_mem>>
    %dma_start3A_707 = tpu.memref_squeeze %dma_start3A_706 : memref<1x!tpu.dma_semaphore, #tpu.memory_space<semaphore_mem>> -> memref<!tpu.dma_semaphore, #tpu.memory_space<semaphore_mem>>
    %dma_start3A_708 = arith.constant 0 : i32
    %dma_start3A_709 = arith.constant 2560 : i32
    %dma_start3A_710 = tpu.memref_slice %arg9[%dma_start3A_708, %dma_start3A_709] : memref<16x3584xf32, #tpu.memory_space<vmem>> -> memref<16x128xf32, #tpu.memory_space<vmem>>
    %dma_start3A_711 = arith.constant 0 : i32
    %dma_start3A_712 = tpu.memref_slice %arg4[%dma_start3A_711, %multiple_of3A_699] : memref<16x1000000xf32, #tpu.memory_space<hbm>> -> memref<16x128xf32, #tpu.memory_space<hbm>>
    tpu.enqueue_dma source(%dma_start3A_712 : memref<16x128xf32, #tpu.memory_space<hbm>>) target(%dma_start3A_710 : memref<16x128xf32, #tpu.memory_space<vmem>>) target_semaphore(%dma_start3A_707 : memref<!tpu.dma_semaphore, #tpu.memory_space<semaphore_mem>>)
    %slice3A_713 = vector.extract_strided_slice %and3A_696 {offsets = [0], sizes = [1], strides = [1]} : vector<16xi32> to vector<1xi32>
    %squeeze3A_714 = vector.extract %slice3A_713[0] : i32 from vector<1xi32>
    %multiple_of3A_715 = tpu.assume_multiple %squeeze3A_714, 128 : i32
    %dma_start3A_716 = arith.constant 5 : i32
    %dma_start3A_717 = arith.constant 0 : i32
    %dma_start3A_718 = arith.constant 2560 : i32
    %dma_start3A_719 = tpu.memref_slice %arg10[%dma_start3A_717, %dma_start3A_718] : memref<16x3584xf32, #tpu.memory_space<vmem>> -> memref<16x128xf32, #tpu.memory_space<vmem>>
    %dma_start3A_720 = arith.constant 0 : i32
    %dma_start3A_721 = tpu.memref_slice %arg5[%dma_start3A_720, %multiple_of3A_715] : memref<16x1000000xf32, #tpu.memory_space<hbm>> -> memref<16x128xf32, #tpu.memory_space<hbm>>
    %dma_start3A_722 = tpu.memref_slice %arg12[%dma_start3A_716] : memref<7x!tpu.dma_semaphore, #tpu.memory_space<semaphore_mem>> -> memref<1x!tpu.dma_semaphore, #tpu.memory_space<semaphore_mem>>
    %dma_start3A_723 = tpu.memref_squeeze %dma_start3A_722 : memref<1x!tpu.dma_semaphore, #tpu.memory_space<semaphore_mem>> -> memref<!tpu.dma_semaphore, #tpu.memory_space<semaphore_mem>>
    %dma_start3A_724 = arith.constant 0 : i32
    %dma_start3A_725 = arith.constant 2560 : i32
    %dma_start3A_726 = tpu.memref_slice %arg10[%dma_start3A_724, %dma_start3A_725] : memref<16x3584xf32, #tpu.memory_space<vmem>> -> memref<16x128xf32, #tpu.memory_space<vmem>>
    %dma_start3A_727 = arith.constant 0 : i32
    %dma_start3A_728 = tpu.memref_slice %arg5[%dma_start3A_727, %multiple_of3A_715] : memref<16x1000000xf32, #tpu.memory_space<hbm>> -> memref<16x128xf32, #tpu.memory_space<hbm>>
    tpu.enqueue_dma source(%dma_start3A_728 : memref<16x128xf32, #tpu.memory_space<hbm>>) target(%dma_start3A_726 : memref<16x128xf32, #tpu.memory_space<vmem>>) target_semaphore(%dma_start3A_723 : memref<!tpu.dma_semaphore, #tpu.memory_space<semaphore_mem>>)
    %slice3A_729 = vector.extract_strided_slice %and3A_693 {offsets = [1], sizes = [1], strides = [1]} : vector<16xi32> to vector<1xi32>
    %squeeze3A_730 = vector.extract %slice3A_729[0] : i32 from vector<1xi32>
    %multiple_of3A_731 = tpu.assume_multiple %squeeze3A_730, 128 : i32
    %dma_start3A_732 = arith.constant 5 : i32
    %dma_start3A_733 = arith.constant 0 : i32
    %dma_start3A_734 = arith.constant 2688 : i32
    %dma_start3A_735 = tpu.memref_slice %arg9[%dma_start3A_733, %dma_start3A_734] : memref<16x3584xf32, #tpu.memory_space<vmem>> -> memref<16x128xf32, #tpu.memory_space<vmem>>
    %dma_start3A_736 = arith.constant 0 : i32
    %dma_start3A_737 = tpu.memref_slice %arg4[%dma_start3A_736, %multiple_of3A_731] : memref<16x1000000xf32, #tpu.memory_space<hbm>> -> memref<16x128xf32, #tpu.memory_space<hbm>>
    %dma_start3A_738 = tpu.memref_slice %arg12[%dma_start3A_732] : memref<7x!tpu.dma_semaphore, #tpu.memory_space<semaphore_mem>> -> memref<1x!tpu.dma_semaphore, #tpu.memory_space<semaphore_mem>>
    %dma_start3A_739 = tpu.memref_squeeze %dma_start3A_738 : memref<1x!tpu.dma_semaphore, #tpu.memory_space<semaphore_mem>> -> memref<!tpu.dma_semaphore, #tpu.memory_space<semaphore_mem>>
    %dma_start3A_740 = arith.constant 0 : i32
    %dma_start3A_741 = arith.constant 2688 : i32
    %dma_start3A_742 = tpu.memref_slice %arg9[%dma_start3A_740, %dma_start3A_741] : memref<16x3584xf32, #tpu.memory_space<vmem>> -> memref<16x128xf32, #tpu.memory_space<vmem>>
    %dma_start3A_743 = arith.constant 0 : i32
    %dma_start3A_744 = tpu.memref_slice %arg4[%dma_start3A_743, %multiple_of3A_731] : memref<16x1000000xf32, #tpu.memory_space<hbm>> -> memref<16x128xf32, #tpu.memory_space<hbm>>
    tpu.enqueue_dma source(%dma_start3A_744 : memref<16x128xf32, #tpu.memory_space<hbm>>) target(%dma_start3A_742 : memref<16x128xf32, #tpu.memory_space<vmem>>) target_semaphore(%dma_start3A_739 : memref<!tpu.dma_semaphore, #tpu.memory_space<semaphore_mem>>)
    %slice3A_745 = vector.extract_strided_slice %and3A_696 {offsets = [1], sizes = [1], strides = [1]} : vector<16xi32> to vector<1xi32>
    %squeeze3A_746 = vector.extract %slice3A_745[0] : i32 from vector<1xi32>
    %multiple_of3A_747 = tpu.assume_multiple %squeeze3A_746, 128 : i32
    %dma_start3A_748 = arith.constant 5 : i32
    %dma_start3A_749 = arith.constant 0 : i32
    %dma_start3A_750 = arith.constant 2688 : i32
    %dma_start3A_751 = tpu.memref_slice %arg10[%dma_start3A_749, %dma_start3A_750] : memref<16x3584xf32, #tpu.memory_space<vmem>> -> memref<16x128xf32, #tpu.memory_space<vmem>>
    %dma_start3A_752 = arith.constant 0 : i32
    %dma_start3A_753 = tpu.memref_slice %arg5[%dma_start3A_752, %multiple_of3A_747] : memref<16x1000000xf32, #tpu.memory_space<hbm>> -> memref<16x128xf32, #tpu.memory_space<hbm>>
    %dma_start3A_754 = tpu.memref_slice %arg12[%dma_start3A_748] : memref<7x!tpu.dma_semaphore, #tpu.memory_space<semaphore_mem>> -> memref<1x!tpu.dma_semaphore, #tpu.memory_space<semaphore_mem>>
    %dma_start3A_755 = tpu.memref_squeeze %dma_start3A_754 : memref<1x!tpu.dma_semaphore, #tpu.memory_space<semaphore_mem>> -> memref<!tpu.dma_semaphore, #tpu.memory_space<semaphore_mem>>
    %dma_start3A_756 = arith.constant 0 : i32
    %dma_start3A_757 = arith.constant 2688 : i32
    %dma_start3A_758 = tpu.memref_slice %arg10[%dma_start3A_756, %dma_start3A_757] : memref<16x3584xf32, #tpu.memory_space<vmem>> -> memref<16x128xf32, #tpu.memory_space<vmem>>
    %dma_start3A_759 = arith.constant 0 : i32
    %dma_start3A_760 = tpu.memref_slice %arg5[%dma_start3A_759, %multiple_of3A_747] : memref<16x1000000xf32, #tpu.memory_space<hbm>> -> memref<16x128xf32, #tpu.memory_space<hbm>>
    tpu.enqueue_dma source(%dma_start3A_760 : memref<16x128xf32, #tpu.memory_space<hbm>>) target(%dma_start3A_758 : memref<16x128xf32, #tpu.memory_space<vmem>>) target_semaphore(%dma_start3A_755 : memref<!tpu.dma_semaphore, #tpu.memory_space<semaphore_mem>>)
    %slice3A_761 = vector.extract_strided_slice %and3A_693 {offsets = [2], sizes = [1], strides = [1]} : vector<16xi32> to vector<1xi32>
    %squeeze3A_762 = vector.extract %slice3A_761[0] : i32 from vector<1xi32>
    %multiple_of3A_763 = tpu.assume_multiple %squeeze3A_762, 128 : i32
    %dma_start3A_764 = arith.constant 5 : i32
    %dma_start3A_765 = arith.constant 0 : i32
    %dma_start3A_766 = arith.constant 2816 : i32
    %dma_start3A_767 = tpu.memref_slice %arg9[%dma_start3A_765, %dma_start3A_766] : memref<16x3584xf32, #tpu.memory_space<vmem>> -> memref<16x128xf32, #tpu.memory_space<vmem>>
    %dma_start3A_768 = arith.constant 0 : i32
    %dma_start3A_769 = tpu.memref_slice %arg4[%dma_start3A_768, %multiple_of3A_763] : memref<16x1000000xf32, #tpu.memory_space<hbm>> -> memref<16x128xf32, #tpu.memory_space<hbm>>
    %dma_start3A_770 = tpu.memref_slice %arg12[%dma_start3A_764] : memref<7x!tpu.dma_semaphore, #tpu.memory_space<semaphore_mem>> -> memref<1x!tpu.dma_semaphore, #tpu.memory_space<semaphore_mem>>
    %dma_start3A_771 = tpu.memref_squeeze %dma_start3A_770 : memref<1x!tpu.dma_semaphore, #tpu.memory_space<semaphore_mem>> -> memref<!tpu.dma_semaphore, #tpu.memory_space<semaphore_mem>>
    %dma_start3A_772 = arith.constant 0 : i32
    %dma_start3A_773 = arith.constant 2816 : i32
    %dma_start3A_774 = tpu.memref_slice %arg9[%dma_start3A_772, %dma_start3A_773] : memref<16x3584xf32, #tpu.memory_space<vmem>> -> memref<16x128xf32, #tpu.memory_space<vmem>>
    %dma_start3A_775 = arith.constant 0 : i32
    %dma_start3A_776 = tpu.memref_slice %arg4[%dma_start3A_775, %multiple_of3A_763] : memref<16x1000000xf32, #tpu.memory_space<hbm>> -> memref<16x128xf32, #tpu.memory_space<hbm>>
    tpu.enqueue_dma source(%dma_start3A_776 : memref<16x128xf32, #tpu.memory_space<hbm>>) target(%dma_start3A_774 : memref<16x128xf32, #tpu.memory_space<vmem>>) target_semaphore(%dma_start3A_771 : memref<!tpu.dma_semaphore, #tpu.memory_space<semaphore_mem>>)
    %slice3A_777 = vector.extract_strided_slice %and3A_696 {offsets = [2], sizes = [1], strides = [1]} : vector<16xi32> to vector<1xi32>
    %squeeze3A_778 = vector.extract %slice3A_777[0] : i32 from vector<1xi32>
    %multiple_of3A_779 = tpu.assume_multiple %squeeze3A_778, 128 : i32
    %dma_start3A_780 = arith.constant 5 : i32
    %dma_start3A_781 = arith.constant 0 : i32
    %dma_start3A_782 = arith.constant 2816 : i32
    %dma_start3A_783 = tpu.memref_slice %arg10[%dma_start3A_781, %dma_start3A_782] : memref<16x3584xf32, #tpu.memory_space<vmem>> -> memref<16x128xf32, #tpu.memory_space<vmem>>
    %dma_start3A_784 = arith.constant 0 : i32
    %dma_start3A_785 = tpu.memref_slice %arg5[%dma_start3A_784, %multiple_of3A_779] : memref<16x1000000xf32, #tpu.memory_space<hbm>> -> memref<16x128xf32, #tpu.memory_space<hbm>>
    %dma_start3A_786 = tpu.memref_slice %arg12[%dma_start3A_780] : memref<7x!tpu.dma_semaphore, #tpu.memory_space<semaphore_mem>> -> memref<1x!tpu.dma_semaphore, #tpu.memory_space<semaphore_mem>>
    %dma_start3A_787 = tpu.memref_squeeze %dma_start3A_786 : memref<1x!tpu.dma_semaphore, #tpu.memory_space<semaphore_mem>> -> memref<!tpu.dma_semaphore, #tpu.memory_space<semaphore_mem>>
    %dma_start3A_788 = arith.constant 0 : i32
    %dma_start3A_789 = arith.constant 2816 : i32
    %dma_start3A_790 = tpu.memref_slice %arg10[%dma_start3A_788, %dma_start3A_789] : memref<16x3584xf32, #tpu.memory_space<vmem>> -> memref<16x128xf32, #tpu.memory_space<vmem>>
    %dma_start3A_791 = arith.constant 0 : i32
    %dma_start3A_792 = tpu.memref_slice %arg5[%dma_start3A_791, %multiple_of3A_779] : memref<16x1000000xf32, #tpu.memory_space<hbm>> -> memref<16x128xf32, #tpu.memory_space<hbm>>
    tpu.enqueue_dma source(%dma_start3A_792 : memref<16x128xf32, #tpu.memory_space<hbm>>) target(%dma_start3A_790 : memref<16x128xf32, #tpu.memory_space<vmem>>) target_semaphore(%dma_start3A_787 : memref<!tpu.dma_semaphore, #tpu.memory_space<semaphore_mem>>)
    %slice3A_793 = vector.extract_strided_slice %and3A_693 {offsets = [3], sizes = [1], strides = [1]} : vector<16xi32> to vector<1xi32>
    %squeeze3A_794 = vector.extract %slice3A_793[0] : i32 from vector<1xi32>
    %multiple_of3A_795 = tpu.assume_multiple %squeeze3A_794, 128 : i32
    %dma_start3A_796 = arith.constant 5 : i32
    %dma_start3A_797 = arith.constant 0 : i32
    %dma_start3A_798 = arith.constant 2944 : i32
    %dma_start3A_799 = tpu.memref_slice %arg9[%dma_start3A_797, %dma_start3A_798] : memref<16x3584xf32, #tpu.memory_space<vmem>> -> memref<16x128xf32, #tpu.memory_space<vmem>>
    %dma_start3A_800 = arith.constant 0 : i32
    %dma_start3A_801 = tpu.memref_slice %arg4[%dma_start3A_800, %multiple_of3A_795] : memref<16x1000000xf32, #tpu.memory_space<hbm>> -> memref<16x128xf32, #tpu.memory_space<hbm>>
    %dma_start3A_802 = tpu.memref_slice %arg12[%dma_start3A_796] : memref<7x!tpu.dma_semaphore, #tpu.memory_space<semaphore_mem>> -> memref<1x!tpu.dma_semaphore, #tpu.memory_space<semaphore_mem>>
    %dma_start3A_803 = tpu.memref_squeeze %dma_start3A_802 : memref<1x!tpu.dma_semaphore, #tpu.memory_space<semaphore_mem>> -> memref<!tpu.dma_semaphore, #tpu.memory_space<semaphore_mem>>
    %dma_start3A_804 = arith.constant 0 : i32
    %dma_start3A_805 = arith.constant 2944 : i32
    %dma_start3A_806 = tpu.memref_slice %arg9[%dma_start3A_804, %dma_start3A_805] : memref<16x3584xf32, #tpu.memory_space<vmem>> -> memref<16x128xf32, #tpu.memory_space<vmem>>
    %dma_start3A_807 = arith.constant 0 : i32
    %dma_start3A_808 = tpu.memref_slice %arg4[%dma_start3A_807, %multiple_of3A_795] : memref<16x1000000xf32, #tpu.memory_space<hbm>> -> memref<16x128xf32, #tpu.memory_space<hbm>>
    tpu.enqueue_dma source(%dma_start3A_808 : memref<16x128xf32, #tpu.memory_space<hbm>>) target(%dma_start3A_806 : memref<16x128xf32, #tpu.memory_space<vmem>>) target_semaphore(%dma_start3A_803 : memref<!tpu.dma_semaphore, #tpu.memory_space<semaphore_mem>>)
    %slice3A_809 = vector.extract_strided_slice %and3A_696 {offsets = [3], sizes = [1], strides = [1]} : vector<16xi32> to vector<1xi32>
    %squeeze3A_810 = vector.extract %slice3A_809[0] : i32 from vector<1xi32>
    %multiple_of3A_811 = tpu.assume_multiple %squeeze3A_810, 128 : i32
    %dma_start3A_812 = arith.constant 5 : i32
    %dma_start3A_813 = arith.constant 0 : i32
    %dma_start3A_814 = arith.constant 2944 : i32
    %dma_start3A_815 = tpu.memref_slice %arg10[%dma_start3A_813, %dma_start3A_814] : memref<16x3584xf32, #tpu.memory_space<vmem>> -> memref<16x128xf32, #tpu.memory_space<vmem>>
    %dma_start3A_816 = arith.constant 0 : i32
    %dma_start3A_817 = tpu.memref_slice %arg5[%dma_start3A_816, %multiple_of3A_811] : memref<16x1000000xf32, #tpu.memory_space<hbm>> -> memref<16x128xf32, #tpu.memory_space<hbm>>
    %dma_start3A_818 = tpu.memref_slice %arg12[%dma_start3A_812] : memref<7x!tpu.dma_semaphore, #tpu.memory_space<semaphore_mem>> -> memref<1x!tpu.dma_semaphore, #tpu.memory_space<semaphore_mem>>
    %dma_start3A_819 = tpu.memref_squeeze %dma_start3A_818 : memref<1x!tpu.dma_semaphore, #tpu.memory_space<semaphore_mem>> -> memref<!tpu.dma_semaphore, #tpu.memory_space<semaphore_mem>>
    %dma_start3A_820 = arith.constant 0 : i32
    %dma_start3A_821 = arith.constant 2944 : i32
    %dma_start3A_822 = tpu.memref_slice %arg10[%dma_start3A_820, %dma_start3A_821] : memref<16x3584xf32, #tpu.memory_space<vmem>> -> memref<16x128xf32, #tpu.memory_space<vmem>>
    %dma_start3A_823 = arith.constant 0 : i32
    %dma_start3A_824 = tpu.memref_slice %arg5[%dma_start3A_823, %multiple_of3A_811] : memref<16x1000000xf32, #tpu.memory_space<hbm>> -> memref<16x128xf32, #tpu.memory_space<hbm>>
    tpu.enqueue_dma source(%dma_start3A_824 : memref<16x128xf32, #tpu.memory_space<hbm>>) target(%dma_start3A_822 : memref<16x128xf32, #tpu.memory_space<vmem>>) target_semaphore(%dma_start3A_819 : memref<!tpu.dma_semaphore, #tpu.memory_space<semaphore_mem>>)
    %get3A_825 = arith.constant 24 : index
    %get3A_826 = tpu.vector_load %arg7[%get3A_825] {strides = array<i32>} : memref<528xi32, #tpu.memory_space<vmem>>, vector<16xi32>,
    %get3A_827 = arith.constant 24 : index
    %get3A_828 = tpu.vector_load %arg8[%get3A_827] {strides = array<i32>} : memref<528xi32, #tpu.memory_space<vmem>>, vector<16xi32>,
    %and3A_829 = arith.constant -128 : i32
    %and3A_830 = vector.broadcast %and3A_829 : i32 to vector<16xi32>
    %and3A_831 = arith.andi %get3A_826, %and3A_830 : vector<16xi32>
    %and3A_832 = arith.constant -128 : i32
    %and3A_833 = vector.broadcast %and3A_832 : i32 to vector<16xi32>
    %and3A_834 = arith.andi %get3A_828, %and3A_833 : vector<16xi32>
    %slice3A_835 = vector.extract_strided_slice %and3A_831 {offsets = [0], sizes = [1], strides = [1]} : vector<16xi32> to vector<1xi32>
    %squeeze3A_836 = vector.extract %slice3A_835[0] : i32 from vector<1xi32>
    %multiple_of3A_837 = tpu.assume_multiple %squeeze3A_836, 128 : i32
    %dma_start3A_838 = arith.constant 6 : i32
    %dma_start3A_839 = arith.constant 0 : i32
    %dma_start3A_840 = arith.constant 3072 : i32
    %dma_start3A_841 = tpu.memref_slice %arg9[%dma_start3A_839, %dma_start3A_840] : memref<16x3584xf32, #tpu.memory_space<vmem>> -> memref<16x128xf32, #tpu.memory_space<vmem>>
    %dma_start3A_842 = arith.constant 0 : i32
    %dma_start3A_843 = tpu.memref_slice %arg4[%dma_start3A_842, %multiple_of3A_837] : memref<16x1000000xf32, #tpu.memory_space<hbm>> -> memref<16x128xf32, #tpu.memory_space<hbm>>
    %dma_start3A_844 = tpu.memref_slice %arg12[%dma_start3A_838] : memref<7x!tpu.dma_semaphore, #tpu.memory_space<semaphore_mem>> -> memref<1x!tpu.dma_semaphore, #tpu.memory_space<semaphore_mem>>
    %dma_start3A_845 = tpu.memref_squeeze %dma_start3A_844 : memref<1x!tpu.dma_semaphore, #tpu.memory_space<semaphore_mem>> -> memref<!tpu.dma_semaphore, #tpu.memory_space<semaphore_mem>>
    %dma_start3A_846 = arith.constant 0 : i32
    %dma_start3A_847 = arith.constant 3072 : i32
    %dma_start3A_848 = tpu.memref_slice %arg9[%dma_start3A_846, %dma_start3A_847] : memref<16x3584xf32, #tpu.memory_space<vmem>> -> memref<16x128xf32, #tpu.memory_space<vmem>>
    %dma_start3A_849 = arith.constant 0 : i32
    %dma_start3A_850 = tpu.memref_slice %arg4[%dma_start3A_849, %multiple_of3A_837] : memref<16x1000000xf32, #tpu.memory_space<hbm>> -> memref<16x128xf32, #tpu.memory_space<hbm>>
    tpu.enqueue_dma source(%dma_start3A_850 : memref<16x128xf32, #tpu.memory_space<hbm>>) target(%dma_start3A_848 : memref<16x128xf32, #tpu.memory_space<vmem>>) target_semaphore(%dma_start3A_845 : memref<!tpu.dma_semaphore, #tpu.memory_space<semaphore_mem>>)
    %slice3A_851 = vector.extract_strided_slice %and3A_834 {offsets = [0], sizes = [1], strides = [1]} : vector<16xi32> to vector<1xi32>
    %squeeze3A_852 = vector.extract %slice3A_851[0] : i32 from vector<1xi32>
    %multiple_of3A_853 = tpu.assume_multiple %squeeze3A_852, 128 : i32
    %dma_start3A_854 = arith.constant 6 : i32
    %dma_start3A_855 = arith.constant 0 : i32
    %dma_start3A_856 = arith.constant 3072 : i32
    %dma_start3A_857 = tpu.memref_slice %arg10[%dma_start3A_855, %dma_start3A_856] : memref<16x3584xf32, #tpu.memory_space<vmem>> -> memref<16x128xf32, #tpu.memory_space<vmem>>
    %dma_start3A_858 = arith.constant 0 : i32
    %dma_start3A_859 = tpu.memref_slice %arg5[%dma_start3A_858, %multiple_of3A_853] : memref<16x1000000xf32, #tpu.memory_space<hbm>> -> memref<16x128xf32, #tpu.memory_space<hbm>>
    %dma_start3A_860 = tpu.memref_slice %arg12[%dma_start3A_854] : memref<7x!tpu.dma_semaphore, #tpu.memory_space<semaphore_mem>> -> memref<1x!tpu.dma_semaphore, #tpu.memory_space<semaphore_mem>>
    %dma_start3A_861 = tpu.memref_squeeze %dma_start3A_860 : memref<1x!tpu.dma_semaphore, #tpu.memory_space<semaphore_mem>> -> memref<!tpu.dma_semaphore, #tpu.memory_space<semaphore_mem>>
    %dma_start3A_862 = arith.constant 0 : i32
    %dma_start3A_863 = arith.constant 3072 : i32
    %dma_start3A_864 = tpu.memref_slice %arg10[%dma_start3A_862, %dma_start3A_863] : memref<16x3584xf32, #tpu.memory_space<vmem>> -> memref<16x128xf32, #tpu.memory_space<vmem>>
    %dma_start3A_865 = arith.constant 0 : i32
    %dma_start3A_866 = tpu.memref_slice %arg5[%dma_start3A_865, %multiple_of3A_853] : memref<16x1000000xf32, #tpu.memory_space<hbm>> -> memref<16x128xf32, #tpu.memory_space<hbm>>
    tpu.enqueue_dma source(%dma_start3A_866 : memref<16x128xf32, #tpu.memory_space<hbm>>) target(%dma_start3A_864 : memref<16x128xf32, #tpu.memory_space<vmem>>) target_semaphore(%dma_start3A_861 : memref<!tpu.dma_semaphore, #tpu.memory_space<semaphore_mem>>)
    %slice3A_867 = vector.extract_strided_slice %and3A_831 {offsets = [1], sizes = [1], strides = [1]} : vector<16xi32> to vector<1xi32>
    %squeeze3A_868 = vector.extract %slice3A_867[0] : i32 from vector<1xi32>
    %multiple_of3A_869 = tpu.assume_multiple %squeeze3A_868, 128 : i32
    %dma_start3A_870 = arith.constant 6 : i32
    %dma_start3A_871 = arith.constant 0 : i32
    %dma_start3A_872 = arith.constant 3200 : i32
    %dma_start3A_873 = tpu.memref_slice %arg9[%dma_start3A_871, %dma_start3A_872] : memref<16x3584xf32, #tpu.memory_space<vmem>> -> memref<16x128xf32, #tpu.memory_space<vmem>>
    %dma_start3A_874 = arith.constant 0 : i32
    %dma_start3A_875 = tpu.memref_slice %arg4[%dma_start3A_874, %multiple_of3A_869] : memref<16x1000000xf32, #tpu.memory_space<hbm>> -> memref<16x128xf32, #tpu.memory_space<hbm>>
    %dma_start3A_876 = tpu.memref_slice %arg12[%dma_start3A_870] : memref<7x!tpu.dma_semaphore, #tpu.memory_space<semaphore_mem>> -> memref<1x!tpu.dma_semaphore, #tpu.memory_space<semaphore_mem>>
    %dma_start3A_877 = tpu.memref_squeeze %dma_start3A_876 : memref<1x!tpu.dma_semaphore, #tpu.memory_space<semaphore_mem>> -> memref<!tpu.dma_semaphore, #tpu.memory_space<semaphore_mem>>
    %dma_start3A_878 = arith.constant 0 : i32
    %dma_start3A_879 = arith.constant 3200 : i32
    %dma_start3A_880 = tpu.memref_slice %arg9[%dma_start3A_878, %dma_start3A_879] : memref<16x3584xf32, #tpu.memory_space<vmem>> -> memref<16x128xf32, #tpu.memory_space<vmem>>
    %dma_start3A_881 = arith.constant 0 : i32
    %dma_start3A_882 = tpu.memref_slice %arg4[%dma_start3A_881, %multiple_of3A_869] : memref<16x1000000xf32, #tpu.memory_space<hbm>> -> memref<16x128xf32, #tpu.memory_space<hbm>>
    tpu.enqueue_dma source(%dma_start3A_882 : memref<16x128xf32, #tpu.memory_space<hbm>>) target(%dma_start3A_880 : memref<16x128xf32, #tpu.memory_space<vmem>>) target_semaphore(%dma_start3A_877 : memref<!tpu.dma_semaphore, #tpu.memory_space<semaphore_mem>>)
    %slice3A_883 = vector.extract_strided_slice %and3A_834 {offsets = [1], sizes = [1], strides = [1]} : vector<16xi32> to vector<1xi32>
    %squeeze3A_884 = vector.extract %slice3A_883[0] : i32 from vector<1xi32>
    %multiple_of3A_885 = tpu.assume_multiple %squeeze3A_884, 128 : i32
    %dma_start3A_886 = arith.constant 6 : i32
    %dma_start3A_887 = arith.constant 0 : i32
    %dma_start3A_888 = arith.constant 3200 : i32
    %dma_start3A_889 = tpu.memref_slice %arg10[%dma_start3A_887, %dma_start3A_888] : memref<16x3584xf32, #tpu.memory_space<vmem>> -> memref<16x128xf32, #tpu.memory_space<vmem>>
    %dma_start3A_890 = arith.constant 0 : i32
    %dma_start3A_891 = tpu.memref_slice %arg5[%dma_start3A_890, %multiple_of3A_885] : memref<16x1000000xf32, #tpu.memory_space<hbm>> -> memref<16x128xf32, #tpu.memory_space<hbm>>
    %dma_start3A_892 = tpu.memref_slice %arg12[%dma_start3A_886] : memref<7x!tpu.dma_semaphore, #tpu.memory_space<semaphore_mem>> -> memref<1x!tpu.dma_semaphore, #tpu.memory_space<semaphore_mem>>
    %dma_start3A_893 = tpu.memref_squeeze %dma_start3A_892 : memref<1x!tpu.dma_semaphore, #tpu.memory_space<semaphore_mem>> -> memref<!tpu.dma_semaphore, #tpu.memory_space<semaphore_mem>>
    %dma_start3A_894 = arith.constant 0 : i32
    %dma_start3A_895 = arith.constant 3200 : i32
    %dma_start3A_896 = tpu.memref_slice %arg10[%dma_start3A_894, %dma_start3A_895] : memref<16x3584xf32, #tpu.memory_space<vmem>> -> memref<16x128xf32, #tpu.memory_space<vmem>>
    %dma_start3A_897 = arith.constant 0 : i32
    %dma_start3A_898 = tpu.memref_slice %arg5[%dma_start3A_897, %multiple_of3A_885] : memref<16x1000000xf32, #tpu.memory_space<hbm>> -> memref<16x128xf32, #tpu.memory_space<hbm>>
    tpu.enqueue_dma source(%dma_start3A_898 : memref<16x128xf32, #tpu.memory_space<hbm>>) target(%dma_start3A_896 : memref<16x128xf32, #tpu.memory_space<vmem>>) target_semaphore(%dma_start3A_893 : memref<!tpu.dma_semaphore, #tpu.memory_space<semaphore_mem>>)
    %slice3A_899 = vector.extract_strided_slice %and3A_831 {offsets = [2], sizes = [1], strides = [1]} : vector<16xi32> to vector<1xi32>
    %squeeze3A_900 = vector.extract %slice3A_899[0] : i32 from vector<1xi32>
    %multiple_of3A_901 = tpu.assume_multiple %squeeze3A_900, 128 : i32
    %dma_start3A_902 = arith.constant 6 : i32
    %dma_start3A_903 = arith.constant 0 : i32
    %dma_start3A_904 = arith.constant 3328 : i32
    %dma_start3A_905 = tpu.memref_slice %arg9[%dma_start3A_903, %dma_start3A_904] : memref<16x3584xf32, #tpu.memory_space<vmem>> -> memref<16x128xf32, #tpu.memory_space<vmem>>
    %dma_start3A_906 = arith.constant 0 : i32
    %dma_start3A_907 = tpu.memref_slice %arg4[%dma_start3A_906, %multiple_of3A_901] : memref<16x1000000xf32, #tpu.memory_space<hbm>> -> memref<16x128xf32, #tpu.memory_space<hbm>>
    %dma_start3A_908 = tpu.memref_slice %arg12[%dma_start3A_902] : memref<7x!tpu.dma_semaphore, #tpu.memory_space<semaphore_mem>> -> memref<1x!tpu.dma_semaphore, #tpu.memory_space<semaphore_mem>>
    %dma_start3A_909 = tpu.memref_squeeze %dma_start3A_908 : memref<1x!tpu.dma_semaphore, #tpu.memory_space<semaphore_mem>> -> memref<!tpu.dma_semaphore, #tpu.memory_space<semaphore_mem>>
    %dma_start3A_910 = arith.constant 0 : i32
    %dma_start3A_911 = arith.constant 3328 : i32
    %dma_start3A_912 = tpu.memref_slice %arg9[%dma_start3A_910, %dma_start3A_911] : memref<16x3584xf32, #tpu.memory_space<vmem>> -> memref<16x128xf32, #tpu.memory_space<vmem>>
    %dma_start3A_913 = arith.constant 0 : i32
    %dma_start3A_914 = tpu.memref_slice %arg4[%dma_start3A_913, %multiple_of3A_901] : memref<16x1000000xf32, #tpu.memory_space<hbm>> -> memref<16x128xf32, #tpu.memory_space<hbm>>
    tpu.enqueue_dma source(%dma_start3A_914 : memref<16x128xf32, #tpu.memory_space<hbm>>) target(%dma_start3A_912 : memref<16x128xf32, #tpu.memory_space<vmem>>) target_semaphore(%dma_start3A_909 : memref<!tpu.dma_semaphore, #tpu.memory_space<semaphore_mem>>)
    %slice3A_915 = vector.extract_strided_slice %and3A_834 {offsets = [2], sizes = [1], strides = [1]} : vector<16xi32> to vector<1xi32>
    %squeeze3A_916 = vector.extract %slice3A_915[0] : i32 from vector<1xi32>
    %multiple_of3A_917 = tpu.assume_multiple %squeeze3A_916, 128 : i32
    %dma_start3A_918 = arith.constant 6 : i32
    %dma_start3A_919 = arith.constant 0 : i32
    %dma_start3A_920 = arith.constant 3328 : i32
    %dma_start3A_921 = tpu.memref_slice %arg10[%dma_start3A_919, %dma_start3A_920] : memref<16x3584xf32, #tpu.memory_space<vmem>> -> memref<16x128xf32, #tpu.memory_space<vmem>>
    %dma_start3A_922 = arith.constant 0 : i32
    %dma_start3A_923 = tpu.memref_slice %arg5[%dma_start3A_922, %multiple_of3A_917] : memref<16x1000000xf32, #tpu.memory_space<hbm>> -> memref<16x128xf32, #tpu.memory_space<hbm>>
    %dma_start3A_924 = tpu.memref_slice %arg12[%dma_start3A_918] : memref<7x!tpu.dma_semaphore, #tpu.memory_space<semaphore_mem>> -> memref<1x!tpu.dma_semaphore, #tpu.memory_space<semaphore_mem>>
    %dma_start3A_925 = tpu.memref_squeeze %dma_start3A_924 : memref<1x!tpu.dma_semaphore, #tpu.memory_space<semaphore_mem>> -> memref<!tpu.dma_semaphore, #tpu.memory_space<semaphore_mem>>
    %dma_start3A_926 = arith.constant 0 : i32
    %dma_start3A_927 = arith.constant 3328 : i32
    %dma_start3A_928 = tpu.memref_slice %arg10[%dma_start3A_926, %dma_start3A_927] : memref<16x3584xf32, #tpu.memory_space<vmem>> -> memref<16x128xf32, #tpu.memory_space<vmem>>
    %dma_start3A_929 = arith.constant 0 : i32
    %dma_start3A_930 = tpu.memref_slice %arg5[%dma_start3A_929, %multiple_of3A_917] : memref<16x1000000xf32, #tpu.memory_space<hbm>> -> memref<16x128xf32, #tpu.memory_space<hbm>>
    tpu.enqueue_dma source(%dma_start3A_930 : memref<16x128xf32, #tpu.memory_space<hbm>>) target(%dma_start3A_928 : memref<16x128xf32, #tpu.memory_space<vmem>>) target_semaphore(%dma_start3A_925 : memref<!tpu.dma_semaphore, #tpu.memory_space<semaphore_mem>>)
    %slice3A_931 = vector.extract_strided_slice %and3A_831 {offsets = [3], sizes = [1], strides = [1]} : vector<16xi32> to vector<1xi32>
    %squeeze3A_932 = vector.extract %slice3A_931[0] : i32 from vector<1xi32>
    %multiple_of3A_933 = tpu.assume_multiple %squeeze3A_932, 128 : i32
    %dma_start3A_934 = arith.constant 6 : i32
    %dma_start3A_935 = arith.constant 0 : i32
    %dma_start3A_936 = arith.constant 3456 : i32
    %dma_start3A_937 = tpu.memref_slice %arg9[%dma_start3A_935, %dma_start3A_936] : memref<16x3584xf32, #tpu.memory_space<vmem>> -> memref<16x128xf32, #tpu.memory_space<vmem>>
    %dma_start3A_938 = arith.constant 0 : i32
    %dma_start3A_939 = tpu.memref_slice %arg4[%dma_start3A_938, %multiple_of3A_933] : memref<16x1000000xf32, #tpu.memory_space<hbm>> -> memref<16x128xf32, #tpu.memory_space<hbm>>
    %dma_start3A_940 = tpu.memref_slice %arg12[%dma_start3A_934] : memref<7x!tpu.dma_semaphore, #tpu.memory_space<semaphore_mem>> -> memref<1x!tpu.dma_semaphore, #tpu.memory_space<semaphore_mem>>
    %dma_start3A_941 = tpu.memref_squeeze %dma_start3A_940 : memref<1x!tpu.dma_semaphore, #tpu.memory_space<semaphore_mem>> -> memref<!tpu.dma_semaphore, #tpu.memory_space<semaphore_mem>>
    %dma_start3A_942 = arith.constant 0 : i32
    %dma_start3A_943 = arith.constant 3456 : i32
    %dma_start3A_944 = tpu.memref_slice %arg9[%dma_start3A_942, %dma_start3A_943] : memref<16x3584xf32, #tpu.memory_space<vmem>> -> memref<16x128xf32, #tpu.memory_space<vmem>>
    %dma_start3A_945 = arith.constant 0 : i32
    %dma_start3A_946 = tpu.memref_slice %arg4[%dma_start3A_945, %multiple_of3A_933] : memref<16x1000000xf32, #tpu.memory_space<hbm>> -> memref<16x128xf32, #tpu.memory_space<hbm>>
    tpu.enqueue_dma source(%dma_start3A_946 : memref<16x128xf32, #tpu.memory_space<hbm>>) target(%dma_start3A_944 : memref<16x128xf32, #tpu.memory_space<vmem>>) target_semaphore(%dma_start3A_941 : memref<!tpu.dma_semaphore, #tpu.memory_space<semaphore_mem>>)
    %slice3A_947 = vector.extract_strided_slice %and3A_834 {offsets = [3], sizes = [1], strides = [1]} : vector<16xi32> to vector<1xi32>
    %squeeze3A_948 = vector.extract %slice3A_947[0] : i32 from vector<1xi32>
    %multiple_of3A_949 = tpu.assume_multiple %squeeze3A_948, 128 : i32
    %dma_start3A_950 = arith.constant 6 : i32
    %dma_start3A_951 = arith.constant 0 : i32
    %dma_start3A_952 = arith.constant 3456 : i32
    %dma_start3A_953 = tpu.memref_slice %arg10[%dma_start3A_951, %dma_start3A_952] : memref<16x3584xf32, #tpu.memory_space<vmem>> -> memref<16x128xf32, #tpu.memory_space<vmem>>
    %dma_start3A_954 = arith.constant 0 : i32
    %dma_start3A_955 = tpu.memref_slice %arg5[%dma_start3A_954, %multiple_of3A_949] : memref<16x1000000xf32, #tpu.memory_space<hbm>> -> memref<16x128xf32, #tpu.memory_space<hbm>>
    %dma_start3A_956 = tpu.memref_slice %arg12[%dma_start3A_950] : memref<7x!tpu.dma_semaphore, #tpu.memory_space<semaphore_mem>> -> memref<1x!tpu.dma_semaphore, #tpu.memory_space<semaphore_mem>>
    %dma_start3A_957 = tpu.memref_squeeze %dma_start3A_956 : memref<1x!tpu.dma_semaphore, #tpu.memory_space<semaphore_mem>> -> memref<!tpu.dma_semaphore, #tpu.memory_space<semaphore_mem>>
    %dma_start3A_958 = arith.constant 0 : i32
    %dma_start3A_959 = arith.constant 3456 : i32
    %dma_start3A_960 = tpu.memref_slice %arg10[%dma_start3A_958, %dma_start3A_959] : memref<16x3584xf32, #tpu.memory_space<vmem>> -> memref<16x128xf32, #tpu.memory_space<vmem>>
    %dma_start3A_961 = arith.constant 0 : i32
    %dma_start3A_962 = tpu.memref_slice %arg5[%dma_start3A_961, %multiple_of3A_949] : memref<16x1000000xf32, #tpu.memory_space<hbm>> -> memref<16x128xf32, #tpu.memory_space<hbm>>
    tpu.enqueue_dma source(%dma_start3A_962 : memref<16x128xf32, #tpu.memory_space<hbm>>) target(%dma_start3A_960 : memref<16x128xf32, #tpu.memory_space<vmem>>) target_semaphore(%dma_start3A_957 : memref<!tpu.dma_semaphore, #tpu.memory_space<semaphore_mem>>)
    %scan3A = arith.constant 0 : i32
    %scan3A_963 = arith.constant 0 : i32
    %scan3A_964 = arith.constant 121 : i32
    %scan3A_965 = arith.addi %scan3A_963, %scan3A_964 : i32
    %scan3A_966 = arith.constant 1 : i32
    scf.for %scan3A_2651 = %scan3A_963 to %scan3A_965 step %scan3A_966  : i32 {
      %rem3A = arith.constant 7 : i32
      %rem3A_2652 = arith.remsi %scan3A_2651, %rem3A : i32
      %mul3A_2653 = arith.constant 512 : i32
      %mul3A_2654 = arith.muli %rem3A_2652, %mul3A_2653 : i32
      %add3A_2655 = arith.constant 0 : i32
      %add3A_2656 = arith.addi %mul3A_2654, %add3A_2655 : i32
      %dma_wait3A_2657 = arith.constant 0 : i32
      %dma_wait3A_2658 = tpu.memref_slice %arg9[%dma_wait3A_2657, %add3A_2656] : memref<16x3584xf32, #tpu.memory_space<vmem>> -> memref<16x128xf32, #tpu.memory_space<vmem>>
      %dma_wait3A_2659 = arith.constant 0 : i32
      %dma_wait3A_2660 = arith.constant 0 : i32
      %dma_wait3A_2661 = tpu.memref_slice %arg4[%dma_wait3A_2659, %dma_wait3A_2660] : memref<16x1000000xf32, #tpu.memory_space<hbm>> -> memref<16x128xf32, #tpu.memory_space<hbm>>
      %dma_wait3A_2662 = tpu.memref_slice %arg12[%rem3A_2652] : memref<7x!tpu.dma_semaphore, #tpu.memory_space<semaphore_mem>> -> memref<1x!tpu.dma_semaphore, #tpu.memory_space<semaphore_mem>>
      %dma_wait3A_2663 = tpu.memref_squeeze %dma_wait3A_2662 : memref<1x!tpu.dma_semaphore, #tpu.memory_space<semaphore_mem>> -> memref<!tpu.dma_semaphore, #tpu.memory_space<semaphore_mem>>
      %dma_wait3A_2664 = arith.constant 0 : i32
      %dma_wait3A_2665 = tpu.memref_slice %arg9[%dma_wait3A_2664, %add3A_2656] : memref<16x3584xf32, #tpu.memory_space<vmem>> -> memref<16x128xf32, #tpu.memory_space<vmem>>
      %dma_wait3A_2666 = arith.constant 0 : i32
      %dma_wait3A_2667 = arith.constant 0 : i32
      %dma_wait3A_2668 = tpu.memref_slice %arg4[%dma_wait3A_2666, %dma_wait3A_2667] : memref<16x1000000xf32, #tpu.memory_space<hbm>> -> memref<16x128xf32, #tpu.memory_space<hbm>>
      tpu.wait_dma2 semaphore(%dma_wait3A_2663 : memref<!tpu.dma_semaphore, #tpu.memory_space<semaphore_mem>>) src(%dma_wait3A_2668 : memref<16x128xf32, #tpu.memory_space<hbm>>) dst(%dma_wait3A_2665 : memref<16x128xf32, #tpu.memory_space<vmem>>)
      %dma_wait3A_2669 = arith.constant 0 : i32
      %dma_wait3A_2670 = tpu.memref_slice %arg10[%dma_wait3A_2669, %add3A_2656] : memref<16x3584xf32, #tpu.memory_space<vmem>> -> memref<16x128xf32, #tpu.memory_space<vmem>>
      %dma_wait3A_2671 = arith.constant 0 : i32
      %dma_wait3A_2672 = arith.constant 0 : i32
      %dma_wait3A_2673 = tpu.memref_slice %arg5[%dma_wait3A_2671, %dma_wait3A_2672] : memref<16x1000000xf32, #tpu.memory_space<hbm>> -> memref<16x128xf32, #tpu.memory_space<hbm>>
      %dma_wait3A_2674 = tpu.memref_slice %arg12[%rem3A_2652] : memref<7x!tpu.dma_semaphore, #tpu.memory_space<semaphore_mem>> -> memref<1x!tpu.dma_semaphore, #tpu.memory_space<semaphore_mem>>
      %dma_wait3A_2675 = tpu.memref_squeeze %dma_wait3A_2674 : memref<1x!tpu.dma_semaphore, #tpu.memory_space<semaphore_mem>> -> memref<!tpu.dma_semaphore, #tpu.memory_space<semaphore_mem>>
      %dma_wait3A_2676 = arith.constant 0 : i32
      %dma_wait3A_2677 = tpu.memref_slice %arg10[%dma_wait3A_2676, %add3A_2656] : memref<16x3584xf32, #tpu.memory_space<vmem>> -> memref<16x128xf32, #tpu.memory_space<vmem>>
      %dma_wait3A_2678 = arith.constant 0 : i32
      %dma_wait3A_2679 = arith.constant 0 : i32
      %dma_wait3A_2680 = tpu.memref_slice %arg5[%dma_wait3A_2678, %dma_wait3A_2679] : memref<16x1000000xf32, #tpu.memory_space<hbm>> -> memref<16x128xf32, #tpu.memory_space<hbm>>
      tpu.wait_dma2 semaphore(%dma_wait3A_2675 : memref<!tpu.dma_semaphore, #tpu.memory_space<semaphore_mem>>) src(%dma_wait3A_2680 : memref<16x128xf32, #tpu.memory_space<hbm>>) dst(%dma_wait3A_2677 : memref<16x128xf32, #tpu.memory_space<vmem>>)
      %mul3A_2681 = arith.constant 512 : i32
      %mul3A_2682 = arith.muli %rem3A_2652, %mul3A_2681 : i32
      %add3A_2683 = arith.constant 128 : i32
      %add3A_2684 = arith.addi %mul3A_2682, %add3A_2683 : i32
      %dma_wait3A_2685 = arith.constant 0 : i32
      %dma_wait3A_2686 = tpu.memref_slice %arg9[%dma_wait3A_2685, %add3A_2684] : memref<16x3584xf32, #tpu.memory_space<vmem>> -> memref<16x128xf32, #tpu.memory_space<vmem>>
      %dma_wait3A_2687 = arith.constant 0 : i32
      %dma_wait3A_2688 = arith.constant 0 : i32
      %dma_wait3A_2689 = tpu.memref_slice %arg4[%dma_wait3A_2687, %dma_wait3A_2688] : memref<16x1000000xf32, #tpu.memory_space<hbm>> -> memref<16x128xf32, #tpu.memory_space<hbm>>
      %dma_wait3A_2690 = tpu.memref_slice %arg12[%rem3A_2652] : memref<7x!tpu.dma_semaphore, #tpu.memory_space<semaphore_mem>> -> memref<1x!tpu.dma_semaphore, #tpu.memory_space<semaphore_mem>>
      %dma_wait3A_2691 = tpu.memref_squeeze %dma_wait3A_2690 : memref<1x!tpu.dma_semaphore, #tpu.memory_space<semaphore_mem>> -> memref<!tpu.dma_semaphore, #tpu.memory_space<semaphore_mem>>
      %dma_wait3A_2692 = arith.constant 0 : i32
      %dma_wait3A_2693 = tpu.memref_slice %arg9[%dma_wait3A_2692, %add3A_2684] : memref<16x3584xf32, #tpu.memory_space<vmem>> -> memref<16x128xf32, #tpu.memory_space<vmem>>
      %dma_wait3A_2694 = arith.constant 0 : i32
      %dma_wait3A_2695 = arith.constant 0 : i32
      %dma_wait3A_2696 = tpu.memref_slice %arg4[%dma_wait3A_2694, %dma_wait3A_2695] : memref<16x1000000xf32, #tpu.memory_space<hbm>> -> memref<16x128xf32, #tpu.memory_space<hbm>>
      tpu.wait_dma2 semaphore(%dma_wait3A_2691 : memref<!tpu.dma_semaphore, #tpu.memory_space<semaphore_mem>>) src(%dma_wait3A_2696 : memref<16x128xf32, #tpu.memory_space<hbm>>) dst(%dma_wait3A_2693 : memref<16x128xf32, #tpu.memory_space<vmem>>)
      %dma_wait3A_2697 = arith.constant 0 : i32
      %dma_wait3A_2698 = tpu.memref_slice %arg10[%dma_wait3A_2697, %add3A_2684] : memref<16x3584xf32, #tpu.memory_space<vmem>> -> memref<16x128xf32, #tpu.memory_space<vmem>>
      %dma_wait3A_2699 = arith.constant 0 : i32
      %dma_wait3A_2700 = arith.constant 0 : i32
      %dma_wait3A_2701 = tpu.memref_slice %arg5[%dma_wait3A_2699, %dma_wait3A_2700] : memref<16x1000000xf32, #tpu.memory_space<hbm>> -> memref<16x128xf32, #tpu.memory_space<hbm>>
      %dma_wait3A_2702 = tpu.memref_slice %arg12[%rem3A_2652] : memref<7x!tpu.dma_semaphore, #tpu.memory_space<semaphore_mem>> -> memref<1x!tpu.dma_semaphore, #tpu.memory_space<semaphore_mem>>
      %dma_wait3A_2703 = tpu.memref_squeeze %dma_wait3A_2702 : memref<1x!tpu.dma_semaphore, #tpu.memory_space<semaphore_mem>> -> memref<!tpu.dma_semaphore, #tpu.memory_space<semaphore_mem>>
      %dma_wait3A_2704 = arith.constant 0 : i32
      %dma_wait3A_2705 = tpu.memref_slice %arg10[%dma_wait3A_2704, %add3A_2684] : memref<16x3584xf32, #tpu.memory_space<vmem>> -> memref<16x128xf32, #tpu.memory_space<vmem>>
      %dma_wait3A_2706 = arith.constant 0 : i32
      %dma_wait3A_2707 = arith.constant 0 : i32
      %dma_wait3A_2708 = tpu.memref_slice %arg5[%dma_wait3A_2706, %dma_wait3A_2707] : memref<16x1000000xf32, #tpu.memory_space<hbm>> -> memref<16x128xf32, #tpu.memory_space<hbm>>
      tpu.wait_dma2 semaphore(%dma_wait3A_2703 : memref<!tpu.dma_semaphore, #tpu.memory_space<semaphore_mem>>) src(%dma_wait3A_2708 : memref<16x128xf32, #tpu.memory_space<hbm>>) dst(%dma_wait3A_2705 : memref<16x128xf32, #tpu.memory_space<vmem>>)
      %mul3A_2709 = arith.constant 512 : i32
      %mul3A_2710 = arith.muli %rem3A_2652, %mul3A_2709 : i32
      %add3A_2711 = arith.constant 256 : i32
      %add3A_2712 = arith.addi %mul3A_2710, %add3A_2711 : i32
      %dma_wait3A_2713 = arith.constant 0 : i32
      %dma_wait3A_2714 = tpu.memref_slice %arg9[%dma_wait3A_2713, %add3A_2712] : memref<16x3584xf32, #tpu.memory_space<vmem>> -> memref<16x128xf32, #tpu.memory_space<vmem>>
      %dma_wait3A_2715 = arith.constant 0 : i32
      %dma_wait3A_2716 = arith.constant 0 : i32
      %dma_wait3A_2717 = tpu.memref_slice %arg4[%dma_wait3A_2715, %dma_wait3A_2716] : memref<16x1000000xf32, #tpu.memory_space<hbm>> -> memref<16x128xf32, #tpu.memory_space<hbm>>
      %dma_wait3A_2718 = tpu.memref_slice %arg12[%rem3A_2652] : memref<7x!tpu.dma_semaphore, #tpu.memory_space<semaphore_mem>> -> memref<1x!tpu.dma_semaphore, #tpu.memory_space<semaphore_mem>>
      %dma_wait3A_2719 = tpu.memref_squeeze %dma_wait3A_2718 : memref<1x!tpu.dma_semaphore, #tpu.memory_space<semaphore_mem>> -> memref<!tpu.dma_semaphore, #tpu.memory_space<semaphore_mem>>
      %dma_wait3A_2720 = arith.constant 0 : i32
      %dma_wait3A_2721 = tpu.memref_slice %arg9[%dma_wait3A_2720, %add3A_2712] : memref<16x3584xf32, #tpu.memory_space<vmem>> -> memref<16x128xf32, #tpu.memory_space<vmem>>
      %dma_wait3A_2722 = arith.constant 0 : i32
      %dma_wait3A_2723 = arith.constant 0 : i32
      %dma_wait3A_2724 = tpu.memref_slice %arg4[%dma_wait3A_2722, %dma_wait3A_2723] : memref<16x1000000xf32, #tpu.memory_space<hbm>> -> memref<16x128xf32, #tpu.memory_space<hbm>>
      tpu.wait_dma2 semaphore(%dma_wait3A_2719 : memref<!tpu.dma_semaphore, #tpu.memory_space<semaphore_mem>>) src(%dma_wait3A_2724 : memref<16x128xf32, #tpu.memory_space<hbm>>) dst(%dma_wait3A_2721 : memref<16x128xf32, #tpu.memory_space<vmem>>)
      %dma_wait3A_2725 = arith.constant 0 : i32
      %dma_wait3A_2726 = tpu.memref_slice %arg10[%dma_wait3A_2725, %add3A_2712] : memref<16x3584xf32, #tpu.memory_space<vmem>> -> memref<16x128xf32, #tpu.memory_space<vmem>>
      %dma_wait3A_2727 = arith.constant 0 : i32
      %dma_wait3A_2728 = arith.constant 0 : i32
      %dma_wait3A_2729 = tpu.memref_slice %arg5[%dma_wait3A_2727, %dma_wait3A_2728] : memref<16x1000000xf32, #tpu.memory_space<hbm>> -> memref<16x128xf32, #tpu.memory_space<hbm>>
      %dma_wait3A_2730 = tpu.memref_slice %arg12[%rem3A_2652] : memref<7x!tpu.dma_semaphore, #tpu.memory_space<semaphore_mem>> -> memref<1x!tpu.dma_semaphore, #tpu.memory_space<semaphore_mem>>
      %dma_wait3A_2731 = tpu.memref_squeeze %dma_wait3A_2730 : memref<1x!tpu.dma_semaphore, #tpu.memory_space<semaphore_mem>> -> memref<!tpu.dma_semaphore, #tpu.memory_space<semaphore_mem>>
      %dma_wait3A_2732 = arith.constant 0 : i32
      %dma_wait3A_2733 = tpu.memref_slice %arg10[%dma_wait3A_2732, %add3A_2712] : memref<16x3584xf32, #tpu.memory_space<vmem>> -> memref<16x128xf32, #tpu.memory_space<vmem>>
      %dma_wait3A_2734 = arith.constant 0 : i32
      %dma_wait3A_2735 = arith.constant 0 : i32
      %dma_wait3A_2736 = tpu.memref_slice %arg5[%dma_wait3A_2734, %dma_wait3A_2735] : memref<16x1000000xf32, #tpu.memory_space<hbm>> -> memref<16x128xf32, #tpu.memory_space<hbm>>
      tpu.wait_dma2 semaphore(%dma_wait3A_2731 : memref<!tpu.dma_semaphore, #tpu.memory_space<semaphore_mem>>) src(%dma_wait3A_2736 : memref<16x128xf32, #tpu.memory_space<hbm>>) dst(%dma_wait3A_2733 : memref<16x128xf32, #tpu.memory_space<vmem>>)
      %mul3A_2737 = arith.constant 512 : i32
      %mul3A_2738 = arith.muli %rem3A_2652, %mul3A_2737 : i32
      %add3A_2739 = arith.constant 384 : i32
      %add3A_2740 = arith.addi %mul3A_2738, %add3A_2739 : i32
      %dma_wait3A_2741 = arith.constant 0 : i32
      %dma_wait3A_2742 = tpu.memref_slice %arg9[%dma_wait3A_2741, %add3A_2740] : memref<16x3584xf32, #tpu.memory_space<vmem>> -> memref<16x128xf32, #tpu.memory_space<vmem>>
      %dma_wait3A_2743 = arith.constant 0 : i32
      %dma_wait3A_2744 = arith.constant 0 : i32
      %dma_wait3A_2745 = tpu.memref_slice %arg4[%dma_wait3A_2743, %dma_wait3A_2744] : memref<16x1000000xf32, #tpu.memory_space<hbm>> -> memref<16x128xf32, #tpu.memory_space<hbm>>
      %dma_wait3A_2746 = tpu.memref_slice %arg12[%rem3A_2652] : memref<7x!tpu.dma_semaphore, #tpu.memory_space<semaphore_mem>> -> memref<1x!tpu.dma_semaphore, #tpu.memory_space<semaphore_mem>>
      %dma_wait3A_2747 = tpu.memref_squeeze %dma_wait3A_2746 : memref<1x!tpu.dma_semaphore, #tpu.memory_space<semaphore_mem>> -> memref<!tpu.dma_semaphore, #tpu.memory_space<semaphore_mem>>
      %dma_wait3A_2748 = arith.constant 0 : i32
      %dma_wait3A_2749 = tpu.memref_slice %arg9[%dma_wait3A_2748, %add3A_2740] : memref<16x3584xf32, #tpu.memory_space<vmem>> -> memref<16x128xf32, #tpu.memory_space<vmem>>
      %dma_wait3A_2750 = arith.constant 0 : i32
      %dma_wait3A_2751 = arith.constant 0 : i32
      %dma_wait3A_2752 = tpu.memref_slice %arg4[%dma_wait3A_2750, %dma_wait3A_2751] : memref<16x1000000xf32, #tpu.memory_space<hbm>> -> memref<16x128xf32, #tpu.memory_space<hbm>>
      tpu.wait_dma2 semaphore(%dma_wait3A_2747 : memref<!tpu.dma_semaphore, #tpu.memory_space<semaphore_mem>>) src(%dma_wait3A_2752 : memref<16x128xf32, #tpu.memory_space<hbm>>) dst(%dma_wait3A_2749 : memref<16x128xf32, #tpu.memory_space<vmem>>)
      %dma_wait3A_2753 = arith.constant 0 : i32
      %dma_wait3A_2754 = tpu.memref_slice %arg10[%dma_wait3A_2753, %add3A_2740] : memref<16x3584xf32, #tpu.memory_space<vmem>> -> memref<16x128xf32, #tpu.memory_space<vmem>>
      %dma_wait3A_2755 = arith.constant 0 : i32
      %dma_wait3A_2756 = arith.constant 0 : i32
      %dma_wait3A_2757 = tpu.memref_slice %arg5[%dma_wait3A_2755, %dma_wait3A_2756] : memref<16x1000000xf32, #tpu.memory_space<hbm>> -> memref<16x128xf32, #tpu.memory_space<hbm>>
      %dma_wait3A_2758 = tpu.memref_slice %arg12[%rem3A_2652] : memref<7x!tpu.dma_semaphore, #tpu.memory_space<semaphore_mem>> -> memref<1x!tpu.dma_semaphore, #tpu.memory_space<semaphore_mem>>
      %dma_wait3A_2759 = tpu.memref_squeeze %dma_wait3A_2758 : memref<1x!tpu.dma_semaphore, #tpu.memory_space<semaphore_mem>> -> memref<!tpu.dma_semaphore, #tpu.memory_space<semaphore_mem>>
      %dma_wait3A_2760 = arith.constant 0 : i32
      %dma_wait3A_2761 = tpu.memref_slice %arg10[%dma_wait3A_2760, %add3A_2740] : memref<16x3584xf32, #tpu.memory_space<vmem>> -> memref<16x128xf32, #tpu.memory_space<vmem>>
      %dma_wait3A_2762 = arith.constant 0 : i32
      %dma_wait3A_2763 = arith.constant 0 : i32
      %dma_wait3A_2764 = tpu.memref_slice %arg5[%dma_wait3A_2762, %dma_wait3A_2763] : memref<16x1000000xf32, #tpu.memory_space<hbm>> -> memref<16x128xf32, #tpu.memory_space<hbm>>
      tpu.wait_dma2 semaphore(%dma_wait3A_2759 : memref<!tpu.dma_semaphore, #tpu.memory_space<semaphore_mem>>) src(%dma_wait3A_2764 : memref<16x128xf32, #tpu.memory_space<hbm>>) dst(%dma_wait3A_2761 : memref<16x128xf32, #tpu.memory_space<vmem>>)
      %mul3A_2765 = arith.constant 4 : i32
      %mul3A_2766 = arith.muli %scan3A_2651, %mul3A_2765 : i32
      %get3A_2767 = arith.index_cast %mul3A_2766 : i32 to index
      %get3A_2768 = tpu.vector_load %arg7[%get3A_2767] {strides = array<i32>} : memref<528xi32, #tpu.memory_space<vmem>>, vector<16xi32>,
      %mul3A_2769 = arith.constant 4 : i32
      %mul3A_2770 = arith.muli %scan3A_2651, %mul3A_2769 : i32
      %get3A_2771 = arith.index_cast %mul3A_2770 : i32 to index
      %get3A_2772 = tpu.vector_load %arg8[%get3A_2771] {strides = array<i32>} : memref<528xi32, #tpu.memory_space<vmem>>, vector<16xi32>,
      %mul3A_2773 = arith.constant 512 : i32
      %mul3A_2774 = arith.muli %rem3A_2652, %mul3A_2773 : i32
      %and3A_2775 = arith.constant 3 : i32
      %and3A_2776 = vector.broadcast %and3A_2775 : i32 to vector<16xi32>
      %and3A_2777 = arith.andi %iota3A, %and3A_2776 : vector<16xi32>
      %mul3A_2778 = arith.constant 128 : i32
      %mul3A_2779 = vector.broadcast %mul3A_2778 : i32 to vector<16xi32>
      %mul3A_2780 = arith.muli %and3A_2777, %mul3A_2779 : vector<16xi32>
      %add3A_2781 = vector.broadcast %mul3A_2774 : i32 to vector<16xi32>
      %add3A_2782 = arith.addi %add3A_2781, %mul3A_2780 : vector<16xi32>
      %and3A_2783 = arith.constant 127 : i32
      %and3A_2784 = vector.broadcast %and3A_2783 : i32 to vector<16xi32>
      %and3A_2785 = arith.andi %get3A_2768, %and3A_2784 : vector<16xi32>
      %add3A_2786 = arith.addi %add3A_2782, %and3A_2785 : vector<16xi32>
      %and3A_2787 = arith.constant 127 : i32
      %and3A_2788 = vector.broadcast %and3A_2787 : i32 to vector<16xi32>
      %and3A_2789 = arith.andi %get3A_2772, %and3A_2788 : vector<16xi32>
      %add3A_2790 = arith.addi %add3A_2782, %and3A_2789 : vector<16xi32>
      %broadcast_in_dim3A_2791 = arith.constant 0.000000e+00 : f32
      %broadcast_in_dim3A_2792 = vector.broadcast %broadcast_in_dim3A_2791 : f32 to vector<16xf32>
      %broadcast_in_dim3A_2793 = arith.constant 0 : i32
      %broadcast_in_dim3A_2794 = vector.broadcast %broadcast_in_dim3A_2793 : i32 to vector<16xi32>
      %gather3A_2795 = tpu.vector_load_idx %arg9[%broadcast_in_dim3A_2794, %add3A_2786] : memref<16x3584xf32, #tpu.memory_space<vmem>>[vector<16xi32>, vector<16xi32>], vector<16xf32>,
      %gather3A_2796 = tpu.vector_load_idx %arg10[%broadcast_in_dim3A_2794, %add3A_2790] : memref<16x3584xf32, #tpu.memory_space<vmem>>[vector<16xi32>, vector<16xi32>], vector<16xf32>,
      %mul3A_2797 = arith.mulf %gather3A_2795, %gather3A_2796 : vector<16xf32>
      %add3A_2798 = arith.addf %broadcast_in_dim3A_2792, %mul3A_2797 : vector<16xf32>
      %broadcast_in_dim3A_2799 = arith.constant 1 : i32
      %broadcast_in_dim3A_2800 = vector.broadcast %broadcast_in_dim3A_2799 : i32 to vector<16xi32>
      %gather3A_2801 = tpu.vector_load_idx %arg9[%broadcast_in_dim3A_2800, %add3A_2786] : memref<16x3584xf32, #tpu.memory_space<vmem>>[vector<16xi32>, vector<16xi32>], vector<16xf32>,
      %gather3A_2802 = tpu.vector_load_idx %arg10[%broadcast_in_dim3A_2800, %add3A_2790] : memref<16x3584xf32, #tpu.memory_space<vmem>>[vector<16xi32>, vector<16xi32>], vector<16xf32>,
      %mul3A_2803 = arith.mulf %gather3A_2801, %gather3A_2802 : vector<16xf32>
      %add3A_2804 = arith.addf %add3A_2798, %mul3A_2803 : vector<16xf32>
      %broadcast_in_dim3A_2805 = arith.constant 2 : i32
      %broadcast_in_dim3A_2806 = vector.broadcast %broadcast_in_dim3A_2805 : i32 to vector<16xi32>
      %gather3A_2807 = tpu.vector_load_idx %arg9[%broadcast_in_dim3A_2806, %add3A_2786] : memref<16x3584xf32, #tpu.memory_space<vmem>>[vector<16xi32>, vector<16xi32>], vector<16xf32>,
      %gather3A_2808 = tpu.vector_load_idx %arg10[%broadcast_in_dim3A_2806, %add3A_2790] : memref<16x3584xf32, #tpu.memory_space<vmem>>[vector<16xi32>, vector<16xi32>], vector<16xf32>,
      %mul3A_2809 = arith.mulf %gather3A_2807, %gather3A_2808 : vector<16xf32>
      %add3A_2810 = arith.addf %add3A_2804, %mul3A_2809 : vector<16xf32>
      %broadcast_in_dim3A_2811 = arith.constant 3 : i32
      %broadcast_in_dim3A_2812 = vector.broadcast %broadcast_in_dim3A_2811 : i32 to vector<16xi32>
      %gather3A_2813 = tpu.vector_load_idx %arg9[%broadcast_in_dim3A_2812, %add3A_2786] : memref<16x3584xf32, #tpu.memory_space<vmem>>[vector<16xi32>, vector<16xi32>], vector<16xf32>,
      %gather3A_2814 = tpu.vector_load_idx %arg10[%broadcast_in_dim3A_2812, %add3A_2790] : memref<16x3584xf32, #tpu.memory_space<vmem>>[vector<16xi32>, vector<16xi32>], vector<16xf32>,
      %mul3A_2815 = arith.mulf %gather3A_2813, %gather3A_2814 : vector<16xf32>
      %add3A_2816 = arith.addf %add3A_2810, %mul3A_2815 : vector<16xf32>
      %broadcast_in_dim3A_2817 = arith.constant 4 : i32
      %broadcast_in_dim3A_2818 = vector.broadcast %broadcast_in_dim3A_2817 : i32 to vector<16xi32>
      %gather3A_2819 = tpu.vector_load_idx %arg9[%broadcast_in_dim3A_2818, %add3A_2786] : memref<16x3584xf32, #tpu.memory_space<vmem>>[vector<16xi32>, vector<16xi32>], vector<16xf32>,
      %gather3A_2820 = tpu.vector_load_idx %arg10[%broadcast_in_dim3A_2818, %add3A_2790] : memref<16x3584xf32, #tpu.memory_space<vmem>>[vector<16xi32>, vector<16xi32>], vector<16xf32>,
      %mul3A_2821 = arith.mulf %gather3A_2819, %gather3A_2820 : vector<16xf32>
      %add3A_2822 = arith.addf %add3A_2816, %mul3A_2821 : vector<16xf32>
      %broadcast_in_dim3A_2823 = arith.constant 5 : i32
      %broadcast_in_dim3A_2824 = vector.broadcast %broadcast_in_dim3A_2823 : i32 to vector<16xi32>
      %gather3A_2825 = tpu.vector_load_idx %arg9[%broadcast_in_dim3A_2824, %add3A_2786] : memref<16x3584xf32, #tpu.memory_space<vmem>>[vector<16xi32>, vector<16xi32>], vector<16xf32>,
      %gather3A_2826 = tpu.vector_load_idx %arg10[%broadcast_in_dim3A_2824, %add3A_2790] : memref<16x3584xf32, #tpu.memory_space<vmem>>[vector<16xi32>, vector<16xi32>], vector<16xf32>,
      %mul3A_2827 = arith.mulf %gather3A_2825, %gather3A_2826 : vector<16xf32>
      %add3A_2828 = arith.addf %add3A_2822, %mul3A_2827 : vector<16xf32>
      %broadcast_in_dim3A_2829 = arith.constant 6 : i32
      %broadcast_in_dim3A_2830 = vector.broadcast %broadcast_in_dim3A_2829 : i32 to vector<16xi32>
      %gather3A_2831 = tpu.vector_load_idx %arg9[%broadcast_in_dim3A_2830, %add3A_2786] : memref<16x3584xf32, #tpu.memory_space<vmem>>[vector<16xi32>, vector<16xi32>], vector<16xf32>,
      %gather3A_2832 = tpu.vector_load_idx %arg10[%broadcast_in_dim3A_2830, %add3A_2790] : memref<16x3584xf32, #tpu.memory_space<vmem>>[vector<16xi32>, vector<16xi32>], vector<16xf32>,
      %mul3A_2833 = arith.mulf %gather3A_2831, %gather3A_2832 : vector<16xf32>
      %add3A_2834 = arith.addf %add3A_2828, %mul3A_2833 : vector<16xf32>
      %broadcast_in_dim3A_2835 = arith.constant 7 : i32
      %broadcast_in_dim3A_2836 = vector.broadcast %broadcast_in_dim3A_2835 : i32 to vector<16xi32>
      %gather3A_2837 = tpu.vector_load_idx %arg9[%broadcast_in_dim3A_2836, %add3A_2786] : memref<16x3584xf32, #tpu.memory_space<vmem>>[vector<16xi32>, vector<16xi32>], vector<16xf32>,
      %gather3A_2838 = tpu.vector_load_idx %arg10[%broadcast_in_dim3A_2836, %add3A_2790] : memref<16x3584xf32, #tpu.memory_space<vmem>>[vector<16xi32>, vector<16xi32>], vector<16xf32>,
      %mul3A_2839 = arith.mulf %gather3A_2837, %gather3A_2838 : vector<16xf32>
      %add3A_2840 = arith.addf %add3A_2834, %mul3A_2839 : vector<16xf32>
      %broadcast_in_dim3A_2841 = arith.constant 8 : i32
      %broadcast_in_dim3A_2842 = vector.broadcast %broadcast_in_dim3A_2841 : i32 to vector<16xi32>
      %gather3A_2843 = tpu.vector_load_idx %arg9[%broadcast_in_dim3A_2842, %add3A_2786] : memref<16x3584xf32, #tpu.memory_space<vmem>>[vector<16xi32>, vector<16xi32>], vector<16xf32>,
      %gather3A_2844 = tpu.vector_load_idx %arg10[%broadcast_in_dim3A_2842, %add3A_2790] : memref<16x3584xf32, #tpu.memory_space<vmem>>[vector<16xi32>, vector<16xi32>], vector<16xf32>,
      %mul3A_2845 = arith.mulf %gather3A_2843, %gather3A_2844 : vector<16xf32>
      %add3A_2846 = arith.addf %add3A_2840, %mul3A_2845 : vector<16xf32>
      %broadcast_in_dim3A_2847 = arith.constant 9 : i32
      %broadcast_in_dim3A_2848 = vector.broadcast %broadcast_in_dim3A_2847 : i32 to vector<16xi32>
      %gather3A_2849 = tpu.vector_load_idx %arg9[%broadcast_in_dim3A_2848, %add3A_2786] : memref<16x3584xf32, #tpu.memory_space<vmem>>[vector<16xi32>, vector<16xi32>], vector<16xf32>,
      %gather3A_2850 = tpu.vector_load_idx %arg10[%broadcast_in_dim3A_2848, %add3A_2790] : memref<16x3584xf32, #tpu.memory_space<vmem>>[vector<16xi32>, vector<16xi32>], vector<16xf32>,
      %mul3A_2851 = arith.mulf %gather3A_2849, %gather3A_2850 : vector<16xf32>
      %add3A_2852 = arith.addf %add3A_2846, %mul3A_2851 : vector<16xf32>
      %broadcast_in_dim3A_2853 = arith.constant 10 : i32
      %broadcast_in_dim3A_2854 = vector.broadcast %broadcast_in_dim3A_2853 : i32 to vector<16xi32>
      %gather3A_2855 = tpu.vector_load_idx %arg9[%broadcast_in_dim3A_2854, %add3A_2786] : memref<16x3584xf32, #tpu.memory_space<vmem>>[vector<16xi32>, vector<16xi32>], vector<16xf32>,
      %gather3A_2856 = tpu.vector_load_idx %arg10[%broadcast_in_dim3A_2854, %add3A_2790] : memref<16x3584xf32, #tpu.memory_space<vmem>>[vector<16xi32>, vector<16xi32>], vector<16xf32>,
      %mul3A_2857 = arith.mulf %gather3A_2855, %gather3A_2856 : vector<16xf32>
      %add3A_2858 = arith.addf %add3A_2852, %mul3A_2857 : vector<16xf32>
      %broadcast_in_dim3A_2859 = arith.constant 11 : i32
      %broadcast_in_dim3A_2860 = vector.broadcast %broadcast_in_dim3A_2859 : i32 to vector<16xi32>
      %gather3A_2861 = tpu.vector_load_idx %arg9[%broadcast_in_dim3A_2860, %add3A_2786] : memref<16x3584xf32, #tpu.memory_space<vmem>>[vector<16xi32>, vector<16xi32>], vector<16xf32>,
      %gather3A_2862 = tpu.vector_load_idx %arg10[%broadcast_in_dim3A_2860, %add3A_2790] : memref<16x3584xf32, #tpu.memory_space<vmem>>[vector<16xi32>, vector<16xi32>], vector<16xf32>,
      %mul3A_2863 = arith.mulf %gather3A_2861, %gather3A_2862 : vector<16xf32>
      %add3A_2864 = arith.addf %add3A_2858, %mul3A_2863 : vector<16xf32>
      %broadcast_in_dim3A_2865 = arith.constant 12 : i32
      %broadcast_in_dim3A_2866 = vector.broadcast %broadcast_in_dim3A_2865 : i32 to vector<16xi32>
      %gather3A_2867 = tpu.vector_load_idx %arg9[%broadcast_in_dim3A_2866, %add3A_2786] : memref<16x3584xf32, #tpu.memory_space<vmem>>[vector<16xi32>, vector<16xi32>], vector<16xf32>,
      %gather3A_2868 = tpu.vector_load_idx %arg10[%broadcast_in_dim3A_2866, %add3A_2790] : memref<16x3584xf32, #tpu.memory_space<vmem>>[vector<16xi32>, vector<16xi32>], vector<16xf32>,
      %mul3A_2869 = arith.mulf %gather3A_2867, %gather3A_2868 : vector<16xf32>
      %add3A_2870 = arith.addf %add3A_2864, %mul3A_2869 : vector<16xf32>
      %broadcast_in_dim3A_2871 = arith.constant 13 : i32
      %broadcast_in_dim3A_2872 = vector.broadcast %broadcast_in_dim3A_2871 : i32 to vector<16xi32>
      %gather3A_2873 = tpu.vector_load_idx %arg9[%broadcast_in_dim3A_2872, %add3A_2786] : memref<16x3584xf32, #tpu.memory_space<vmem>>[vector<16xi32>, vector<16xi32>], vector<16xf32>,
      %gather3A_2874 = tpu.vector_load_idx %arg10[%broadcast_in_dim3A_2872, %add3A_2790] : memref<16x3584xf32, #tpu.memory_space<vmem>>[vector<16xi32>, vector<16xi32>], vector<16xf32>,
      %mul3A_2875 = arith.mulf %gather3A_2873, %gather3A_2874 : vector<16xf32>
      %add3A_2876 = arith.addf %add3A_2870, %mul3A_2875 : vector<16xf32>
      %broadcast_in_dim3A_2877 = arith.constant 14 : i32
      %broadcast_in_dim3A_2878 = vector.broadcast %broadcast_in_dim3A_2877 : i32 to vector<16xi32>
      %gather3A_2879 = tpu.vector_load_idx %arg9[%broadcast_in_dim3A_2878, %add3A_2786] : memref<16x3584xf32, #tpu.memory_space<vmem>>[vector<16xi32>, vector<16xi32>], vector<16xf32>,
      %gather3A_2880 = tpu.vector_load_idx %arg10[%broadcast_in_dim3A_2878, %add3A_2790] : memref<16x3584xf32, #tpu.memory_space<vmem>>[vector<16xi32>, vector<16xi32>], vector<16xf32>,
      %mul3A_2881 = arith.mulf %gather3A_2879, %gather3A_2880 : vector<16xf32>
      %add3A_2882 = arith.addf %add3A_2876, %mul3A_2881 : vector<16xf32>
      %broadcast_in_dim3A_2883 = arith.constant 15 : i32
      %broadcast_in_dim3A_2884 = vector.broadcast %broadcast_in_dim3A_2883 : i32 to vector<16xi32>
      %gather3A_2885 = tpu.vector_load_idx %arg9[%broadcast_in_dim3A_2884, %add3A_2786] : memref<16x3584xf32, #tpu.memory_space<vmem>>[vector<16xi32>, vector<16xi32>], vector<16xf32>,
      %gather3A_2886 = tpu.vector_load_idx %arg10[%broadcast_in_dim3A_2884, %add3A_2790] : memref<16x3584xf32, #tpu.memory_space<vmem>>[vector<16xi32>, vector<16xi32>], vector<16xf32>,
      %mul3A_2887 = arith.mulf %gather3A_2885, %gather3A_2886 : vector<16xf32>
      %add3A_2888 = arith.addf %add3A_2882, %mul3A_2887 : vector<16xf32>
      %mul3A_2889 = arith.constant 4 : i32
      %mul3A_2890 = arith.muli %scan3A_2651, %mul3A_2889 : i32
      %swap3A_2891 = arith.index_cast %mul3A_2890 : i32 to index
      %swap3A_2892 = tpu.vector_load %arg11[%swap3A_2891] {strides = array<i32>} : memref<528xf32, #tpu.memory_space<vmem>>, vector<16xf32>,
      tpu.vector_store %arg11[%swap3A_2891], %add3A_2888 {strides = array<i32>} : memref<528xf32, #tpu.memory_space<vmem>>, vector<16xf32>,
      %add3A_2893 = arith.constant 7 : i32
      %add3A_2894 = arith.addi %scan3A_2651, %add3A_2893 : i32
      %mul3A_2895 = arith.constant 4 : i32
      %mul3A_2896 = arith.muli %add3A_2894, %mul3A_2895 : i32
      %get3A_2897 = arith.index_cast %mul3A_2896 : i32 to index
      %get3A_2898 = tpu.vector_load %arg7[%get3A_2897] {strides = array<i32>} : memref<528xi32, #tpu.memory_space<vmem>>, vector<16xi32>,
      %mul3A_2899 = arith.constant 4 : i32
      %mul3A_2900 = arith.muli %add3A_2894, %mul3A_2899 : i32
      %get3A_2901 = arith.index_cast %mul3A_2900 : i32 to index
      %get3A_2902 = tpu.vector_load %arg8[%get3A_2901] {strides = array<i32>} : memref<528xi32, #tpu.memory_space<vmem>>, vector<16xi32>,
      %and3A_2903 = arith.constant -128 : i32
      %and3A_2904 = vector.broadcast %and3A_2903 : i32 to vector<16xi32>
      %and3A_2905 = arith.andi %get3A_2898, %and3A_2904 : vector<16xi32>
      %and3A_2906 = arith.constant -128 : i32
      %and3A_2907 = vector.broadcast %and3A_2906 : i32 to vector<16xi32>
      %and3A_2908 = arith.andi %get3A_2902, %and3A_2907 : vector<16xi32>
      %mul3A_2909 = arith.constant 512 : i32
      %mul3A_2910 = arith.muli %rem3A_2652, %mul3A_2909 : i32
      %add3A_2911 = arith.constant 0 : i32
      %add3A_2912 = arith.addi %mul3A_2910, %add3A_2911 : i32
      %slice3A_2913 = vector.extract_strided_slice %and3A_2905 {offsets = [0], sizes = [1], strides = [1]} : vector<16xi32> to vector<1xi32>
      %squeeze3A_2914 = vector.extract %slice3A_2913[0] : i32 from vector<1xi32>
      %multiple_of3A_2915 = tpu.assume_multiple %squeeze3A_2914, 128 : i32
      %dma_start3A_2916 = arith.constant 0 : i32
      %dma_start3A_2917 = tpu.memref_slice %arg9[%dma_start3A_2916, %add3A_2912] : memref<16x3584xf32, #tpu.memory_space<vmem>> -> memref<16x128xf32, #tpu.memory_space<vmem>>
      %dma_start3A_2918 = arith.constant 0 : i32
      %dma_start3A_2919 = tpu.memref_slice %arg4[%dma_start3A_2918, %multiple_of3A_2915] : memref<16x1000000xf32, #tpu.memory_space<hbm>> -> memref<16x128xf32, #tpu.memory_space<hbm>>
      %dma_start3A_2920 = tpu.memref_slice %arg12[%rem3A_2652] : memref<7x!tpu.dma_semaphore, #tpu.memory_space<semaphore_mem>> -> memref<1x!tpu.dma_semaphore, #tpu.memory_space<semaphore_mem>>
      %dma_start3A_2921 = tpu.memref_squeeze %dma_start3A_2920 : memref<1x!tpu.dma_semaphore, #tpu.memory_space<semaphore_mem>> -> memref<!tpu.dma_semaphore, #tpu.memory_space<semaphore_mem>>
      %dma_start3A_2922 = arith.constant 0 : i32
      %dma_start3A_2923 = tpu.memref_slice %arg9[%dma_start3A_2922, %add3A_2912] : memref<16x3584xf32, #tpu.memory_space<vmem>> -> memref<16x128xf32, #tpu.memory_space<vmem>>
      %dma_start3A_2924 = arith.constant 0 : i32
      %dma_start3A_2925 = tpu.memref_slice %arg4[%dma_start3A_2924, %multiple_of3A_2915] : memref<16x1000000xf32, #tpu.memory_space<hbm>> -> memref<16x128xf32, #tpu.memory_space<hbm>>
      tpu.enqueue_dma source(%dma_start3A_2925 : memref<16x128xf32, #tpu.memory_space<hbm>>) target(%dma_start3A_2923 : memref<16x128xf32, #tpu.memory_space<vmem>>) target_semaphore(%dma_start3A_2921 : memref<!tpu.dma_semaphore, #tpu.memory_space<semaphore_mem>>)
      %slice3A_2926 = vector.extract_strided_slice %and3A_2908 {offsets = [0], sizes = [1], strides = [1]} : vector<16xi32> to vector<1xi32>
      %squeeze3A_2927 = vector.extract %slice3A_2926[0] : i32 from vector<1xi32>
      %multiple_of3A_2928 = tpu.assume_multiple %squeeze3A_2927, 128 : i32
      %dma_start3A_2929 = arith.constant 0 : i32
      %dma_start3A_2930 = tpu.memref_slice %arg10[%dma_start3A_2929, %add3A_2912] : memref<16x3584xf32, #tpu.memory_space<vmem>> -> memref<16x128xf32, #tpu.memory_space<vmem>>
      %dma_start3A_2931 = arith.constant 0 : i32
      %dma_start3A_2932 = tpu.memref_slice %arg5[%dma_start3A_2931, %multiple_of3A_2928] : memref<16x1000000xf32, #tpu.memory_space<hbm>> -> memref<16x128xf32, #tpu.memory_space<hbm>>
      %dma_start3A_2933 = tpu.memref_slice %arg12[%rem3A_2652] : memref<7x!tpu.dma_semaphore, #tpu.memory_space<semaphore_mem>> -> memref<1x!tpu.dma_semaphore, #tpu.memory_space<semaphore_mem>>
      %dma_start3A_2934 = tpu.memref_squeeze %dma_start3A_2933 : memref<1x!tpu.dma_semaphore, #tpu.memory_space<semaphore_mem>> -> memref<!tpu.dma_semaphore, #tpu.memory_space<semaphore_mem>>
      %dma_start3A_2935 = arith.constant 0 : i32
      %dma_start3A_2936 = tpu.memref_slice %arg10[%dma_start3A_2935, %add3A_2912] : memref<16x3584xf32, #tpu.memory_space<vmem>> -> memref<16x128xf32, #tpu.memory_space<vmem>>
      %dma_start3A_2937 = arith.constant 0 : i32
      %dma_start3A_2938 = tpu.memref_slice %arg5[%dma_start3A_2937, %multiple_of3A_2928] : memref<16x1000000xf32, #tpu.memory_space<hbm>> -> memref<16x128xf32, #tpu.memory_space<hbm>>
      tpu.enqueue_dma source(%dma_start3A_2938 : memref<16x128xf32, #tpu.memory_space<hbm>>) target(%dma_start3A_2936 : memref<16x128xf32, #tpu.memory_space<vmem>>) target_semaphore(%dma_start3A_2934 : memref<!tpu.dma_semaphore, #tpu.memory_space<semaphore_mem>>)
      %mul3A_2939 = arith.constant 512 : i32
      %mul3A_2940 = arith.muli %rem3A_2652, %mul3A_2939 : i32
      %add3A_2941 = arith.constant 128 : i32
      %add3A_2942 = arith.addi %mul3A_2940, %add3A_2941 : i32
      %slice3A_2943 = vector.extract_strided_slice %and3A_2905 {offsets = [1], sizes = [1], strides = [1]} : vector<16xi32> to vector<1xi32>
      %squeeze3A_2944 = vector.extract %slice3A_2943[0] : i32 from vector<1xi32>
      %multiple_of3A_2945 = tpu.assume_multiple %squeeze3A_2944, 128 : i32
      %dma_start3A_2946 = arith.constant 0 : i32
      %dma_start3A_2947 = tpu.memref_slice %arg9[%dma_start3A_2946, %add3A_2942] : memref<16x3584xf32, #tpu.memory_space<vmem>> -> memref<16x128xf32, #tpu.memory_space<vmem>>
      %dma_start3A_2948 = arith.constant 0 : i32
      %dma_start3A_2949 = tpu.memref_slice %arg4[%dma_start3A_2948, %multiple_of3A_2945] : memref<16x1000000xf32, #tpu.memory_space<hbm>> -> memref<16x128xf32, #tpu.memory_space<hbm>>
      %dma_start3A_2950 = tpu.memref_slice %arg12[%rem3A_2652] : memref<7x!tpu.dma_semaphore, #tpu.memory_space<semaphore_mem>> -> memref<1x!tpu.dma_semaphore, #tpu.memory_space<semaphore_mem>>
      %dma_start3A_2951 = tpu.memref_squeeze %dma_start3A_2950 : memref<1x!tpu.dma_semaphore, #tpu.memory_space<semaphore_mem>> -> memref<!tpu.dma_semaphore, #tpu.memory_space<semaphore_mem>>
      %dma_start3A_2952 = arith.constant 0 : i32
      %dma_start3A_2953 = tpu.memref_slice %arg9[%dma_start3A_2952, %add3A_2942] : memref<16x3584xf32, #tpu.memory_space<vmem>> -> memref<16x128xf32, #tpu.memory_space<vmem>>
      %dma_start3A_2954 = arith.constant 0 : i32
      %dma_start3A_2955 = tpu.memref_slice %arg4[%dma_start3A_2954, %multiple_of3A_2945] : memref<16x1000000xf32, #tpu.memory_space<hbm>> -> memref<16x128xf32, #tpu.memory_space<hbm>>
      tpu.enqueue_dma source(%dma_start3A_2955 : memref<16x128xf32, #tpu.memory_space<hbm>>) target(%dma_start3A_2953 : memref<16x128xf32, #tpu.memory_space<vmem>>) target_semaphore(%dma_start3A_2951 : memref<!tpu.dma_semaphore, #tpu.memory_space<semaphore_mem>>)
      %slice3A_2956 = vector.extract_strided_slice %and3A_2908 {offsets = [1], sizes = [1], strides = [1]} : vector<16xi32> to vector<1xi32>
      %squeeze3A_2957 = vector.extract %slice3A_2956[0] : i32 from vector<1xi32>
      %multiple_of3A_2958 = tpu.assume_multiple %squeeze3A_2957, 128 : i32
      %dma_start3A_2959 = arith.constant 0 : i32
      %dma_start3A_2960 = tpu.memref_slice %arg10[%dma_start3A_2959, %add3A_2942] : memref<16x3584xf32, #tpu.memory_space<vmem>> -> memref<16x128xf32, #tpu.memory_space<vmem>>
      %dma_start3A_2961 = arith.constant 0 : i32
      %dma_start3A_2962 = tpu.memref_slice %arg5[%dma_start3A_2961, %multiple_of3A_2958] : memref<16x1000000xf32, #tpu.memory_space<hbm>> -> memref<16x128xf32, #tpu.memory_space<hbm>>
      %dma_start3A_2963 = tpu.memref_slice %arg12[%rem3A_2652] : memref<7x!tpu.dma_semaphore, #tpu.memory_space<semaphore_mem>> -> memref<1x!tpu.dma_semaphore, #tpu.memory_space<semaphore_mem>>
      %dma_start3A_2964 = tpu.memref_squeeze %dma_start3A_2963 : memref<1x!tpu.dma_semaphore, #tpu.memory_space<semaphore_mem>> -> memref<!tpu.dma_semaphore, #tpu.memory_space<semaphore_mem>>
      %dma_start3A_2965 = arith.constant 0 : i32
      %dma_start3A_2966 = tpu.memref_slice %arg10[%dma_start3A_2965, %add3A_2942] : memref<16x3584xf32, #tpu.memory_space<vmem>> -> memref<16x128xf32, #tpu.memory_space<vmem>>
      %dma_start3A_2967 = arith.constant 0 : i32
      %dma_start3A_2968 = tpu.memref_slice %arg5[%dma_start3A_2967, %multiple_of3A_2958] : memref<16x1000000xf32, #tpu.memory_space<hbm>> -> memref<16x128xf32, #tpu.memory_space<hbm>>
      tpu.enqueue_dma source(%dma_start3A_2968 : memref<16x128xf32, #tpu.memory_space<hbm>>) target(%dma_start3A_2966 : memref<16x128xf32, #tpu.memory_space<vmem>>) target_semaphore(%dma_start3A_2964 : memref<!tpu.dma_semaphore, #tpu.memory_space<semaphore_mem>>)
      %mul3A_2969 = arith.constant 512 : i32
      %mul3A_2970 = arith.muli %rem3A_2652, %mul3A_2969 : i32
      %add3A_2971 = arith.constant 256 : i32
      %add3A_2972 = arith.addi %mul3A_2970, %add3A_2971 : i32
      %slice3A_2973 = vector.extract_strided_slice %and3A_2905 {offsets = [2], sizes = [1], strides = [1]} : vector<16xi32> to vector<1xi32>
      %squeeze3A_2974 = vector.extract %slice3A_2973[0] : i32 from vector<1xi32>
      %multiple_of3A_2975 = tpu.assume_multiple %squeeze3A_2974, 128 : i32
      %dma_start3A_2976 = arith.constant 0 : i32
      %dma_start3A_2977 = tpu.memref_slice %arg9[%dma_start3A_2976, %add3A_2972] : memref<16x3584xf32, #tpu.memory_space<vmem>> -> memref<16x128xf32, #tpu.memory_space<vmem>>
      %dma_start3A_2978 = arith.constant 0 : i32
      %dma_start3A_2979 = tpu.memref_slice %arg4[%dma_start3A_2978, %multiple_of3A_2975] : memref<16x1000000xf32, #tpu.memory_space<hbm>> -> memref<16x128xf32, #tpu.memory_space<hbm>>
      %dma_start3A_2980 = tpu.memref_slice %arg12[%rem3A_2652] : memref<7x!tpu.dma_semaphore, #tpu.memory_space<semaphore_mem>> -> memref<1x!tpu.dma_semaphore, #tpu.memory_space<semaphore_mem>>
      %dma_start3A_2981 = tpu.memref_squeeze %dma_start3A_2980 : memref<1x!tpu.dma_semaphore, #tpu.memory_space<semaphore_mem>> -> memref<!tpu.dma_semaphore, #tpu.memory_space<semaphore_mem>>
      %dma_start3A_2982 = arith.constant 0 : i32
      %dma_start3A_2983 = tpu.memref_slice %arg9[%dma_start3A_2982, %add3A_2972] : memref<16x3584xf32, #tpu.memory_space<vmem>> -> memref<16x128xf32, #tpu.memory_space<vmem>>
      %dma_start3A_2984 = arith.constant 0 : i32
      %dma_start3A_2985 = tpu.memref_slice %arg4[%dma_start3A_2984, %multiple_of3A_2975] : memref<16x1000000xf32, #tpu.memory_space<hbm>> -> memref<16x128xf32, #tpu.memory_space<hbm>>
      tpu.enqueue_dma source(%dma_start3A_2985 : memref<16x128xf32, #tpu.memory_space<hbm>>) target(%dma_start3A_2983 : memref<16x128xf32, #tpu.memory_space<vmem>>) target_semaphore(%dma_start3A_2981 : memref<!tpu.dma_semaphore, #tpu.memory_space<semaphore_mem>>)
      %slice3A_2986 = vector.extract_strided_slice %and3A_2908 {offsets = [2], sizes = [1], strides = [1]} : vector<16xi32> to vector<1xi32>
      %squeeze3A_2987 = vector.extract %slice3A_2986[0] : i32 from vector<1xi32>
      %multiple_of3A_2988 = tpu.assume_multiple %squeeze3A_2987, 128 : i32
      %dma_start3A_2989 = arith.constant 0 : i32
      %dma_start3A_2990 = tpu.memref_slice %arg10[%dma_start3A_2989, %add3A_2972] : memref<16x3584xf32, #tpu.memory_space<vmem>> -> memref<16x128xf32, #tpu.memory_space<vmem>>
      %dma_start3A_2991 = arith.constant 0 : i32
      %dma_start3A_2992 = tpu.memref_slice %arg5[%dma_start3A_2991, %multiple_of3A_2988] : memref<16x1000000xf32, #tpu.memory_space<hbm>> -> memref<16x128xf32, #tpu.memory_space<hbm>>
      %dma_start3A_2993 = tpu.memref_slice %arg12[%rem3A_2652] : memref<7x!tpu.dma_semaphore, #tpu.memory_space<semaphore_mem>> -> memref<1x!tpu.dma_semaphore, #tpu.memory_space<semaphore_mem>>
      %dma_start3A_2994 = tpu.memref_squeeze %dma_start3A_2993 : memref<1x!tpu.dma_semaphore, #tpu.memory_space<semaphore_mem>> -> memref<!tpu.dma_semaphore, #tpu.memory_space<semaphore_mem>>
      %dma_start3A_2995 = arith.constant 0 : i32
      %dma_start3A_2996 = tpu.memref_slice %arg10[%dma_start3A_2995, %add3A_2972] : memref<16x3584xf32, #tpu.memory_space<vmem>> -> memref<16x128xf32, #tpu.memory_space<vmem>>
      %dma_start3A_2997 = arith.constant 0 : i32
      %dma_start3A_2998 = tpu.memref_slice %arg5[%dma_start3A_2997, %multiple_of3A_2988] : memref<16x1000000xf32, #tpu.memory_space<hbm>> -> memref<16x128xf32, #tpu.memory_space<hbm>>
      tpu.enqueue_dma source(%dma_start3A_2998 : memref<16x128xf32, #tpu.memory_space<hbm>>) target(%dma_start3A_2996 : memref<16x128xf32, #tpu.memory_space<vmem>>) target_semaphore(%dma_start3A_2994 : memref<!tpu.dma_semaphore, #tpu.memory_space<semaphore_mem>>)
      %mul3A_2999 = arith.constant 512 : i32
      %mul3A_3000 = arith.muli %rem3A_2652, %mul3A_2999 : i32
      %add3A_3001 = arith.constant 384 : i32
      %add3A_3002 = arith.addi %mul3A_3000, %add3A_3001 : i32
      %slice3A_3003 = vector.extract_strided_slice %and3A_2905 {offsets = [3], sizes = [1], strides = [1]} : vector<16xi32> to vector<1xi32>
      %squeeze3A_3004 = vector.extract %slice3A_3003[0] : i32 from vector<1xi32>
      %multiple_of3A_3005 = tpu.assume_multiple %squeeze3A_3004, 128 : i32
      %dma_start3A_3006 = arith.constant 0 : i32
      %dma_start3A_3007 = tpu.memref_slice %arg9[%dma_start3A_3006, %add3A_3002] : memref<16x3584xf32, #tpu.memory_space<vmem>> -> memref<16x128xf32, #tpu.memory_space<vmem>>
      %dma_start3A_3008 = arith.constant 0 : i32
      %dma_start3A_3009 = tpu.memref_slice %arg4[%dma_start3A_3008, %multiple_of3A_3005] : memref<16x1000000xf32, #tpu.memory_space<hbm>> -> memref<16x128xf32, #tpu.memory_space<hbm>>
      %dma_start3A_3010 = tpu.memref_slice %arg12[%rem3A_2652] : memref<7x!tpu.dma_semaphore, #tpu.memory_space<semaphore_mem>> -> memref<1x!tpu.dma_semaphore, #tpu.memory_space<semaphore_mem>>
      %dma_start3A_3011 = tpu.memref_squeeze %dma_start3A_3010 : memref<1x!tpu.dma_semaphore, #tpu.memory_space<semaphore_mem>> -> memref<!tpu.dma_semaphore, #tpu.memory_space<semaphore_mem>>
      %dma_start3A_3012 = arith.constant 0 : i32
      %dma_start3A_3013 = tpu.memref_slice %arg9[%dma_start3A_3012, %add3A_3002] : memref<16x3584xf32, #tpu.memory_space<vmem>> -> memref<16x128xf32, #tpu.memory_space<vmem>>
      %dma_start3A_3014 = arith.constant 0 : i32
      %dma_start3A_3015 = tpu.memref_slice %arg4[%dma_start3A_3014, %multiple_of3A_3005] : memref<16x1000000xf32, #tpu.memory_space<hbm>> -> memref<16x128xf32, #tpu.memory_space<hbm>>
      tpu.enqueue_dma source(%dma_start3A_3015 : memref<16x128xf32, #tpu.memory_space<hbm>>) target(%dma_start3A_3013 : memref<16x128xf32, #tpu.memory_space<vmem>>) target_semaphore(%dma_start3A_3011 : memref<!tpu.dma_semaphore, #tpu.memory_space<semaphore_mem>>)
      %slice3A_3016 = vector.extract_strided_slice %and3A_2908 {offsets = [3], sizes = [1], strides = [1]} : vector<16xi32> to vector<1xi32>
      %squeeze3A_3017 = vector.extract %slice3A_3016[0] : i32 from vector<1xi32>
      %multiple_of3A_3018 = tpu.assume_multiple %squeeze3A_3017, 128 : i32
      %dma_start3A_3019 = arith.constant 0 : i32
      %dma_start3A_3020 = tpu.memref_slice %arg10[%dma_start3A_3019, %add3A_3002] : memref<16x3584xf32, #tpu.memory_space<vmem>> -> memref<16x128xf32, #tpu.memory_space<vmem>>
      %dma_start3A_3021 = arith.constant 0 : i32
      %dma_start3A_3022 = tpu.memref_slice %arg5[%dma_start3A_3021, %multiple_of3A_3018] : memref<16x1000000xf32, #tpu.memory_space<hbm>> -> memref<16x128xf32, #tpu.memory_space<hbm>>
      %dma_start3A_3023 = tpu.memref_slice %arg12[%rem3A_2652] : memref<7x!tpu.dma_semaphore, #tpu.memory_space<semaphore_mem>> -> memref<1x!tpu.dma_semaphore, #tpu.memory_space<semaphore_mem>>
      %dma_start3A_3024 = tpu.memref_squeeze %dma_start3A_3023 : memref<1x!tpu.dma_semaphore, #tpu.memory_space<semaphore_mem>> -> memref<!tpu.dma_semaphore, #tpu.memory_space<semaphore_mem>>
      %dma_start3A_3025 = arith.constant 0 : i32
      %dma_start3A_3026 = tpu.memref_slice %arg10[%dma_start3A_3025, %add3A_3002] : memref<16x3584xf32, #tpu.memory_space<vmem>> -> memref<16x128xf32, #tpu.memory_space<vmem>>
      %dma_start3A_3027 = arith.constant 0 : i32
      %dma_start3A_3028 = tpu.memref_slice %arg5[%dma_start3A_3027, %multiple_of3A_3018] : memref<16x1000000xf32, #tpu.memory_space<hbm>> -> memref<16x128xf32, #tpu.memory_space<hbm>>
      tpu.enqueue_dma source(%dma_start3A_3028 : memref<16x128xf32, #tpu.memory_space<hbm>>) target(%dma_start3A_3026 : memref<16x128xf32, #tpu.memory_space<vmem>>) target_semaphore(%dma_start3A_3024 : memref<!tpu.dma_semaphore, #tpu.memory_space<semaphore_mem>>)
    }
    %scan3A_967 = arith.constant 121 : i32
    %dma_wait3A = arith.constant 2 : i32
    %dma_wait3A_968 = arith.constant 0 : i32
    %dma_wait3A_969 = arith.constant 1024 : i32
    %dma_wait3A_970 = tpu.memref_slice %arg9[%dma_wait3A_968, %dma_wait3A_969] : memref<16x3584xf32, #tpu.memory_space<vmem>> -> memref<16x128xf32, #tpu.memory_space<vmem>>
    %dma_wait3A_971 = arith.constant 0 : i32
    %dma_wait3A_972 = arith.constant 0 : i32
    %dma_wait3A_973 = tpu.memref_slice %arg4[%dma_wait3A_971, %dma_wait3A_972] : memref<16x1000000xf32, #tpu.memory_space<hbm>> -> memref<16x128xf32, #tpu.memory_space<hbm>>
    %dma_wait3A_974 = tpu.memref_slice %arg12[%dma_wait3A] : memref<7x!tpu.dma_semaphore, #tpu.memory_space<semaphore_mem>> -> memref<1x!tpu.dma_semaphore, #tpu.memory_space<semaphore_mem>>
    %dma_wait3A_975 = tpu.memref_squeeze %dma_wait3A_974 : memref<1x!tpu.dma_semaphore, #tpu.memory_space<semaphore_mem>> -> memref<!tpu.dma_semaphore, #tpu.memory_space<semaphore_mem>>
    %dma_wait3A_976 = arith.constant 0 : i32
    %dma_wait3A_977 = arith.constant 1024 : i32
    %dma_wait3A_978 = tpu.memref_slice %arg9[%dma_wait3A_976, %dma_wait3A_977] : memref<16x3584xf32, #tpu.memory_space<vmem>> -> memref<16x128xf32, #tpu.memory_space<vmem>>
    %dma_wait3A_979 = arith.constant 0 : i32
    %dma_wait3A_980 = arith.constant 0 : i32
    %dma_wait3A_981 = tpu.memref_slice %arg4[%dma_wait3A_979, %dma_wait3A_980] : memref<16x1000000xf32, #tpu.memory_space<hbm>> -> memref<16x128xf32, #tpu.memory_space<hbm>>
    tpu.wait_dma2 semaphore(%dma_wait3A_975 : memref<!tpu.dma_semaphore, #tpu.memory_space<semaphore_mem>>) src(%dma_wait3A_981 : memref<16x128xf32, #tpu.memory_space<hbm>>) dst(%dma_wait3A_978 : memref<16x128xf32, #tpu.memory_space<vmem>>)
    %dma_wait3A_982 = arith.constant 2 : i32
    %dma_wait3A_983 = arith.constant 0 : i32
    %dma_wait3A_984 = arith.constant 1024 : i32
    %dma_wait3A_985 = tpu.memref_slice %arg10[%dma_wait3A_983, %dma_wait3A_984] : memref<16x3584xf32, #tpu.memory_space<vmem>> -> memref<16x128xf32, #tpu.memory_space<vmem>>
    %dma_wait3A_986 = arith.constant 0 : i32
    %dma_wait3A_987 = arith.constant 0 : i32
    %dma_wait3A_988 = tpu.memref_slice %arg5[%dma_wait3A_986, %dma_wait3A_987] : memref<16x1000000xf32, #tpu.memory_space<hbm>> -> memref<16x128xf32, #tpu.memory_space<hbm>>
    %dma_wait3A_989 = tpu.memref_slice %arg12[%dma_wait3A_982] : memref<7x!tpu.dma_semaphore, #tpu.memory_space<semaphore_mem>> -> memref<1x!tpu.dma_semaphore, #tpu.memory_space<semaphore_mem>>
    %dma_wait3A_990 = tpu.memref_squeeze %dma_wait3A_989 : memref<1x!tpu.dma_semaphore, #tpu.memory_space<semaphore_mem>> -> memref<!tpu.dma_semaphore, #tpu.memory_space<semaphore_mem>>
    %dma_wait3A_991 = arith.constant 0 : i32
    %dma_wait3A_992 = arith.constant 1024 : i32
    %dma_wait3A_993 = tpu.memref_slice %arg10[%dma_wait3A_991, %dma_wait3A_992] : memref<16x3584xf32, #tpu.memory_space<vmem>> -> memref<16x128xf32, #tpu.memory_space<vmem>>
    %dma_wait3A_994 = arith.constant 0 : i32
    %dma_wait3A_995 = arith.constant 0 : i32
    %dma_wait3A_996 = tpu.memref_slice %arg5[%dma_wait3A_994, %dma_wait3A_995] : memref<16x1000000xf32, #tpu.memory_space<hbm>> -> memref<16x128xf32, #tpu.memory_space<hbm>>
    tpu.wait_dma2 semaphore(%dma_wait3A_990 : memref<!tpu.dma_semaphore, #tpu.memory_space<semaphore_mem>>) src(%dma_wait3A_996 : memref<16x128xf32, #tpu.memory_space<hbm>>) dst(%dma_wait3A_993 : memref<16x128xf32, #tpu.memory_space<vmem>>)
    %dma_wait3A_997 = arith.constant 2 : i32
    %dma_wait3A_998 = arith.constant 0 : i32
    %dma_wait3A_999 = arith.constant 1152 : i32
    %dma_wait3A_1000 = tpu.memref_slice %arg9[%dma_wait3A_998, %dma_wait3A_999] : memref<16x3584xf32, #tpu.memory_space<vmem>> -> memref<16x128xf32, #tpu.memory_space<vmem>>
    %dma_wait3A_1001 = arith.constant 0 : i32
    %dma_wait3A_1002 = arith.constant 0 : i32
    %dma_wait3A_1003 = tpu.memref_slice %arg4[%dma_wait3A_1001, %dma_wait3A_1002] : memref<16x1000000xf32, #tpu.memory_space<hbm>> -> memref<16x128xf32, #tpu.memory_space<hbm>>
    %dma_wait3A_1004 = tpu.memref_slice %arg12[%dma_wait3A_997] : memref<7x!tpu.dma_semaphore, #tpu.memory_space<semaphore_mem>> -> memref<1x!tpu.dma_semaphore, #tpu.memory_space<semaphore_mem>>
    %dma_wait3A_1005 = tpu.memref_squeeze %dma_wait3A_1004 : memref<1x!tpu.dma_semaphore, #tpu.memory_space<semaphore_mem>> -> memref<!tpu.dma_semaphore, #tpu.memory_space<semaphore_mem>>
    %dma_wait3A_1006 = arith.constant 0 : i32
    %dma_wait3A_1007 = arith.constant 1152 : i32
    %dma_wait3A_1008 = tpu.memref_slice %arg9[%dma_wait3A_1006, %dma_wait3A_1007] : memref<16x3584xf32, #tpu.memory_space<vmem>> -> memref<16x128xf32, #tpu.memory_space<vmem>>
    %dma_wait3A_1009 = arith.constant 0 : i32
    %dma_wait3A_1010 = arith.constant 0 : i32
    %dma_wait3A_1011 = tpu.memref_slice %arg4[%dma_wait3A_1009, %dma_wait3A_1010] : memref<16x1000000xf32, #tpu.memory_space<hbm>> -> memref<16x128xf32, #tpu.memory_space<hbm>>
    tpu.wait_dma2 semaphore(%dma_wait3A_1005 : memref<!tpu.dma_semaphore, #tpu.memory_space<semaphore_mem>>) src(%dma_wait3A_1011 : memref<16x128xf32, #tpu.memory_space<hbm>>) dst(%dma_wait3A_1008 : memref<16x128xf32, #tpu.memory_space<vmem>>)
    %dma_wait3A_1012 = arith.constant 2 : i32
    %dma_wait3A_1013 = arith.constant 0 : i32
    %dma_wait3A_1014 = arith.constant 1152 : i32
    %dma_wait3A_1015 = tpu.memref_slice %arg10[%dma_wait3A_1013, %dma_wait3A_1014] : memref<16x3584xf32, #tpu.memory_space<vmem>> -> memref<16x128xf32, #tpu.memory_space<vmem>>
    %dma_wait3A_1016 = arith.constant 0 : i32
    %dma_wait3A_1017 = arith.constant 0 : i32
    %dma_wait3A_1018 = tpu.memref_slice %arg5[%dma_wait3A_1016, %dma_wait3A_1017] : memref<16x1000000xf32, #tpu.memory_space<hbm>> -> memref<16x128xf32, #tpu.memory_space<hbm>>
    %dma_wait3A_1019 = tpu.memref_slice %arg12[%dma_wait3A_1012] : memref<7x!tpu.dma_semaphore, #tpu.memory_space<semaphore_mem>> -> memref<1x!tpu.dma_semaphore, #tpu.memory_space<semaphore_mem>>
    %dma_wait3A_1020 = tpu.memref_squeeze %dma_wait3A_1019 : memref<1x!tpu.dma_semaphore, #tpu.memory_space<semaphore_mem>> -> memref<!tpu.dma_semaphore, #tpu.memory_space<semaphore_mem>>
    %dma_wait3A_1021 = arith.constant 0 : i32
    %dma_wait3A_1022 = arith.constant 1152 : i32
    %dma_wait3A_1023 = tpu.memref_slice %arg10[%dma_wait3A_1021, %dma_wait3A_1022] : memref<16x3584xf32, #tpu.memory_space<vmem>> -> memref<16x128xf32, #tpu.memory_space<vmem>>
    %dma_wait3A_1024 = arith.constant 0 : i32
    %dma_wait3A_1025 = arith.constant 0 : i32
    %dma_wait3A_1026 = tpu.memref_slice %arg5[%dma_wait3A_1024, %dma_wait3A_1025] : memref<16x1000000xf32, #tpu.memory_space<hbm>> -> memref<16x128xf32, #tpu.memory_space<hbm>>
    tpu.wait_dma2 semaphore(%dma_wait3A_1020 : memref<!tpu.dma_semaphore, #tpu.memory_space<semaphore_mem>>) src(%dma_wait3A_1026 : memref<16x128xf32, #tpu.memory_space<hbm>>) dst(%dma_wait3A_1023 : memref<16x128xf32, #tpu.memory_space<vmem>>)
    %dma_wait3A_1027 = arith.constant 2 : i32
    %dma_wait3A_1028 = arith.constant 0 : i32
    %dma_wait3A_1029 = arith.constant 1280 : i32
    %dma_wait3A_1030 = tpu.memref_slice %arg9[%dma_wait3A_1028, %dma_wait3A_1029] : memref<16x3584xf32, #tpu.memory_space<vmem>> -> memref<16x128xf32, #tpu.memory_space<vmem>>
    %dma_wait3A_1031 = arith.constant 0 : i32
    %dma_wait3A_1032 = arith.constant 0 : i32
    %dma_wait3A_1033 = tpu.memref_slice %arg4[%dma_wait3A_1031, %dma_wait3A_1032] : memref<16x1000000xf32, #tpu.memory_space<hbm>> -> memref<16x128xf32, #tpu.memory_space<hbm>>
    %dma_wait3A_1034 = tpu.memref_slice %arg12[%dma_wait3A_1027] : memref<7x!tpu.dma_semaphore, #tpu.memory_space<semaphore_mem>> -> memref<1x!tpu.dma_semaphore, #tpu.memory_space<semaphore_mem>>
    %dma_wait3A_1035 = tpu.memref_squeeze %dma_wait3A_1034 : memref<1x!tpu.dma_semaphore, #tpu.memory_space<semaphore_mem>> -> memref<!tpu.dma_semaphore, #tpu.memory_space<semaphore_mem>>
    %dma_wait3A_1036 = arith.constant 0 : i32
    %dma_wait3A_1037 = arith.constant 1280 : i32
    %dma_wait3A_1038 = tpu.memref_slice %arg9[%dma_wait3A_1036, %dma_wait3A_1037] : memref<16x3584xf32, #tpu.memory_space<vmem>> -> memref<16x128xf32, #tpu.memory_space<vmem>>
    %dma_wait3A_1039 = arith.constant 0 : i32
    %dma_wait3A_1040 = arith.constant 0 : i32
    %dma_wait3A_1041 = tpu.memref_slice %arg4[%dma_wait3A_1039, %dma_wait3A_1040] : memref<16x1000000xf32, #tpu.memory_space<hbm>> -> memref<16x128xf32, #tpu.memory_space<hbm>>
    tpu.wait_dma2 semaphore(%dma_wait3A_1035 : memref<!tpu.dma_semaphore, #tpu.memory_space<semaphore_mem>>) src(%dma_wait3A_1041 : memref<16x128xf32, #tpu.memory_space<hbm>>) dst(%dma_wait3A_1038 : memref<16x128xf32, #tpu.memory_space<vmem>>)
    %dma_wait3A_1042 = arith.constant 2 : i32
    %dma_wait3A_1043 = arith.constant 0 : i32
    %dma_wait3A_1044 = arith.constant 1280 : i32
    %dma_wait3A_1045 = tpu.memref_slice %arg10[%dma_wait3A_1043, %dma_wait3A_1044] : memref<16x3584xf32, #tpu.memory_space<vmem>> -> memref<16x128xf32, #tpu.memory_space<vmem>>
    %dma_wait3A_1046 = arith.constant 0 : i32
    %dma_wait3A_1047 = arith.constant 0 : i32
    %dma_wait3A_1048 = tpu.memref_slice %arg5[%dma_wait3A_1046, %dma_wait3A_1047] : memref<16x1000000xf32, #tpu.memory_space<hbm>> -> memref<16x128xf32, #tpu.memory_space<hbm>>
    %dma_wait3A_1049 = tpu.memref_slice %arg12[%dma_wait3A_1042] : memref<7x!tpu.dma_semaphore, #tpu.memory_space<semaphore_mem>> -> memref<1x!tpu.dma_semaphore, #tpu.memory_space<semaphore_mem>>
    %dma_wait3A_1050 = tpu.memref_squeeze %dma_wait3A_1049 : memref<1x!tpu.dma_semaphore, #tpu.memory_space<semaphore_mem>> -> memref<!tpu.dma_semaphore, #tpu.memory_space<semaphore_mem>>
    %dma_wait3A_1051 = arith.constant 0 : i32
    %dma_wait3A_1052 = arith.constant 1280 : i32
    %dma_wait3A_1053 = tpu.memref_slice %arg10[%dma_wait3A_1051, %dma_wait3A_1052] : memref<16x3584xf32, #tpu.memory_space<vmem>> -> memref<16x128xf32, #tpu.memory_space<vmem>>
    %dma_wait3A_1054 = arith.constant 0 : i32
    %dma_wait3A_1055 = arith.constant 0 : i32
    %dma_wait3A_1056 = tpu.memref_slice %arg5[%dma_wait3A_1054, %dma_wait3A_1055] : memref<16x1000000xf32, #tpu.memory_space<hbm>> -> memref<16x128xf32, #tpu.memory_space<hbm>>
    tpu.wait_dma2 semaphore(%dma_wait3A_1050 : memref<!tpu.dma_semaphore, #tpu.memory_space<semaphore_mem>>) src(%dma_wait3A_1056 : memref<16x128xf32, #tpu.memory_space<hbm>>) dst(%dma_wait3A_1053 : memref<16x128xf32, #tpu.memory_space<vmem>>)
    %dma_wait3A_1057 = arith.constant 2 : i32
    %dma_wait3A_1058 = arith.constant 0 : i32
    %dma_wait3A_1059 = arith.constant 1408 : i32
    %dma_wait3A_1060 = tpu.memref_slice %arg9[%dma_wait3A_1058, %dma_wait3A_1059] : memref<16x3584xf32, #tpu.memory_space<vmem>> -> memref<16x128xf32, #tpu.memory_space<vmem>>
    %dma_wait3A_1061 = arith.constant 0 : i32
    %dma_wait3A_1062 = arith.constant 0 : i32
    %dma_wait3A_1063 = tpu.memref_slice %arg4[%dma_wait3A_1061, %dma_wait3A_1062] : memref<16x1000000xf32, #tpu.memory_space<hbm>> -> memref<16x128xf32, #tpu.memory_space<hbm>>
    %dma_wait3A_1064 = tpu.memref_slice %arg12[%dma_wait3A_1057] : memref<7x!tpu.dma_semaphore, #tpu.memory_space<semaphore_mem>> -> memref<1x!tpu.dma_semaphore, #tpu.memory_space<semaphore_mem>>
    %dma_wait3A_1065 = tpu.memref_squeeze %dma_wait3A_1064 : memref<1x!tpu.dma_semaphore, #tpu.memory_space<semaphore_mem>> -> memref<!tpu.dma_semaphore, #tpu.memory_space<semaphore_mem>>
    %dma_wait3A_1066 = arith.constant 0 : i32
    %dma_wait3A_1067 = arith.constant 1408 : i32
    %dma_wait3A_1068 = tpu.memref_slice %arg9[%dma_wait3A_1066, %dma_wait3A_1067] : memref<16x3584xf32, #tpu.memory_space<vmem>> -> memref<16x128xf32, #tpu.memory_space<vmem>>
    %dma_wait3A_1069 = arith.constant 0 : i32
    %dma_wait3A_1070 = arith.constant 0 : i32
    %dma_wait3A_1071 = tpu.memref_slice %arg4[%dma_wait3A_1069, %dma_wait3A_1070] : memref<16x1000000xf32, #tpu.memory_space<hbm>> -> memref<16x128xf32, #tpu.memory_space<hbm>>
    tpu.wait_dma2 semaphore(%dma_wait3A_1065 : memref<!tpu.dma_semaphore, #tpu.memory_space<semaphore_mem>>) src(%dma_wait3A_1071 : memref<16x128xf32, #tpu.memory_space<hbm>>) dst(%dma_wait3A_1068 : memref<16x128xf32, #tpu.memory_space<vmem>>)
    %dma_wait3A_1072 = arith.constant 2 : i32
    %dma_wait3A_1073 = arith.constant 0 : i32
    %dma_wait3A_1074 = arith.constant 1408 : i32
    %dma_wait3A_1075 = tpu.memref_slice %arg10[%dma_wait3A_1073, %dma_wait3A_1074] : memref<16x3584xf32, #tpu.memory_space<vmem>> -> memref<16x128xf32, #tpu.memory_space<vmem>>
    %dma_wait3A_1076 = arith.constant 0 : i32
    %dma_wait3A_1077 = arith.constant 0 : i32
    %dma_wait3A_1078 = tpu.memref_slice %arg5[%dma_wait3A_1076, %dma_wait3A_1077] : memref<16x1000000xf32, #tpu.memory_space<hbm>> -> memref<16x128xf32, #tpu.memory_space<hbm>>
    %dma_wait3A_1079 = tpu.memref_slice %arg12[%dma_wait3A_1072] : memref<7x!tpu.dma_semaphore, #tpu.memory_space<semaphore_mem>> -> memref<1x!tpu.dma_semaphore, #tpu.memory_space<semaphore_mem>>
    %dma_wait3A_1080 = tpu.memref_squeeze %dma_wait3A_1079 : memref<1x!tpu.dma_semaphore, #tpu.memory_space<semaphore_mem>> -> memref<!tpu.dma_semaphore, #tpu.memory_space<semaphore_mem>>
    %dma_wait3A_1081 = arith.constant 0 : i32
    %dma_wait3A_1082 = arith.constant 1408 : i32
    %dma_wait3A_1083 = tpu.memref_slice %arg10[%dma_wait3A_1081, %dma_wait3A_1082] : memref<16x3584xf32, #tpu.memory_space<vmem>> -> memref<16x128xf32, #tpu.memory_space<vmem>>
    %dma_wait3A_1084 = arith.constant 0 : i32
    %dma_wait3A_1085 = arith.constant 0 : i32
    %dma_wait3A_1086 = tpu.memref_slice %arg5[%dma_wait3A_1084, %dma_wait3A_1085] : memref<16x1000000xf32, #tpu.memory_space<hbm>> -> memref<16x128xf32, #tpu.memory_space<hbm>>
    tpu.wait_dma2 semaphore(%dma_wait3A_1080 : memref<!tpu.dma_semaphore, #tpu.memory_space<semaphore_mem>>) src(%dma_wait3A_1086 : memref<16x128xf32, #tpu.memory_space<hbm>>) dst(%dma_wait3A_1083 : memref<16x128xf32, #tpu.memory_space<vmem>>)
    %get3A_1087 = arith.constant 484 : index
    %get3A_1088 = tpu.vector_load %arg7[%get3A_1087] {strides = array<i32>} : memref<528xi32, #tpu.memory_space<vmem>>, vector<16xi32>,
    %get3A_1089 = arith.constant 484 : index
    %get3A_1090 = tpu.vector_load %arg8[%get3A_1089] {strides = array<i32>} : memref<528xi32, #tpu.memory_space<vmem>>, vector<16xi32>,
    %and3A_1091 = arith.constant 3 : i32
    %and3A_1092 = vector.broadcast %and3A_1091 : i32 to vector<16xi32>
    %and3A_1093 = arith.andi %iota3A, %and3A_1092 : vector<16xi32>
    %mul3A_1094 = arith.constant 128 : i32
    %mul3A_1095 = vector.broadcast %mul3A_1094 : i32 to vector<16xi32>
    %mul3A_1096 = arith.muli %and3A_1093, %mul3A_1095 : vector<16xi32>
    %add3A_1097 = arith.constant 1024 : i32
    %add3A_1098 = vector.broadcast %add3A_1097 : i32 to vector<16xi32>
    %add3A_1099 = arith.addi %add3A_1098, %mul3A_1096 : vector<16xi32>
    %and3A_1100 = arith.constant 127 : i32
    %and3A_1101 = vector.broadcast %and3A_1100 : i32 to vector<16xi32>
    %and3A_1102 = arith.andi %get3A_1088, %and3A_1101 : vector<16xi32>
    %add3A_1103 = arith.addi %add3A_1099, %and3A_1102 : vector<16xi32>
    %and3A_1104 = arith.constant 127 : i32
    %and3A_1105 = vector.broadcast %and3A_1104 : i32 to vector<16xi32>
    %and3A_1106 = arith.andi %get3A_1090, %and3A_1105 : vector<16xi32>
    %add3A_1107 = arith.addi %add3A_1099, %and3A_1106 : vector<16xi32>
    %broadcast_in_dim3A = arith.constant 0.000000e+00 : f32
    %broadcast_in_dim3A_1108 = vector.broadcast %broadcast_in_dim3A : f32 to vector<16xf32>
    %broadcast_in_dim3A_1109 = arith.constant 0 : i32
    %broadcast_in_dim3A_1110 = vector.broadcast %broadcast_in_dim3A_1109 : i32 to vector<16xi32>
    %gather3A = tpu.vector_load_idx %arg9[%broadcast_in_dim3A_1110, %add3A_1103] : memref<16x3584xf32, #tpu.memory_space<vmem>>[vector<16xi32>, vector<16xi32>], vector<16xf32>,
    %gather3A_1111 = tpu.vector_load_idx %arg10[%broadcast_in_dim3A_1110, %add3A_1107] : memref<16x3584xf32, #tpu.memory_space<vmem>>[vector<16xi32>, vector<16xi32>], vector<16xf32>,
    %mul3A_1112 = arith.mulf %gather3A, %gather3A_1111 : vector<16xf32>
    %add3A_1113 = arith.addf %broadcast_in_dim3A_1108, %mul3A_1112 : vector<16xf32>
    %broadcast_in_dim3A_1114 = arith.constant 1 : i32
    %broadcast_in_dim3A_1115 = vector.broadcast %broadcast_in_dim3A_1114 : i32 to vector<16xi32>
    %gather3A_1116 = tpu.vector_load_idx %arg9[%broadcast_in_dim3A_1115, %add3A_1103] : memref<16x3584xf32, #tpu.memory_space<vmem>>[vector<16xi32>, vector<16xi32>], vector<16xf32>,
    %gather3A_1117 = tpu.vector_load_idx %arg10[%broadcast_in_dim3A_1115, %add3A_1107] : memref<16x3584xf32, #tpu.memory_space<vmem>>[vector<16xi32>, vector<16xi32>], vector<16xf32>,
    %mul3A_1118 = arith.mulf %gather3A_1116, %gather3A_1117 : vector<16xf32>
    %add3A_1119 = arith.addf %add3A_1113, %mul3A_1118 : vector<16xf32>
    %broadcast_in_dim3A_1120 = arith.constant 2 : i32
    %broadcast_in_dim3A_1121 = vector.broadcast %broadcast_in_dim3A_1120 : i32 to vector<16xi32>
    %gather3A_1122 = tpu.vector_load_idx %arg9[%broadcast_in_dim3A_1121, %add3A_1103] : memref<16x3584xf32, #tpu.memory_space<vmem>>[vector<16xi32>, vector<16xi32>], vector<16xf32>,
    %gather3A_1123 = tpu.vector_load_idx %arg10[%broadcast_in_dim3A_1121, %add3A_1107] : memref<16x3584xf32, #tpu.memory_space<vmem>>[vector<16xi32>, vector<16xi32>], vector<16xf32>,
    %mul3A_1124 = arith.mulf %gather3A_1122, %gather3A_1123 : vector<16xf32>
    %add3A_1125 = arith.addf %add3A_1119, %mul3A_1124 : vector<16xf32>
    %broadcast_in_dim3A_1126 = arith.constant 3 : i32
    %broadcast_in_dim3A_1127 = vector.broadcast %broadcast_in_dim3A_1126 : i32 to vector<16xi32>
    %gather3A_1128 = tpu.vector_load_idx %arg9[%broadcast_in_dim3A_1127, %add3A_1103] : memref<16x3584xf32, #tpu.memory_space<vmem>>[vector<16xi32>, vector<16xi32>], vector<16xf32>,
    %gather3A_1129 = tpu.vector_load_idx %arg10[%broadcast_in_dim3A_1127, %add3A_1107] : memref<16x3584xf32, #tpu.memory_space<vmem>>[vector<16xi32>, vector<16xi32>], vector<16xf32>,
    %mul3A_1130 = arith.mulf %gather3A_1128, %gather3A_1129 : vector<16xf32>
    %add3A_1131 = arith.addf %add3A_1125, %mul3A_1130 : vector<16xf32>
    %broadcast_in_dim3A_1132 = arith.constant 4 : i32
    %broadcast_in_dim3A_1133 = vector.broadcast %broadcast_in_dim3A_1132 : i32 to vector<16xi32>
    %gather3A_1134 = tpu.vector_load_idx %arg9[%broadcast_in_dim3A_1133, %add3A_1103] : memref<16x3584xf32, #tpu.memory_space<vmem>>[vector<16xi32>, vector<16xi32>], vector<16xf32>,
    %gather3A_1135 = tpu.vector_load_idx %arg10[%broadcast_in_dim3A_1133, %add3A_1107] : memref<16x3584xf32, #tpu.memory_space<vmem>>[vector<16xi32>, vector<16xi32>], vector<16xf32>,
    %mul3A_1136 = arith.mulf %gather3A_1134, %gather3A_1135 : vector<16xf32>
    %add3A_1137 = arith.addf %add3A_1131, %mul3A_1136 : vector<16xf32>
    %broadcast_in_dim3A_1138 = arith.constant 5 : i32
    %broadcast_in_dim3A_1139 = vector.broadcast %broadcast_in_dim3A_1138 : i32 to vector<16xi32>
    %gather3A_1140 = tpu.vector_load_idx %arg9[%broadcast_in_dim3A_1139, %add3A_1103] : memref<16x3584xf32, #tpu.memory_space<vmem>>[vector<16xi32>, vector<16xi32>], vector<16xf32>,
    %gather3A_1141 = tpu.vector_load_idx %arg10[%broadcast_in_dim3A_1139, %add3A_1107] : memref<16x3584xf32, #tpu.memory_space<vmem>>[vector<16xi32>, vector<16xi32>], vector<16xf32>,
    %mul3A_1142 = arith.mulf %gather3A_1140, %gather3A_1141 : vector<16xf32>
    %add3A_1143 = arith.addf %add3A_1137, %mul3A_1142 : vector<16xf32>
    %broadcast_in_dim3A_1144 = arith.constant 6 : i32
    %broadcast_in_dim3A_1145 = vector.broadcast %broadcast_in_dim3A_1144 : i32 to vector<16xi32>
    %gather3A_1146 = tpu.vector_load_idx %arg9[%broadcast_in_dim3A_1145, %add3A_1103] : memref<16x3584xf32, #tpu.memory_space<vmem>>[vector<16xi32>, vector<16xi32>], vector<16xf32>,
    %gather3A_1147 = tpu.vector_load_idx %arg10[%broadcast_in_dim3A_1145, %add3A_1107] : memref<16x3584xf32, #tpu.memory_space<vmem>>[vector<16xi32>, vector<16xi32>], vector<16xf32>,
    %mul3A_1148 = arith.mulf %gather3A_1146, %gather3A_1147 : vector<16xf32>
    %add3A_1149 = arith.addf %add3A_1143, %mul3A_1148 : vector<16xf32>
    %broadcast_in_dim3A_1150 = arith.constant 7 : i32
    %broadcast_in_dim3A_1151 = vector.broadcast %broadcast_in_dim3A_1150 : i32 to vector<16xi32>
    %gather3A_1152 = tpu.vector_load_idx %arg9[%broadcast_in_dim3A_1151, %add3A_1103] : memref<16x3584xf32, #tpu.memory_space<vmem>>[vector<16xi32>, vector<16xi32>], vector<16xf32>,
    %gather3A_1153 = tpu.vector_load_idx %arg10[%broadcast_in_dim3A_1151, %add3A_1107] : memref<16x3584xf32, #tpu.memory_space<vmem>>[vector<16xi32>, vector<16xi32>], vector<16xf32>,
    %mul3A_1154 = arith.mulf %gather3A_1152, %gather3A_1153 : vector<16xf32>
    %add3A_1155 = arith.addf %add3A_1149, %mul3A_1154 : vector<16xf32>
    %broadcast_in_dim3A_1156 = arith.constant 8 : i32
    %broadcast_in_dim3A_1157 = vector.broadcast %broadcast_in_dim3A_1156 : i32 to vector<16xi32>
    %gather3A_1158 = tpu.vector_load_idx %arg9[%broadcast_in_dim3A_1157, %add3A_1103] : memref<16x3584xf32, #tpu.memory_space<vmem>>[vector<16xi32>, vector<16xi32>], vector<16xf32>,
    %gather3A_1159 = tpu.vector_load_idx %arg10[%broadcast_in_dim3A_1157, %add3A_1107] : memref<16x3584xf32, #tpu.memory_space<vmem>>[vector<16xi32>, vector<16xi32>], vector<16xf32>,
    %mul3A_1160 = arith.mulf %gather3A_1158, %gather3A_1159 : vector<16xf32>
    %add3A_1161 = arith.addf %add3A_1155, %mul3A_1160 : vector<16xf32>
    %broadcast_in_dim3A_1162 = arith.constant 9 : i32
    %broadcast_in_dim3A_1163 = vector.broadcast %broadcast_in_dim3A_1162 : i32 to vector<16xi32>
    %gather3A_1164 = tpu.vector_load_idx %arg9[%broadcast_in_dim3A_1163, %add3A_1103] : memref<16x3584xf32, #tpu.memory_space<vmem>>[vector<16xi32>, vector<16xi32>], vector<16xf32>,
    %gather3A_1165 = tpu.vector_load_idx %arg10[%broadcast_in_dim3A_1163, %add3A_1107] : memref<16x3584xf32, #tpu.memory_space<vmem>>[vector<16xi32>, vector<16xi32>], vector<16xf32>,
    %mul3A_1166 = arith.mulf %gather3A_1164, %gather3A_1165 : vector<16xf32>
    %add3A_1167 = arith.addf %add3A_1161, %mul3A_1166 : vector<16xf32>
    %broadcast_in_dim3A_1168 = arith.constant 10 : i32
    %broadcast_in_dim3A_1169 = vector.broadcast %broadcast_in_dim3A_1168 : i32 to vector<16xi32>
    %gather3A_1170 = tpu.vector_load_idx %arg9[%broadcast_in_dim3A_1169, %add3A_1103] : memref<16x3584xf32, #tpu.memory_space<vmem>>[vector<16xi32>, vector<16xi32>], vector<16xf32>,
    %gather3A_1171 = tpu.vector_load_idx %arg10[%broadcast_in_dim3A_1169, %add3A_1107] : memref<16x3584xf32, #tpu.memory_space<vmem>>[vector<16xi32>, vector<16xi32>], vector<16xf32>,
    %mul3A_1172 = arith.mulf %gather3A_1170, %gather3A_1171 : vector<16xf32>
    %add3A_1173 = arith.addf %add3A_1167, %mul3A_1172 : vector<16xf32>
    %broadcast_in_dim3A_1174 = arith.constant 11 : i32
    %broadcast_in_dim3A_1175 = vector.broadcast %broadcast_in_dim3A_1174 : i32 to vector<16xi32>
    %gather3A_1176 = tpu.vector_load_idx %arg9[%broadcast_in_dim3A_1175, %add3A_1103] : memref<16x3584xf32, #tpu.memory_space<vmem>>[vector<16xi32>, vector<16xi32>], vector<16xf32>,
    %gather3A_1177 = tpu.vector_load_idx %arg10[%broadcast_in_dim3A_1175, %add3A_1107] : memref<16x3584xf32, #tpu.memory_space<vmem>>[vector<16xi32>, vector<16xi32>], vector<16xf32>,
    %mul3A_1178 = arith.mulf %gather3A_1176, %gather3A_1177 : vector<16xf32>
    %add3A_1179 = arith.addf %add3A_1173, %mul3A_1178 : vector<16xf32>
    %broadcast_in_dim3A_1180 = arith.constant 12 : i32
    %broadcast_in_dim3A_1181 = vector.broadcast %broadcast_in_dim3A_1180 : i32 to vector<16xi32>
    %gather3A_1182 = tpu.vector_load_idx %arg9[%broadcast_in_dim3A_1181, %add3A_1103] : memref<16x3584xf32, #tpu.memory_space<vmem>>[vector<16xi32>, vector<16xi32>], vector<16xf32>,
    %gather3A_1183 = tpu.vector_load_idx %arg10[%broadcast_in_dim3A_1181, %add3A_1107] : memref<16x3584xf32, #tpu.memory_space<vmem>>[vector<16xi32>, vector<16xi32>], vector<16xf32>,
    %mul3A_1184 = arith.mulf %gather3A_1182, %gather3A_1183 : vector<16xf32>
    %add3A_1185 = arith.addf %add3A_1179, %mul3A_1184 : vector<16xf32>
    %broadcast_in_dim3A_1186 = arith.constant 13 : i32
    %broadcast_in_dim3A_1187 = vector.broadcast %broadcast_in_dim3A_1186 : i32 to vector<16xi32>
    %gather3A_1188 = tpu.vector_load_idx %arg9[%broadcast_in_dim3A_1187, %add3A_1103] : memref<16x3584xf32, #tpu.memory_space<vmem>>[vector<16xi32>, vector<16xi32>], vector<16xf32>,
    %gather3A_1189 = tpu.vector_load_idx %arg10[%broadcast_in_dim3A_1187, %add3A_1107] : memref<16x3584xf32, #tpu.memory_space<vmem>>[vector<16xi32>, vector<16xi32>], vector<16xf32>,
    %mul3A_1190 = arith.mulf %gather3A_1188, %gather3A_1189 : vector<16xf32>
    %add3A_1191 = arith.addf %add3A_1185, %mul3A_1190 : vector<16xf32>
    %broadcast_in_dim3A_1192 = arith.constant 14 : i32
    %broadcast_in_dim3A_1193 = vector.broadcast %broadcast_in_dim3A_1192 : i32 to vector<16xi32>
    %gather3A_1194 = tpu.vector_load_idx %arg9[%broadcast_in_dim3A_1193, %add3A_1103] : memref<16x3584xf32, #tpu.memory_space<vmem>>[vector<16xi32>, vector<16xi32>], vector<16xf32>,
    %gather3A_1195 = tpu.vector_load_idx %arg10[%broadcast_in_dim3A_1193, %add3A_1107] : memref<16x3584xf32, #tpu.memory_space<vmem>>[vector<16xi32>, vector<16xi32>], vector<16xf32>,
    %mul3A_1196 = arith.mulf %gather3A_1194, %gather3A_1195 : vector<16xf32>
    %add3A_1197 = arith.addf %add3A_1191, %mul3A_1196 : vector<16xf32>
    %broadcast_in_dim3A_1198 = arith.constant 15 : i32
    %broadcast_in_dim3A_1199 = vector.broadcast %broadcast_in_dim3A_1198 : i32 to vector<16xi32>
    %gather3A_1200 = tpu.vector_load_idx %arg9[%broadcast_in_dim3A_1199, %add3A_1103] : memref<16x3584xf32, #tpu.memory_space<vmem>>[vector<16xi32>, vector<16xi32>], vector<16xf32>,
    %gather3A_1201 = tpu.vector_load_idx %arg10[%broadcast_in_dim3A_1199, %add3A_1107] : memref<16x3584xf32, #tpu.memory_space<vmem>>[vector<16xi32>, vector<16xi32>], vector<16xf32>,
    %mul3A_1202 = arith.mulf %gather3A_1200, %gather3A_1201 : vector<16xf32>
    %add3A_1203 = arith.addf %add3A_1197, %mul3A_1202 : vector<16xf32>
    %swap3A = arith.constant 484 : index
    %swap3A_1204 = tpu.vector_load %arg11[%swap3A] {strides = array<i32>} : memref<528xf32, #tpu.memory_space<vmem>>, vector<16xf32>,
    tpu.vector_store %arg11[%swap3A], %add3A_1203 {strides = array<i32>} : memref<528xf32, #tpu.memory_space<vmem>>, vector<16xf32>,
    %dma_wait3A_1205 = arith.constant 3 : i32
    %dma_wait3A_1206 = arith.constant 0 : i32
    %dma_wait3A_1207 = arith.constant 1536 : i32
    %dma_wait3A_1208 = tpu.memref_slice %arg9[%dma_wait3A_1206, %dma_wait3A_1207] : memref<16x3584xf32, #tpu.memory_space<vmem>> -> memref<16x128xf32, #tpu.memory_space<vmem>>
    %dma_wait3A_1209 = arith.constant 0 : i32
    %dma_wait3A_1210 = arith.constant 0 : i32
    %dma_wait3A_1211 = tpu.memref_slice %arg4[%dma_wait3A_1209, %dma_wait3A_1210] : memref<16x1000000xf32, #tpu.memory_space<hbm>> -> memref<16x128xf32, #tpu.memory_space<hbm>>
    %dma_wait3A_1212 = tpu.memref_slice %arg12[%dma_wait3A_1205] : memref<7x!tpu.dma_semaphore, #tpu.memory_space<semaphore_mem>> -> memref<1x!tpu.dma_semaphore, #tpu.memory_space<semaphore_mem>>
    %dma_wait3A_1213 = tpu.memref_squeeze %dma_wait3A_1212 : memref<1x!tpu.dma_semaphore, #tpu.memory_space<semaphore_mem>> -> memref<!tpu.dma_semaphore, #tpu.memory_space<semaphore_mem>>
    %dma_wait3A_1214 = arith.constant 0 : i32
    %dma_wait3A_1215 = arith.constant 1536 : i32
    %dma_wait3A_1216 = tpu.memref_slice %arg9[%dma_wait3A_1214, %dma_wait3A_1215] : memref<16x3584xf32, #tpu.memory_space<vmem>> -> memref<16x128xf32, #tpu.memory_space<vmem>>
    %dma_wait3A_1217 = arith.constant 0 : i32
    %dma_wait3A_1218 = arith.constant 0 : i32
    %dma_wait3A_1219 = tpu.memref_slice %arg4[%dma_wait3A_1217, %dma_wait3A_1218] : memref<16x1000000xf32, #tpu.memory_space<hbm>> -> memref<16x128xf32, #tpu.memory_space<hbm>>
    tpu.wait_dma2 semaphore(%dma_wait3A_1213 : memref<!tpu.dma_semaphore, #tpu.memory_space<semaphore_mem>>) src(%dma_wait3A_1219 : memref<16x128xf32, #tpu.memory_space<hbm>>) dst(%dma_wait3A_1216 : memref<16x128xf32, #tpu.memory_space<vmem>>)
    %dma_wait3A_1220 = arith.constant 3 : i32
    %dma_wait3A_1221 = arith.constant 0 : i32
    %dma_wait3A_1222 = arith.constant 1536 : i32
    %dma_wait3A_1223 = tpu.memref_slice %arg10[%dma_wait3A_1221, %dma_wait3A_1222] : memref<16x3584xf32, #tpu.memory_space<vmem>> -> memref<16x128xf32, #tpu.memory_space<vmem>>
    %dma_wait3A_1224 = arith.constant 0 : i32
    %dma_wait3A_1225 = arith.constant 0 : i32
    %dma_wait3A_1226 = tpu.memref_slice %arg5[%dma_wait3A_1224, %dma_wait3A_1225] : memref<16x1000000xf32, #tpu.memory_space<hbm>> -> memref<16x128xf32, #tpu.memory_space<hbm>>
    %dma_wait3A_1227 = tpu.memref_slice %arg12[%dma_wait3A_1220] : memref<7x!tpu.dma_semaphore, #tpu.memory_space<semaphore_mem>> -> memref<1x!tpu.dma_semaphore, #tpu.memory_space<semaphore_mem>>
    %dma_wait3A_1228 = tpu.memref_squeeze %dma_wait3A_1227 : memref<1x!tpu.dma_semaphore, #tpu.memory_space<semaphore_mem>> -> memref<!tpu.dma_semaphore, #tpu.memory_space<semaphore_mem>>
    %dma_wait3A_1229 = arith.constant 0 : i32
    %dma_wait3A_1230 = arith.constant 1536 : i32
    %dma_wait3A_1231 = tpu.memref_slice %arg10[%dma_wait3A_1229, %dma_wait3A_1230] : memref<16x3584xf32, #tpu.memory_space<vmem>> -> memref<16x128xf32, #tpu.memory_space<vmem>>
    %dma_wait3A_1232 = arith.constant 0 : i32
    %dma_wait3A_1233 = arith.constant 0 : i32
    %dma_wait3A_1234 = tpu.memref_slice %arg5[%dma_wait3A_1232, %dma_wait3A_1233] : memref<16x1000000xf32, #tpu.memory_space<hbm>> -> memref<16x128xf32, #tpu.memory_space<hbm>>
    tpu.wait_dma2 semaphore(%dma_wait3A_1228 : memref<!tpu.dma_semaphore, #tpu.memory_space<semaphore_mem>>) src(%dma_wait3A_1234 : memref<16x128xf32, #tpu.memory_space<hbm>>) dst(%dma_wait3A_1231 : memref<16x128xf32, #tpu.memory_space<vmem>>)
    %dma_wait3A_1235 = arith.constant 3 : i32
    %dma_wait3A_1236 = arith.constant 0 : i32
    %dma_wait3A_1237 = arith.constant 1664 : i32
    %dma_wait3A_1238 = tpu.memref_slice %arg9[%dma_wait3A_1236, %dma_wait3A_1237] : memref<16x3584xf32, #tpu.memory_space<vmem>> -> memref<16x128xf32, #tpu.memory_space<vmem>>
    %dma_wait3A_1239 = arith.constant 0 : i32
    %dma_wait3A_1240 = arith.constant 0 : i32
    %dma_wait3A_1241 = tpu.memref_slice %arg4[%dma_wait3A_1239, %dma_wait3A_1240] : memref<16x1000000xf32, #tpu.memory_space<hbm>> -> memref<16x128xf32, #tpu.memory_space<hbm>>
    %dma_wait3A_1242 = tpu.memref_slice %arg12[%dma_wait3A_1235] : memref<7x!tpu.dma_semaphore, #tpu.memory_space<semaphore_mem>> -> memref<1x!tpu.dma_semaphore, #tpu.memory_space<semaphore_mem>>
    %dma_wait3A_1243 = tpu.memref_squeeze %dma_wait3A_1242 : memref<1x!tpu.dma_semaphore, #tpu.memory_space<semaphore_mem>> -> memref<!tpu.dma_semaphore, #tpu.memory_space<semaphore_mem>>
    %dma_wait3A_1244 = arith.constant 0 : i32
    %dma_wait3A_1245 = arith.constant 1664 : i32
    %dma_wait3A_1246 = tpu.memref_slice %arg9[%dma_wait3A_1244, %dma_wait3A_1245] : memref<16x3584xf32, #tpu.memory_space<vmem>> -> memref<16x128xf32, #tpu.memory_space<vmem>>
    %dma_wait3A_1247 = arith.constant 0 : i32
    %dma_wait3A_1248 = arith.constant 0 : i32
    %dma_wait3A_1249 = tpu.memref_slice %arg4[%dma_wait3A_1247, %dma_wait3A_1248] : memref<16x1000000xf32, #tpu.memory_space<hbm>> -> memref<16x128xf32, #tpu.memory_space<hbm>>
    tpu.wait_dma2 semaphore(%dma_wait3A_1243 : memref<!tpu.dma_semaphore, #tpu.memory_space<semaphore_mem>>) src(%dma_wait3A_1249 : memref<16x128xf32, #tpu.memory_space<hbm>>) dst(%dma_wait3A_1246 : memref<16x128xf32, #tpu.memory_space<vmem>>)
    %dma_wait3A_1250 = arith.constant 3 : i32
    %dma_wait3A_1251 = arith.constant 0 : i32
    %dma_wait3A_1252 = arith.constant 1664 : i32
    %dma_wait3A_1253 = tpu.memref_slice %arg10[%dma_wait3A_1251, %dma_wait3A_1252] : memref<16x3584xf32, #tpu.memory_space<vmem>> -> memref<16x128xf32, #tpu.memory_space<vmem>>
    %dma_wait3A_1254 = arith.constant 0 : i32
    %dma_wait3A_1255 = arith.constant 0 : i32
    %dma_wait3A_1256 = tpu.memref_slice %arg5[%dma_wait3A_1254, %dma_wait3A_1255] : memref<16x1000000xf32, #tpu.memory_space<hbm>> -> memref<16x128xf32, #tpu.memory_space<hbm>>
    %dma_wait3A_1257 = tpu.memref_slice %arg12[%dma_wait3A_1250] : memref<7x!tpu.dma_semaphore, #tpu.memory_space<semaphore_mem>> -> memref<1x!tpu.dma_semaphore, #tpu.memory_space<semaphore_mem>>
    %dma_wait3A_1258 = tpu.memref_squeeze %dma_wait3A_1257 : memref<1x!tpu.dma_semaphore, #tpu.memory_space<semaphore_mem>> -> memref<!tpu.dma_semaphore, #tpu.memory_space<semaphore_mem>>
    %dma_wait3A_1259 = arith.constant 0 : i32
    %dma_wait3A_1260 = arith.constant 1664 : i32
    %dma_wait3A_1261 = tpu.memref_slice %arg10[%dma_wait3A_1259, %dma_wait3A_1260] : memref<16x3584xf32, #tpu.memory_space<vmem>> -> memref<16x128xf32, #tpu.memory_space<vmem>>
    %dma_wait3A_1262 = arith.constant 0 : i32
    %dma_wait3A_1263 = arith.constant 0 : i32
    %dma_wait3A_1264 = tpu.memref_slice %arg5[%dma_wait3A_1262, %dma_wait3A_1263] : memref<16x1000000xf32, #tpu.memory_space<hbm>> -> memref<16x128xf32, #tpu.memory_space<hbm>>
    tpu.wait_dma2 semaphore(%dma_wait3A_1258 : memref<!tpu.dma_semaphore, #tpu.memory_space<semaphore_mem>>) src(%dma_wait3A_1264 : memref<16x128xf32, #tpu.memory_space<hbm>>) dst(%dma_wait3A_1261 : memref<16x128xf32, #tpu.memory_space<vmem>>)
    %dma_wait3A_1265 = arith.constant 3 : i32
    %dma_wait3A_1266 = arith.constant 0 : i32
    %dma_wait3A_1267 = arith.constant 1792 : i32
    %dma_wait3A_1268 = tpu.memref_slice %arg9[%dma_wait3A_1266, %dma_wait3A_1267] : memref<16x3584xf32, #tpu.memory_space<vmem>> -> memref<16x128xf32, #tpu.memory_space<vmem>>
    %dma_wait3A_1269 = arith.constant 0 : i32
    %dma_wait3A_1270 = arith.constant 0 : i32
    %dma_wait3A_1271 = tpu.memref_slice %arg4[%dma_wait3A_1269, %dma_wait3A_1270] : memref<16x1000000xf32, #tpu.memory_space<hbm>> -> memref<16x128xf32, #tpu.memory_space<hbm>>
    %dma_wait3A_1272 = tpu.memref_slice %arg12[%dma_wait3A_1265] : memref<7x!tpu.dma_semaphore, #tpu.memory_space<semaphore_mem>> -> memref<1x!tpu.dma_semaphore, #tpu.memory_space<semaphore_mem>>
    %dma_wait3A_1273 = tpu.memref_squeeze %dma_wait3A_1272 : memref<1x!tpu.dma_semaphore, #tpu.memory_space<semaphore_mem>> -> memref<!tpu.dma_semaphore, #tpu.memory_space<semaphore_mem>>
    %dma_wait3A_1274 = arith.constant 0 : i32
    %dma_wait3A_1275 = arith.constant 1792 : i32
    %dma_wait3A_1276 = tpu.memref_slice %arg9[%dma_wait3A_1274, %dma_wait3A_1275] : memref<16x3584xf32, #tpu.memory_space<vmem>> -> memref<16x128xf32, #tpu.memory_space<vmem>>
    %dma_wait3A_1277 = arith.constant 0 : i32
    %dma_wait3A_1278 = arith.constant 0 : i32
    %dma_wait3A_1279 = tpu.memref_slice %arg4[%dma_wait3A_1277, %dma_wait3A_1278] : memref<16x1000000xf32, #tpu.memory_space<hbm>> -> memref<16x128xf32, #tpu.memory_space<hbm>>
    tpu.wait_dma2 semaphore(%dma_wait3A_1273 : memref<!tpu.dma_semaphore, #tpu.memory_space<semaphore_mem>>) src(%dma_wait3A_1279 : memref<16x128xf32, #tpu.memory_space<hbm>>) dst(%dma_wait3A_1276 : memref<16x128xf32, #tpu.memory_space<vmem>>)
    %dma_wait3A_1280 = arith.constant 3 : i32
    %dma_wait3A_1281 = arith.constant 0 : i32
    %dma_wait3A_1282 = arith.constant 1792 : i32
    %dma_wait3A_1283 = tpu.memref_slice %arg10[%dma_wait3A_1281, %dma_wait3A_1282] : memref<16x3584xf32, #tpu.memory_space<vmem>> -> memref<16x128xf32, #tpu.memory_space<vmem>>
    %dma_wait3A_1284 = arith.constant 0 : i32
    %dma_wait3A_1285 = arith.constant 0 : i32
    %dma_wait3A_1286 = tpu.memref_slice %arg5[%dma_wait3A_1284, %dma_wait3A_1285] : memref<16x1000000xf32, #tpu.memory_space<hbm>> -> memref<16x128xf32, #tpu.memory_space<hbm>>
    %dma_wait3A_1287 = tpu.memref_slice %arg12[%dma_wait3A_1280] : memref<7x!tpu.dma_semaphore, #tpu.memory_space<semaphore_mem>> -> memref<1x!tpu.dma_semaphore, #tpu.memory_space<semaphore_mem>>
    %dma_wait3A_1288 = tpu.memref_squeeze %dma_wait3A_1287 : memref<1x!tpu.dma_semaphore, #tpu.memory_space<semaphore_mem>> -> memref<!tpu.dma_semaphore, #tpu.memory_space<semaphore_mem>>
    %dma_wait3A_1289 = arith.constant 0 : i32
    %dma_wait3A_1290 = arith.constant 1792 : i32
    %dma_wait3A_1291 = tpu.memref_slice %arg10[%dma_wait3A_1289, %dma_wait3A_1290] : memref<16x3584xf32, #tpu.memory_space<vmem>> -> memref<16x128xf32, #tpu.memory_space<vmem>>
    %dma_wait3A_1292 = arith.constant 0 : i32
    %dma_wait3A_1293 = arith.constant 0 : i32
    %dma_wait3A_1294 = tpu.memref_slice %arg5[%dma_wait3A_1292, %dma_wait3A_1293] : memref<16x1000000xf32, #tpu.memory_space<hbm>> -> memref<16x128xf32, #tpu.memory_space<hbm>>
    tpu.wait_dma2 semaphore(%dma_wait3A_1288 : memref<!tpu.dma_semaphore, #tpu.memory_space<semaphore_mem>>) src(%dma_wait3A_1294 : memref<16x128xf32, #tpu.memory_space<hbm>>) dst(%dma_wait3A_1291 : memref<16x128xf32, #tpu.memory_space<vmem>>)
    %dma_wait3A_1295 = arith.constant 3 : i32
    %dma_wait3A_1296 = arith.constant 0 : i32
    %dma_wait3A_1297 = arith.constant 1920 : i32
    %dma_wait3A_1298 = tpu.memref_slice %arg9[%dma_wait3A_1296, %dma_wait3A_1297] : memref<16x3584xf32, #tpu.memory_space<vmem>> -> memref<16x128xf32, #tpu.memory_space<vmem>>
    %dma_wait3A_1299 = arith.constant 0 : i32
    %dma_wait3A_1300 = arith.constant 0 : i32
    %dma_wait3A_1301 = tpu.memref_slice %arg4[%dma_wait3A_1299, %dma_wait3A_1300] : memref<16x1000000xf32, #tpu.memory_space<hbm>> -> memref<16x128xf32, #tpu.memory_space<hbm>>
    %dma_wait3A_1302 = tpu.memref_slice %arg12[%dma_wait3A_1295] : memref<7x!tpu.dma_semaphore, #tpu.memory_space<semaphore_mem>> -> memref<1x!tpu.dma_semaphore, #tpu.memory_space<semaphore_mem>>
    %dma_wait3A_1303 = tpu.memref_squeeze %dma_wait3A_1302 : memref<1x!tpu.dma_semaphore, #tpu.memory_space<semaphore_mem>> -> memref<!tpu.dma_semaphore, #tpu.memory_space<semaphore_mem>>
    %dma_wait3A_1304 = arith.constant 0 : i32
    %dma_wait3A_1305 = arith.constant 1920 : i32
    %dma_wait3A_1306 = tpu.memref_slice %arg9[%dma_wait3A_1304, %dma_wait3A_1305] : memref<16x3584xf32, #tpu.memory_space<vmem>> -> memref<16x128xf32, #tpu.memory_space<vmem>>
    %dma_wait3A_1307 = arith.constant 0 : i32
    %dma_wait3A_1308 = arith.constant 0 : i32
    %dma_wait3A_1309 = tpu.memref_slice %arg4[%dma_wait3A_1307, %dma_wait3A_1308] : memref<16x1000000xf32, #tpu.memory_space<hbm>> -> memref<16x128xf32, #tpu.memory_space<hbm>>
    tpu.wait_dma2 semaphore(%dma_wait3A_1303 : memref<!tpu.dma_semaphore, #tpu.memory_space<semaphore_mem>>) src(%dma_wait3A_1309 : memref<16x128xf32, #tpu.memory_space<hbm>>) dst(%dma_wait3A_1306 : memref<16x128xf32, #tpu.memory_space<vmem>>)
    %dma_wait3A_1310 = arith.constant 3 : i32
    %dma_wait3A_1311 = arith.constant 0 : i32
    %dma_wait3A_1312 = arith.constant 1920 : i32
    %dma_wait3A_1313 = tpu.memref_slice %arg10[%dma_wait3A_1311, %dma_wait3A_1312] : memref<16x3584xf32, #tpu.memory_space<vmem>> -> memref<16x128xf32, #tpu.memory_space<vmem>>
    %dma_wait3A_1314 = arith.constant 0 : i32
    %dma_wait3A_1315 = arith.constant 0 : i32
    %dma_wait3A_1316 = tpu.memref_slice %arg5[%dma_wait3A_1314, %dma_wait3A_1315] : memref<16x1000000xf32, #tpu.memory_space<hbm>> -> memref<16x128xf32, #tpu.memory_space<hbm>>
    %dma_wait3A_1317 = tpu.memref_slice %arg12[%dma_wait3A_1310] : memref<7x!tpu.dma_semaphore, #tpu.memory_space<semaphore_mem>> -> memref<1x!tpu.dma_semaphore, #tpu.memory_space<semaphore_mem>>
    %dma_wait3A_1318 = tpu.memref_squeeze %dma_wait3A_1317 : memref<1x!tpu.dma_semaphore, #tpu.memory_space<semaphore_mem>> -> memref<!tpu.dma_semaphore, #tpu.memory_space<semaphore_mem>>
    %dma_wait3A_1319 = arith.constant 0 : i32
    %dma_wait3A_1320 = arith.constant 1920 : i32
    %dma_wait3A_1321 = tpu.memref_slice %arg10[%dma_wait3A_1319, %dma_wait3A_1320] : memref<16x3584xf32, #tpu.memory_space<vmem>> -> memref<16x128xf32, #tpu.memory_space<vmem>>
    %dma_wait3A_1322 = arith.constant 0 : i32
    %dma_wait3A_1323 = arith.constant 0 : i32
    %dma_wait3A_1324 = tpu.memref_slice %arg5[%dma_wait3A_1322, %dma_wait3A_1323] : memref<16x1000000xf32, #tpu.memory_space<hbm>> -> memref<16x128xf32, #tpu.memory_space<hbm>>
    tpu.wait_dma2 semaphore(%dma_wait3A_1318 : memref<!tpu.dma_semaphore, #tpu.memory_space<semaphore_mem>>) src(%dma_wait3A_1324 : memref<16x128xf32, #tpu.memory_space<hbm>>) dst(%dma_wait3A_1321 : memref<16x128xf32, #tpu.memory_space<vmem>>)
    %get3A_1325 = arith.constant 488 : index
    %get3A_1326 = tpu.vector_load %arg7[%get3A_1325] {strides = array<i32>} : memref<528xi32, #tpu.memory_space<vmem>>, vector<16xi32>,
    %get3A_1327 = arith.constant 488 : index
    %get3A_1328 = tpu.vector_load %arg8[%get3A_1327] {strides = array<i32>} : memref<528xi32, #tpu.memory_space<vmem>>, vector<16xi32>,
    %and3A_1329 = arith.constant 3 : i32
    %and3A_1330 = vector.broadcast %and3A_1329 : i32 to vector<16xi32>
    %and3A_1331 = arith.andi %iota3A, %and3A_1330 : vector<16xi32>
    %mul3A_1332 = arith.constant 128 : i32
    %mul3A_1333 = vector.broadcast %mul3A_1332 : i32 to vector<16xi32>
    %mul3A_1334 = arith.muli %and3A_1331, %mul3A_1333 : vector<16xi32>
    %add3A_1335 = arith.constant 1536 : i32
    %add3A_1336 = vector.broadcast %add3A_1335 : i32 to vector<16xi32>
    %add3A_1337 = arith.addi %add3A_1336, %mul3A_1334 : vector<16xi32>
    %and3A_1338 = arith.constant 127 : i32
    %and3A_1339 = vector.broadcast %and3A_1338 : i32 to vector<16xi32>
    %and3A_1340 = arith.andi %get3A_1326, %and3A_1339 : vector<16xi32>
    %add3A_1341 = arith.addi %add3A_1337, %and3A_1340 : vector<16xi32>
    %and3A_1342 = arith.constant 127 : i32
    %and3A_1343 = vector.broadcast %and3A_1342 : i32 to vector<16xi32>
    %and3A_1344 = arith.andi %get3A_1328, %and3A_1343 : vector<16xi32>
    %add3A_1345 = arith.addi %add3A_1337, %and3A_1344 : vector<16xi32>
    %broadcast_in_dim3A_1346 = arith.constant 0.000000e+00 : f32
    %broadcast_in_dim3A_1347 = vector.broadcast %broadcast_in_dim3A_1346 : f32 to vector<16xf32>
    %broadcast_in_dim3A_1348 = arith.constant 0 : i32
    %broadcast_in_dim3A_1349 = vector.broadcast %broadcast_in_dim3A_1348 : i32 to vector<16xi32>
    %gather3A_1350 = tpu.vector_load_idx %arg9[%broadcast_in_dim3A_1349, %add3A_1341] : memref<16x3584xf32, #tpu.memory_space<vmem>>[vector<16xi32>, vector<16xi32>], vector<16xf32>,
    %gather3A_1351 = tpu.vector_load_idx %arg10[%broadcast_in_dim3A_1349, %add3A_1345] : memref<16x3584xf32, #tpu.memory_space<vmem>>[vector<16xi32>, vector<16xi32>], vector<16xf32>,
    %mul3A_1352 = arith.mulf %gather3A_1350, %gather3A_1351 : vector<16xf32>
    %add3A_1353 = arith.addf %broadcast_in_dim3A_1347, %mul3A_1352 : vector<16xf32>
    %broadcast_in_dim3A_1354 = arith.constant 1 : i32
    %broadcast_in_dim3A_1355 = vector.broadcast %broadcast_in_dim3A_1354 : i32 to vector<16xi32>
    %gather3A_1356 = tpu.vector_load_idx %arg9[%broadcast_in_dim3A_1355, %add3A_1341] : memref<16x3584xf32, #tpu.memory_space<vmem>>[vector<16xi32>, vector<16xi32>], vector<16xf32>,
    %gather3A_1357 = tpu.vector_load_idx %arg10[%broadcast_in_dim3A_1355, %add3A_1345] : memref<16x3584xf32, #tpu.memory_space<vmem>>[vector<16xi32>, vector<16xi32>], vector<16xf32>,
    %mul3A_1358 = arith.mulf %gather3A_1356, %gather3A_1357 : vector<16xf32>
    %add3A_1359 = arith.addf %add3A_1353, %mul3A_1358 : vector<16xf32>
    %broadcast_in_dim3A_1360 = arith.constant 2 : i32
    %broadcast_in_dim3A_1361 = vector.broadcast %broadcast_in_dim3A_1360 : i32 to vector<16xi32>
    %gather3A_1362 = tpu.vector_load_idx %arg9[%broadcast_in_dim3A_1361, %add3A_1341] : memref<16x3584xf32, #tpu.memory_space<vmem>>[vector<16xi32>, vector<16xi32>], vector<16xf32>,
    %gather3A_1363 = tpu.vector_load_idx %arg10[%broadcast_in_dim3A_1361, %add3A_1345] : memref<16x3584xf32, #tpu.memory_space<vmem>>[vector<16xi32>, vector<16xi32>], vector<16xf32>,
    %mul3A_1364 = arith.mulf %gather3A_1362, %gather3A_1363 : vector<16xf32>
    %add3A_1365 = arith.addf %add3A_1359, %mul3A_1364 : vector<16xf32>
    %broadcast_in_dim3A_1366 = arith.constant 3 : i32
    %broadcast_in_dim3A_1367 = vector.broadcast %broadcast_in_dim3A_1366 : i32 to vector<16xi32>
    %gather3A_1368 = tpu.vector_load_idx %arg9[%broadcast_in_dim3A_1367, %add3A_1341] : memref<16x3584xf32, #tpu.memory_space<vmem>>[vector<16xi32>, vector<16xi32>], vector<16xf32>,
    %gather3A_1369 = tpu.vector_load_idx %arg10[%broadcast_in_dim3A_1367, %add3A_1345] : memref<16x3584xf32, #tpu.memory_space<vmem>>[vector<16xi32>, vector<16xi32>], vector<16xf32>,
    %mul3A_1370 = arith.mulf %gather3A_1368, %gather3A_1369 : vector<16xf32>
    %add3A_1371 = arith.addf %add3A_1365, %mul3A_1370 : vector<16xf32>
    %broadcast_in_dim3A_1372 = arith.constant 4 : i32
    %broadcast_in_dim3A_1373 = vector.broadcast %broadcast_in_dim3A_1372 : i32 to vector<16xi32>
    %gather3A_1374 = tpu.vector_load_idx %arg9[%broadcast_in_dim3A_1373, %add3A_1341] : memref<16x3584xf32, #tpu.memory_space<vmem>>[vector<16xi32>, vector<16xi32>], vector<16xf32>,
    %gather3A_1375 = tpu.vector_load_idx %arg10[%broadcast_in_dim3A_1373, %add3A_1345] : memref<16x3584xf32, #tpu.memory_space<vmem>>[vector<16xi32>, vector<16xi32>], vector<16xf32>,
    %mul3A_1376 = arith.mulf %gather3A_1374, %gather3A_1375 : vector<16xf32>
    %add3A_1377 = arith.addf %add3A_1371, %mul3A_1376 : vector<16xf32>
    %broadcast_in_dim3A_1378 = arith.constant 5 : i32
    %broadcast_in_dim3A_1379 = vector.broadcast %broadcast_in_dim3A_1378 : i32 to vector<16xi32>
    %gather3A_1380 = tpu.vector_load_idx %arg9[%broadcast_in_dim3A_1379, %add3A_1341] : memref<16x3584xf32, #tpu.memory_space<vmem>>[vector<16xi32>, vector<16xi32>], vector<16xf32>,
    %gather3A_1381 = tpu.vector_load_idx %arg10[%broadcast_in_dim3A_1379, %add3A_1345] : memref<16x3584xf32, #tpu.memory_space<vmem>>[vector<16xi32>, vector<16xi32>], vector<16xf32>,
    %mul3A_1382 = arith.mulf %gather3A_1380, %gather3A_1381 : vector<16xf32>
    %add3A_1383 = arith.addf %add3A_1377, %mul3A_1382 : vector<16xf32>
    %broadcast_in_dim3A_1384 = arith.constant 6 : i32
    %broadcast_in_dim3A_1385 = vector.broadcast %broadcast_in_dim3A_1384 : i32 to vector<16xi32>
    %gather3A_1386 = tpu.vector_load_idx %arg9[%broadcast_in_dim3A_1385, %add3A_1341] : memref<16x3584xf32, #tpu.memory_space<vmem>>[vector<16xi32>, vector<16xi32>], vector<16xf32>,
    %gather3A_1387 = tpu.vector_load_idx %arg10[%broadcast_in_dim3A_1385, %add3A_1345] : memref<16x3584xf32, #tpu.memory_space<vmem>>[vector<16xi32>, vector<16xi32>], vector<16xf32>,
    %mul3A_1388 = arith.mulf %gather3A_1386, %gather3A_1387 : vector<16xf32>
    %add3A_1389 = arith.addf %add3A_1383, %mul3A_1388 : vector<16xf32>
    %broadcast_in_dim3A_1390 = arith.constant 7 : i32
    %broadcast_in_dim3A_1391 = vector.broadcast %broadcast_in_dim3A_1390 : i32 to vector<16xi32>
    %gather3A_1392 = tpu.vector_load_idx %arg9[%broadcast_in_dim3A_1391, %add3A_1341] : memref<16x3584xf32, #tpu.memory_space<vmem>>[vector<16xi32>, vector<16xi32>], vector<16xf32>,
    %gather3A_1393 = tpu.vector_load_idx %arg10[%broadcast_in_dim3A_1391, %add3A_1345] : memref<16x3584xf32, #tpu.memory_space<vmem>>[vector<16xi32>, vector<16xi32>], vector<16xf32>,
    %mul3A_1394 = arith.mulf %gather3A_1392, %gather3A_1393 : vector<16xf32>
    %add3A_1395 = arith.addf %add3A_1389, %mul3A_1394 : vector<16xf32>
    %broadcast_in_dim3A_1396 = arith.constant 8 : i32
    %broadcast_in_dim3A_1397 = vector.broadcast %broadcast_in_dim3A_1396 : i32 to vector<16xi32>
    %gather3A_1398 = tpu.vector_load_idx %arg9[%broadcast_in_dim3A_1397, %add3A_1341] : memref<16x3584xf32, #tpu.memory_space<vmem>>[vector<16xi32>, vector<16xi32>], vector<16xf32>,
    %gather3A_1399 = tpu.vector_load_idx %arg10[%broadcast_in_dim3A_1397, %add3A_1345] : memref<16x3584xf32, #tpu.memory_space<vmem>>[vector<16xi32>, vector<16xi32>], vector<16xf32>,
    %mul3A_1400 = arith.mulf %gather3A_1398, %gather3A_1399 : vector<16xf32>
    %add3A_1401 = arith.addf %add3A_1395, %mul3A_1400 : vector<16xf32>
    %broadcast_in_dim3A_1402 = arith.constant 9 : i32
    %broadcast_in_dim3A_1403 = vector.broadcast %broadcast_in_dim3A_1402 : i32 to vector<16xi32>
    %gather3A_1404 = tpu.vector_load_idx %arg9[%broadcast_in_dim3A_1403, %add3A_1341] : memref<16x3584xf32, #tpu.memory_space<vmem>>[vector<16xi32>, vector<16xi32>], vector<16xf32>,
    %gather3A_1405 = tpu.vector_load_idx %arg10[%broadcast_in_dim3A_1403, %add3A_1345] : memref<16x3584xf32, #tpu.memory_space<vmem>>[vector<16xi32>, vector<16xi32>], vector<16xf32>,
    %mul3A_1406 = arith.mulf %gather3A_1404, %gather3A_1405 : vector<16xf32>
    %add3A_1407 = arith.addf %add3A_1401, %mul3A_1406 : vector<16xf32>
    %broadcast_in_dim3A_1408 = arith.constant 10 : i32
    %broadcast_in_dim3A_1409 = vector.broadcast %broadcast_in_dim3A_1408 : i32 to vector<16xi32>
    %gather3A_1410 = tpu.vector_load_idx %arg9[%broadcast_in_dim3A_1409, %add3A_1341] : memref<16x3584xf32, #tpu.memory_space<vmem>>[vector<16xi32>, vector<16xi32>], vector<16xf32>,
    %gather3A_1411 = tpu.vector_load_idx %arg10[%broadcast_in_dim3A_1409, %add3A_1345] : memref<16x3584xf32, #tpu.memory_space<vmem>>[vector<16xi32>, vector<16xi32>], vector<16xf32>,
    %mul3A_1412 = arith.mulf %gather3A_1410, %gather3A_1411 : vector<16xf32>
    %add3A_1413 = arith.addf %add3A_1407, %mul3A_1412 : vector<16xf32>
    %broadcast_in_dim3A_1414 = arith.constant 11 : i32
    %broadcast_in_dim3A_1415 = vector.broadcast %broadcast_in_dim3A_1414 : i32 to vector<16xi32>
    %gather3A_1416 = tpu.vector_load_idx %arg9[%broadcast_in_dim3A_1415, %add3A_1341] : memref<16x3584xf32, #tpu.memory_space<vmem>>[vector<16xi32>, vector<16xi32>], vector<16xf32>,
    %gather3A_1417 = tpu.vector_load_idx %arg10[%broadcast_in_dim3A_1415, %add3A_1345] : memref<16x3584xf32, #tpu.memory_space<vmem>>[vector<16xi32>, vector<16xi32>], vector<16xf32>,
    %mul3A_1418 = arith.mulf %gather3A_1416, %gather3A_1417 : vector<16xf32>
    %add3A_1419 = arith.addf %add3A_1413, %mul3A_1418 : vector<16xf32>
    %broadcast_in_dim3A_1420 = arith.constant 12 : i32
    %broadcast_in_dim3A_1421 = vector.broadcast %broadcast_in_dim3A_1420 : i32 to vector<16xi32>
    %gather3A_1422 = tpu.vector_load_idx %arg9[%broadcast_in_dim3A_1421, %add3A_1341] : memref<16x3584xf32, #tpu.memory_space<vmem>>[vector<16xi32>, vector<16xi32>], vector<16xf32>,
    %gather3A_1423 = tpu.vector_load_idx %arg10[%broadcast_in_dim3A_1421, %add3A_1345] : memref<16x3584xf32, #tpu.memory_space<vmem>>[vector<16xi32>, vector<16xi32>], vector<16xf32>,
    %mul3A_1424 = arith.mulf %gather3A_1422, %gather3A_1423 : vector<16xf32>
    %add3A_1425 = arith.addf %add3A_1419, %mul3A_1424 : vector<16xf32>
    %broadcast_in_dim3A_1426 = arith.constant 13 : i32
    %broadcast_in_dim3A_1427 = vector.broadcast %broadcast_in_dim3A_1426 : i32 to vector<16xi32>
    %gather3A_1428 = tpu.vector_load_idx %arg9[%broadcast_in_dim3A_1427, %add3A_1341] : memref<16x3584xf32, #tpu.memory_space<vmem>>[vector<16xi32>, vector<16xi32>], vector<16xf32>,
    %gather3A_1429 = tpu.vector_load_idx %arg10[%broadcast_in_dim3A_1427, %add3A_1345] : memref<16x3584xf32, #tpu.memory_space<vmem>>[vector<16xi32>, vector<16xi32>], vector<16xf32>,
    %mul3A_1430 = arith.mulf %gather3A_1428, %gather3A_1429 : vector<16xf32>
    %add3A_1431 = arith.addf %add3A_1425, %mul3A_1430 : vector<16xf32>
    %broadcast_in_dim3A_1432 = arith.constant 14 : i32
    %broadcast_in_dim3A_1433 = vector.broadcast %broadcast_in_dim3A_1432 : i32 to vector<16xi32>
    %gather3A_1434 = tpu.vector_load_idx %arg9[%broadcast_in_dim3A_1433, %add3A_1341] : memref<16x3584xf32, #tpu.memory_space<vmem>>[vector<16xi32>, vector<16xi32>], vector<16xf32>,
    %gather3A_1435 = tpu.vector_load_idx %arg10[%broadcast_in_dim3A_1433, %add3A_1345] : memref<16x3584xf32, #tpu.memory_space<vmem>>[vector<16xi32>, vector<16xi32>], vector<16xf32>,
    %mul3A_1436 = arith.mulf %gather3A_1434, %gather3A_1435 : vector<16xf32>
    %add3A_1437 = arith.addf %add3A_1431, %mul3A_1436 : vector<16xf32>
    %broadcast_in_dim3A_1438 = arith.constant 15 : i32
    %broadcast_in_dim3A_1439 = vector.broadcast %broadcast_in_dim3A_1438 : i32 to vector<16xi32>
    %gather3A_1440 = tpu.vector_load_idx %arg9[%broadcast_in_dim3A_1439, %add3A_1341] : memref<16x3584xf32, #tpu.memory_space<vmem>>[vector<16xi32>, vector<16xi32>], vector<16xf32>,
    %gather3A_1441 = tpu.vector_load_idx %arg10[%broadcast_in_dim3A_1439, %add3A_1345] : memref<16x3584xf32, #tpu.memory_space<vmem>>[vector<16xi32>, vector<16xi32>], vector<16xf32>,
    %mul3A_1442 = arith.mulf %gather3A_1440, %gather3A_1441 : vector<16xf32>
    %add3A_1443 = arith.addf %add3A_1437, %mul3A_1442 : vector<16xf32>
    %swap3A_1444 = arith.constant 488 : index
    %swap3A_1445 = tpu.vector_load %arg11[%swap3A_1444] {strides = array<i32>} : memref<528xf32, #tpu.memory_space<vmem>>, vector<16xf32>,
    tpu.vector_store %arg11[%swap3A_1444], %add3A_1443 {strides = array<i32>} : memref<528xf32, #tpu.memory_space<vmem>>, vector<16xf32>,
    %dma_wait3A_1446 = arith.constant 4 : i32
    %dma_wait3A_1447 = arith.constant 0 : i32
    %dma_wait3A_1448 = arith.constant 2048 : i32
    %dma_wait3A_1449 = tpu.memref_slice %arg9[%dma_wait3A_1447, %dma_wait3A_1448] : memref<16x3584xf32, #tpu.memory_space<vmem>> -> memref<16x128xf32, #tpu.memory_space<vmem>>
    %dma_wait3A_1450 = arith.constant 0 : i32
    %dma_wait3A_1451 = arith.constant 0 : i32
    %dma_wait3A_1452 = tpu.memref_slice %arg4[%dma_wait3A_1450, %dma_wait3A_1451] : memref<16x1000000xf32, #tpu.memory_space<hbm>> -> memref<16x128xf32, #tpu.memory_space<hbm>>
    %dma_wait3A_1453 = tpu.memref_slice %arg12[%dma_wait3A_1446] : memref<7x!tpu.dma_semaphore, #tpu.memory_space<semaphore_mem>> -> memref<1x!tpu.dma_semaphore, #tpu.memory_space<semaphore_mem>>
    %dma_wait3A_1454 = tpu.memref_squeeze %dma_wait3A_1453 : memref<1x!tpu.dma_semaphore, #tpu.memory_space<semaphore_mem>> -> memref<!tpu.dma_semaphore, #tpu.memory_space<semaphore_mem>>
    %dma_wait3A_1455 = arith.constant 0 : i32
    %dma_wait3A_1456 = arith.constant 2048 : i32
    %dma_wait3A_1457 = tpu.memref_slice %arg9[%dma_wait3A_1455, %dma_wait3A_1456] : memref<16x3584xf32, #tpu.memory_space<vmem>> -> memref<16x128xf32, #tpu.memory_space<vmem>>
    %dma_wait3A_1458 = arith.constant 0 : i32
    %dma_wait3A_1459 = arith.constant 0 : i32
    %dma_wait3A_1460 = tpu.memref_slice %arg4[%dma_wait3A_1458, %dma_wait3A_1459] : memref<16x1000000xf32, #tpu.memory_space<hbm>> -> memref<16x128xf32, #tpu.memory_space<hbm>>
    tpu.wait_dma2 semaphore(%dma_wait3A_1454 : memref<!tpu.dma_semaphore, #tpu.memory_space<semaphore_mem>>) src(%dma_wait3A_1460 : memref<16x128xf32, #tpu.memory_space<hbm>>) dst(%dma_wait3A_1457 : memref<16x128xf32, #tpu.memory_space<vmem>>)
    %dma_wait3A_1461 = arith.constant 4 : i32
    %dma_wait3A_1462 = arith.constant 0 : i32
    %dma_wait3A_1463 = arith.constant 2048 : i32
    %dma_wait3A_1464 = tpu.memref_slice %arg10[%dma_wait3A_1462, %dma_wait3A_1463] : memref<16x3584xf32, #tpu.memory_space<vmem>> -> memref<16x128xf32, #tpu.memory_space<vmem>>
    %dma_wait3A_1465 = arith.constant 0 : i32
    %dma_wait3A_1466 = arith.constant 0 : i32
    %dma_wait3A_1467 = tpu.memref_slice %arg5[%dma_wait3A_1465, %dma_wait3A_1466] : memref<16x1000000xf32, #tpu.memory_space<hbm>> -> memref<16x128xf32, #tpu.memory_space<hbm>>
    %dma_wait3A_1468 = tpu.memref_slice %arg12[%dma_wait3A_1461] : memref<7x!tpu.dma_semaphore, #tpu.memory_space<semaphore_mem>> -> memref<1x!tpu.dma_semaphore, #tpu.memory_space<semaphore_mem>>
    %dma_wait3A_1469 = tpu.memref_squeeze %dma_wait3A_1468 : memref<1x!tpu.dma_semaphore, #tpu.memory_space<semaphore_mem>> -> memref<!tpu.dma_semaphore, #tpu.memory_space<semaphore_mem>>
    %dma_wait3A_1470 = arith.constant 0 : i32
    %dma_wait3A_1471 = arith.constant 2048 : i32
    %dma_wait3A_1472 = tpu.memref_slice %arg10[%dma_wait3A_1470, %dma_wait3A_1471] : memref<16x3584xf32, #tpu.memory_space<vmem>> -> memref<16x128xf32, #tpu.memory_space<vmem>>
    %dma_wait3A_1473 = arith.constant 0 : i32
    %dma_wait3A_1474 = arith.constant 0 : i32
    %dma_wait3A_1475 = tpu.memref_slice %arg5[%dma_wait3A_1473, %dma_wait3A_1474] : memref<16x1000000xf32, #tpu.memory_space<hbm>> -> memref<16x128xf32, #tpu.memory_space<hbm>>
    tpu.wait_dma2 semaphore(%dma_wait3A_1469 : memref<!tpu.dma_semaphore, #tpu.memory_space<semaphore_mem>>) src(%dma_wait3A_1475 : memref<16x128xf32, #tpu.memory_space<hbm>>) dst(%dma_wait3A_1472 : memref<16x128xf32, #tpu.memory_space<vmem>>)
    %dma_wait3A_1476 = arith.constant 4 : i32
    %dma_wait3A_1477 = arith.constant 0 : i32
    %dma_wait3A_1478 = arith.constant 2176 : i32
    %dma_wait3A_1479 = tpu.memref_slice %arg9[%dma_wait3A_1477, %dma_wait3A_1478] : memref<16x3584xf32, #tpu.memory_space<vmem>> -> memref<16x128xf32, #tpu.memory_space<vmem>>
    %dma_wait3A_1480 = arith.constant 0 : i32
    %dma_wait3A_1481 = arith.constant 0 : i32
    %dma_wait3A_1482 = tpu.memref_slice %arg4[%dma_wait3A_1480, %dma_wait3A_1481] : memref<16x1000000xf32, #tpu.memory_space<hbm>> -> memref<16x128xf32, #tpu.memory_space<hbm>>
    %dma_wait3A_1483 = tpu.memref_slice %arg12[%dma_wait3A_1476] : memref<7x!tpu.dma_semaphore, #tpu.memory_space<semaphore_mem>> -> memref<1x!tpu.dma_semaphore, #tpu.memory_space<semaphore_mem>>
    %dma_wait3A_1484 = tpu.memref_squeeze %dma_wait3A_1483 : memref<1x!tpu.dma_semaphore, #tpu.memory_space<semaphore_mem>> -> memref<!tpu.dma_semaphore, #tpu.memory_space<semaphore_mem>>
    %dma_wait3A_1485 = arith.constant 0 : i32
    %dma_wait3A_1486 = arith.constant 2176 : i32
    %dma_wait3A_1487 = tpu.memref_slice %arg9[%dma_wait3A_1485, %dma_wait3A_1486] : memref<16x3584xf32, #tpu.memory_space<vmem>> -> memref<16x128xf32, #tpu.memory_space<vmem>>
    %dma_wait3A_1488 = arith.constant 0 : i32
    %dma_wait3A_1489 = arith.constant 0 : i32
    %dma_wait3A_1490 = tpu.memref_slice %arg4[%dma_wait3A_1488, %dma_wait3A_1489] : memref<16x1000000xf32, #tpu.memory_space<hbm>> -> memref<16x128xf32, #tpu.memory_space<hbm>>
    tpu.wait_dma2 semaphore(%dma_wait3A_1484 : memref<!tpu.dma_semaphore, #tpu.memory_space<semaphore_mem>>) src(%dma_wait3A_1490 : memref<16x128xf32, #tpu.memory_space<hbm>>) dst(%dma_wait3A_1487 : memref<16x128xf32, #tpu.memory_space<vmem>>)
    %dma_wait3A_1491 = arith.constant 4 : i32
    %dma_wait3A_1492 = arith.constant 0 : i32
    %dma_wait3A_1493 = arith.constant 2176 : i32
    %dma_wait3A_1494 = tpu.memref_slice %arg10[%dma_wait3A_1492, %dma_wait3A_1493] : memref<16x3584xf32, #tpu.memory_space<vmem>> -> memref<16x128xf32, #tpu.memory_space<vmem>>
    %dma_wait3A_1495 = arith.constant 0 : i32
    %dma_wait3A_1496 = arith.constant 0 : i32
    %dma_wait3A_1497 = tpu.memref_slice %arg5[%dma_wait3A_1495, %dma_wait3A_1496] : memref<16x1000000xf32, #tpu.memory_space<hbm>> -> memref<16x128xf32, #tpu.memory_space<hbm>>
    %dma_wait3A_1498 = tpu.memref_slice %arg12[%dma_wait3A_1491] : memref<7x!tpu.dma_semaphore, #tpu.memory_space<semaphore_mem>> -> memref<1x!tpu.dma_semaphore, #tpu.memory_space<semaphore_mem>>
    %dma_wait3A_1499 = tpu.memref_squeeze %dma_wait3A_1498 : memref<1x!tpu.dma_semaphore, #tpu.memory_space<semaphore_mem>> -> memref<!tpu.dma_semaphore, #tpu.memory_space<semaphore_mem>>
    %dma_wait3A_1500 = arith.constant 0 : i32
    %dma_wait3A_1501 = arith.constant 2176 : i32
    %dma_wait3A_1502 = tpu.memref_slice %arg10[%dma_wait3A_1500, %dma_wait3A_1501] : memref<16x3584xf32, #tpu.memory_space<vmem>> -> memref<16x128xf32, #tpu.memory_space<vmem>>
    %dma_wait3A_1503 = arith.constant 0 : i32
    %dma_wait3A_1504 = arith.constant 0 : i32
    %dma_wait3A_1505 = tpu.memref_slice %arg5[%dma_wait3A_1503, %dma_wait3A_1504] : memref<16x1000000xf32, #tpu.memory_space<hbm>> -> memref<16x128xf32, #tpu.memory_space<hbm>>
    tpu.wait_dma2 semaphore(%dma_wait3A_1499 : memref<!tpu.dma_semaphore, #tpu.memory_space<semaphore_mem>>) src(%dma_wait3A_1505 : memref<16x128xf32, #tpu.memory_space<hbm>>) dst(%dma_wait3A_1502 : memref<16x128xf32, #tpu.memory_space<vmem>>)
    %dma_wait3A_1506 = arith.constant 4 : i32
    %dma_wait3A_1507 = arith.constant 0 : i32
    %dma_wait3A_1508 = arith.constant 2304 : i32
    %dma_wait3A_1509 = tpu.memref_slice %arg9[%dma_wait3A_1507, %dma_wait3A_1508] : memref<16x3584xf32, #tpu.memory_space<vmem>> -> memref<16x128xf32, #tpu.memory_space<vmem>>
    %dma_wait3A_1510 = arith.constant 0 : i32
    %dma_wait3A_1511 = arith.constant 0 : i32
    %dma_wait3A_1512 = tpu.memref_slice %arg4[%dma_wait3A_1510, %dma_wait3A_1511] : memref<16x1000000xf32, #tpu.memory_space<hbm>> -> memref<16x128xf32, #tpu.memory_space<hbm>>
    %dma_wait3A_1513 = tpu.memref_slice %arg12[%dma_wait3A_1506] : memref<7x!tpu.dma_semaphore, #tpu.memory_space<semaphore_mem>> -> memref<1x!tpu.dma_semaphore, #tpu.memory_space<semaphore_mem>>
    %dma_wait3A_1514 = tpu.memref_squeeze %dma_wait3A_1513 : memref<1x!tpu.dma_semaphore, #tpu.memory_space<semaphore_mem>> -> memref<!tpu.dma_semaphore, #tpu.memory_space<semaphore_mem>>
    %dma_wait3A_1515 = arith.constant 0 : i32
    %dma_wait3A_1516 = arith.constant 2304 : i32
    %dma_wait3A_1517 = tpu.memref_slice %arg9[%dma_wait3A_1515, %dma_wait3A_1516] : memref<16x3584xf32, #tpu.memory_space<vmem>> -> memref<16x128xf32, #tpu.memory_space<vmem>>
    %dma_wait3A_1518 = arith.constant 0 : i32
    %dma_wait3A_1519 = arith.constant 0 : i32
    %dma_wait3A_1520 = tpu.memref_slice %arg4[%dma_wait3A_1518, %dma_wait3A_1519] : memref<16x1000000xf32, #tpu.memory_space<hbm>> -> memref<16x128xf32, #tpu.memory_space<hbm>>
    tpu.wait_dma2 semaphore(%dma_wait3A_1514 : memref<!tpu.dma_semaphore, #tpu.memory_space<semaphore_mem>>) src(%dma_wait3A_1520 : memref<16x128xf32, #tpu.memory_space<hbm>>) dst(%dma_wait3A_1517 : memref<16x128xf32, #tpu.memory_space<vmem>>)
    %dma_wait3A_1521 = arith.constant 4 : i32
    %dma_wait3A_1522 = arith.constant 0 : i32
    %dma_wait3A_1523 = arith.constant 2304 : i32
    %dma_wait3A_1524 = tpu.memref_slice %arg10[%dma_wait3A_1522, %dma_wait3A_1523] : memref<16x3584xf32, #tpu.memory_space<vmem>> -> memref<16x128xf32, #tpu.memory_space<vmem>>
    %dma_wait3A_1525 = arith.constant 0 : i32
    %dma_wait3A_1526 = arith.constant 0 : i32
    %dma_wait3A_1527 = tpu.memref_slice %arg5[%dma_wait3A_1525, %dma_wait3A_1526] : memref<16x1000000xf32, #tpu.memory_space<hbm>> -> memref<16x128xf32, #tpu.memory_space<hbm>>
    %dma_wait3A_1528 = tpu.memref_slice %arg12[%dma_wait3A_1521] : memref<7x!tpu.dma_semaphore, #tpu.memory_space<semaphore_mem>> -> memref<1x!tpu.dma_semaphore, #tpu.memory_space<semaphore_mem>>
    %dma_wait3A_1529 = tpu.memref_squeeze %dma_wait3A_1528 : memref<1x!tpu.dma_semaphore, #tpu.memory_space<semaphore_mem>> -> memref<!tpu.dma_semaphore, #tpu.memory_space<semaphore_mem>>
    %dma_wait3A_1530 = arith.constant 0 : i32
    %dma_wait3A_1531 = arith.constant 2304 : i32
    %dma_wait3A_1532 = tpu.memref_slice %arg10[%dma_wait3A_1530, %dma_wait3A_1531] : memref<16x3584xf32, #tpu.memory_space<vmem>> -> memref<16x128xf32, #tpu.memory_space<vmem>>
    %dma_wait3A_1533 = arith.constant 0 : i32
    %dma_wait3A_1534 = arith.constant 0 : i32
    %dma_wait3A_1535 = tpu.memref_slice %arg5[%dma_wait3A_1533, %dma_wait3A_1534] : memref<16x1000000xf32, #tpu.memory_space<hbm>> -> memref<16x128xf32, #tpu.memory_space<hbm>>
    tpu.wait_dma2 semaphore(%dma_wait3A_1529 : memref<!tpu.dma_semaphore, #tpu.memory_space<semaphore_mem>>) src(%dma_wait3A_1535 : memref<16x128xf32, #tpu.memory_space<hbm>>) dst(%dma_wait3A_1532 : memref<16x128xf32, #tpu.memory_space<vmem>>)
    %dma_wait3A_1536 = arith.constant 4 : i32
    %dma_wait3A_1537 = arith.constant 0 : i32
    %dma_wait3A_1538 = arith.constant 2432 : i32
    %dma_wait3A_1539 = tpu.memref_slice %arg9[%dma_wait3A_1537, %dma_wait3A_1538] : memref<16x3584xf32, #tpu.memory_space<vmem>> -> memref<16x128xf32, #tpu.memory_space<vmem>>
    %dma_wait3A_1540 = arith.constant 0 : i32
    %dma_wait3A_1541 = arith.constant 0 : i32
    %dma_wait3A_1542 = tpu.memref_slice %arg4[%dma_wait3A_1540, %dma_wait3A_1541] : memref<16x1000000xf32, #tpu.memory_space<hbm>> -> memref<16x128xf32, #tpu.memory_space<hbm>>
    %dma_wait3A_1543 = tpu.memref_slice %arg12[%dma_wait3A_1536] : memref<7x!tpu.dma_semaphore, #tpu.memory_space<semaphore_mem>> -> memref<1x!tpu.dma_semaphore, #tpu.memory_space<semaphore_mem>>
    %dma_wait3A_1544 = tpu.memref_squeeze %dma_wait3A_1543 : memref<1x!tpu.dma_semaphore, #tpu.memory_space<semaphore_mem>> -> memref<!tpu.dma_semaphore, #tpu.memory_space<semaphore_mem>>
    %dma_wait3A_1545 = arith.constant 0 : i32
    %dma_wait3A_1546 = arith.constant 2432 : i32
    %dma_wait3A_1547 = tpu.memref_slice %arg9[%dma_wait3A_1545, %dma_wait3A_1546] : memref<16x3584xf32, #tpu.memory_space<vmem>> -> memref<16x128xf32, #tpu.memory_space<vmem>>
    %dma_wait3A_1548 = arith.constant 0 : i32
    %dma_wait3A_1549 = arith.constant 0 : i32
    %dma_wait3A_1550 = tpu.memref_slice %arg4[%dma_wait3A_1548, %dma_wait3A_1549] : memref<16x1000000xf32, #tpu.memory_space<hbm>> -> memref<16x128xf32, #tpu.memory_space<hbm>>
    tpu.wait_dma2 semaphore(%dma_wait3A_1544 : memref<!tpu.dma_semaphore, #tpu.memory_space<semaphore_mem>>) src(%dma_wait3A_1550 : memref<16x128xf32, #tpu.memory_space<hbm>>) dst(%dma_wait3A_1547 : memref<16x128xf32, #tpu.memory_space<vmem>>)
    %dma_wait3A_1551 = arith.constant 4 : i32
    %dma_wait3A_1552 = arith.constant 0 : i32
    %dma_wait3A_1553 = arith.constant 2432 : i32
    %dma_wait3A_1554 = tpu.memref_slice %arg10[%dma_wait3A_1552, %dma_wait3A_1553] : memref<16x3584xf32, #tpu.memory_space<vmem>> -> memref<16x128xf32, #tpu.memory_space<vmem>>
    %dma_wait3A_1555 = arith.constant 0 : i32
    %dma_wait3A_1556 = arith.constant 0 : i32
    %dma_wait3A_1557 = tpu.memref_slice %arg5[%dma_wait3A_1555, %dma_wait3A_1556] : memref<16x1000000xf32, #tpu.memory_space<hbm>> -> memref<16x128xf32, #tpu.memory_space<hbm>>
    %dma_wait3A_1558 = tpu.memref_slice %arg12[%dma_wait3A_1551] : memref<7x!tpu.dma_semaphore, #tpu.memory_space<semaphore_mem>> -> memref<1x!tpu.dma_semaphore, #tpu.memory_space<semaphore_mem>>
    %dma_wait3A_1559 = tpu.memref_squeeze %dma_wait3A_1558 : memref<1x!tpu.dma_semaphore, #tpu.memory_space<semaphore_mem>> -> memref<!tpu.dma_semaphore, #tpu.memory_space<semaphore_mem>>
    %dma_wait3A_1560 = arith.constant 0 : i32
    %dma_wait3A_1561 = arith.constant 2432 : i32
    %dma_wait3A_1562 = tpu.memref_slice %arg10[%dma_wait3A_1560, %dma_wait3A_1561] : memref<16x3584xf32, #tpu.memory_space<vmem>> -> memref<16x128xf32, #tpu.memory_space<vmem>>
    %dma_wait3A_1563 = arith.constant 0 : i32
    %dma_wait3A_1564 = arith.constant 0 : i32
    %dma_wait3A_1565 = tpu.memref_slice %arg5[%dma_wait3A_1563, %dma_wait3A_1564] : memref<16x1000000xf32, #tpu.memory_space<hbm>> -> memref<16x128xf32, #tpu.memory_space<hbm>>
    tpu.wait_dma2 semaphore(%dma_wait3A_1559 : memref<!tpu.dma_semaphore, #tpu.memory_space<semaphore_mem>>) src(%dma_wait3A_1565 : memref<16x128xf32, #tpu.memory_space<hbm>>) dst(%dma_wait3A_1562 : memref<16x128xf32, #tpu.memory_space<vmem>>)
    %get3A_1566 = arith.constant 492 : index
    %get3A_1567 = tpu.vector_load %arg7[%get3A_1566] {strides = array<i32>} : memref<528xi32, #tpu.memory_space<vmem>>, vector<16xi32>,
    %get3A_1568 = arith.constant 492 : index
    %get3A_1569 = tpu.vector_load %arg8[%get3A_1568] {strides = array<i32>} : memref<528xi32, #tpu.memory_space<vmem>>, vector<16xi32>,
    %and3A_1570 = arith.constant 3 : i32
    %and3A_1571 = vector.broadcast %and3A_1570 : i32 to vector<16xi32>
    %and3A_1572 = arith.andi %iota3A, %and3A_1571 : vector<16xi32>
    %mul3A_1573 = arith.constant 128 : i32
    %mul3A_1574 = vector.broadcast %mul3A_1573 : i32 to vector<16xi32>
    %mul3A_1575 = arith.muli %and3A_1572, %mul3A_1574 : vector<16xi32>
    %add3A_1576 = arith.constant 2048 : i32
    %add3A_1577 = vector.broadcast %add3A_1576 : i32 to vector<16xi32>
    %add3A_1578 = arith.addi %add3A_1577, %mul3A_1575 : vector<16xi32>
    %and3A_1579 = arith.constant 127 : i32
    %and3A_1580 = vector.broadcast %and3A_1579 : i32 to vector<16xi32>
    %and3A_1581 = arith.andi %get3A_1567, %and3A_1580 : vector<16xi32>
    %add3A_1582 = arith.addi %add3A_1578, %and3A_1581 : vector<16xi32>
    %and3A_1583 = arith.constant 127 : i32
    %and3A_1584 = vector.broadcast %and3A_1583 : i32 to vector<16xi32>
    %and3A_1585 = arith.andi %get3A_1569, %and3A_1584 : vector<16xi32>
    %add3A_1586 = arith.addi %add3A_1578, %and3A_1585 : vector<16xi32>
    %broadcast_in_dim3A_1587 = arith.constant 0.000000e+00 : f32
    %broadcast_in_dim3A_1588 = vector.broadcast %broadcast_in_dim3A_1587 : f32 to vector<16xf32>
    %broadcast_in_dim3A_1589 = arith.constant 0 : i32
    %broadcast_in_dim3A_1590 = vector.broadcast %broadcast_in_dim3A_1589 : i32 to vector<16xi32>
    %gather3A_1591 = tpu.vector_load_idx %arg9[%broadcast_in_dim3A_1590, %add3A_1582] : memref<16x3584xf32, #tpu.memory_space<vmem>>[vector<16xi32>, vector<16xi32>], vector<16xf32>,
    %gather3A_1592 = tpu.vector_load_idx %arg10[%broadcast_in_dim3A_1590, %add3A_1586] : memref<16x3584xf32, #tpu.memory_space<vmem>>[vector<16xi32>, vector<16xi32>], vector<16xf32>,
    %mul3A_1593 = arith.mulf %gather3A_1591, %gather3A_1592 : vector<16xf32>
    %add3A_1594 = arith.addf %broadcast_in_dim3A_1588, %mul3A_1593 : vector<16xf32>
    %broadcast_in_dim3A_1595 = arith.constant 1 : i32
    %broadcast_in_dim3A_1596 = vector.broadcast %broadcast_in_dim3A_1595 : i32 to vector<16xi32>
    %gather3A_1597 = tpu.vector_load_idx %arg9[%broadcast_in_dim3A_1596, %add3A_1582] : memref<16x3584xf32, #tpu.memory_space<vmem>>[vector<16xi32>, vector<16xi32>], vector<16xf32>,
    %gather3A_1598 = tpu.vector_load_idx %arg10[%broadcast_in_dim3A_1596, %add3A_1586] : memref<16x3584xf32, #tpu.memory_space<vmem>>[vector<16xi32>, vector<16xi32>], vector<16xf32>,
    %mul3A_1599 = arith.mulf %gather3A_1597, %gather3A_1598 : vector<16xf32>
    %add3A_1600 = arith.addf %add3A_1594, %mul3A_1599 : vector<16xf32>
    %broadcast_in_dim3A_1601 = arith.constant 2 : i32
    %broadcast_in_dim3A_1602 = vector.broadcast %broadcast_in_dim3A_1601 : i32 to vector<16xi32>
    %gather3A_1603 = tpu.vector_load_idx %arg9[%broadcast_in_dim3A_1602, %add3A_1582] : memref<16x3584xf32, #tpu.memory_space<vmem>>[vector<16xi32>, vector<16xi32>], vector<16xf32>,
    %gather3A_1604 = tpu.vector_load_idx %arg10[%broadcast_in_dim3A_1602, %add3A_1586] : memref<16x3584xf32, #tpu.memory_space<vmem>>[vector<16xi32>, vector<16xi32>], vector<16xf32>,
    %mul3A_1605 = arith.mulf %gather3A_1603, %gather3A_1604 : vector<16xf32>
    %add3A_1606 = arith.addf %add3A_1600, %mul3A_1605 : vector<16xf32>
    %broadcast_in_dim3A_1607 = arith.constant 3 : i32
    %broadcast_in_dim3A_1608 = vector.broadcast %broadcast_in_dim3A_1607 : i32 to vector<16xi32>
    %gather3A_1609 = tpu.vector_load_idx %arg9[%broadcast_in_dim3A_1608, %add3A_1582] : memref<16x3584xf32, #tpu.memory_space<vmem>>[vector<16xi32>, vector<16xi32>], vector<16xf32>,
    %gather3A_1610 = tpu.vector_load_idx %arg10[%broadcast_in_dim3A_1608, %add3A_1586] : memref<16x3584xf32, #tpu.memory_space<vmem>>[vector<16xi32>, vector<16xi32>], vector<16xf32>,
    %mul3A_1611 = arith.mulf %gather3A_1609, %gather3A_1610 : vector<16xf32>
    %add3A_1612 = arith.addf %add3A_1606, %mul3A_1611 : vector<16xf32>
    %broadcast_in_dim3A_1613 = arith.constant 4 : i32
    %broadcast_in_dim3A_1614 = vector.broadcast %broadcast_in_dim3A_1613 : i32 to vector<16xi32>
    %gather3A_1615 = tpu.vector_load_idx %arg9[%broadcast_in_dim3A_1614, %add3A_1582] : memref<16x3584xf32, #tpu.memory_space<vmem>>[vector<16xi32>, vector<16xi32>], vector<16xf32>,
    %gather3A_1616 = tpu.vector_load_idx %arg10[%broadcast_in_dim3A_1614, %add3A_1586] : memref<16x3584xf32, #tpu.memory_space<vmem>>[vector<16xi32>, vector<16xi32>], vector<16xf32>,
    %mul3A_1617 = arith.mulf %gather3A_1615, %gather3A_1616 : vector<16xf32>
    %add3A_1618 = arith.addf %add3A_1612, %mul3A_1617 : vector<16xf32>
    %broadcast_in_dim3A_1619 = arith.constant 5 : i32
    %broadcast_in_dim3A_1620 = vector.broadcast %broadcast_in_dim3A_1619 : i32 to vector<16xi32>
    %gather3A_1621 = tpu.vector_load_idx %arg9[%broadcast_in_dim3A_1620, %add3A_1582] : memref<16x3584xf32, #tpu.memory_space<vmem>>[vector<16xi32>, vector<16xi32>], vector<16xf32>,
    %gather3A_1622 = tpu.vector_load_idx %arg10[%broadcast_in_dim3A_1620, %add3A_1586] : memref<16x3584xf32, #tpu.memory_space<vmem>>[vector<16xi32>, vector<16xi32>], vector<16xf32>,
    %mul3A_1623 = arith.mulf %gather3A_1621, %gather3A_1622 : vector<16xf32>
    %add3A_1624 = arith.addf %add3A_1618, %mul3A_1623 : vector<16xf32>
    %broadcast_in_dim3A_1625 = arith.constant 6 : i32
    %broadcast_in_dim3A_1626 = vector.broadcast %broadcast_in_dim3A_1625 : i32 to vector<16xi32>
    %gather3A_1627 = tpu.vector_load_idx %arg9[%broadcast_in_dim3A_1626, %add3A_1582] : memref<16x3584xf32, #tpu.memory_space<vmem>>[vector<16xi32>, vector<16xi32>], vector<16xf32>,
    %gather3A_1628 = tpu.vector_load_idx %arg10[%broadcast_in_dim3A_1626, %add3A_1586] : memref<16x3584xf32, #tpu.memory_space<vmem>>[vector<16xi32>, vector<16xi32>], vector<16xf32>,
    %mul3A_1629 = arith.mulf %gather3A_1627, %gather3A_1628 : vector<16xf32>
    %add3A_1630 = arith.addf %add3A_1624, %mul3A_1629 : vector<16xf32>
    %broadcast_in_dim3A_1631 = arith.constant 7 : i32
    %broadcast_in_dim3A_1632 = vector.broadcast %broadcast_in_dim3A_1631 : i32 to vector<16xi32>
    %gather3A_1633 = tpu.vector_load_idx %arg9[%broadcast_in_dim3A_1632, %add3A_1582] : memref<16x3584xf32, #tpu.memory_space<vmem>>[vector<16xi32>, vector<16xi32>], vector<16xf32>,
    %gather3A_1634 = tpu.vector_load_idx %arg10[%broadcast_in_dim3A_1632, %add3A_1586] : memref<16x3584xf32, #tpu.memory_space<vmem>>[vector<16xi32>, vector<16xi32>], vector<16xf32>,
    %mul3A_1635 = arith.mulf %gather3A_1633, %gather3A_1634 : vector<16xf32>
    %add3A_1636 = arith.addf %add3A_1630, %mul3A_1635 : vector<16xf32>
    %broadcast_in_dim3A_1637 = arith.constant 8 : i32
    %broadcast_in_dim3A_1638 = vector.broadcast %broadcast_in_dim3A_1637 : i32 to vector<16xi32>
    %gather3A_1639 = tpu.vector_load_idx %arg9[%broadcast_in_dim3A_1638, %add3A_1582] : memref<16x3584xf32, #tpu.memory_space<vmem>>[vector<16xi32>, vector<16xi32>], vector<16xf32>,
    %gather3A_1640 = tpu.vector_load_idx %arg10[%broadcast_in_dim3A_1638, %add3A_1586] : memref<16x3584xf32, #tpu.memory_space<vmem>>[vector<16xi32>, vector<16xi32>], vector<16xf32>,
    %mul3A_1641 = arith.mulf %gather3A_1639, %gather3A_1640 : vector<16xf32>
    %add3A_1642 = arith.addf %add3A_1636, %mul3A_1641 : vector<16xf32>
    %broadcast_in_dim3A_1643 = arith.constant 9 : i32
    %broadcast_in_dim3A_1644 = vector.broadcast %broadcast_in_dim3A_1643 : i32 to vector<16xi32>
    %gather3A_1645 = tpu.vector_load_idx %arg9[%broadcast_in_dim3A_1644, %add3A_1582] : memref<16x3584xf32, #tpu.memory_space<vmem>>[vector<16xi32>, vector<16xi32>], vector<16xf32>,
    %gather3A_1646 = tpu.vector_load_idx %arg10[%broadcast_in_dim3A_1644, %add3A_1586] : memref<16x3584xf32, #tpu.memory_space<vmem>>[vector<16xi32>, vector<16xi32>], vector<16xf32>,
    %mul3A_1647 = arith.mulf %gather3A_1645, %gather3A_1646 : vector<16xf32>
    %add3A_1648 = arith.addf %add3A_1642, %mul3A_1647 : vector<16xf32>
    %broadcast_in_dim3A_1649 = arith.constant 10 : i32
    %broadcast_in_dim3A_1650 = vector.broadcast %broadcast_in_dim3A_1649 : i32 to vector<16xi32>
    %gather3A_1651 = tpu.vector_load_idx %arg9[%broadcast_in_dim3A_1650, %add3A_1582] : memref<16x3584xf32, #tpu.memory_space<vmem>>[vector<16xi32>, vector<16xi32>], vector<16xf32>,
    %gather3A_1652 = tpu.vector_load_idx %arg10[%broadcast_in_dim3A_1650, %add3A_1586] : memref<16x3584xf32, #tpu.memory_space<vmem>>[vector<16xi32>, vector<16xi32>], vector<16xf32>,
    %mul3A_1653 = arith.mulf %gather3A_1651, %gather3A_1652 : vector<16xf32>
    %add3A_1654 = arith.addf %add3A_1648, %mul3A_1653 : vector<16xf32>
    %broadcast_in_dim3A_1655 = arith.constant 11 : i32
    %broadcast_in_dim3A_1656 = vector.broadcast %broadcast_in_dim3A_1655 : i32 to vector<16xi32>
    %gather3A_1657 = tpu.vector_load_idx %arg9[%broadcast_in_dim3A_1656, %add3A_1582] : memref<16x3584xf32, #tpu.memory_space<vmem>>[vector<16xi32>, vector<16xi32>], vector<16xf32>,
    %gather3A_1658 = tpu.vector_load_idx %arg10[%broadcast_in_dim3A_1656, %add3A_1586] : memref<16x3584xf32, #tpu.memory_space<vmem>>[vector<16xi32>, vector<16xi32>], vector<16xf32>,
    %mul3A_1659 = arith.mulf %gather3A_1657, %gather3A_1658 : vector<16xf32>
    %add3A_1660 = arith.addf %add3A_1654, %mul3A_1659 : vector<16xf32>
    %broadcast_in_dim3A_1661 = arith.constant 12 : i32
    %broadcast_in_dim3A_1662 = vector.broadcast %broadcast_in_dim3A_1661 : i32 to vector<16xi32>
    %gather3A_1663 = tpu.vector_load_idx %arg9[%broadcast_in_dim3A_1662, %add3A_1582] : memref<16x3584xf32, #tpu.memory_space<vmem>>[vector<16xi32>, vector<16xi32>], vector<16xf32>,
    %gather3A_1664 = tpu.vector_load_idx %arg10[%broadcast_in_dim3A_1662, %add3A_1586] : memref<16x3584xf32, #tpu.memory_space<vmem>>[vector<16xi32>, vector<16xi32>], vector<16xf32>,
    %mul3A_1665 = arith.mulf %gather3A_1663, %gather3A_1664 : vector<16xf32>
    %add3A_1666 = arith.addf %add3A_1660, %mul3A_1665 : vector<16xf32>
    %broadcast_in_dim3A_1667 = arith.constant 13 : i32
    %broadcast_in_dim3A_1668 = vector.broadcast %broadcast_in_dim3A_1667 : i32 to vector<16xi32>
    %gather3A_1669 = tpu.vector_load_idx %arg9[%broadcast_in_dim3A_1668, %add3A_1582] : memref<16x3584xf32, #tpu.memory_space<vmem>>[vector<16xi32>, vector<16xi32>], vector<16xf32>,
    %gather3A_1670 = tpu.vector_load_idx %arg10[%broadcast_in_dim3A_1668, %add3A_1586] : memref<16x3584xf32, #tpu.memory_space<vmem>>[vector<16xi32>, vector<16xi32>], vector<16xf32>,
    %mul3A_1671 = arith.mulf %gather3A_1669, %gather3A_1670 : vector<16xf32>
    %add3A_1672 = arith.addf %add3A_1666, %mul3A_1671 : vector<16xf32>
    %broadcast_in_dim3A_1673 = arith.constant 14 : i32
    %broadcast_in_dim3A_1674 = vector.broadcast %broadcast_in_dim3A_1673 : i32 to vector<16xi32>
    %gather3A_1675 = tpu.vector_load_idx %arg9[%broadcast_in_dim3A_1674, %add3A_1582] : memref<16x3584xf32, #tpu.memory_space<vmem>>[vector<16xi32>, vector<16xi32>], vector<16xf32>,
    %gather3A_1676 = tpu.vector_load_idx %arg10[%broadcast_in_dim3A_1674, %add3A_1586] : memref<16x3584xf32, #tpu.memory_space<vmem>>[vector<16xi32>, vector<16xi32>], vector<16xf32>,
    %mul3A_1677 = arith.mulf %gather3A_1675, %gather3A_1676 : vector<16xf32>
    %add3A_1678 = arith.addf %add3A_1672, %mul3A_1677 : vector<16xf32>
    %broadcast_in_dim3A_1679 = arith.constant 15 : i32
    %broadcast_in_dim3A_1680 = vector.broadcast %broadcast_in_dim3A_1679 : i32 to vector<16xi32>
    %gather3A_1681 = tpu.vector_load_idx %arg9[%broadcast_in_dim3A_1680, %add3A_1582] : memref<16x3584xf32, #tpu.memory_space<vmem>>[vector<16xi32>, vector<16xi32>], vector<16xf32>,
    %gather3A_1682 = tpu.vector_load_idx %arg10[%broadcast_in_dim3A_1680, %add3A_1586] : memref<16x3584xf32, #tpu.memory_space<vmem>>[vector<16xi32>, vector<16xi32>], vector<16xf32>,
    %mul3A_1683 = arith.mulf %gather3A_1681, %gather3A_1682 : vector<16xf32>
    %add3A_1684 = arith.addf %add3A_1678, %mul3A_1683 : vector<16xf32>
    %swap3A_1685 = arith.constant 492 : index
    %swap3A_1686 = tpu.vector_load %arg11[%swap3A_1685] {strides = array<i32>} : memref<528xf32, #tpu.memory_space<vmem>>, vector<16xf32>,
    tpu.vector_store %arg11[%swap3A_1685], %add3A_1684 {strides = array<i32>} : memref<528xf32, #tpu.memory_space<vmem>>, vector<16xf32>,
    %dma_wait3A_1687 = arith.constant 5 : i32
    %dma_wait3A_1688 = arith.constant 0 : i32
    %dma_wait3A_1689 = arith.constant 2560 : i32
    %dma_wait3A_1690 = tpu.memref_slice %arg9[%dma_wait3A_1688, %dma_wait3A_1689] : memref<16x3584xf32, #tpu.memory_space<vmem>> -> memref<16x128xf32, #tpu.memory_space<vmem>>
    %dma_wait3A_1691 = arith.constant 0 : i32
    %dma_wait3A_1692 = arith.constant 0 : i32
    %dma_wait3A_1693 = tpu.memref_slice %arg4[%dma_wait3A_1691, %dma_wait3A_1692] : memref<16x1000000xf32, #tpu.memory_space<hbm>> -> memref<16x128xf32, #tpu.memory_space<hbm>>
    %dma_wait3A_1694 = tpu.memref_slice %arg12[%dma_wait3A_1687] : memref<7x!tpu.dma_semaphore, #tpu.memory_space<semaphore_mem>> -> memref<1x!tpu.dma_semaphore, #tpu.memory_space<semaphore_mem>>
    %dma_wait3A_1695 = tpu.memref_squeeze %dma_wait3A_1694 : memref<1x!tpu.dma_semaphore, #tpu.memory_space<semaphore_mem>> -> memref<!tpu.dma_semaphore, #tpu.memory_space<semaphore_mem>>
    %dma_wait3A_1696 = arith.constant 0 : i32
    %dma_wait3A_1697 = arith.constant 2560 : i32
    %dma_wait3A_1698 = tpu.memref_slice %arg9[%dma_wait3A_1696, %dma_wait3A_1697] : memref<16x3584xf32, #tpu.memory_space<vmem>> -> memref<16x128xf32, #tpu.memory_space<vmem>>
    %dma_wait3A_1699 = arith.constant 0 : i32
    %dma_wait3A_1700 = arith.constant 0 : i32
    %dma_wait3A_1701 = tpu.memref_slice %arg4[%dma_wait3A_1699, %dma_wait3A_1700] : memref<16x1000000xf32, #tpu.memory_space<hbm>> -> memref<16x128xf32, #tpu.memory_space<hbm>>
    tpu.wait_dma2 semaphore(%dma_wait3A_1695 : memref<!tpu.dma_semaphore, #tpu.memory_space<semaphore_mem>>) src(%dma_wait3A_1701 : memref<16x128xf32, #tpu.memory_space<hbm>>) dst(%dma_wait3A_1698 : memref<16x128xf32, #tpu.memory_space<vmem>>)
    %dma_wait3A_1702 = arith.constant 5 : i32
    %dma_wait3A_1703 = arith.constant 0 : i32
    %dma_wait3A_1704 = arith.constant 2560 : i32
    %dma_wait3A_1705 = tpu.memref_slice %arg10[%dma_wait3A_1703, %dma_wait3A_1704] : memref<16x3584xf32, #tpu.memory_space<vmem>> -> memref<16x128xf32, #tpu.memory_space<vmem>>
    %dma_wait3A_1706 = arith.constant 0 : i32
    %dma_wait3A_1707 = arith.constant 0 : i32
    %dma_wait3A_1708 = tpu.memref_slice %arg5[%dma_wait3A_1706, %dma_wait3A_1707] : memref<16x1000000xf32, #tpu.memory_space<hbm>> -> memref<16x128xf32, #tpu.memory_space<hbm>>
    %dma_wait3A_1709 = tpu.memref_slice %arg12[%dma_wait3A_1702] : memref<7x!tpu.dma_semaphore, #tpu.memory_space<semaphore_mem>> -> memref<1x!tpu.dma_semaphore, #tpu.memory_space<semaphore_mem>>
    %dma_wait3A_1710 = tpu.memref_squeeze %dma_wait3A_1709 : memref<1x!tpu.dma_semaphore, #tpu.memory_space<semaphore_mem>> -> memref<!tpu.dma_semaphore, #tpu.memory_space<semaphore_mem>>
    %dma_wait3A_1711 = arith.constant 0 : i32
    %dma_wait3A_1712 = arith.constant 2560 : i32
    %dma_wait3A_1713 = tpu.memref_slice %arg10[%dma_wait3A_1711, %dma_wait3A_1712] : memref<16x3584xf32, #tpu.memory_space<vmem>> -> memref<16x128xf32, #tpu.memory_space<vmem>>
    %dma_wait3A_1714 = arith.constant 0 : i32
    %dma_wait3A_1715 = arith.constant 0 : i32
    %dma_wait3A_1716 = tpu.memref_slice %arg5[%dma_wait3A_1714, %dma_wait3A_1715] : memref<16x1000000xf32, #tpu.memory_space<hbm>> -> memref<16x128xf32, #tpu.memory_space<hbm>>
    tpu.wait_dma2 semaphore(%dma_wait3A_1710 : memref<!tpu.dma_semaphore, #tpu.memory_space<semaphore_mem>>) src(%dma_wait3A_1716 : memref<16x128xf32, #tpu.memory_space<hbm>>) dst(%dma_wait3A_1713 : memref<16x128xf32, #tpu.memory_space<vmem>>)
    %dma_wait3A_1717 = arith.constant 5 : i32
    %dma_wait3A_1718 = arith.constant 0 : i32
    %dma_wait3A_1719 = arith.constant 2688 : i32
    %dma_wait3A_1720 = tpu.memref_slice %arg9[%dma_wait3A_1718, %dma_wait3A_1719] : memref<16x3584xf32, #tpu.memory_space<vmem>> -> memref<16x128xf32, #tpu.memory_space<vmem>>
    %dma_wait3A_1721 = arith.constant 0 : i32
    %dma_wait3A_1722 = arith.constant 0 : i32
    %dma_wait3A_1723 = tpu.memref_slice %arg4[%dma_wait3A_1721, %dma_wait3A_1722] : memref<16x1000000xf32, #tpu.memory_space<hbm>> -> memref<16x128xf32, #tpu.memory_space<hbm>>
    %dma_wait3A_1724 = tpu.memref_slice %arg12[%dma_wait3A_1717] : memref<7x!tpu.dma_semaphore, #tpu.memory_space<semaphore_mem>> -> memref<1x!tpu.dma_semaphore, #tpu.memory_space<semaphore_mem>>
    %dma_wait3A_1725 = tpu.memref_squeeze %dma_wait3A_1724 : memref<1x!tpu.dma_semaphore, #tpu.memory_space<semaphore_mem>> -> memref<!tpu.dma_semaphore, #tpu.memory_space<semaphore_mem>>
    %dma_wait3A_1726 = arith.constant 0 : i32
    %dma_wait3A_1727 = arith.constant 2688 : i32
    %dma_wait3A_1728 = tpu.memref_slice %arg9[%dma_wait3A_1726, %dma_wait3A_1727] : memref<16x3584xf32, #tpu.memory_space<vmem>> -> memref<16x128xf32, #tpu.memory_space<vmem>>
    %dma_wait3A_1729 = arith.constant 0 : i32
    %dma_wait3A_1730 = arith.constant 0 : i32
    %dma_wait3A_1731 = tpu.memref_slice %arg4[%dma_wait3A_1729, %dma_wait3A_1730] : memref<16x1000000xf32, #tpu.memory_space<hbm>> -> memref<16x128xf32, #tpu.memory_space<hbm>>
    tpu.wait_dma2 semaphore(%dma_wait3A_1725 : memref<!tpu.dma_semaphore, #tpu.memory_space<semaphore_mem>>) src(%dma_wait3A_1731 : memref<16x128xf32, #tpu.memory_space<hbm>>) dst(%dma_wait3A_1728 : memref<16x128xf32, #tpu.memory_space<vmem>>)
    %dma_wait3A_1732 = arith.constant 5 : i32
    %dma_wait3A_1733 = arith.constant 0 : i32
    %dma_wait3A_1734 = arith.constant 2688 : i32
    %dma_wait3A_1735 = tpu.memref_slice %arg10[%dma_wait3A_1733, %dma_wait3A_1734] : memref<16x3584xf32, #tpu.memory_space<vmem>> -> memref<16x128xf32, #tpu.memory_space<vmem>>
    %dma_wait3A_1736 = arith.constant 0 : i32
    %dma_wait3A_1737 = arith.constant 0 : i32
    %dma_wait3A_1738 = tpu.memref_slice %arg5[%dma_wait3A_1736, %dma_wait3A_1737] : memref<16x1000000xf32, #tpu.memory_space<hbm>> -> memref<16x128xf32, #tpu.memory_space<hbm>>
    %dma_wait3A_1739 = tpu.memref_slice %arg12[%dma_wait3A_1732] : memref<7x!tpu.dma_semaphore, #tpu.memory_space<semaphore_mem>> -> memref<1x!tpu.dma_semaphore, #tpu.memory_space<semaphore_mem>>
    %dma_wait3A_1740 = tpu.memref_squeeze %dma_wait3A_1739 : memref<1x!tpu.dma_semaphore, #tpu.memory_space<semaphore_mem>> -> memref<!tpu.dma_semaphore, #tpu.memory_space<semaphore_mem>>
    %dma_wait3A_1741 = arith.constant 0 : i32
    %dma_wait3A_1742 = arith.constant 2688 : i32
    %dma_wait3A_1743 = tpu.memref_slice %arg10[%dma_wait3A_1741, %dma_wait3A_1742] : memref<16x3584xf32, #tpu.memory_space<vmem>> -> memref<16x128xf32, #tpu.memory_space<vmem>>
    %dma_wait3A_1744 = arith.constant 0 : i32
    %dma_wait3A_1745 = arith.constant 0 : i32
    %dma_wait3A_1746 = tpu.memref_slice %arg5[%dma_wait3A_1744, %dma_wait3A_1745] : memref<16x1000000xf32, #tpu.memory_space<hbm>> -> memref<16x128xf32, #tpu.memory_space<hbm>>
    tpu.wait_dma2 semaphore(%dma_wait3A_1740 : memref<!tpu.dma_semaphore, #tpu.memory_space<semaphore_mem>>) src(%dma_wait3A_1746 : memref<16x128xf32, #tpu.memory_space<hbm>>) dst(%dma_wait3A_1743 : memref<16x128xf32, #tpu.memory_space<vmem>>)
    %dma_wait3A_1747 = arith.constant 5 : i32
    %dma_wait3A_1748 = arith.constant 0 : i32
    %dma_wait3A_1749 = arith.constant 2816 : i32
    %dma_wait3A_1750 = tpu.memref_slice %arg9[%dma_wait3A_1748, %dma_wait3A_1749] : memref<16x3584xf32, #tpu.memory_space<vmem>> -> memref<16x128xf32, #tpu.memory_space<vmem>>
    %dma_wait3A_1751 = arith.constant 0 : i32
    %dma_wait3A_1752 = arith.constant 0 : i32
    %dma_wait3A_1753 = tpu.memref_slice %arg4[%dma_wait3A_1751, %dma_wait3A_1752] : memref<16x1000000xf32, #tpu.memory_space<hbm>> -> memref<16x128xf32, #tpu.memory_space<hbm>>
    %dma_wait3A_1754 = tpu.memref_slice %arg12[%dma_wait3A_1747] : memref<7x!tpu.dma_semaphore, #tpu.memory_space<semaphore_mem>> -> memref<1x!tpu.dma_semaphore, #tpu.memory_space<semaphore_mem>>
    %dma_wait3A_1755 = tpu.memref_squeeze %dma_wait3A_1754 : memref<1x!tpu.dma_semaphore, #tpu.memory_space<semaphore_mem>> -> memref<!tpu.dma_semaphore, #tpu.memory_space<semaphore_mem>>
    %dma_wait3A_1756 = arith.constant 0 : i32
    %dma_wait3A_1757 = arith.constant 2816 : i32
    %dma_wait3A_1758 = tpu.memref_slice %arg9[%dma_wait3A_1756, %dma_wait3A_1757] : memref<16x3584xf32, #tpu.memory_space<vmem>> -> memref<16x128xf32, #tpu.memory_space<vmem>>
    %dma_wait3A_1759 = arith.constant 0 : i32
    %dma_wait3A_1760 = arith.constant 0 : i32
    %dma_wait3A_1761 = tpu.memref_slice %arg4[%dma_wait3A_1759, %dma_wait3A_1760] : memref<16x1000000xf32, #tpu.memory_space<hbm>> -> memref<16x128xf32, #tpu.memory_space<hbm>>
    tpu.wait_dma2 semaphore(%dma_wait3A_1755 : memref<!tpu.dma_semaphore, #tpu.memory_space<semaphore_mem>>) src(%dma_wait3A_1761 : memref<16x128xf32, #tpu.memory_space<hbm>>) dst(%dma_wait3A_1758 : memref<16x128xf32, #tpu.memory_space<vmem>>)
    %dma_wait3A_1762 = arith.constant 5 : i32
    %dma_wait3A_1763 = arith.constant 0 : i32
    %dma_wait3A_1764 = arith.constant 2816 : i32
    %dma_wait3A_1765 = tpu.memref_slice %arg10[%dma_wait3A_1763, %dma_wait3A_1764] : memref<16x3584xf32, #tpu.memory_space<vmem>> -> memref<16x128xf32, #tpu.memory_space<vmem>>
    %dma_wait3A_1766 = arith.constant 0 : i32
    %dma_wait3A_1767 = arith.constant 0 : i32
    %dma_wait3A_1768 = tpu.memref_slice %arg5[%dma_wait3A_1766, %dma_wait3A_1767] : memref<16x1000000xf32, #tpu.memory_space<hbm>> -> memref<16x128xf32, #tpu.memory_space<hbm>>
    %dma_wait3A_1769 = tpu.memref_slice %arg12[%dma_wait3A_1762] : memref<7x!tpu.dma_semaphore, #tpu.memory_space<semaphore_mem>> -> memref<1x!tpu.dma_semaphore, #tpu.memory_space<semaphore_mem>>
    %dma_wait3A_1770 = tpu.memref_squeeze %dma_wait3A_1769 : memref<1x!tpu.dma_semaphore, #tpu.memory_space<semaphore_mem>> -> memref<!tpu.dma_semaphore, #tpu.memory_space<semaphore_mem>>
    %dma_wait3A_1771 = arith.constant 0 : i32
    %dma_wait3A_1772 = arith.constant 2816 : i32
    %dma_wait3A_1773 = tpu.memref_slice %arg10[%dma_wait3A_1771, %dma_wait3A_1772] : memref<16x3584xf32, #tpu.memory_space<vmem>> -> memref<16x128xf32, #tpu.memory_space<vmem>>
    %dma_wait3A_1774 = arith.constant 0 : i32
    %dma_wait3A_1775 = arith.constant 0 : i32
    %dma_wait3A_1776 = tpu.memref_slice %arg5[%dma_wait3A_1774, %dma_wait3A_1775] : memref<16x1000000xf32, #tpu.memory_space<hbm>> -> memref<16x128xf32, #tpu.memory_space<hbm>>
    tpu.wait_dma2 semaphore(%dma_wait3A_1770 : memref<!tpu.dma_semaphore, #tpu.memory_space<semaphore_mem>>) src(%dma_wait3A_1776 : memref<16x128xf32, #tpu.memory_space<hbm>>) dst(%dma_wait3A_1773 : memref<16x128xf32, #tpu.memory_space<vmem>>)
    %dma_wait3A_1777 = arith.constant 5 : i32
    %dma_wait3A_1778 = arith.constant 0 : i32
    %dma_wait3A_1779 = arith.constant 2944 : i32
    %dma_wait3A_1780 = tpu.memref_slice %arg9[%dma_wait3A_1778, %dma_wait3A_1779] : memref<16x3584xf32, #tpu.memory_space<vmem>> -> memref<16x128xf32, #tpu.memory_space<vmem>>
    %dma_wait3A_1781 = arith.constant 0 : i32
    %dma_wait3A_1782 = arith.constant 0 : i32
    %dma_wait3A_1783 = tpu.memref_slice %arg4[%dma_wait3A_1781, %dma_wait3A_1782] : memref<16x1000000xf32, #tpu.memory_space<hbm>> -> memref<16x128xf32, #tpu.memory_space<hbm>>
    %dma_wait3A_1784 = tpu.memref_slice %arg12[%dma_wait3A_1777] : memref<7x!tpu.dma_semaphore, #tpu.memory_space<semaphore_mem>> -> memref<1x!tpu.dma_semaphore, #tpu.memory_space<semaphore_mem>>
    %dma_wait3A_1785 = tpu.memref_squeeze %dma_wait3A_1784 : memref<1x!tpu.dma_semaphore, #tpu.memory_space<semaphore_mem>> -> memref<!tpu.dma_semaphore, #tpu.memory_space<semaphore_mem>>
    %dma_wait3A_1786 = arith.constant 0 : i32
    %dma_wait3A_1787 = arith.constant 2944 : i32
    %dma_wait3A_1788 = tpu.memref_slice %arg9[%dma_wait3A_1786, %dma_wait3A_1787] : memref<16x3584xf32, #tpu.memory_space<vmem>> -> memref<16x128xf32, #tpu.memory_space<vmem>>
    %dma_wait3A_1789 = arith.constant 0 : i32
    %dma_wait3A_1790 = arith.constant 0 : i32
    %dma_wait3A_1791 = tpu.memref_slice %arg4[%dma_wait3A_1789, %dma_wait3A_1790] : memref<16x1000000xf32, #tpu.memory_space<hbm>> -> memref<16x128xf32, #tpu.memory_space<hbm>>
    tpu.wait_dma2 semaphore(%dma_wait3A_1785 : memref<!tpu.dma_semaphore, #tpu.memory_space<semaphore_mem>>) src(%dma_wait3A_1791 : memref<16x128xf32, #tpu.memory_space<hbm>>) dst(%dma_wait3A_1788 : memref<16x128xf32, #tpu.memory_space<vmem>>)
    %dma_wait3A_1792 = arith.constant 5 : i32
    %dma_wait3A_1793 = arith.constant 0 : i32
    %dma_wait3A_1794 = arith.constant 2944 : i32
    %dma_wait3A_1795 = tpu.memref_slice %arg10[%dma_wait3A_1793, %dma_wait3A_1794] : memref<16x3584xf32, #tpu.memory_space<vmem>> -> memref<16x128xf32, #tpu.memory_space<vmem>>
    %dma_wait3A_1796 = arith.constant 0 : i32
    %dma_wait3A_1797 = arith.constant 0 : i32
    %dma_wait3A_1798 = tpu.memref_slice %arg5[%dma_wait3A_1796, %dma_wait3A_1797] : memref<16x1000000xf32, #tpu.memory_space<hbm>> -> memref<16x128xf32, #tpu.memory_space<hbm>>
    %dma_wait3A_1799 = tpu.memref_slice %arg12[%dma_wait3A_1792] : memref<7x!tpu.dma_semaphore, #tpu.memory_space<semaphore_mem>> -> memref<1x!tpu.dma_semaphore, #tpu.memory_space<semaphore_mem>>
    %dma_wait3A_1800 = tpu.memref_squeeze %dma_wait3A_1799 : memref<1x!tpu.dma_semaphore, #tpu.memory_space<semaphore_mem>> -> memref<!tpu.dma_semaphore, #tpu.memory_space<semaphore_mem>>
    %dma_wait3A_1801 = arith.constant 0 : i32
    %dma_wait3A_1802 = arith.constant 2944 : i32
    %dma_wait3A_1803 = tpu.memref_slice %arg10[%dma_wait3A_1801, %dma_wait3A_1802] : memref<16x3584xf32, #tpu.memory_space<vmem>> -> memref<16x128xf32, #tpu.memory_space<vmem>>
    %dma_wait3A_1804 = arith.constant 0 : i32
    %dma_wait3A_1805 = arith.constant 0 : i32
    %dma_wait3A_1806 = tpu.memref_slice %arg5[%dma_wait3A_1804, %dma_wait3A_1805] : memref<16x1000000xf32, #tpu.memory_space<hbm>> -> memref<16x128xf32, #tpu.memory_space<hbm>>
    tpu.wait_dma2 semaphore(%dma_wait3A_1800 : memref<!tpu.dma_semaphore, #tpu.memory_space<semaphore_mem>>) src(%dma_wait3A_1806 : memref<16x128xf32, #tpu.memory_space<hbm>>) dst(%dma_wait3A_1803 : memref<16x128xf32, #tpu.memory_space<vmem>>)
    %get3A_1807 = arith.constant 496 : index
    %get3A_1808 = tpu.vector_load %arg7[%get3A_1807] {strides = array<i32>} : memref<528xi32, #tpu.memory_space<vmem>>, vector<16xi32>,
    %get3A_1809 = arith.constant 496 : index
    %get3A_1810 = tpu.vector_load %arg8[%get3A_1809] {strides = array<i32>} : memref<528xi32, #tpu.memory_space<vmem>>, vector<16xi32>,
    %and3A_1811 = arith.constant 3 : i32
    %and3A_1812 = vector.broadcast %and3A_1811 : i32 to vector<16xi32>
    %and3A_1813 = arith.andi %iota3A, %and3A_1812 : vector<16xi32>
    %mul3A_1814 = arith.constant 128 : i32
    %mul3A_1815 = vector.broadcast %mul3A_1814 : i32 to vector<16xi32>
    %mul3A_1816 = arith.muli %and3A_1813, %mul3A_1815 : vector<16xi32>
    %add3A_1817 = arith.constant 2560 : i32
    %add3A_1818 = vector.broadcast %add3A_1817 : i32 to vector<16xi32>
    %add3A_1819 = arith.addi %add3A_1818, %mul3A_1816 : vector<16xi32>
    %and3A_1820 = arith.constant 127 : i32
    %and3A_1821 = vector.broadcast %and3A_1820 : i32 to vector<16xi32>
    %and3A_1822 = arith.andi %get3A_1808, %and3A_1821 : vector<16xi32>
    %add3A_1823 = arith.addi %add3A_1819, %and3A_1822 : vector<16xi32>
    %and3A_1824 = arith.constant 127 : i32
    %and3A_1825 = vector.broadcast %and3A_1824 : i32 to vector<16xi32>
    %and3A_1826 = arith.andi %get3A_1810, %and3A_1825 : vector<16xi32>
    %add3A_1827 = arith.addi %add3A_1819, %and3A_1826 : vector<16xi32>
    %broadcast_in_dim3A_1828 = arith.constant 0.000000e+00 : f32
    %broadcast_in_dim3A_1829 = vector.broadcast %broadcast_in_dim3A_1828 : f32 to vector<16xf32>
    %broadcast_in_dim3A_1830 = arith.constant 0 : i32
    %broadcast_in_dim3A_1831 = vector.broadcast %broadcast_in_dim3A_1830 : i32 to vector<16xi32>
    %gather3A_1832 = tpu.vector_load_idx %arg9[%broadcast_in_dim3A_1831, %add3A_1823] : memref<16x3584xf32, #tpu.memory_space<vmem>>[vector<16xi32>, vector<16xi32>], vector<16xf32>,
    %gather3A_1833 = tpu.vector_load_idx %arg10[%broadcast_in_dim3A_1831, %add3A_1827] : memref<16x3584xf32, #tpu.memory_space<vmem>>[vector<16xi32>, vector<16xi32>], vector<16xf32>,
    %mul3A_1834 = arith.mulf %gather3A_1832, %gather3A_1833 : vector<16xf32>
    %add3A_1835 = arith.addf %broadcast_in_dim3A_1829, %mul3A_1834 : vector<16xf32>
    %broadcast_in_dim3A_1836 = arith.constant 1 : i32
    %broadcast_in_dim3A_1837 = vector.broadcast %broadcast_in_dim3A_1836 : i32 to vector<16xi32>
    %gather3A_1838 = tpu.vector_load_idx %arg9[%broadcast_in_dim3A_1837, %add3A_1823] : memref<16x3584xf32, #tpu.memory_space<vmem>>[vector<16xi32>, vector<16xi32>], vector<16xf32>,
    %gather3A_1839 = tpu.vector_load_idx %arg10[%broadcast_in_dim3A_1837, %add3A_1827] : memref<16x3584xf32, #tpu.memory_space<vmem>>[vector<16xi32>, vector<16xi32>], vector<16xf32>,
    %mul3A_1840 = arith.mulf %gather3A_1838, %gather3A_1839 : vector<16xf32>
    %add3A_1841 = arith.addf %add3A_1835, %mul3A_1840 : vector<16xf32>
    %broadcast_in_dim3A_1842 = arith.constant 2 : i32
    %broadcast_in_dim3A_1843 = vector.broadcast %broadcast_in_dim3A_1842 : i32 to vector<16xi32>
    %gather3A_1844 = tpu.vector_load_idx %arg9[%broadcast_in_dim3A_1843, %add3A_1823] : memref<16x3584xf32, #tpu.memory_space<vmem>>[vector<16xi32>, vector<16xi32>], vector<16xf32>,
    %gather3A_1845 = tpu.vector_load_idx %arg10[%broadcast_in_dim3A_1843, %add3A_1827] : memref<16x3584xf32, #tpu.memory_space<vmem>>[vector<16xi32>, vector<16xi32>], vector<16xf32>,
    %mul3A_1846 = arith.mulf %gather3A_1844, %gather3A_1845 : vector<16xf32>
    %add3A_1847 = arith.addf %add3A_1841, %mul3A_1846 : vector<16xf32>
    %broadcast_in_dim3A_1848 = arith.constant 3 : i32
    %broadcast_in_dim3A_1849 = vector.broadcast %broadcast_in_dim3A_1848 : i32 to vector<16xi32>
    %gather3A_1850 = tpu.vector_load_idx %arg9[%broadcast_in_dim3A_1849, %add3A_1823] : memref<16x3584xf32, #tpu.memory_space<vmem>>[vector<16xi32>, vector<16xi32>], vector<16xf32>,
    %gather3A_1851 = tpu.vector_load_idx %arg10[%broadcast_in_dim3A_1849, %add3A_1827] : memref<16x3584xf32, #tpu.memory_space<vmem>>[vector<16xi32>, vector<16xi32>], vector<16xf32>,
    %mul3A_1852 = arith.mulf %gather3A_1850, %gather3A_1851 : vector<16xf32>
    %add3A_1853 = arith.addf %add3A_1847, %mul3A_1852 : vector<16xf32>
    %broadcast_in_dim3A_1854 = arith.constant 4 : i32
    %broadcast_in_dim3A_1855 = vector.broadcast %broadcast_in_dim3A_1854 : i32 to vector<16xi32>
    %gather3A_1856 = tpu.vector_load_idx %arg9[%broadcast_in_dim3A_1855, %add3A_1823] : memref<16x3584xf32, #tpu.memory_space<vmem>>[vector<16xi32>, vector<16xi32>], vector<16xf32>,
    %gather3A_1857 = tpu.vector_load_idx %arg10[%broadcast_in_dim3A_1855, %add3A_1827] : memref<16x3584xf32, #tpu.memory_space<vmem>>[vector<16xi32>, vector<16xi32>], vector<16xf32>,
    %mul3A_1858 = arith.mulf %gather3A_1856, %gather3A_1857 : vector<16xf32>
    %add3A_1859 = arith.addf %add3A_1853, %mul3A_1858 : vector<16xf32>
    %broadcast_in_dim3A_1860 = arith.constant 5 : i32
    %broadcast_in_dim3A_1861 = vector.broadcast %broadcast_in_dim3A_1860 : i32 to vector<16xi32>
    %gather3A_1862 = tpu.vector_load_idx %arg9[%broadcast_in_dim3A_1861, %add3A_1823] : memref<16x3584xf32, #tpu.memory_space<vmem>>[vector<16xi32>, vector<16xi32>], vector<16xf32>,
    %gather3A_1863 = tpu.vector_load_idx %arg10[%broadcast_in_dim3A_1861, %add3A_1827] : memref<16x3584xf32, #tpu.memory_space<vmem>>[vector<16xi32>, vector<16xi32>], vector<16xf32>,
    %mul3A_1864 = arith.mulf %gather3A_1862, %gather3A_1863 : vector<16xf32>
    %add3A_1865 = arith.addf %add3A_1859, %mul3A_1864 : vector<16xf32>
    %broadcast_in_dim3A_1866 = arith.constant 6 : i32
    %broadcast_in_dim3A_1867 = vector.broadcast %broadcast_in_dim3A_1866 : i32 to vector<16xi32>
    %gather3A_1868 = tpu.vector_load_idx %arg9[%broadcast_in_dim3A_1867, %add3A_1823] : memref<16x3584xf32, #tpu.memory_space<vmem>>[vector<16xi32>, vector<16xi32>], vector<16xf32>,
    %gather3A_1869 = tpu.vector_load_idx %arg10[%broadcast_in_dim3A_1867, %add3A_1827] : memref<16x3584xf32, #tpu.memory_space<vmem>>[vector<16xi32>, vector<16xi32>], vector<16xf32>,
    %mul3A_1870 = arith.mulf %gather3A_1868, %gather3A_1869 : vector<16xf32>
    %add3A_1871 = arith.addf %add3A_1865, %mul3A_1870 : vector<16xf32>
    %broadcast_in_dim3A_1872 = arith.constant 7 : i32
    %broadcast_in_dim3A_1873 = vector.broadcast %broadcast_in_dim3A_1872 : i32 to vector<16xi32>
    %gather3A_1874 = tpu.vector_load_idx %arg9[%broadcast_in_dim3A_1873, %add3A_1823] : memref<16x3584xf32, #tpu.memory_space<vmem>>[vector<16xi32>, vector<16xi32>], vector<16xf32>,
    %gather3A_1875 = tpu.vector_load_idx %arg10[%broadcast_in_dim3A_1873, %add3A_1827] : memref<16x3584xf32, #tpu.memory_space<vmem>>[vector<16xi32>, vector<16xi32>], vector<16xf32>,
    %mul3A_1876 = arith.mulf %gather3A_1874, %gather3A_1875 : vector<16xf32>
    %add3A_1877 = arith.addf %add3A_1871, %mul3A_1876 : vector<16xf32>
    %broadcast_in_dim3A_1878 = arith.constant 8 : i32
    %broadcast_in_dim3A_1879 = vector.broadcast %broadcast_in_dim3A_1878 : i32 to vector<16xi32>
    %gather3A_1880 = tpu.vector_load_idx %arg9[%broadcast_in_dim3A_1879, %add3A_1823] : memref<16x3584xf32, #tpu.memory_space<vmem>>[vector<16xi32>, vector<16xi32>], vector<16xf32>,
    %gather3A_1881 = tpu.vector_load_idx %arg10[%broadcast_in_dim3A_1879, %add3A_1827] : memref<16x3584xf32, #tpu.memory_space<vmem>>[vector<16xi32>, vector<16xi32>], vector<16xf32>,
    %mul3A_1882 = arith.mulf %gather3A_1880, %gather3A_1881 : vector<16xf32>
    %add3A_1883 = arith.addf %add3A_1877, %mul3A_1882 : vector<16xf32>
    %broadcast_in_dim3A_1884 = arith.constant 9 : i32
    %broadcast_in_dim3A_1885 = vector.broadcast %broadcast_in_dim3A_1884 : i32 to vector<16xi32>
    %gather3A_1886 = tpu.vector_load_idx %arg9[%broadcast_in_dim3A_1885, %add3A_1823] : memref<16x3584xf32, #tpu.memory_space<vmem>>[vector<16xi32>, vector<16xi32>], vector<16xf32>,
    %gather3A_1887 = tpu.vector_load_idx %arg10[%broadcast_in_dim3A_1885, %add3A_1827] : memref<16x3584xf32, #tpu.memory_space<vmem>>[vector<16xi32>, vector<16xi32>], vector<16xf32>,
    %mul3A_1888 = arith.mulf %gather3A_1886, %gather3A_1887 : vector<16xf32>
    %add3A_1889 = arith.addf %add3A_1883, %mul3A_1888 : vector<16xf32>
    %broadcast_in_dim3A_1890 = arith.constant 10 : i32
    %broadcast_in_dim3A_1891 = vector.broadcast %broadcast_in_dim3A_1890 : i32 to vector<16xi32>
    %gather3A_1892 = tpu.vector_load_idx %arg9[%broadcast_in_dim3A_1891, %add3A_1823] : memref<16x3584xf32, #tpu.memory_space<vmem>>[vector<16xi32>, vector<16xi32>], vector<16xf32>,
    %gather3A_1893 = tpu.vector_load_idx %arg10[%broadcast_in_dim3A_1891, %add3A_1827] : memref<16x3584xf32, #tpu.memory_space<vmem>>[vector<16xi32>, vector<16xi32>], vector<16xf32>,
    %mul3A_1894 = arith.mulf %gather3A_1892, %gather3A_1893 : vector<16xf32>
    %add3A_1895 = arith.addf %add3A_1889, %mul3A_1894 : vector<16xf32>
    %broadcast_in_dim3A_1896 = arith.constant 11 : i32
    %broadcast_in_dim3A_1897 = vector.broadcast %broadcast_in_dim3A_1896 : i32 to vector<16xi32>
    %gather3A_1898 = tpu.vector_load_idx %arg9[%broadcast_in_dim3A_1897, %add3A_1823] : memref<16x3584xf32, #tpu.memory_space<vmem>>[vector<16xi32>, vector<16xi32>], vector<16xf32>,
    %gather3A_1899 = tpu.vector_load_idx %arg10[%broadcast_in_dim3A_1897, %add3A_1827] : memref<16x3584xf32, #tpu.memory_space<vmem>>[vector<16xi32>, vector<16xi32>], vector<16xf32>,
    %mul3A_1900 = arith.mulf %gather3A_1898, %gather3A_1899 : vector<16xf32>
    %add3A_1901 = arith.addf %add3A_1895, %mul3A_1900 : vector<16xf32>
    %broadcast_in_dim3A_1902 = arith.constant 12 : i32
    %broadcast_in_dim3A_1903 = vector.broadcast %broadcast_in_dim3A_1902 : i32 to vector<16xi32>
    %gather3A_1904 = tpu.vector_load_idx %arg9[%broadcast_in_dim3A_1903, %add3A_1823] : memref<16x3584xf32, #tpu.memory_space<vmem>>[vector<16xi32>, vector<16xi32>], vector<16xf32>,
    %gather3A_1905 = tpu.vector_load_idx %arg10[%broadcast_in_dim3A_1903, %add3A_1827] : memref<16x3584xf32, #tpu.memory_space<vmem>>[vector<16xi32>, vector<16xi32>], vector<16xf32>,
    %mul3A_1906 = arith.mulf %gather3A_1904, %gather3A_1905 : vector<16xf32>
    %add3A_1907 = arith.addf %add3A_1901, %mul3A_1906 : vector<16xf32>
    %broadcast_in_dim3A_1908 = arith.constant 13 : i32
    %broadcast_in_dim3A_1909 = vector.broadcast %broadcast_in_dim3A_1908 : i32 to vector<16xi32>
    %gather3A_1910 = tpu.vector_load_idx %arg9[%broadcast_in_dim3A_1909, %add3A_1823] : memref<16x3584xf32, #tpu.memory_space<vmem>>[vector<16xi32>, vector<16xi32>], vector<16xf32>,
    %gather3A_1911 = tpu.vector_load_idx %arg10[%broadcast_in_dim3A_1909, %add3A_1827] : memref<16x3584xf32, #tpu.memory_space<vmem>>[vector<16xi32>, vector<16xi32>], vector<16xf32>,
    %mul3A_1912 = arith.mulf %gather3A_1910, %gather3A_1911 : vector<16xf32>
    %add3A_1913 = arith.addf %add3A_1907, %mul3A_1912 : vector<16xf32>
    %broadcast_in_dim3A_1914 = arith.constant 14 : i32
    %broadcast_in_dim3A_1915 = vector.broadcast %broadcast_in_dim3A_1914 : i32 to vector<16xi32>
    %gather3A_1916 = tpu.vector_load_idx %arg9[%broadcast_in_dim3A_1915, %add3A_1823] : memref<16x3584xf32, #tpu.memory_space<vmem>>[vector<16xi32>, vector<16xi32>], vector<16xf32>,
    %gather3A_1917 = tpu.vector_load_idx %arg10[%broadcast_in_dim3A_1915, %add3A_1827] : memref<16x3584xf32, #tpu.memory_space<vmem>>[vector<16xi32>, vector<16xi32>], vector<16xf32>,
    %mul3A_1918 = arith.mulf %gather3A_1916, %gather3A_1917 : vector<16xf32>
    %add3A_1919 = arith.addf %add3A_1913, %mul3A_1918 : vector<16xf32>
    %broadcast_in_dim3A_1920 = arith.constant 15 : i32
    %broadcast_in_dim3A_1921 = vector.broadcast %broadcast_in_dim3A_1920 : i32 to vector<16xi32>
    %gather3A_1922 = tpu.vector_load_idx %arg9[%broadcast_in_dim3A_1921, %add3A_1823] : memref<16x3584xf32, #tpu.memory_space<vmem>>[vector<16xi32>, vector<16xi32>], vector<16xf32>,
    %gather3A_1923 = tpu.vector_load_idx %arg10[%broadcast_in_dim3A_1921, %add3A_1827] : memref<16x3584xf32, #tpu.memory_space<vmem>>[vector<16xi32>, vector<16xi32>], vector<16xf32>,
    %mul3A_1924 = arith.mulf %gather3A_1922, %gather3A_1923 : vector<16xf32>
    %add3A_1925 = arith.addf %add3A_1919, %mul3A_1924 : vector<16xf32>
    %swap3A_1926 = arith.constant 496 : index
    %swap3A_1927 = tpu.vector_load %arg11[%swap3A_1926] {strides = array<i32>} : memref<528xf32, #tpu.memory_space<vmem>>, vector<16xf32>,
    tpu.vector_store %arg11[%swap3A_1926], %add3A_1925 {strides = array<i32>} : memref<528xf32, #tpu.memory_space<vmem>>, vector<16xf32>,
    %dma_wait3A_1928 = arith.constant 6 : i32
    %dma_wait3A_1929 = arith.constant 0 : i32
    %dma_wait3A_1930 = arith.constant 3072 : i32
    %dma_wait3A_1931 = tpu.memref_slice %arg9[%dma_wait3A_1929, %dma_wait3A_1930] : memref<16x3584xf32, #tpu.memory_space<vmem>> -> memref<16x128xf32, #tpu.memory_space<vmem>>
    %dma_wait3A_1932 = arith.constant 0 : i32
    %dma_wait3A_1933 = arith.constant 0 : i32
    %dma_wait3A_1934 = tpu.memref_slice %arg4[%dma_wait3A_1932, %dma_wait3A_1933] : memref<16x1000000xf32, #tpu.memory_space<hbm>> -> memref<16x128xf32, #tpu.memory_space<hbm>>
    %dma_wait3A_1935 = tpu.memref_slice %arg12[%dma_wait3A_1928] : memref<7x!tpu.dma_semaphore, #tpu.memory_space<semaphore_mem>> -> memref<1x!tpu.dma_semaphore, #tpu.memory_space<semaphore_mem>>
    %dma_wait3A_1936 = tpu.memref_squeeze %dma_wait3A_1935 : memref<1x!tpu.dma_semaphore, #tpu.memory_space<semaphore_mem>> -> memref<!tpu.dma_semaphore, #tpu.memory_space<semaphore_mem>>
    %dma_wait3A_1937 = arith.constant 0 : i32
    %dma_wait3A_1938 = arith.constant 3072 : i32
    %dma_wait3A_1939 = tpu.memref_slice %arg9[%dma_wait3A_1937, %dma_wait3A_1938] : memref<16x3584xf32, #tpu.memory_space<vmem>> -> memref<16x128xf32, #tpu.memory_space<vmem>>
    %dma_wait3A_1940 = arith.constant 0 : i32
    %dma_wait3A_1941 = arith.constant 0 : i32
    %dma_wait3A_1942 = tpu.memref_slice %arg4[%dma_wait3A_1940, %dma_wait3A_1941] : memref<16x1000000xf32, #tpu.memory_space<hbm>> -> memref<16x128xf32, #tpu.memory_space<hbm>>
    tpu.wait_dma2 semaphore(%dma_wait3A_1936 : memref<!tpu.dma_semaphore, #tpu.memory_space<semaphore_mem>>) src(%dma_wait3A_1942 : memref<16x128xf32, #tpu.memory_space<hbm>>) dst(%dma_wait3A_1939 : memref<16x128xf32, #tpu.memory_space<vmem>>)
    %dma_wait3A_1943 = arith.constant 6 : i32
    %dma_wait3A_1944 = arith.constant 0 : i32
    %dma_wait3A_1945 = arith.constant 3072 : i32
    %dma_wait3A_1946 = tpu.memref_slice %arg10[%dma_wait3A_1944, %dma_wait3A_1945] : memref<16x3584xf32, #tpu.memory_space<vmem>> -> memref<16x128xf32, #tpu.memory_space<vmem>>
    %dma_wait3A_1947 = arith.constant 0 : i32
    %dma_wait3A_1948 = arith.constant 0 : i32
    %dma_wait3A_1949 = tpu.memref_slice %arg5[%dma_wait3A_1947, %dma_wait3A_1948] : memref<16x1000000xf32, #tpu.memory_space<hbm>> -> memref<16x128xf32, #tpu.memory_space<hbm>>
    %dma_wait3A_1950 = tpu.memref_slice %arg12[%dma_wait3A_1943] : memref<7x!tpu.dma_semaphore, #tpu.memory_space<semaphore_mem>> -> memref<1x!tpu.dma_semaphore, #tpu.memory_space<semaphore_mem>>
    %dma_wait3A_1951 = tpu.memref_squeeze %dma_wait3A_1950 : memref<1x!tpu.dma_semaphore, #tpu.memory_space<semaphore_mem>> -> memref<!tpu.dma_semaphore, #tpu.memory_space<semaphore_mem>>
    %dma_wait3A_1952 = arith.constant 0 : i32
    %dma_wait3A_1953 = arith.constant 3072 : i32
    %dma_wait3A_1954 = tpu.memref_slice %arg10[%dma_wait3A_1952, %dma_wait3A_1953] : memref<16x3584xf32, #tpu.memory_space<vmem>> -> memref<16x128xf32, #tpu.memory_space<vmem>>
    %dma_wait3A_1955 = arith.constant 0 : i32
    %dma_wait3A_1956 = arith.constant 0 : i32
    %dma_wait3A_1957 = tpu.memref_slice %arg5[%dma_wait3A_1955, %dma_wait3A_1956] : memref<16x1000000xf32, #tpu.memory_space<hbm>> -> memref<16x128xf32, #tpu.memory_space<hbm>>
    tpu.wait_dma2 semaphore(%dma_wait3A_1951 : memref<!tpu.dma_semaphore, #tpu.memory_space<semaphore_mem>>) src(%dma_wait3A_1957 : memref<16x128xf32, #tpu.memory_space<hbm>>) dst(%dma_wait3A_1954 : memref<16x128xf32, #tpu.memory_space<vmem>>)
    %dma_wait3A_1958 = arith.constant 6 : i32
    %dma_wait3A_1959 = arith.constant 0 : i32
    %dma_wait3A_1960 = arith.constant 3200 : i32
    %dma_wait3A_1961 = tpu.memref_slice %arg9[%dma_wait3A_1959, %dma_wait3A_1960] : memref<16x3584xf32, #tpu.memory_space<vmem>> -> memref<16x128xf32, #tpu.memory_space<vmem>>
    %dma_wait3A_1962 = arith.constant 0 : i32
    %dma_wait3A_1963 = arith.constant 0 : i32
    %dma_wait3A_1964 = tpu.memref_slice %arg4[%dma_wait3A_1962, %dma_wait3A_1963] : memref<16x1000000xf32, #tpu.memory_space<hbm>> -> memref<16x128xf32, #tpu.memory_space<hbm>>
    %dma_wait3A_1965 = tpu.memref_slice %arg12[%dma_wait3A_1958] : memref<7x!tpu.dma_semaphore, #tpu.memory_space<semaphore_mem>> -> memref<1x!tpu.dma_semaphore, #tpu.memory_space<semaphore_mem>>
    %dma_wait3A_1966 = tpu.memref_squeeze %dma_wait3A_1965 : memref<1x!tpu.dma_semaphore, #tpu.memory_space<semaphore_mem>> -> memref<!tpu.dma_semaphore, #tpu.memory_space<semaphore_mem>>
    %dma_wait3A_1967 = arith.constant 0 : i32
    %dma_wait3A_1968 = arith.constant 3200 : i32
    %dma_wait3A_1969 = tpu.memref_slice %arg9[%dma_wait3A_1967, %dma_wait3A_1968] : memref<16x3584xf32, #tpu.memory_space<vmem>> -> memref<16x128xf32, #tpu.memory_space<vmem>>
    %dma_wait3A_1970 = arith.constant 0 : i32
    %dma_wait3A_1971 = arith.constant 0 : i32
    %dma_wait3A_1972 = tpu.memref_slice %arg4[%dma_wait3A_1970, %dma_wait3A_1971] : memref<16x1000000xf32, #tpu.memory_space<hbm>> -> memref<16x128xf32, #tpu.memory_space<hbm>>
    tpu.wait_dma2 semaphore(%dma_wait3A_1966 : memref<!tpu.dma_semaphore, #tpu.memory_space<semaphore_mem>>) src(%dma_wait3A_1972 : memref<16x128xf32, #tpu.memory_space<hbm>>) dst(%dma_wait3A_1969 : memref<16x128xf32, #tpu.memory_space<vmem>>)
    %dma_wait3A_1973 = arith.constant 6 : i32
    %dma_wait3A_1974 = arith.constant 0 : i32
    %dma_wait3A_1975 = arith.constant 3200 : i32
    %dma_wait3A_1976 = tpu.memref_slice %arg10[%dma_wait3A_1974, %dma_wait3A_1975] : memref<16x3584xf32, #tpu.memory_space<vmem>> -> memref<16x128xf32, #tpu.memory_space<vmem>>
    %dma_wait3A_1977 = arith.constant 0 : i32
    %dma_wait3A_1978 = arith.constant 0 : i32
    %dma_wait3A_1979 = tpu.memref_slice %arg5[%dma_wait3A_1977, %dma_wait3A_1978] : memref<16x1000000xf32, #tpu.memory_space<hbm>> -> memref<16x128xf32, #tpu.memory_space<hbm>>
    %dma_wait3A_1980 = tpu.memref_slice %arg12[%dma_wait3A_1973] : memref<7x!tpu.dma_semaphore, #tpu.memory_space<semaphore_mem>> -> memref<1x!tpu.dma_semaphore, #tpu.memory_space<semaphore_mem>>
    %dma_wait3A_1981 = tpu.memref_squeeze %dma_wait3A_1980 : memref<1x!tpu.dma_semaphore, #tpu.memory_space<semaphore_mem>> -> memref<!tpu.dma_semaphore, #tpu.memory_space<semaphore_mem>>
    %dma_wait3A_1982 = arith.constant 0 : i32
    %dma_wait3A_1983 = arith.constant 3200 : i32
    %dma_wait3A_1984 = tpu.memref_slice %arg10[%dma_wait3A_1982, %dma_wait3A_1983] : memref<16x3584xf32, #tpu.memory_space<vmem>> -> memref<16x128xf32, #tpu.memory_space<vmem>>
    %dma_wait3A_1985 = arith.constant 0 : i32
    %dma_wait3A_1986 = arith.constant 0 : i32
    %dma_wait3A_1987 = tpu.memref_slice %arg5[%dma_wait3A_1985, %dma_wait3A_1986] : memref<16x1000000xf32, #tpu.memory_space<hbm>> -> memref<16x128xf32, #tpu.memory_space<hbm>>
    tpu.wait_dma2 semaphore(%dma_wait3A_1981 : memref<!tpu.dma_semaphore, #tpu.memory_space<semaphore_mem>>) src(%dma_wait3A_1987 : memref<16x128xf32, #tpu.memory_space<hbm>>) dst(%dma_wait3A_1984 : memref<16x128xf32, #tpu.memory_space<vmem>>)
    %dma_wait3A_1988 = arith.constant 6 : i32
    %dma_wait3A_1989 = arith.constant 0 : i32
    %dma_wait3A_1990 = arith.constant 3328 : i32
    %dma_wait3A_1991 = tpu.memref_slice %arg9[%dma_wait3A_1989, %dma_wait3A_1990] : memref<16x3584xf32, #tpu.memory_space<vmem>> -> memref<16x128xf32, #tpu.memory_space<vmem>>
    %dma_wait3A_1992 = arith.constant 0 : i32
    %dma_wait3A_1993 = arith.constant 0 : i32
    %dma_wait3A_1994 = tpu.memref_slice %arg4[%dma_wait3A_1992, %dma_wait3A_1993] : memref<16x1000000xf32, #tpu.memory_space<hbm>> -> memref<16x128xf32, #tpu.memory_space<hbm>>
    %dma_wait3A_1995 = tpu.memref_slice %arg12[%dma_wait3A_1988] : memref<7x!tpu.dma_semaphore, #tpu.memory_space<semaphore_mem>> -> memref<1x!tpu.dma_semaphore, #tpu.memory_space<semaphore_mem>>
    %dma_wait3A_1996 = tpu.memref_squeeze %dma_wait3A_1995 : memref<1x!tpu.dma_semaphore, #tpu.memory_space<semaphore_mem>> -> memref<!tpu.dma_semaphore, #tpu.memory_space<semaphore_mem>>
    %dma_wait3A_1997 = arith.constant 0 : i32
    %dma_wait3A_1998 = arith.constant 3328 : i32
    %dma_wait3A_1999 = tpu.memref_slice %arg9[%dma_wait3A_1997, %dma_wait3A_1998] : memref<16x3584xf32, #tpu.memory_space<vmem>> -> memref<16x128xf32, #tpu.memory_space<vmem>>
    %dma_wait3A_2000 = arith.constant 0 : i32
    %dma_wait3A_2001 = arith.constant 0 : i32
    %dma_wait3A_2002 = tpu.memref_slice %arg4[%dma_wait3A_2000, %dma_wait3A_2001] : memref<16x1000000xf32, #tpu.memory_space<hbm>> -> memref<16x128xf32, #tpu.memory_space<hbm>>
    tpu.wait_dma2 semaphore(%dma_wait3A_1996 : memref<!tpu.dma_semaphore, #tpu.memory_space<semaphore_mem>>) src(%dma_wait3A_2002 : memref<16x128xf32, #tpu.memory_space<hbm>>) dst(%dma_wait3A_1999 : memref<16x128xf32, #tpu.memory_space<vmem>>)
    %dma_wait3A_2003 = arith.constant 6 : i32
    %dma_wait3A_2004 = arith.constant 0 : i32
    %dma_wait3A_2005 = arith.constant 3328 : i32
    %dma_wait3A_2006 = tpu.memref_slice %arg10[%dma_wait3A_2004, %dma_wait3A_2005] : memref<16x3584xf32, #tpu.memory_space<vmem>> -> memref<16x128xf32, #tpu.memory_space<vmem>>
    %dma_wait3A_2007 = arith.constant 0 : i32
    %dma_wait3A_2008 = arith.constant 0 : i32
    %dma_wait3A_2009 = tpu.memref_slice %arg5[%dma_wait3A_2007, %dma_wait3A_2008] : memref<16x1000000xf32, #tpu.memory_space<hbm>> -> memref<16x128xf32, #tpu.memory_space<hbm>>
    %dma_wait3A_2010 = tpu.memref_slice %arg12[%dma_wait3A_2003] : memref<7x!tpu.dma_semaphore, #tpu.memory_space<semaphore_mem>> -> memref<1x!tpu.dma_semaphore, #tpu.memory_space<semaphore_mem>>
    %dma_wait3A_2011 = tpu.memref_squeeze %dma_wait3A_2010 : memref<1x!tpu.dma_semaphore, #tpu.memory_space<semaphore_mem>> -> memref<!tpu.dma_semaphore, #tpu.memory_space<semaphore_mem>>
    %dma_wait3A_2012 = arith.constant 0 : i32
    %dma_wait3A_2013 = arith.constant 3328 : i32
    %dma_wait3A_2014 = tpu.memref_slice %arg10[%dma_wait3A_2012, %dma_wait3A_2013] : memref<16x3584xf32, #tpu.memory_space<vmem>> -> memref<16x128xf32, #tpu.memory_space<vmem>>
    %dma_wait3A_2015 = arith.constant 0 : i32
    %dma_wait3A_2016 = arith.constant 0 : i32
    %dma_wait3A_2017 = tpu.memref_slice %arg5[%dma_wait3A_2015, %dma_wait3A_2016] : memref<16x1000000xf32, #tpu.memory_space<hbm>> -> memref<16x128xf32, #tpu.memory_space<hbm>>
    tpu.wait_dma2 semaphore(%dma_wait3A_2011 : memref<!tpu.dma_semaphore, #tpu.memory_space<semaphore_mem>>) src(%dma_wait3A_2017 : memref<16x128xf32, #tpu.memory_space<hbm>>) dst(%dma_wait3A_2014 : memref<16x128xf32, #tpu.memory_space<vmem>>)
    %dma_wait3A_2018 = arith.constant 6 : i32
    %dma_wait3A_2019 = arith.constant 0 : i32
    %dma_wait3A_2020 = arith.constant 3456 : i32
    %dma_wait3A_2021 = tpu.memref_slice %arg9[%dma_wait3A_2019, %dma_wait3A_2020] : memref<16x3584xf32, #tpu.memory_space<vmem>> -> memref<16x128xf32, #tpu.memory_space<vmem>>
    %dma_wait3A_2022 = arith.constant 0 : i32
    %dma_wait3A_2023 = arith.constant 0 : i32
    %dma_wait3A_2024 = tpu.memref_slice %arg4[%dma_wait3A_2022, %dma_wait3A_2023] : memref<16x1000000xf32, #tpu.memory_space<hbm>> -> memref<16x128xf32, #tpu.memory_space<hbm>>
    %dma_wait3A_2025 = tpu.memref_slice %arg12[%dma_wait3A_2018] : memref<7x!tpu.dma_semaphore, #tpu.memory_space<semaphore_mem>> -> memref<1x!tpu.dma_semaphore, #tpu.memory_space<semaphore_mem>>
    %dma_wait3A_2026 = tpu.memref_squeeze %dma_wait3A_2025 : memref<1x!tpu.dma_semaphore, #tpu.memory_space<semaphore_mem>> -> memref<!tpu.dma_semaphore, #tpu.memory_space<semaphore_mem>>
    %dma_wait3A_2027 = arith.constant 0 : i32
    %dma_wait3A_2028 = arith.constant 3456 : i32
    %dma_wait3A_2029 = tpu.memref_slice %arg9[%dma_wait3A_2027, %dma_wait3A_2028] : memref<16x3584xf32, #tpu.memory_space<vmem>> -> memref<16x128xf32, #tpu.memory_space<vmem>>
    %dma_wait3A_2030 = arith.constant 0 : i32
    %dma_wait3A_2031 = arith.constant 0 : i32
    %dma_wait3A_2032 = tpu.memref_slice %arg4[%dma_wait3A_2030, %dma_wait3A_2031] : memref<16x1000000xf32, #tpu.memory_space<hbm>> -> memref<16x128xf32, #tpu.memory_space<hbm>>
    tpu.wait_dma2 semaphore(%dma_wait3A_2026 : memref<!tpu.dma_semaphore, #tpu.memory_space<semaphore_mem>>) src(%dma_wait3A_2032 : memref<16x128xf32, #tpu.memory_space<hbm>>) dst(%dma_wait3A_2029 : memref<16x128xf32, #tpu.memory_space<vmem>>)
    %dma_wait3A_2033 = arith.constant 6 : i32
    %dma_wait3A_2034 = arith.constant 0 : i32
    %dma_wait3A_2035 = arith.constant 3456 : i32
    %dma_wait3A_2036 = tpu.memref_slice %arg10[%dma_wait3A_2034, %dma_wait3A_2035] : memref<16x3584xf32, #tpu.memory_space<vmem>> -> memref<16x128xf32, #tpu.memory_space<vmem>>
    %dma_wait3A_2037 = arith.constant 0 : i32
    %dma_wait3A_2038 = arith.constant 0 : i32
    %dma_wait3A_2039 = tpu.memref_slice %arg5[%dma_wait3A_2037, %dma_wait3A_2038] : memref<16x1000000xf32, #tpu.memory_space<hbm>> -> memref<16x128xf32, #tpu.memory_space<hbm>>
    %dma_wait3A_2040 = tpu.memref_slice %arg12[%dma_wait3A_2033] : memref<7x!tpu.dma_semaphore, #tpu.memory_space<semaphore_mem>> -> memref<1x!tpu.dma_semaphore, #tpu.memory_space<semaphore_mem>>
    %dma_wait3A_2041 = tpu.memref_squeeze %dma_wait3A_2040 : memref<1x!tpu.dma_semaphore, #tpu.memory_space<semaphore_mem>> -> memref<!tpu.dma_semaphore, #tpu.memory_space<semaphore_mem>>
    %dma_wait3A_2042 = arith.constant 0 : i32
    %dma_wait3A_2043 = arith.constant 3456 : i32
    %dma_wait3A_2044 = tpu.memref_slice %arg10[%dma_wait3A_2042, %dma_wait3A_2043] : memref<16x3584xf32, #tpu.memory_space<vmem>> -> memref<16x128xf32, #tpu.memory_space<vmem>>
    %dma_wait3A_2045 = arith.constant 0 : i32
    %dma_wait3A_2046 = arith.constant 0 : i32
    %dma_wait3A_2047 = tpu.memref_slice %arg5[%dma_wait3A_2045, %dma_wait3A_2046] : memref<16x1000000xf32, #tpu.memory_space<hbm>> -> memref<16x128xf32, #tpu.memory_space<hbm>>
    tpu.wait_dma2 semaphore(%dma_wait3A_2041 : memref<!tpu.dma_semaphore, #tpu.memory_space<semaphore_mem>>) src(%dma_wait3A_2047 : memref<16x128xf32, #tpu.memory_space<hbm>>) dst(%dma_wait3A_2044 : memref<16x128xf32, #tpu.memory_space<vmem>>)
    %get3A_2048 = arith.constant 500 : index
    %get3A_2049 = tpu.vector_load %arg7[%get3A_2048] {strides = array<i32>} : memref<528xi32, #tpu.memory_space<vmem>>, vector<16xi32>,
    %get3A_2050 = arith.constant 500 : index
    %get3A_2051 = tpu.vector_load %arg8[%get3A_2050] {strides = array<i32>} : memref<528xi32, #tpu.memory_space<vmem>>, vector<16xi32>,
    %and3A_2052 = arith.constant 3 : i32
    %and3A_2053 = vector.broadcast %and3A_2052 : i32 to vector<16xi32>
    %and3A_2054 = arith.andi %iota3A, %and3A_2053 : vector<16xi32>
    %mul3A_2055 = arith.constant 128 : i32
    %mul3A_2056 = vector.broadcast %mul3A_2055 : i32 to vector<16xi32>
    %mul3A_2057 = arith.muli %and3A_2054, %mul3A_2056 : vector<16xi32>
    %add3A_2058 = arith.constant 3072 : i32
    %add3A_2059 = vector.broadcast %add3A_2058 : i32 to vector<16xi32>
    %add3A_2060 = arith.addi %add3A_2059, %mul3A_2057 : vector<16xi32>
    %and3A_2061 = arith.constant 127 : i32
    %and3A_2062 = vector.broadcast %and3A_2061 : i32 to vector<16xi32>
    %and3A_2063 = arith.andi %get3A_2049, %and3A_2062 : vector<16xi32>
    %add3A_2064 = arith.addi %add3A_2060, %and3A_2063 : vector<16xi32>
    %and3A_2065 = arith.constant 127 : i32
    %and3A_2066 = vector.broadcast %and3A_2065 : i32 to vector<16xi32>
    %and3A_2067 = arith.andi %get3A_2051, %and3A_2066 : vector<16xi32>
    %add3A_2068 = arith.addi %add3A_2060, %and3A_2067 : vector<16xi32>
    %broadcast_in_dim3A_2069 = arith.constant 0.000000e+00 : f32
    %broadcast_in_dim3A_2070 = vector.broadcast %broadcast_in_dim3A_2069 : f32 to vector<16xf32>
    %broadcast_in_dim3A_2071 = arith.constant 0 : i32
    %broadcast_in_dim3A_2072 = vector.broadcast %broadcast_in_dim3A_2071 : i32 to vector<16xi32>
    %gather3A_2073 = tpu.vector_load_idx %arg9[%broadcast_in_dim3A_2072, %add3A_2064] : memref<16x3584xf32, #tpu.memory_space<vmem>>[vector<16xi32>, vector<16xi32>], vector<16xf32>,
    %gather3A_2074 = tpu.vector_load_idx %arg10[%broadcast_in_dim3A_2072, %add3A_2068] : memref<16x3584xf32, #tpu.memory_space<vmem>>[vector<16xi32>, vector<16xi32>], vector<16xf32>,
    %mul3A_2075 = arith.mulf %gather3A_2073, %gather3A_2074 : vector<16xf32>
    %add3A_2076 = arith.addf %broadcast_in_dim3A_2070, %mul3A_2075 : vector<16xf32>
    %broadcast_in_dim3A_2077 = arith.constant 1 : i32
    %broadcast_in_dim3A_2078 = vector.broadcast %broadcast_in_dim3A_2077 : i32 to vector<16xi32>
    %gather3A_2079 = tpu.vector_load_idx %arg9[%broadcast_in_dim3A_2078, %add3A_2064] : memref<16x3584xf32, #tpu.memory_space<vmem>>[vector<16xi32>, vector<16xi32>], vector<16xf32>,
    %gather3A_2080 = tpu.vector_load_idx %arg10[%broadcast_in_dim3A_2078, %add3A_2068] : memref<16x3584xf32, #tpu.memory_space<vmem>>[vector<16xi32>, vector<16xi32>], vector<16xf32>,
    %mul3A_2081 = arith.mulf %gather3A_2079, %gather3A_2080 : vector<16xf32>
    %add3A_2082 = arith.addf %add3A_2076, %mul3A_2081 : vector<16xf32>
    %broadcast_in_dim3A_2083 = arith.constant 2 : i32
    %broadcast_in_dim3A_2084 = vector.broadcast %broadcast_in_dim3A_2083 : i32 to vector<16xi32>
    %gather3A_2085 = tpu.vector_load_idx %arg9[%broadcast_in_dim3A_2084, %add3A_2064] : memref<16x3584xf32, #tpu.memory_space<vmem>>[vector<16xi32>, vector<16xi32>], vector<16xf32>,
    %gather3A_2086 = tpu.vector_load_idx %arg10[%broadcast_in_dim3A_2084, %add3A_2068] : memref<16x3584xf32, #tpu.memory_space<vmem>>[vector<16xi32>, vector<16xi32>], vector<16xf32>,
    %mul3A_2087 = arith.mulf %gather3A_2085, %gather3A_2086 : vector<16xf32>
    %add3A_2088 = arith.addf %add3A_2082, %mul3A_2087 : vector<16xf32>
    %broadcast_in_dim3A_2089 = arith.constant 3 : i32
    %broadcast_in_dim3A_2090 = vector.broadcast %broadcast_in_dim3A_2089 : i32 to vector<16xi32>
    %gather3A_2091 = tpu.vector_load_idx %arg9[%broadcast_in_dim3A_2090, %add3A_2064] : memref<16x3584xf32, #tpu.memory_space<vmem>>[vector<16xi32>, vector<16xi32>], vector<16xf32>,
    %gather3A_2092 = tpu.vector_load_idx %arg10[%broadcast_in_dim3A_2090, %add3A_2068] : memref<16x3584xf32, #tpu.memory_space<vmem>>[vector<16xi32>, vector<16xi32>], vector<16xf32>,
    %mul3A_2093 = arith.mulf %gather3A_2091, %gather3A_2092 : vector<16xf32>
    %add3A_2094 = arith.addf %add3A_2088, %mul3A_2093 : vector<16xf32>
    %broadcast_in_dim3A_2095 = arith.constant 4 : i32
    %broadcast_in_dim3A_2096 = vector.broadcast %broadcast_in_dim3A_2095 : i32 to vector<16xi32>
    %gather3A_2097 = tpu.vector_load_idx %arg9[%broadcast_in_dim3A_2096, %add3A_2064] : memref<16x3584xf32, #tpu.memory_space<vmem>>[vector<16xi32>, vector<16xi32>], vector<16xf32>,
    %gather3A_2098 = tpu.vector_load_idx %arg10[%broadcast_in_dim3A_2096, %add3A_2068] : memref<16x3584xf32, #tpu.memory_space<vmem>>[vector<16xi32>, vector<16xi32>], vector<16xf32>,
    %mul3A_2099 = arith.mulf %gather3A_2097, %gather3A_2098 : vector<16xf32>
    %add3A_2100 = arith.addf %add3A_2094, %mul3A_2099 : vector<16xf32>
    %broadcast_in_dim3A_2101 = arith.constant 5 : i32
    %broadcast_in_dim3A_2102 = vector.broadcast %broadcast_in_dim3A_2101 : i32 to vector<16xi32>
    %gather3A_2103 = tpu.vector_load_idx %arg9[%broadcast_in_dim3A_2102, %add3A_2064] : memref<16x3584xf32, #tpu.memory_space<vmem>>[vector<16xi32>, vector<16xi32>], vector<16xf32>,
    %gather3A_2104 = tpu.vector_load_idx %arg10[%broadcast_in_dim3A_2102, %add3A_2068] : memref<16x3584xf32, #tpu.memory_space<vmem>>[vector<16xi32>, vector<16xi32>], vector<16xf32>,
    %mul3A_2105 = arith.mulf %gather3A_2103, %gather3A_2104 : vector<16xf32>
    %add3A_2106 = arith.addf %add3A_2100, %mul3A_2105 : vector<16xf32>
    %broadcast_in_dim3A_2107 = arith.constant 6 : i32
    %broadcast_in_dim3A_2108 = vector.broadcast %broadcast_in_dim3A_2107 : i32 to vector<16xi32>
    %gather3A_2109 = tpu.vector_load_idx %arg9[%broadcast_in_dim3A_2108, %add3A_2064] : memref<16x3584xf32, #tpu.memory_space<vmem>>[vector<16xi32>, vector<16xi32>], vector<16xf32>,
    %gather3A_2110 = tpu.vector_load_idx %arg10[%broadcast_in_dim3A_2108, %add3A_2068] : memref<16x3584xf32, #tpu.memory_space<vmem>>[vector<16xi32>, vector<16xi32>], vector<16xf32>,
    %mul3A_2111 = arith.mulf %gather3A_2109, %gather3A_2110 : vector<16xf32>
    %add3A_2112 = arith.addf %add3A_2106, %mul3A_2111 : vector<16xf32>
    %broadcast_in_dim3A_2113 = arith.constant 7 : i32
    %broadcast_in_dim3A_2114 = vector.broadcast %broadcast_in_dim3A_2113 : i32 to vector<16xi32>
    %gather3A_2115 = tpu.vector_load_idx %arg9[%broadcast_in_dim3A_2114, %add3A_2064] : memref<16x3584xf32, #tpu.memory_space<vmem>>[vector<16xi32>, vector<16xi32>], vector<16xf32>,
    %gather3A_2116 = tpu.vector_load_idx %arg10[%broadcast_in_dim3A_2114, %add3A_2068] : memref<16x3584xf32, #tpu.memory_space<vmem>>[vector<16xi32>, vector<16xi32>], vector<16xf32>,
    %mul3A_2117 = arith.mulf %gather3A_2115, %gather3A_2116 : vector<16xf32>
    %add3A_2118 = arith.addf %add3A_2112, %mul3A_2117 : vector<16xf32>
    %broadcast_in_dim3A_2119 = arith.constant 8 : i32
    %broadcast_in_dim3A_2120 = vector.broadcast %broadcast_in_dim3A_2119 : i32 to vector<16xi32>
    %gather3A_2121 = tpu.vector_load_idx %arg9[%broadcast_in_dim3A_2120, %add3A_2064] : memref<16x3584xf32, #tpu.memory_space<vmem>>[vector<16xi32>, vector<16xi32>], vector<16xf32>,
    %gather3A_2122 = tpu.vector_load_idx %arg10[%broadcast_in_dim3A_2120, %add3A_2068] : memref<16x3584xf32, #tpu.memory_space<vmem>>[vector<16xi32>, vector<16xi32>], vector<16xf32>,
    %mul3A_2123 = arith.mulf %gather3A_2121, %gather3A_2122 : vector<16xf32>
    %add3A_2124 = arith.addf %add3A_2118, %mul3A_2123 : vector<16xf32>
    %broadcast_in_dim3A_2125 = arith.constant 9 : i32
    %broadcast_in_dim3A_2126 = vector.broadcast %broadcast_in_dim3A_2125 : i32 to vector<16xi32>
    %gather3A_2127 = tpu.vector_load_idx %arg9[%broadcast_in_dim3A_2126, %add3A_2064] : memref<16x3584xf32, #tpu.memory_space<vmem>>[vector<16xi32>, vector<16xi32>], vector<16xf32>,
    %gather3A_2128 = tpu.vector_load_idx %arg10[%broadcast_in_dim3A_2126, %add3A_2068] : memref<16x3584xf32, #tpu.memory_space<vmem>>[vector<16xi32>, vector<16xi32>], vector<16xf32>,
    %mul3A_2129 = arith.mulf %gather3A_2127, %gather3A_2128 : vector<16xf32>
    %add3A_2130 = arith.addf %add3A_2124, %mul3A_2129 : vector<16xf32>
    %broadcast_in_dim3A_2131 = arith.constant 10 : i32
    %broadcast_in_dim3A_2132 = vector.broadcast %broadcast_in_dim3A_2131 : i32 to vector<16xi32>
    %gather3A_2133 = tpu.vector_load_idx %arg9[%broadcast_in_dim3A_2132, %add3A_2064] : memref<16x3584xf32, #tpu.memory_space<vmem>>[vector<16xi32>, vector<16xi32>], vector<16xf32>,
    %gather3A_2134 = tpu.vector_load_idx %arg10[%broadcast_in_dim3A_2132, %add3A_2068] : memref<16x3584xf32, #tpu.memory_space<vmem>>[vector<16xi32>, vector<16xi32>], vector<16xf32>,
    %mul3A_2135 = arith.mulf %gather3A_2133, %gather3A_2134 : vector<16xf32>
    %add3A_2136 = arith.addf %add3A_2130, %mul3A_2135 : vector<16xf32>
    %broadcast_in_dim3A_2137 = arith.constant 11 : i32
    %broadcast_in_dim3A_2138 = vector.broadcast %broadcast_in_dim3A_2137 : i32 to vector<16xi32>
    %gather3A_2139 = tpu.vector_load_idx %arg9[%broadcast_in_dim3A_2138, %add3A_2064] : memref<16x3584xf32, #tpu.memory_space<vmem>>[vector<16xi32>, vector<16xi32>], vector<16xf32>,
    %gather3A_2140 = tpu.vector_load_idx %arg10[%broadcast_in_dim3A_2138, %add3A_2068] : memref<16x3584xf32, #tpu.memory_space<vmem>>[vector<16xi32>, vector<16xi32>], vector<16xf32>,
    %mul3A_2141 = arith.mulf %gather3A_2139, %gather3A_2140 : vector<16xf32>
    %add3A_2142 = arith.addf %add3A_2136, %mul3A_2141 : vector<16xf32>
    %broadcast_in_dim3A_2143 = arith.constant 12 : i32
    %broadcast_in_dim3A_2144 = vector.broadcast %broadcast_in_dim3A_2143 : i32 to vector<16xi32>
    %gather3A_2145 = tpu.vector_load_idx %arg9[%broadcast_in_dim3A_2144, %add3A_2064] : memref<16x3584xf32, #tpu.memory_space<vmem>>[vector<16xi32>, vector<16xi32>], vector<16xf32>,
    %gather3A_2146 = tpu.vector_load_idx %arg10[%broadcast_in_dim3A_2144, %add3A_2068] : memref<16x3584xf32, #tpu.memory_space<vmem>>[vector<16xi32>, vector<16xi32>], vector<16xf32>,
    %mul3A_2147 = arith.mulf %gather3A_2145, %gather3A_2146 : vector<16xf32>
    %add3A_2148 = arith.addf %add3A_2142, %mul3A_2147 : vector<16xf32>
    %broadcast_in_dim3A_2149 = arith.constant 13 : i32
    %broadcast_in_dim3A_2150 = vector.broadcast %broadcast_in_dim3A_2149 : i32 to vector<16xi32>
    %gather3A_2151 = tpu.vector_load_idx %arg9[%broadcast_in_dim3A_2150, %add3A_2064] : memref<16x3584xf32, #tpu.memory_space<vmem>>[vector<16xi32>, vector<16xi32>], vector<16xf32>,
    %gather3A_2152 = tpu.vector_load_idx %arg10[%broadcast_in_dim3A_2150, %add3A_2068] : memref<16x3584xf32, #tpu.memory_space<vmem>>[vector<16xi32>, vector<16xi32>], vector<16xf32>,
    %mul3A_2153 = arith.mulf %gather3A_2151, %gather3A_2152 : vector<16xf32>
    %add3A_2154 = arith.addf %add3A_2148, %mul3A_2153 : vector<16xf32>
    %broadcast_in_dim3A_2155 = arith.constant 14 : i32
    %broadcast_in_dim3A_2156 = vector.broadcast %broadcast_in_dim3A_2155 : i32 to vector<16xi32>
    %gather3A_2157 = tpu.vector_load_idx %arg9[%broadcast_in_dim3A_2156, %add3A_2064] : memref<16x3584xf32, #tpu.memory_space<vmem>>[vector<16xi32>, vector<16xi32>], vector<16xf32>,
    %gather3A_2158 = tpu.vector_load_idx %arg10[%broadcast_in_dim3A_2156, %add3A_2068] : memref<16x3584xf32, #tpu.memory_space<vmem>>[vector<16xi32>, vector<16xi32>], vector<16xf32>,
    %mul3A_2159 = arith.mulf %gather3A_2157, %gather3A_2158 : vector<16xf32>
    %add3A_2160 = arith.addf %add3A_2154, %mul3A_2159 : vector<16xf32>
    %broadcast_in_dim3A_2161 = arith.constant 15 : i32
    %broadcast_in_dim3A_2162 = vector.broadcast %broadcast_in_dim3A_2161 : i32 to vector<16xi32>
    %gather3A_2163 = tpu.vector_load_idx %arg9[%broadcast_in_dim3A_2162, %add3A_2064] : memref<16x3584xf32, #tpu.memory_space<vmem>>[vector<16xi32>, vector<16xi32>], vector<16xf32>,
    %gather3A_2164 = tpu.vector_load_idx %arg10[%broadcast_in_dim3A_2162, %add3A_2068] : memref<16x3584xf32, #tpu.memory_space<vmem>>[vector<16xi32>, vector<16xi32>], vector<16xf32>,
    %mul3A_2165 = arith.mulf %gather3A_2163, %gather3A_2164 : vector<16xf32>
    %add3A_2166 = arith.addf %add3A_2160, %mul3A_2165 : vector<16xf32>
    %swap3A_2167 = arith.constant 500 : index
    %swap3A_2168 = tpu.vector_load %arg11[%swap3A_2167] {strides = array<i32>} : memref<528xf32, #tpu.memory_space<vmem>>, vector<16xf32>,
    tpu.vector_store %arg11[%swap3A_2167], %add3A_2166 {strides = array<i32>} : memref<528xf32, #tpu.memory_space<vmem>>, vector<16xf32>,
    %dma_wait3A_2169 = arith.constant 0 : i32
    %dma_wait3A_2170 = arith.constant 0 : i32
    %dma_wait3A_2171 = arith.constant 0 : i32
    %dma_wait3A_2172 = tpu.memref_slice %arg9[%dma_wait3A_2170, %dma_wait3A_2171] : memref<16x3584xf32, #tpu.memory_space<vmem>> -> memref<16x128xf32, #tpu.memory_space<vmem>>
    %dma_wait3A_2173 = arith.constant 0 : i32
    %dma_wait3A_2174 = arith.constant 0 : i32
    %dma_wait3A_2175 = tpu.memref_slice %arg4[%dma_wait3A_2173, %dma_wait3A_2174] : memref<16x1000000xf32, #tpu.memory_space<hbm>> -> memref<16x128xf32, #tpu.memory_space<hbm>>
    %dma_wait3A_2176 = tpu.memref_slice %arg12[%dma_wait3A_2169] : memref<7x!tpu.dma_semaphore, #tpu.memory_space<semaphore_mem>> -> memref<1x!tpu.dma_semaphore, #tpu.memory_space<semaphore_mem>>
    %dma_wait3A_2177 = tpu.memref_squeeze %dma_wait3A_2176 : memref<1x!tpu.dma_semaphore, #tpu.memory_space<semaphore_mem>> -> memref<!tpu.dma_semaphore, #tpu.memory_space<semaphore_mem>>
    %dma_wait3A_2178 = arith.constant 0 : i32
    %dma_wait3A_2179 = arith.constant 0 : i32
    %dma_wait3A_2180 = tpu.memref_slice %arg9[%dma_wait3A_2178, %dma_wait3A_2179] : memref<16x3584xf32, #tpu.memory_space<vmem>> -> memref<16x128xf32, #tpu.memory_space<vmem>>
    %dma_wait3A_2181 = arith.constant 0 : i32
    %dma_wait3A_2182 = arith.constant 0 : i32
    %dma_wait3A_2183 = tpu.memref_slice %arg4[%dma_wait3A_2181, %dma_wait3A_2182] : memref<16x1000000xf32, #tpu.memory_space<hbm>> -> memref<16x128xf32, #tpu.memory_space<hbm>>
    tpu.wait_dma2 semaphore(%dma_wait3A_2177 : memref<!tpu.dma_semaphore, #tpu.memory_space<semaphore_mem>>) src(%dma_wait3A_2183 : memref<16x128xf32, #tpu.memory_space<hbm>>) dst(%dma_wait3A_2180 : memref<16x128xf32, #tpu.memory_space<vmem>>)
    %dma_wait3A_2184 = arith.constant 0 : i32
    %dma_wait3A_2185 = arith.constant 0 : i32
    %dma_wait3A_2186 = arith.constant 0 : i32
    %dma_wait3A_2187 = tpu.memref_slice %arg10[%dma_wait3A_2185, %dma_wait3A_2186] : memref<16x3584xf32, #tpu.memory_space<vmem>> -> memref<16x128xf32, #tpu.memory_space<vmem>>
    %dma_wait3A_2188 = arith.constant 0 : i32
    %dma_wait3A_2189 = arith.constant 0 : i32
    %dma_wait3A_2190 = tpu.memref_slice %arg5[%dma_wait3A_2188, %dma_wait3A_2189] : memref<16x1000000xf32, #tpu.memory_space<hbm>> -> memref<16x128xf32, #tpu.memory_space<hbm>>
    %dma_wait3A_2191 = tpu.memref_slice %arg12[%dma_wait3A_2184] : memref<7x!tpu.dma_semaphore, #tpu.memory_space<semaphore_mem>> -> memref<1x!tpu.dma_semaphore, #tpu.memory_space<semaphore_mem>>
    %dma_wait3A_2192 = tpu.memref_squeeze %dma_wait3A_2191 : memref<1x!tpu.dma_semaphore, #tpu.memory_space<semaphore_mem>> -> memref<!tpu.dma_semaphore, #tpu.memory_space<semaphore_mem>>
    %dma_wait3A_2193 = arith.constant 0 : i32
    %dma_wait3A_2194 = arith.constant 0 : i32
    %dma_wait3A_2195 = tpu.memref_slice %arg10[%dma_wait3A_2193, %dma_wait3A_2194] : memref<16x3584xf32, #tpu.memory_space<vmem>> -> memref<16x128xf32, #tpu.memory_space<vmem>>
    %dma_wait3A_2196 = arith.constant 0 : i32
    %dma_wait3A_2197 = arith.constant 0 : i32
    %dma_wait3A_2198 = tpu.memref_slice %arg5[%dma_wait3A_2196, %dma_wait3A_2197] : memref<16x1000000xf32, #tpu.memory_space<hbm>> -> memref<16x128xf32, #tpu.memory_space<hbm>>
    tpu.wait_dma2 semaphore(%dma_wait3A_2192 : memref<!tpu.dma_semaphore, #tpu.memory_space<semaphore_mem>>) src(%dma_wait3A_2198 : memref<16x128xf32, #tpu.memory_space<hbm>>) dst(%dma_wait3A_2195 : memref<16x128xf32, #tpu.memory_space<vmem>>)
    %dma_wait3A_2199 = arith.constant 0 : i32
    %dma_wait3A_2200 = arith.constant 0 : i32
    %dma_wait3A_2201 = arith.constant 128 : i32
    %dma_wait3A_2202 = tpu.memref_slice %arg9[%dma_wait3A_2200, %dma_wait3A_2201] : memref<16x3584xf32, #tpu.memory_space<vmem>> -> memref<16x128xf32, #tpu.memory_space<vmem>>
    %dma_wait3A_2203 = arith.constant 0 : i32
    %dma_wait3A_2204 = arith.constant 0 : i32
    %dma_wait3A_2205 = tpu.memref_slice %arg4[%dma_wait3A_2203, %dma_wait3A_2204] : memref<16x1000000xf32, #tpu.memory_space<hbm>> -> memref<16x128xf32, #tpu.memory_space<hbm>>
    %dma_wait3A_2206 = tpu.memref_slice %arg12[%dma_wait3A_2199] : memref<7x!tpu.dma_semaphore, #tpu.memory_space<semaphore_mem>> -> memref<1x!tpu.dma_semaphore, #tpu.memory_space<semaphore_mem>>
    %dma_wait3A_2207 = tpu.memref_squeeze %dma_wait3A_2206 : memref<1x!tpu.dma_semaphore, #tpu.memory_space<semaphore_mem>> -> memref<!tpu.dma_semaphore, #tpu.memory_space<semaphore_mem>>
    %dma_wait3A_2208 = arith.constant 0 : i32
    %dma_wait3A_2209 = arith.constant 128 : i32
    %dma_wait3A_2210 = tpu.memref_slice %arg9[%dma_wait3A_2208, %dma_wait3A_2209] : memref<16x3584xf32, #tpu.memory_space<vmem>> -> memref<16x128xf32, #tpu.memory_space<vmem>>
    %dma_wait3A_2211 = arith.constant 0 : i32
    %dma_wait3A_2212 = arith.constant 0 : i32
    %dma_wait3A_2213 = tpu.memref_slice %arg4[%dma_wait3A_2211, %dma_wait3A_2212] : memref<16x1000000xf32, #tpu.memory_space<hbm>> -> memref<16x128xf32, #tpu.memory_space<hbm>>
    tpu.wait_dma2 semaphore(%dma_wait3A_2207 : memref<!tpu.dma_semaphore, #tpu.memory_space<semaphore_mem>>) src(%dma_wait3A_2213 : memref<16x128xf32, #tpu.memory_space<hbm>>) dst(%dma_wait3A_2210 : memref<16x128xf32, #tpu.memory_space<vmem>>)
    %dma_wait3A_2214 = arith.constant 0 : i32
    %dma_wait3A_2215 = arith.constant 0 : i32
    %dma_wait3A_2216 = arith.constant 128 : i32
    %dma_wait3A_2217 = tpu.memref_slice %arg10[%dma_wait3A_2215, %dma_wait3A_2216] : memref<16x3584xf32, #tpu.memory_space<vmem>> -> memref<16x128xf32, #tpu.memory_space<vmem>>
    %dma_wait3A_2218 = arith.constant 0 : i32
    %dma_wait3A_2219 = arith.constant 0 : i32
    %dma_wait3A_2220 = tpu.memref_slice %arg5[%dma_wait3A_2218, %dma_wait3A_2219] : memref<16x1000000xf32, #tpu.memory_space<hbm>> -> memref<16x128xf32, #tpu.memory_space<hbm>>
    %dma_wait3A_2221 = tpu.memref_slice %arg12[%dma_wait3A_2214] : memref<7x!tpu.dma_semaphore, #tpu.memory_space<semaphore_mem>> -> memref<1x!tpu.dma_semaphore, #tpu.memory_space<semaphore_mem>>
    %dma_wait3A_2222 = tpu.memref_squeeze %dma_wait3A_2221 : memref<1x!tpu.dma_semaphore, #tpu.memory_space<semaphore_mem>> -> memref<!tpu.dma_semaphore, #tpu.memory_space<semaphore_mem>>
    %dma_wait3A_2223 = arith.constant 0 : i32
    %dma_wait3A_2224 = arith.constant 128 : i32
    %dma_wait3A_2225 = tpu.memref_slice %arg10[%dma_wait3A_2223, %dma_wait3A_2224] : memref<16x3584xf32, #tpu.memory_space<vmem>> -> memref<16x128xf32, #tpu.memory_space<vmem>>
    %dma_wait3A_2226 = arith.constant 0 : i32
    %dma_wait3A_2227 = arith.constant 0 : i32
    %dma_wait3A_2228 = tpu.memref_slice %arg5[%dma_wait3A_2226, %dma_wait3A_2227] : memref<16x1000000xf32, #tpu.memory_space<hbm>> -> memref<16x128xf32, #tpu.memory_space<hbm>>
    tpu.wait_dma2 semaphore(%dma_wait3A_2222 : memref<!tpu.dma_semaphore, #tpu.memory_space<semaphore_mem>>) src(%dma_wait3A_2228 : memref<16x128xf32, #tpu.memory_space<hbm>>) dst(%dma_wait3A_2225 : memref<16x128xf32, #tpu.memory_space<vmem>>)
    %dma_wait3A_2229 = arith.constant 0 : i32
    %dma_wait3A_2230 = arith.constant 0 : i32
    %dma_wait3A_2231 = arith.constant 256 : i32
    %dma_wait3A_2232 = tpu.memref_slice %arg9[%dma_wait3A_2230, %dma_wait3A_2231] : memref<16x3584xf32, #tpu.memory_space<vmem>> -> memref<16x128xf32, #tpu.memory_space<vmem>>
    %dma_wait3A_2233 = arith.constant 0 : i32
    %dma_wait3A_2234 = arith.constant 0 : i32
    %dma_wait3A_2235 = tpu.memref_slice %arg4[%dma_wait3A_2233, %dma_wait3A_2234] : memref<16x1000000xf32, #tpu.memory_space<hbm>> -> memref<16x128xf32, #tpu.memory_space<hbm>>
    %dma_wait3A_2236 = tpu.memref_slice %arg12[%dma_wait3A_2229] : memref<7x!tpu.dma_semaphore, #tpu.memory_space<semaphore_mem>> -> memref<1x!tpu.dma_semaphore, #tpu.memory_space<semaphore_mem>>
    %dma_wait3A_2237 = tpu.memref_squeeze %dma_wait3A_2236 : memref<1x!tpu.dma_semaphore, #tpu.memory_space<semaphore_mem>> -> memref<!tpu.dma_semaphore, #tpu.memory_space<semaphore_mem>>
    %dma_wait3A_2238 = arith.constant 0 : i32
    %dma_wait3A_2239 = arith.constant 256 : i32
    %dma_wait3A_2240 = tpu.memref_slice %arg9[%dma_wait3A_2238, %dma_wait3A_2239] : memref<16x3584xf32, #tpu.memory_space<vmem>> -> memref<16x128xf32, #tpu.memory_space<vmem>>
    %dma_wait3A_2241 = arith.constant 0 : i32
    %dma_wait3A_2242 = arith.constant 0 : i32
    %dma_wait3A_2243 = tpu.memref_slice %arg4[%dma_wait3A_2241, %dma_wait3A_2242] : memref<16x1000000xf32, #tpu.memory_space<hbm>> -> memref<16x128xf32, #tpu.memory_space<hbm>>
    tpu.wait_dma2 semaphore(%dma_wait3A_2237 : memref<!tpu.dma_semaphore, #tpu.memory_space<semaphore_mem>>) src(%dma_wait3A_2243 : memref<16x128xf32, #tpu.memory_space<hbm>>) dst(%dma_wait3A_2240 : memref<16x128xf32, #tpu.memory_space<vmem>>)
    %dma_wait3A_2244 = arith.constant 0 : i32
    %dma_wait3A_2245 = arith.constant 0 : i32
    %dma_wait3A_2246 = arith.constant 256 : i32
    %dma_wait3A_2247 = tpu.memref_slice %arg10[%dma_wait3A_2245, %dma_wait3A_2246] : memref<16x3584xf32, #tpu.memory_space<vmem>> -> memref<16x128xf32, #tpu.memory_space<vmem>>
    %dma_wait3A_2248 = arith.constant 0 : i32
    %dma_wait3A_2249 = arith.constant 0 : i32
    %dma_wait3A_2250 = tpu.memref_slice %arg5[%dma_wait3A_2248, %dma_wait3A_2249] : memref<16x1000000xf32, #tpu.memory_space<hbm>> -> memref<16x128xf32, #tpu.memory_space<hbm>>
    %dma_wait3A_2251 = tpu.memref_slice %arg12[%dma_wait3A_2244] : memref<7x!tpu.dma_semaphore, #tpu.memory_space<semaphore_mem>> -> memref<1x!tpu.dma_semaphore, #tpu.memory_space<semaphore_mem>>
    %dma_wait3A_2252 = tpu.memref_squeeze %dma_wait3A_2251 : memref<1x!tpu.dma_semaphore, #tpu.memory_space<semaphore_mem>> -> memref<!tpu.dma_semaphore, #tpu.memory_space<semaphore_mem>>
    %dma_wait3A_2253 = arith.constant 0 : i32
    %dma_wait3A_2254 = arith.constant 256 : i32
    %dma_wait3A_2255 = tpu.memref_slice %arg10[%dma_wait3A_2253, %dma_wait3A_2254] : memref<16x3584xf32, #tpu.memory_space<vmem>> -> memref<16x128xf32, #tpu.memory_space<vmem>>
    %dma_wait3A_2256 = arith.constant 0 : i32
    %dma_wait3A_2257 = arith.constant 0 : i32
    %dma_wait3A_2258 = tpu.memref_slice %arg5[%dma_wait3A_2256, %dma_wait3A_2257] : memref<16x1000000xf32, #tpu.memory_space<hbm>> -> memref<16x128xf32, #tpu.memory_space<hbm>>
    tpu.wait_dma2 semaphore(%dma_wait3A_2252 : memref<!tpu.dma_semaphore, #tpu.memory_space<semaphore_mem>>) src(%dma_wait3A_2258 : memref<16x128xf32, #tpu.memory_space<hbm>>) dst(%dma_wait3A_2255 : memref<16x128xf32, #tpu.memory_space<vmem>>)
    %dma_wait3A_2259 = arith.constant 0 : i32
    %dma_wait3A_2260 = arith.constant 0 : i32
    %dma_wait3A_2261 = arith.constant 384 : i32
    %dma_wait3A_2262 = tpu.memref_slice %arg9[%dma_wait3A_2260, %dma_wait3A_2261] : memref<16x3584xf32, #tpu.memory_space<vmem>> -> memref<16x128xf32, #tpu.memory_space<vmem>>
    %dma_wait3A_2263 = arith.constant 0 : i32
    %dma_wait3A_2264 = arith.constant 0 : i32
    %dma_wait3A_2265 = tpu.memref_slice %arg4[%dma_wait3A_2263, %dma_wait3A_2264] : memref<16x1000000xf32, #tpu.memory_space<hbm>> -> memref<16x128xf32, #tpu.memory_space<hbm>>
    %dma_wait3A_2266 = tpu.memref_slice %arg12[%dma_wait3A_2259] : memref<7x!tpu.dma_semaphore, #tpu.memory_space<semaphore_mem>> -> memref<1x!tpu.dma_semaphore, #tpu.memory_space<semaphore_mem>>
    %dma_wait3A_2267 = tpu.memref_squeeze %dma_wait3A_2266 : memref<1x!tpu.dma_semaphore, #tpu.memory_space<semaphore_mem>> -> memref<!tpu.dma_semaphore, #tpu.memory_space<semaphore_mem>>
    %dma_wait3A_2268 = arith.constant 0 : i32
    %dma_wait3A_2269 = arith.constant 384 : i32
    %dma_wait3A_2270 = tpu.memref_slice %arg9[%dma_wait3A_2268, %dma_wait3A_2269] : memref<16x3584xf32, #tpu.memory_space<vmem>> -> memref<16x128xf32, #tpu.memory_space<vmem>>
    %dma_wait3A_2271 = arith.constant 0 : i32
    %dma_wait3A_2272 = arith.constant 0 : i32
    %dma_wait3A_2273 = tpu.memref_slice %arg4[%dma_wait3A_2271, %dma_wait3A_2272] : memref<16x1000000xf32, #tpu.memory_space<hbm>> -> memref<16x128xf32, #tpu.memory_space<hbm>>
    tpu.wait_dma2 semaphore(%dma_wait3A_2267 : memref<!tpu.dma_semaphore, #tpu.memory_space<semaphore_mem>>) src(%dma_wait3A_2273 : memref<16x128xf32, #tpu.memory_space<hbm>>) dst(%dma_wait3A_2270 : memref<16x128xf32, #tpu.memory_space<vmem>>)
    %dma_wait3A_2274 = arith.constant 0 : i32
    %dma_wait3A_2275 = arith.constant 0 : i32
    %dma_wait3A_2276 = arith.constant 384 : i32
    %dma_wait3A_2277 = tpu.memref_slice %arg10[%dma_wait3A_2275, %dma_wait3A_2276] : memref<16x3584xf32, #tpu.memory_space<vmem>> -> memref<16x128xf32, #tpu.memory_space<vmem>>
    %dma_wait3A_2278 = arith.constant 0 : i32
    %dma_wait3A_2279 = arith.constant 0 : i32
    %dma_wait3A_2280 = tpu.memref_slice %arg5[%dma_wait3A_2278, %dma_wait3A_2279] : memref<16x1000000xf32, #tpu.memory_space<hbm>> -> memref<16x128xf32, #tpu.memory_space<hbm>>
    %dma_wait3A_2281 = tpu.memref_slice %arg12[%dma_wait3A_2274] : memref<7x!tpu.dma_semaphore, #tpu.memory_space<semaphore_mem>> -> memref<1x!tpu.dma_semaphore, #tpu.memory_space<semaphore_mem>>
    %dma_wait3A_2282 = tpu.memref_squeeze %dma_wait3A_2281 : memref<1x!tpu.dma_semaphore, #tpu.memory_space<semaphore_mem>> -> memref<!tpu.dma_semaphore, #tpu.memory_space<semaphore_mem>>
    %dma_wait3A_2283 = arith.constant 0 : i32
    %dma_wait3A_2284 = arith.constant 384 : i32
    %dma_wait3A_2285 = tpu.memref_slice %arg10[%dma_wait3A_2283, %dma_wait3A_2284] : memref<16x3584xf32, #tpu.memory_space<vmem>> -> memref<16x128xf32, #tpu.memory_space<vmem>>
    %dma_wait3A_2286 = arith.constant 0 : i32
    %dma_wait3A_2287 = arith.constant 0 : i32
    %dma_wait3A_2288 = tpu.memref_slice %arg5[%dma_wait3A_2286, %dma_wait3A_2287] : memref<16x1000000xf32, #tpu.memory_space<hbm>> -> memref<16x128xf32, #tpu.memory_space<hbm>>
    tpu.wait_dma2 semaphore(%dma_wait3A_2282 : memref<!tpu.dma_semaphore, #tpu.memory_space<semaphore_mem>>) src(%dma_wait3A_2288 : memref<16x128xf32, #tpu.memory_space<hbm>>) dst(%dma_wait3A_2285 : memref<16x128xf32, #tpu.memory_space<vmem>>)
    %get3A_2289 = arith.constant 504 : index
    %get3A_2290 = tpu.vector_load %arg7[%get3A_2289] {strides = array<i32>} : memref<528xi32, #tpu.memory_space<vmem>>, vector<16xi32>,
    %get3A_2291 = arith.constant 504 : index
    %get3A_2292 = tpu.vector_load %arg8[%get3A_2291] {strides = array<i32>} : memref<528xi32, #tpu.memory_space<vmem>>, vector<16xi32>,
    %and3A_2293 = arith.constant 3 : i32
    %and3A_2294 = vector.broadcast %and3A_2293 : i32 to vector<16xi32>
    %and3A_2295 = arith.andi %iota3A, %and3A_2294 : vector<16xi32>
    %mul3A_2296 = arith.constant 128 : i32
    %mul3A_2297 = vector.broadcast %mul3A_2296 : i32 to vector<16xi32>
    %mul3A_2298 = arith.muli %and3A_2295, %mul3A_2297 : vector<16xi32>
    %add3A_2299 = arith.constant 0 : i32
    %add3A_2300 = vector.broadcast %add3A_2299 : i32 to vector<16xi32>
    %add3A_2301 = arith.addi %add3A_2300, %mul3A_2298 : vector<16xi32>
    %and3A_2302 = arith.constant 127 : i32
    %and3A_2303 = vector.broadcast %and3A_2302 : i32 to vector<16xi32>
    %and3A_2304 = arith.andi %get3A_2290, %and3A_2303 : vector<16xi32>
    %add3A_2305 = arith.addi %add3A_2301, %and3A_2304 : vector<16xi32>
    %and3A_2306 = arith.constant 127 : i32
    %and3A_2307 = vector.broadcast %and3A_2306 : i32 to vector<16xi32>
    %and3A_2308 = arith.andi %get3A_2292, %and3A_2307 : vector<16xi32>
    %add3A_2309 = arith.addi %add3A_2301, %and3A_2308 : vector<16xi32>
    %broadcast_in_dim3A_2310 = arith.constant 0.000000e+00 : f32
    %broadcast_in_dim3A_2311 = vector.broadcast %broadcast_in_dim3A_2310 : f32 to vector<16xf32>
    %broadcast_in_dim3A_2312 = arith.constant 0 : i32
    %broadcast_in_dim3A_2313 = vector.broadcast %broadcast_in_dim3A_2312 : i32 to vector<16xi32>
    %gather3A_2314 = tpu.vector_load_idx %arg9[%broadcast_in_dim3A_2313, %add3A_2305] : memref<16x3584xf32, #tpu.memory_space<vmem>>[vector<16xi32>, vector<16xi32>], vector<16xf32>,
    %gather3A_2315 = tpu.vector_load_idx %arg10[%broadcast_in_dim3A_2313, %add3A_2309] : memref<16x3584xf32, #tpu.memory_space<vmem>>[vector<16xi32>, vector<16xi32>], vector<16xf32>,
    %mul3A_2316 = arith.mulf %gather3A_2314, %gather3A_2315 : vector<16xf32>
    %add3A_2317 = arith.addf %broadcast_in_dim3A_2311, %mul3A_2316 : vector<16xf32>
    %broadcast_in_dim3A_2318 = arith.constant 1 : i32
    %broadcast_in_dim3A_2319 = vector.broadcast %broadcast_in_dim3A_2318 : i32 to vector<16xi32>
    %gather3A_2320 = tpu.vector_load_idx %arg9[%broadcast_in_dim3A_2319, %add3A_2305] : memref<16x3584xf32, #tpu.memory_space<vmem>>[vector<16xi32>, vector<16xi32>], vector<16xf32>,
    %gather3A_2321 = tpu.vector_load_idx %arg10[%broadcast_in_dim3A_2319, %add3A_2309] : memref<16x3584xf32, #tpu.memory_space<vmem>>[vector<16xi32>, vector<16xi32>], vector<16xf32>,
    %mul3A_2322 = arith.mulf %gather3A_2320, %gather3A_2321 : vector<16xf32>
    %add3A_2323 = arith.addf %add3A_2317, %mul3A_2322 : vector<16xf32>
    %broadcast_in_dim3A_2324 = arith.constant 2 : i32
    %broadcast_in_dim3A_2325 = vector.broadcast %broadcast_in_dim3A_2324 : i32 to vector<16xi32>
    %gather3A_2326 = tpu.vector_load_idx %arg9[%broadcast_in_dim3A_2325, %add3A_2305] : memref<16x3584xf32, #tpu.memory_space<vmem>>[vector<16xi32>, vector<16xi32>], vector<16xf32>,
    %gather3A_2327 = tpu.vector_load_idx %arg10[%broadcast_in_dim3A_2325, %add3A_2309] : memref<16x3584xf32, #tpu.memory_space<vmem>>[vector<16xi32>, vector<16xi32>], vector<16xf32>,
    %mul3A_2328 = arith.mulf %gather3A_2326, %gather3A_2327 : vector<16xf32>
    %add3A_2329 = arith.addf %add3A_2323, %mul3A_2328 : vector<16xf32>
    %broadcast_in_dim3A_2330 = arith.constant 3 : i32
    %broadcast_in_dim3A_2331 = vector.broadcast %broadcast_in_dim3A_2330 : i32 to vector<16xi32>
    %gather3A_2332 = tpu.vector_load_idx %arg9[%broadcast_in_dim3A_2331, %add3A_2305] : memref<16x3584xf32, #tpu.memory_space<vmem>>[vector<16xi32>, vector<16xi32>], vector<16xf32>,
    %gather3A_2333 = tpu.vector_load_idx %arg10[%broadcast_in_dim3A_2331, %add3A_2309] : memref<16x3584xf32, #tpu.memory_space<vmem>>[vector<16xi32>, vector<16xi32>], vector<16xf32>,
    %mul3A_2334 = arith.mulf %gather3A_2332, %gather3A_2333 : vector<16xf32>
    %add3A_2335 = arith.addf %add3A_2329, %mul3A_2334 : vector<16xf32>
    %broadcast_in_dim3A_2336 = arith.constant 4 : i32
    %broadcast_in_dim3A_2337 = vector.broadcast %broadcast_in_dim3A_2336 : i32 to vector<16xi32>
    %gather3A_2338 = tpu.vector_load_idx %arg9[%broadcast_in_dim3A_2337, %add3A_2305] : memref<16x3584xf32, #tpu.memory_space<vmem>>[vector<16xi32>, vector<16xi32>], vector<16xf32>,
    %gather3A_2339 = tpu.vector_load_idx %arg10[%broadcast_in_dim3A_2337, %add3A_2309] : memref<16x3584xf32, #tpu.memory_space<vmem>>[vector<16xi32>, vector<16xi32>], vector<16xf32>,
    %mul3A_2340 = arith.mulf %gather3A_2338, %gather3A_2339 : vector<16xf32>
    %add3A_2341 = arith.addf %add3A_2335, %mul3A_2340 : vector<16xf32>
    %broadcast_in_dim3A_2342 = arith.constant 5 : i32
    %broadcast_in_dim3A_2343 = vector.broadcast %broadcast_in_dim3A_2342 : i32 to vector<16xi32>
    %gather3A_2344 = tpu.vector_load_idx %arg9[%broadcast_in_dim3A_2343, %add3A_2305] : memref<16x3584xf32, #tpu.memory_space<vmem>>[vector<16xi32>, vector<16xi32>], vector<16xf32>,
    %gather3A_2345 = tpu.vector_load_idx %arg10[%broadcast_in_dim3A_2343, %add3A_2309] : memref<16x3584xf32, #tpu.memory_space<vmem>>[vector<16xi32>, vector<16xi32>], vector<16xf32>,
    %mul3A_2346 = arith.mulf %gather3A_2344, %gather3A_2345 : vector<16xf32>
    %add3A_2347 = arith.addf %add3A_2341, %mul3A_2346 : vector<16xf32>
    %broadcast_in_dim3A_2348 = arith.constant 6 : i32
    %broadcast_in_dim3A_2349 = vector.broadcast %broadcast_in_dim3A_2348 : i32 to vector<16xi32>
    %gather3A_2350 = tpu.vector_load_idx %arg9[%broadcast_in_dim3A_2349, %add3A_2305] : memref<16x3584xf32, #tpu.memory_space<vmem>>[vector<16xi32>, vector<16xi32>], vector<16xf32>,
    %gather3A_2351 = tpu.vector_load_idx %arg10[%broadcast_in_dim3A_2349, %add3A_2309] : memref<16x3584xf32, #tpu.memory_space<vmem>>[vector<16xi32>, vector<16xi32>], vector<16xf32>,
    %mul3A_2352 = arith.mulf %gather3A_2350, %gather3A_2351 : vector<16xf32>
    %add3A_2353 = arith.addf %add3A_2347, %mul3A_2352 : vector<16xf32>
    %broadcast_in_dim3A_2354 = arith.constant 7 : i32
    %broadcast_in_dim3A_2355 = vector.broadcast %broadcast_in_dim3A_2354 : i32 to vector<16xi32>
    %gather3A_2356 = tpu.vector_load_idx %arg9[%broadcast_in_dim3A_2355, %add3A_2305] : memref<16x3584xf32, #tpu.memory_space<vmem>>[vector<16xi32>, vector<16xi32>], vector<16xf32>,
    %gather3A_2357 = tpu.vector_load_idx %arg10[%broadcast_in_dim3A_2355, %add3A_2309] : memref<16x3584xf32, #tpu.memory_space<vmem>>[vector<16xi32>, vector<16xi32>], vector<16xf32>,
    %mul3A_2358 = arith.mulf %gather3A_2356, %gather3A_2357 : vector<16xf32>
    %add3A_2359 = arith.addf %add3A_2353, %mul3A_2358 : vector<16xf32>
    %broadcast_in_dim3A_2360 = arith.constant 8 : i32
    %broadcast_in_dim3A_2361 = vector.broadcast %broadcast_in_dim3A_2360 : i32 to vector<16xi32>
    %gather3A_2362 = tpu.vector_load_idx %arg9[%broadcast_in_dim3A_2361, %add3A_2305] : memref<16x3584xf32, #tpu.memory_space<vmem>>[vector<16xi32>, vector<16xi32>], vector<16xf32>,
    %gather3A_2363 = tpu.vector_load_idx %arg10[%broadcast_in_dim3A_2361, %add3A_2309] : memref<16x3584xf32, #tpu.memory_space<vmem>>[vector<16xi32>, vector<16xi32>], vector<16xf32>,
    %mul3A_2364 = arith.mulf %gather3A_2362, %gather3A_2363 : vector<16xf32>
    %add3A_2365 = arith.addf %add3A_2359, %mul3A_2364 : vector<16xf32>
    %broadcast_in_dim3A_2366 = arith.constant 9 : i32
    %broadcast_in_dim3A_2367 = vector.broadcast %broadcast_in_dim3A_2366 : i32 to vector<16xi32>
    %gather3A_2368 = tpu.vector_load_idx %arg9[%broadcast_in_dim3A_2367, %add3A_2305] : memref<16x3584xf32, #tpu.memory_space<vmem>>[vector<16xi32>, vector<16xi32>], vector<16xf32>,
    %gather3A_2369 = tpu.vector_load_idx %arg10[%broadcast_in_dim3A_2367, %add3A_2309] : memref<16x3584xf32, #tpu.memory_space<vmem>>[vector<16xi32>, vector<16xi32>], vector<16xf32>,
    %mul3A_2370 = arith.mulf %gather3A_2368, %gather3A_2369 : vector<16xf32>
    %add3A_2371 = arith.addf %add3A_2365, %mul3A_2370 : vector<16xf32>
    %broadcast_in_dim3A_2372 = arith.constant 10 : i32
    %broadcast_in_dim3A_2373 = vector.broadcast %broadcast_in_dim3A_2372 : i32 to vector<16xi32>
    %gather3A_2374 = tpu.vector_load_idx %arg9[%broadcast_in_dim3A_2373, %add3A_2305] : memref<16x3584xf32, #tpu.memory_space<vmem>>[vector<16xi32>, vector<16xi32>], vector<16xf32>,
    %gather3A_2375 = tpu.vector_load_idx %arg10[%broadcast_in_dim3A_2373, %add3A_2309] : memref<16x3584xf32, #tpu.memory_space<vmem>>[vector<16xi32>, vector<16xi32>], vector<16xf32>,
    %mul3A_2376 = arith.mulf %gather3A_2374, %gather3A_2375 : vector<16xf32>
    %add3A_2377 = arith.addf %add3A_2371, %mul3A_2376 : vector<16xf32>
    %broadcast_in_dim3A_2378 = arith.constant 11 : i32
    %broadcast_in_dim3A_2379 = vector.broadcast %broadcast_in_dim3A_2378 : i32 to vector<16xi32>
    %gather3A_2380 = tpu.vector_load_idx %arg9[%broadcast_in_dim3A_2379, %add3A_2305] : memref<16x3584xf32, #tpu.memory_space<vmem>>[vector<16xi32>, vector<16xi32>], vector<16xf32>,
    %gather3A_2381 = tpu.vector_load_idx %arg10[%broadcast_in_dim3A_2379, %add3A_2309] : memref<16x3584xf32, #tpu.memory_space<vmem>>[vector<16xi32>, vector<16xi32>], vector<16xf32>,
    %mul3A_2382 = arith.mulf %gather3A_2380, %gather3A_2381 : vector<16xf32>
    %add3A_2383 = arith.addf %add3A_2377, %mul3A_2382 : vector<16xf32>
    %broadcast_in_dim3A_2384 = arith.constant 12 : i32
    %broadcast_in_dim3A_2385 = vector.broadcast %broadcast_in_dim3A_2384 : i32 to vector<16xi32>
    %gather3A_2386 = tpu.vector_load_idx %arg9[%broadcast_in_dim3A_2385, %add3A_2305] : memref<16x3584xf32, #tpu.memory_space<vmem>>[vector<16xi32>, vector<16xi32>], vector<16xf32>,
    %gather3A_2387 = tpu.vector_load_idx %arg10[%broadcast_in_dim3A_2385, %add3A_2309] : memref<16x3584xf32, #tpu.memory_space<vmem>>[vector<16xi32>, vector<16xi32>], vector<16xf32>,
    %mul3A_2388 = arith.mulf %gather3A_2386, %gather3A_2387 : vector<16xf32>
    %add3A_2389 = arith.addf %add3A_2383, %mul3A_2388 : vector<16xf32>
    %broadcast_in_dim3A_2390 = arith.constant 13 : i32
    %broadcast_in_dim3A_2391 = vector.broadcast %broadcast_in_dim3A_2390 : i32 to vector<16xi32>
    %gather3A_2392 = tpu.vector_load_idx %arg9[%broadcast_in_dim3A_2391, %add3A_2305] : memref<16x3584xf32, #tpu.memory_space<vmem>>[vector<16xi32>, vector<16xi32>], vector<16xf32>,
    %gather3A_2393 = tpu.vector_load_idx %arg10[%broadcast_in_dim3A_2391, %add3A_2309] : memref<16x3584xf32, #tpu.memory_space<vmem>>[vector<16xi32>, vector<16xi32>], vector<16xf32>,
    %mul3A_2394 = arith.mulf %gather3A_2392, %gather3A_2393 : vector<16xf32>
    %add3A_2395 = arith.addf %add3A_2389, %mul3A_2394 : vector<16xf32>
    %broadcast_in_dim3A_2396 = arith.constant 14 : i32
    %broadcast_in_dim3A_2397 = vector.broadcast %broadcast_in_dim3A_2396 : i32 to vector<16xi32>
    %gather3A_2398 = tpu.vector_load_idx %arg9[%broadcast_in_dim3A_2397, %add3A_2305] : memref<16x3584xf32, #tpu.memory_space<vmem>>[vector<16xi32>, vector<16xi32>], vector<16xf32>,
    %gather3A_2399 = tpu.vector_load_idx %arg10[%broadcast_in_dim3A_2397, %add3A_2309] : memref<16x3584xf32, #tpu.memory_space<vmem>>[vector<16xi32>, vector<16xi32>], vector<16xf32>,
    %mul3A_2400 = arith.mulf %gather3A_2398, %gather3A_2399 : vector<16xf32>
    %add3A_2401 = arith.addf %add3A_2395, %mul3A_2400 : vector<16xf32>
    %broadcast_in_dim3A_2402 = arith.constant 15 : i32
    %broadcast_in_dim3A_2403 = vector.broadcast %broadcast_in_dim3A_2402 : i32 to vector<16xi32>
    %gather3A_2404 = tpu.vector_load_idx %arg9[%broadcast_in_dim3A_2403, %add3A_2305] : memref<16x3584xf32, #tpu.memory_space<vmem>>[vector<16xi32>, vector<16xi32>], vector<16xf32>,
    %gather3A_2405 = tpu.vector_load_idx %arg10[%broadcast_in_dim3A_2403, %add3A_2309] : memref<16x3584xf32, #tpu.memory_space<vmem>>[vector<16xi32>, vector<16xi32>], vector<16xf32>,
    %mul3A_2406 = arith.mulf %gather3A_2404, %gather3A_2405 : vector<16xf32>
    %add3A_2407 = arith.addf %add3A_2401, %mul3A_2406 : vector<16xf32>
    %swap3A_2408 = arith.constant 504 : index
    %swap3A_2409 = tpu.vector_load %arg11[%swap3A_2408] {strides = array<i32>} : memref<528xf32, #tpu.memory_space<vmem>>, vector<16xf32>,
    tpu.vector_store %arg11[%swap3A_2408], %add3A_2407 {strides = array<i32>} : memref<528xf32, #tpu.memory_space<vmem>>, vector<16xf32>,
    %dma_wait3A_2410 = arith.constant 1 : i32
    %dma_wait3A_2411 = arith.constant 0 : i32
    %dma_wait3A_2412 = arith.constant 512 : i32
    %dma_wait3A_2413 = tpu.memref_slice %arg9[%dma_wait3A_2411, %dma_wait3A_2412] : memref<16x3584xf32, #tpu.memory_space<vmem>> -> memref<16x128xf32, #tpu.memory_space<vmem>>
    %dma_wait3A_2414 = arith.constant 0 : i32
    %dma_wait3A_2415 = arith.constant 0 : i32
    %dma_wait3A_2416 = tpu.memref_slice %arg4[%dma_wait3A_2414, %dma_wait3A_2415] : memref<16x1000000xf32, #tpu.memory_space<hbm>> -> memref<16x128xf32, #tpu.memory_space<hbm>>
    %dma_wait3A_2417 = tpu.memref_slice %arg12[%dma_wait3A_2410] : memref<7x!tpu.dma_semaphore, #tpu.memory_space<semaphore_mem>> -> memref<1x!tpu.dma_semaphore, #tpu.memory_space<semaphore_mem>>
    %dma_wait3A_2418 = tpu.memref_squeeze %dma_wait3A_2417 : memref<1x!tpu.dma_semaphore, #tpu.memory_space<semaphore_mem>> -> memref<!tpu.dma_semaphore, #tpu.memory_space<semaphore_mem>>
    %dma_wait3A_2419 = arith.constant 0 : i32
    %dma_wait3A_2420 = arith.constant 512 : i32
    %dma_wait3A_2421 = tpu.memref_slice %arg9[%dma_wait3A_2419, %dma_wait3A_2420] : memref<16x3584xf32, #tpu.memory_space<vmem>> -> memref<16x128xf32, #tpu.memory_space<vmem>>
    %dma_wait3A_2422 = arith.constant 0 : i32
    %dma_wait3A_2423 = arith.constant 0 : i32
    %dma_wait3A_2424 = tpu.memref_slice %arg4[%dma_wait3A_2422, %dma_wait3A_2423] : memref<16x1000000xf32, #tpu.memory_space<hbm>> -> memref<16x128xf32, #tpu.memory_space<hbm>>
    tpu.wait_dma2 semaphore(%dma_wait3A_2418 : memref<!tpu.dma_semaphore, #tpu.memory_space<semaphore_mem>>) src(%dma_wait3A_2424 : memref<16x128xf32, #tpu.memory_space<hbm>>) dst(%dma_wait3A_2421 : memref<16x128xf32, #tpu.memory_space<vmem>>)
    %dma_wait3A_2425 = arith.constant 1 : i32
    %dma_wait3A_2426 = arith.constant 0 : i32
    %dma_wait3A_2427 = arith.constant 512 : i32
    %dma_wait3A_2428 = tpu.memref_slice %arg10[%dma_wait3A_2426, %dma_wait3A_2427] : memref<16x3584xf32, #tpu.memory_space<vmem>> -> memref<16x128xf32, #tpu.memory_space<vmem>>
    %dma_wait3A_2429 = arith.constant 0 : i32
    %dma_wait3A_2430 = arith.constant 0 : i32
    %dma_wait3A_2431 = tpu.memref_slice %arg5[%dma_wait3A_2429, %dma_wait3A_2430] : memref<16x1000000xf32, #tpu.memory_space<hbm>> -> memref<16x128xf32, #tpu.memory_space<hbm>>
    %dma_wait3A_2432 = tpu.memref_slice %arg12[%dma_wait3A_2425] : memref<7x!tpu.dma_semaphore, #tpu.memory_space<semaphore_mem>> -> memref<1x!tpu.dma_semaphore, #tpu.memory_space<semaphore_mem>>
    %dma_wait3A_2433 = tpu.memref_squeeze %dma_wait3A_2432 : memref<1x!tpu.dma_semaphore, #tpu.memory_space<semaphore_mem>> -> memref<!tpu.dma_semaphore, #tpu.memory_space<semaphore_mem>>
    %dma_wait3A_2434 = arith.constant 0 : i32
    %dma_wait3A_2435 = arith.constant 512 : i32
    %dma_wait3A_2436 = tpu.memref_slice %arg10[%dma_wait3A_2434, %dma_wait3A_2435] : memref<16x3584xf32, #tpu.memory_space<vmem>> -> memref<16x128xf32, #tpu.memory_space<vmem>>
    %dma_wait3A_2437 = arith.constant 0 : i32
    %dma_wait3A_2438 = arith.constant 0 : i32
    %dma_wait3A_2439 = tpu.memref_slice %arg5[%dma_wait3A_2437, %dma_wait3A_2438] : memref<16x1000000xf32, #tpu.memory_space<hbm>> -> memref<16x128xf32, #tpu.memory_space<hbm>>
    tpu.wait_dma2 semaphore(%dma_wait3A_2433 : memref<!tpu.dma_semaphore, #tpu.memory_space<semaphore_mem>>) src(%dma_wait3A_2439 : memref<16x128xf32, #tpu.memory_space<hbm>>) dst(%dma_wait3A_2436 : memref<16x128xf32, #tpu.memory_space<vmem>>)
    %dma_wait3A_2440 = arith.constant 1 : i32
    %dma_wait3A_2441 = arith.constant 0 : i32
    %dma_wait3A_2442 = arith.constant 640 : i32
    %dma_wait3A_2443 = tpu.memref_slice %arg9[%dma_wait3A_2441, %dma_wait3A_2442] : memref<16x3584xf32, #tpu.memory_space<vmem>> -> memref<16x128xf32, #tpu.memory_space<vmem>>
    %dma_wait3A_2444 = arith.constant 0 : i32
    %dma_wait3A_2445 = arith.constant 0 : i32
    %dma_wait3A_2446 = tpu.memref_slice %arg4[%dma_wait3A_2444, %dma_wait3A_2445] : memref<16x1000000xf32, #tpu.memory_space<hbm>> -> memref<16x128xf32, #tpu.memory_space<hbm>>
    %dma_wait3A_2447 = tpu.memref_slice %arg12[%dma_wait3A_2440] : memref<7x!tpu.dma_semaphore, #tpu.memory_space<semaphore_mem>> -> memref<1x!tpu.dma_semaphore, #tpu.memory_space<semaphore_mem>>
    %dma_wait3A_2448 = tpu.memref_squeeze %dma_wait3A_2447 : memref<1x!tpu.dma_semaphore, #tpu.memory_space<semaphore_mem>> -> memref<!tpu.dma_semaphore, #tpu.memory_space<semaphore_mem>>
    %dma_wait3A_2449 = arith.constant 0 : i32
    %dma_wait3A_2450 = arith.constant 640 : i32
    %dma_wait3A_2451 = tpu.memref_slice %arg9[%dma_wait3A_2449, %dma_wait3A_2450] : memref<16x3584xf32, #tpu.memory_space<vmem>> -> memref<16x128xf32, #tpu.memory_space<vmem>>
    %dma_wait3A_2452 = arith.constant 0 : i32
    %dma_wait3A_2453 = arith.constant 0 : i32
    %dma_wait3A_2454 = tpu.memref_slice %arg4[%dma_wait3A_2452, %dma_wait3A_2453] : memref<16x1000000xf32, #tpu.memory_space<hbm>> -> memref<16x128xf32, #tpu.memory_space<hbm>>
    tpu.wait_dma2 semaphore(%dma_wait3A_2448 : memref<!tpu.dma_semaphore, #tpu.memory_space<semaphore_mem>>) src(%dma_wait3A_2454 : memref<16x128xf32, #tpu.memory_space<hbm>>) dst(%dma_wait3A_2451 : memref<16x128xf32, #tpu.memory_space<vmem>>)
    %dma_wait3A_2455 = arith.constant 1 : i32
    %dma_wait3A_2456 = arith.constant 0 : i32
    %dma_wait3A_2457 = arith.constant 640 : i32
    %dma_wait3A_2458 = tpu.memref_slice %arg10[%dma_wait3A_2456, %dma_wait3A_2457] : memref<16x3584xf32, #tpu.memory_space<vmem>> -> memref<16x128xf32, #tpu.memory_space<vmem>>
    %dma_wait3A_2459 = arith.constant 0 : i32
    %dma_wait3A_2460 = arith.constant 0 : i32
    %dma_wait3A_2461 = tpu.memref_slice %arg5[%dma_wait3A_2459, %dma_wait3A_2460] : memref<16x1000000xf32, #tpu.memory_space<hbm>> -> memref<16x128xf32, #tpu.memory_space<hbm>>
    %dma_wait3A_2462 = tpu.memref_slice %arg12[%dma_wait3A_2455] : memref<7x!tpu.dma_semaphore, #tpu.memory_space<semaphore_mem>> -> memref<1x!tpu.dma_semaphore, #tpu.memory_space<semaphore_mem>>
    %dma_wait3A_2463 = tpu.memref_squeeze %dma_wait3A_2462 : memref<1x!tpu.dma_semaphore, #tpu.memory_space<semaphore_mem>> -> memref<!tpu.dma_semaphore, #tpu.memory_space<semaphore_mem>>
    %dma_wait3A_2464 = arith.constant 0 : i32
    %dma_wait3A_2465 = arith.constant 640 : i32
    %dma_wait3A_2466 = tpu.memref_slice %arg10[%dma_wait3A_2464, %dma_wait3A_2465] : memref<16x3584xf32, #tpu.memory_space<vmem>> -> memref<16x128xf32, #tpu.memory_space<vmem>>
    %dma_wait3A_2467 = arith.constant 0 : i32
    %dma_wait3A_2468 = arith.constant 0 : i32
    %dma_wait3A_2469 = tpu.memref_slice %arg5[%dma_wait3A_2467, %dma_wait3A_2468] : memref<16x1000000xf32, #tpu.memory_space<hbm>> -> memref<16x128xf32, #tpu.memory_space<hbm>>
    tpu.wait_dma2 semaphore(%dma_wait3A_2463 : memref<!tpu.dma_semaphore, #tpu.memory_space<semaphore_mem>>) src(%dma_wait3A_2469 : memref<16x128xf32, #tpu.memory_space<hbm>>) dst(%dma_wait3A_2466 : memref<16x128xf32, #tpu.memory_space<vmem>>)
    %dma_wait3A_2470 = arith.constant 1 : i32
    %dma_wait3A_2471 = arith.constant 0 : i32
    %dma_wait3A_2472 = arith.constant 768 : i32
    %dma_wait3A_2473 = tpu.memref_slice %arg9[%dma_wait3A_2471, %dma_wait3A_2472] : memref<16x3584xf32, #tpu.memory_space<vmem>> -> memref<16x128xf32, #tpu.memory_space<vmem>>
    %dma_wait3A_2474 = arith.constant 0 : i32
    %dma_wait3A_2475 = arith.constant 0 : i32
    %dma_wait3A_2476 = tpu.memref_slice %arg4[%dma_wait3A_2474, %dma_wait3A_2475] : memref<16x1000000xf32, #tpu.memory_space<hbm>> -> memref<16x128xf32, #tpu.memory_space<hbm>>
    %dma_wait3A_2477 = tpu.memref_slice %arg12[%dma_wait3A_2470] : memref<7x!tpu.dma_semaphore, #tpu.memory_space<semaphore_mem>> -> memref<1x!tpu.dma_semaphore, #tpu.memory_space<semaphore_mem>>
    %dma_wait3A_2478 = tpu.memref_squeeze %dma_wait3A_2477 : memref<1x!tpu.dma_semaphore, #tpu.memory_space<semaphore_mem>> -> memref<!tpu.dma_semaphore, #tpu.memory_space<semaphore_mem>>
    %dma_wait3A_2479 = arith.constant 0 : i32
    %dma_wait3A_2480 = arith.constant 768 : i32
    %dma_wait3A_2481 = tpu.memref_slice %arg9[%dma_wait3A_2479, %dma_wait3A_2480] : memref<16x3584xf32, #tpu.memory_space<vmem>> -> memref<16x128xf32, #tpu.memory_space<vmem>>
    %dma_wait3A_2482 = arith.constant 0 : i32
    %dma_wait3A_2483 = arith.constant 0 : i32
    %dma_wait3A_2484 = tpu.memref_slice %arg4[%dma_wait3A_2482, %dma_wait3A_2483] : memref<16x1000000xf32, #tpu.memory_space<hbm>> -> memref<16x128xf32, #tpu.memory_space<hbm>>
    tpu.wait_dma2 semaphore(%dma_wait3A_2478 : memref<!tpu.dma_semaphore, #tpu.memory_space<semaphore_mem>>) src(%dma_wait3A_2484 : memref<16x128xf32, #tpu.memory_space<hbm>>) dst(%dma_wait3A_2481 : memref<16x128xf32, #tpu.memory_space<vmem>>)
    %dma_wait3A_2485 = arith.constant 1 : i32
    %dma_wait3A_2486 = arith.constant 0 : i32
    %dma_wait3A_2487 = arith.constant 768 : i32
    %dma_wait3A_2488 = tpu.memref_slice %arg10[%dma_wait3A_2486, %dma_wait3A_2487] : memref<16x3584xf32, #tpu.memory_space<vmem>> -> memref<16x128xf32, #tpu.memory_space<vmem>>
    %dma_wait3A_2489 = arith.constant 0 : i32
    %dma_wait3A_2490 = arith.constant 0 : i32
    %dma_wait3A_2491 = tpu.memref_slice %arg5[%dma_wait3A_2489, %dma_wait3A_2490] : memref<16x1000000xf32, #tpu.memory_space<hbm>> -> memref<16x128xf32, #tpu.memory_space<hbm>>
    %dma_wait3A_2492 = tpu.memref_slice %arg12[%dma_wait3A_2485] : memref<7x!tpu.dma_semaphore, #tpu.memory_space<semaphore_mem>> -> memref<1x!tpu.dma_semaphore, #tpu.memory_space<semaphore_mem>>
    %dma_wait3A_2493 = tpu.memref_squeeze %dma_wait3A_2492 : memref<1x!tpu.dma_semaphore, #tpu.memory_space<semaphore_mem>> -> memref<!tpu.dma_semaphore, #tpu.memory_space<semaphore_mem>>
    %dma_wait3A_2494 = arith.constant 0 : i32
    %dma_wait3A_2495 = arith.constant 768 : i32
    %dma_wait3A_2496 = tpu.memref_slice %arg10[%dma_wait3A_2494, %dma_wait3A_2495] : memref<16x3584xf32, #tpu.memory_space<vmem>> -> memref<16x128xf32, #tpu.memory_space<vmem>>
    %dma_wait3A_2497 = arith.constant 0 : i32
    %dma_wait3A_2498 = arith.constant 0 : i32
    %dma_wait3A_2499 = tpu.memref_slice %arg5[%dma_wait3A_2497, %dma_wait3A_2498] : memref<16x1000000xf32, #tpu.memory_space<hbm>> -> memref<16x128xf32, #tpu.memory_space<hbm>>
    tpu.wait_dma2 semaphore(%dma_wait3A_2493 : memref<!tpu.dma_semaphore, #tpu.memory_space<semaphore_mem>>) src(%dma_wait3A_2499 : memref<16x128xf32, #tpu.memory_space<hbm>>) dst(%dma_wait3A_2496 : memref<16x128xf32, #tpu.memory_space<vmem>>)
    %dma_wait3A_2500 = arith.constant 1 : i32
    %dma_wait3A_2501 = arith.constant 0 : i32
    %dma_wait3A_2502 = arith.constant 896 : i32
    %dma_wait3A_2503 = tpu.memref_slice %arg9[%dma_wait3A_2501, %dma_wait3A_2502] : memref<16x3584xf32, #tpu.memory_space<vmem>> -> memref<16x128xf32, #tpu.memory_space<vmem>>
    %dma_wait3A_2504 = arith.constant 0 : i32
    %dma_wait3A_2505 = arith.constant 0 : i32
    %dma_wait3A_2506 = tpu.memref_slice %arg4[%dma_wait3A_2504, %dma_wait3A_2505] : memref<16x1000000xf32, #tpu.memory_space<hbm>> -> memref<16x128xf32, #tpu.memory_space<hbm>>
    %dma_wait3A_2507 = tpu.memref_slice %arg12[%dma_wait3A_2500] : memref<7x!tpu.dma_semaphore, #tpu.memory_space<semaphore_mem>> -> memref<1x!tpu.dma_semaphore, #tpu.memory_space<semaphore_mem>>
    %dma_wait3A_2508 = tpu.memref_squeeze %dma_wait3A_2507 : memref<1x!tpu.dma_semaphore, #tpu.memory_space<semaphore_mem>> -> memref<!tpu.dma_semaphore, #tpu.memory_space<semaphore_mem>>
    %dma_wait3A_2509 = arith.constant 0 : i32
    %dma_wait3A_2510 = arith.constant 896 : i32
    %dma_wait3A_2511 = tpu.memref_slice %arg9[%dma_wait3A_2509, %dma_wait3A_2510] : memref<16x3584xf32, #tpu.memory_space<vmem>> -> memref<16x128xf32, #tpu.memory_space<vmem>>
    %dma_wait3A_2512 = arith.constant 0 : i32
    %dma_wait3A_2513 = arith.constant 0 : i32
    %dma_wait3A_2514 = tpu.memref_slice %arg4[%dma_wait3A_2512, %dma_wait3A_2513] : memref<16x1000000xf32, #tpu.memory_space<hbm>> -> memref<16x128xf32, #tpu.memory_space<hbm>>
    tpu.wait_dma2 semaphore(%dma_wait3A_2508 : memref<!tpu.dma_semaphore, #tpu.memory_space<semaphore_mem>>) src(%dma_wait3A_2514 : memref<16x128xf32, #tpu.memory_space<hbm>>) dst(%dma_wait3A_2511 : memref<16x128xf32, #tpu.memory_space<vmem>>)
    %dma_wait3A_2515 = arith.constant 1 : i32
    %dma_wait3A_2516 = arith.constant 0 : i32
    %dma_wait3A_2517 = arith.constant 896 : i32
    %dma_wait3A_2518 = tpu.memref_slice %arg10[%dma_wait3A_2516, %dma_wait3A_2517] : memref<16x3584xf32, #tpu.memory_space<vmem>> -> memref<16x128xf32, #tpu.memory_space<vmem>>
    %dma_wait3A_2519 = arith.constant 0 : i32
    %dma_wait3A_2520 = arith.constant 0 : i32
    %dma_wait3A_2521 = tpu.memref_slice %arg5[%dma_wait3A_2519, %dma_wait3A_2520] : memref<16x1000000xf32, #tpu.memory_space<hbm>> -> memref<16x128xf32, #tpu.memory_space<hbm>>
    %dma_wait3A_2522 = tpu.memref_slice %arg12[%dma_wait3A_2515] : memref<7x!tpu.dma_semaphore, #tpu.memory_space<semaphore_mem>> -> memref<1x!tpu.dma_semaphore, #tpu.memory_space<semaphore_mem>>
    %dma_wait3A_2523 = tpu.memref_squeeze %dma_wait3A_2522 : memref<1x!tpu.dma_semaphore, #tpu.memory_space<semaphore_mem>> -> memref<!tpu.dma_semaphore, #tpu.memory_space<semaphore_mem>>
    %dma_wait3A_2524 = arith.constant 0 : i32
    %dma_wait3A_2525 = arith.constant 896 : i32
    %dma_wait3A_2526 = tpu.memref_slice %arg10[%dma_wait3A_2524, %dma_wait3A_2525] : memref<16x3584xf32, #tpu.memory_space<vmem>> -> memref<16x128xf32, #tpu.memory_space<vmem>>
    %dma_wait3A_2527 = arith.constant 0 : i32
    %dma_wait3A_2528 = arith.constant 0 : i32
    %dma_wait3A_2529 = tpu.memref_slice %arg5[%dma_wait3A_2527, %dma_wait3A_2528] : memref<16x1000000xf32, #tpu.memory_space<hbm>> -> memref<16x128xf32, #tpu.memory_space<hbm>>
    tpu.wait_dma2 semaphore(%dma_wait3A_2523 : memref<!tpu.dma_semaphore, #tpu.memory_space<semaphore_mem>>) src(%dma_wait3A_2529 : memref<16x128xf32, #tpu.memory_space<hbm>>) dst(%dma_wait3A_2526 : memref<16x128xf32, #tpu.memory_space<vmem>>)
    %get3A_2530 = arith.constant 508 : index
    %get3A_2531 = tpu.vector_load %arg7[%get3A_2530] {strides = array<i32>} : memref<528xi32, #tpu.memory_space<vmem>>, vector<16xi32>,
    %get3A_2532 = arith.constant 508 : index
    %get3A_2533 = tpu.vector_load %arg8[%get3A_2532] {strides = array<i32>} : memref<528xi32, #tpu.memory_space<vmem>>, vector<16xi32>,
    %and3A_2534 = arith.constant 3 : i32
    %and3A_2535 = vector.broadcast %and3A_2534 : i32 to vector<16xi32>
    %and3A_2536 = arith.andi %iota3A, %and3A_2535 : vector<16xi32>
    %mul3A_2537 = arith.constant 128 : i32
    %mul3A_2538 = vector.broadcast %mul3A_2537 : i32 to vector<16xi32>
    %mul3A_2539 = arith.muli %and3A_2536, %mul3A_2538 : vector<16xi32>
    %add3A_2540 = arith.constant 512 : i32
    %add3A_2541 = vector.broadcast %add3A_2540 : i32 to vector<16xi32>
    %add3A_2542 = arith.addi %add3A_2541, %mul3A_2539 : vector<16xi32>
    %and3A_2543 = arith.constant 127 : i32
    %and3A_2544 = vector.broadcast %and3A_2543 : i32 to vector<16xi32>
    %and3A_2545 = arith.andi %get3A_2531, %and3A_2544 : vector<16xi32>
    %add3A_2546 = arith.addi %add3A_2542, %and3A_2545 : vector<16xi32>
    %and3A_2547 = arith.constant 127 : i32
    %and3A_2548 = vector.broadcast %and3A_2547 : i32 to vector<16xi32>
    %and3A_2549 = arith.andi %get3A_2533, %and3A_2548 : vector<16xi32>
    %add3A_2550 = arith.addi %add3A_2542, %and3A_2549 : vector<16xi32>
    %broadcast_in_dim3A_2551 = arith.constant 0.000000e+00 : f32
    %broadcast_in_dim3A_2552 = vector.broadcast %broadcast_in_dim3A_2551 : f32 to vector<16xf32>
    %broadcast_in_dim3A_2553 = arith.constant 0 : i32
    %broadcast_in_dim3A_2554 = vector.broadcast %broadcast_in_dim3A_2553 : i32 to vector<16xi32>
    %gather3A_2555 = tpu.vector_load_idx %arg9[%broadcast_in_dim3A_2554, %add3A_2546] : memref<16x3584xf32, #tpu.memory_space<vmem>>[vector<16xi32>, vector<16xi32>], vector<16xf32>,
    %gather3A_2556 = tpu.vector_load_idx %arg10[%broadcast_in_dim3A_2554, %add3A_2550] : memref<16x3584xf32, #tpu.memory_space<vmem>>[vector<16xi32>, vector<16xi32>], vector<16xf32>,
    %mul3A_2557 = arith.mulf %gather3A_2555, %gather3A_2556 : vector<16xf32>
    %add3A_2558 = arith.addf %broadcast_in_dim3A_2552, %mul3A_2557 : vector<16xf32>
    %broadcast_in_dim3A_2559 = arith.constant 1 : i32
    %broadcast_in_dim3A_2560 = vector.broadcast %broadcast_in_dim3A_2559 : i32 to vector<16xi32>
    %gather3A_2561 = tpu.vector_load_idx %arg9[%broadcast_in_dim3A_2560, %add3A_2546] : memref<16x3584xf32, #tpu.memory_space<vmem>>[vector<16xi32>, vector<16xi32>], vector<16xf32>,
    %gather3A_2562 = tpu.vector_load_idx %arg10[%broadcast_in_dim3A_2560, %add3A_2550] : memref<16x3584xf32, #tpu.memory_space<vmem>>[vector<16xi32>, vector<16xi32>], vector<16xf32>,
    %mul3A_2563 = arith.mulf %gather3A_2561, %gather3A_2562 : vector<16xf32>
    %add3A_2564 = arith.addf %add3A_2558, %mul3A_2563 : vector<16xf32>
    %broadcast_in_dim3A_2565 = arith.constant 2 : i32
    %broadcast_in_dim3A_2566 = vector.broadcast %broadcast_in_dim3A_2565 : i32 to vector<16xi32>
    %gather3A_2567 = tpu.vector_load_idx %arg9[%broadcast_in_dim3A_2566, %add3A_2546] : memref<16x3584xf32, #tpu.memory_space<vmem>>[vector<16xi32>, vector<16xi32>], vector<16xf32>,
    %gather3A_2568 = tpu.vector_load_idx %arg10[%broadcast_in_dim3A_2566, %add3A_2550] : memref<16x3584xf32, #tpu.memory_space<vmem>>[vector<16xi32>, vector<16xi32>], vector<16xf32>,
    %mul3A_2569 = arith.mulf %gather3A_2567, %gather3A_2568 : vector<16xf32>
    %add3A_2570 = arith.addf %add3A_2564, %mul3A_2569 : vector<16xf32>
    %broadcast_in_dim3A_2571 = arith.constant 3 : i32
    %broadcast_in_dim3A_2572 = vector.broadcast %broadcast_in_dim3A_2571 : i32 to vector<16xi32>
    %gather3A_2573 = tpu.vector_load_idx %arg9[%broadcast_in_dim3A_2572, %add3A_2546] : memref<16x3584xf32, #tpu.memory_space<vmem>>[vector<16xi32>, vector<16xi32>], vector<16xf32>,
    %gather3A_2574 = tpu.vector_load_idx %arg10[%broadcast_in_dim3A_2572, %add3A_2550] : memref<16x3584xf32, #tpu.memory_space<vmem>>[vector<16xi32>, vector<16xi32>], vector<16xf32>,
    %mul3A_2575 = arith.mulf %gather3A_2573, %gather3A_2574 : vector<16xf32>
    %add3A_2576 = arith.addf %add3A_2570, %mul3A_2575 : vector<16xf32>
    %broadcast_in_dim3A_2577 = arith.constant 4 : i32
    %broadcast_in_dim3A_2578 = vector.broadcast %broadcast_in_dim3A_2577 : i32 to vector<16xi32>
    %gather3A_2579 = tpu.vector_load_idx %arg9[%broadcast_in_dim3A_2578, %add3A_2546] : memref<16x3584xf32, #tpu.memory_space<vmem>>[vector<16xi32>, vector<16xi32>], vector<16xf32>,
    %gather3A_2580 = tpu.vector_load_idx %arg10[%broadcast_in_dim3A_2578, %add3A_2550] : memref<16x3584xf32, #tpu.memory_space<vmem>>[vector<16xi32>, vector<16xi32>], vector<16xf32>,
    %mul3A_2581 = arith.mulf %gather3A_2579, %gather3A_2580 : vector<16xf32>
    %add3A_2582 = arith.addf %add3A_2576, %mul3A_2581 : vector<16xf32>
    %broadcast_in_dim3A_2583 = arith.constant 5 : i32
    %broadcast_in_dim3A_2584 = vector.broadcast %broadcast_in_dim3A_2583 : i32 to vector<16xi32>
    %gather3A_2585 = tpu.vector_load_idx %arg9[%broadcast_in_dim3A_2584, %add3A_2546] : memref<16x3584xf32, #tpu.memory_space<vmem>>[vector<16xi32>, vector<16xi32>], vector<16xf32>,
    %gather3A_2586 = tpu.vector_load_idx %arg10[%broadcast_in_dim3A_2584, %add3A_2550] : memref<16x3584xf32, #tpu.memory_space<vmem>>[vector<16xi32>, vector<16xi32>], vector<16xf32>,
    %mul3A_2587 = arith.mulf %gather3A_2585, %gather3A_2586 : vector<16xf32>
    %add3A_2588 = arith.addf %add3A_2582, %mul3A_2587 : vector<16xf32>
    %broadcast_in_dim3A_2589 = arith.constant 6 : i32
    %broadcast_in_dim3A_2590 = vector.broadcast %broadcast_in_dim3A_2589 : i32 to vector<16xi32>
    %gather3A_2591 = tpu.vector_load_idx %arg9[%broadcast_in_dim3A_2590, %add3A_2546] : memref<16x3584xf32, #tpu.memory_space<vmem>>[vector<16xi32>, vector<16xi32>], vector<16xf32>,
    %gather3A_2592 = tpu.vector_load_idx %arg10[%broadcast_in_dim3A_2590, %add3A_2550] : memref<16x3584xf32, #tpu.memory_space<vmem>>[vector<16xi32>, vector<16xi32>], vector<16xf32>,
    %mul3A_2593 = arith.mulf %gather3A_2591, %gather3A_2592 : vector<16xf32>
    %add3A_2594 = arith.addf %add3A_2588, %mul3A_2593 : vector<16xf32>
    %broadcast_in_dim3A_2595 = arith.constant 7 : i32
    %broadcast_in_dim3A_2596 = vector.broadcast %broadcast_in_dim3A_2595 : i32 to vector<16xi32>
    %gather3A_2597 = tpu.vector_load_idx %arg9[%broadcast_in_dim3A_2596, %add3A_2546] : memref<16x3584xf32, #tpu.memory_space<vmem>>[vector<16xi32>, vector<16xi32>], vector<16xf32>,
    %gather3A_2598 = tpu.vector_load_idx %arg10[%broadcast_in_dim3A_2596, %add3A_2550] : memref<16x3584xf32, #tpu.memory_space<vmem>>[vector<16xi32>, vector<16xi32>], vector<16xf32>,
    %mul3A_2599 = arith.mulf %gather3A_2597, %gather3A_2598 : vector<16xf32>
    %add3A_2600 = arith.addf %add3A_2594, %mul3A_2599 : vector<16xf32>
    %broadcast_in_dim3A_2601 = arith.constant 8 : i32
    %broadcast_in_dim3A_2602 = vector.broadcast %broadcast_in_dim3A_2601 : i32 to vector<16xi32>
    %gather3A_2603 = tpu.vector_load_idx %arg9[%broadcast_in_dim3A_2602, %add3A_2546] : memref<16x3584xf32, #tpu.memory_space<vmem>>[vector<16xi32>, vector<16xi32>], vector<16xf32>,
    %gather3A_2604 = tpu.vector_load_idx %arg10[%broadcast_in_dim3A_2602, %add3A_2550] : memref<16x3584xf32, #tpu.memory_space<vmem>>[vector<16xi32>, vector<16xi32>], vector<16xf32>,
    %mul3A_2605 = arith.mulf %gather3A_2603, %gather3A_2604 : vector<16xf32>
    %add3A_2606 = arith.addf %add3A_2600, %mul3A_2605 : vector<16xf32>
    %broadcast_in_dim3A_2607 = arith.constant 9 : i32
    %broadcast_in_dim3A_2608 = vector.broadcast %broadcast_in_dim3A_2607 : i32 to vector<16xi32>
    %gather3A_2609 = tpu.vector_load_idx %arg9[%broadcast_in_dim3A_2608, %add3A_2546] : memref<16x3584xf32, #tpu.memory_space<vmem>>[vector<16xi32>, vector<16xi32>], vector<16xf32>,
    %gather3A_2610 = tpu.vector_load_idx %arg10[%broadcast_in_dim3A_2608, %add3A_2550] : memref<16x3584xf32, #tpu.memory_space<vmem>>[vector<16xi32>, vector<16xi32>], vector<16xf32>,
    %mul3A_2611 = arith.mulf %gather3A_2609, %gather3A_2610 : vector<16xf32>
    %add3A_2612 = arith.addf %add3A_2606, %mul3A_2611 : vector<16xf32>
    %broadcast_in_dim3A_2613 = arith.constant 10 : i32
    %broadcast_in_dim3A_2614 = vector.broadcast %broadcast_in_dim3A_2613 : i32 to vector<16xi32>
    %gather3A_2615 = tpu.vector_load_idx %arg9[%broadcast_in_dim3A_2614, %add3A_2546] : memref<16x3584xf32, #tpu.memory_space<vmem>>[vector<16xi32>, vector<16xi32>], vector<16xf32>,
    %gather3A_2616 = tpu.vector_load_idx %arg10[%broadcast_in_dim3A_2614, %add3A_2550] : memref<16x3584xf32, #tpu.memory_space<vmem>>[vector<16xi32>, vector<16xi32>], vector<16xf32>,
    %mul3A_2617 = arith.mulf %gather3A_2615, %gather3A_2616 : vector<16xf32>
    %add3A_2618 = arith.addf %add3A_2612, %mul3A_2617 : vector<16xf32>
    %broadcast_in_dim3A_2619 = arith.constant 11 : i32
    %broadcast_in_dim3A_2620 = vector.broadcast %broadcast_in_dim3A_2619 : i32 to vector<16xi32>
    %gather3A_2621 = tpu.vector_load_idx %arg9[%broadcast_in_dim3A_2620, %add3A_2546] : memref<16x3584xf32, #tpu.memory_space<vmem>>[vector<16xi32>, vector<16xi32>], vector<16xf32>,
    %gather3A_2622 = tpu.vector_load_idx %arg10[%broadcast_in_dim3A_2620, %add3A_2550] : memref<16x3584xf32, #tpu.memory_space<vmem>>[vector<16xi32>, vector<16xi32>], vector<16xf32>,
    %mul3A_2623 = arith.mulf %gather3A_2621, %gather3A_2622 : vector<16xf32>
    %add3A_2624 = arith.addf %add3A_2618, %mul3A_2623 : vector<16xf32>
    %broadcast_in_dim3A_2625 = arith.constant 12 : i32
    %broadcast_in_dim3A_2626 = vector.broadcast %broadcast_in_dim3A_2625 : i32 to vector<16xi32>
    %gather3A_2627 = tpu.vector_load_idx %arg9[%broadcast_in_dim3A_2626, %add3A_2546] : memref<16x3584xf32, #tpu.memory_space<vmem>>[vector<16xi32>, vector<16xi32>], vector<16xf32>,
    %gather3A_2628 = tpu.vector_load_idx %arg10[%broadcast_in_dim3A_2626, %add3A_2550] : memref<16x3584xf32, #tpu.memory_space<vmem>>[vector<16xi32>, vector<16xi32>], vector<16xf32>,
    %mul3A_2629 = arith.mulf %gather3A_2627, %gather3A_2628 : vector<16xf32>
    %add3A_2630 = arith.addf %add3A_2624, %mul3A_2629 : vector<16xf32>
    %broadcast_in_dim3A_2631 = arith.constant 13 : i32
    %broadcast_in_dim3A_2632 = vector.broadcast %broadcast_in_dim3A_2631 : i32 to vector<16xi32>
    %gather3A_2633 = tpu.vector_load_idx %arg9[%broadcast_in_dim3A_2632, %add3A_2546] : memref<16x3584xf32, #tpu.memory_space<vmem>>[vector<16xi32>, vector<16xi32>], vector<16xf32>,
    %gather3A_2634 = tpu.vector_load_idx %arg10[%broadcast_in_dim3A_2632, %add3A_2550] : memref<16x3584xf32, #tpu.memory_space<vmem>>[vector<16xi32>, vector<16xi32>], vector<16xf32>,
    %mul3A_2635 = arith.mulf %gather3A_2633, %gather3A_2634 : vector<16xf32>
    %add3A_2636 = arith.addf %add3A_2630, %mul3A_2635 : vector<16xf32>
    %broadcast_in_dim3A_2637 = arith.constant 14 : i32
    %broadcast_in_dim3A_2638 = vector.broadcast %broadcast_in_dim3A_2637 : i32 to vector<16xi32>
    %gather3A_2639 = tpu.vector_load_idx %arg9[%broadcast_in_dim3A_2638, %add3A_2546] : memref<16x3584xf32, #tpu.memory_space<vmem>>[vector<16xi32>, vector<16xi32>], vector<16xf32>,
    %gather3A_2640 = tpu.vector_load_idx %arg10[%broadcast_in_dim3A_2638, %add3A_2550] : memref<16x3584xf32, #tpu.memory_space<vmem>>[vector<16xi32>, vector<16xi32>], vector<16xf32>,
    %mul3A_2641 = arith.mulf %gather3A_2639, %gather3A_2640 : vector<16xf32>
    %add3A_2642 = arith.addf %add3A_2636, %mul3A_2641 : vector<16xf32>
    %broadcast_in_dim3A_2643 = arith.constant 15 : i32
    %broadcast_in_dim3A_2644 = vector.broadcast %broadcast_in_dim3A_2643 : i32 to vector<16xi32>
    %gather3A_2645 = tpu.vector_load_idx %arg9[%broadcast_in_dim3A_2644, %add3A_2546] : memref<16x3584xf32, #tpu.memory_space<vmem>>[vector<16xi32>, vector<16xi32>], vector<16xf32>,
    %gather3A_2646 = tpu.vector_load_idx %arg10[%broadcast_in_dim3A_2644, %add3A_2550] : memref<16x3584xf32, #tpu.memory_space<vmem>>[vector<16xi32>, vector<16xi32>], vector<16xf32>,
    %mul3A_2647 = arith.mulf %gather3A_2645, %gather3A_2646 : vector<16xf32>
    %add3A_2648 = arith.addf %add3A_2642, %mul3A_2647 : vector<16xf32>
    %swap3A_2649 = arith.constant 508 : index
    %swap3A_2650 = tpu.vector_load %arg11[%swap3A_2649] {strides = array<i32>} : memref<528xf32, #tpu.memory_space<vmem>>, vector<16xf32>,
    tpu.vector_store %arg11[%swap3A_2649], %add3A_2648 {strides = array<i32>} : memref<528xf32, #tpu.memory_space<vmem>>, vector<16xf32>,
    "tpu.region"() ({
      %run_scoped3A = tpu.sem_alloc : memref<!tpu.dma_semaphore, #tpu.memory_space<semaphore_mem>>
      %dma_start3A_2651 = arith.constant 0 : i32
      %dma_start3A_2652 = tpu.memref_slice %arg11[%dma_start3A_2651] : memref<528xf32, #tpu.memory_space<vmem>> -> memref<512xf32, #tpu.memory_space<vmem>>
      %dma_start3A_2653 = tpu.memref_slice %arg6[%mul3A_2] : memref<16384xf32, #tpu.memory_space<hbm>> -> memref<512xf32, #tpu.memory_space<hbm>>
      %dma_start3A_2654 = tpu.memref_slice %arg6[%mul3A_2] : memref<16384xf32, #tpu.memory_space<hbm>> -> memref<512xf32, #tpu.memory_space<hbm>>
      %dma_start3A_2655 = arith.constant 0 : i32
      %dma_start3A_2656 = tpu.memref_slice %arg11[%dma_start3A_2655] : memref<528xf32, #tpu.memory_space<vmem>> -> memref<512xf32, #tpu.memory_space<vmem>>
      tpu.enqueue_dma source(%dma_start3A_2656 : memref<512xf32, #tpu.memory_space<vmem>>) target(%dma_start3A_2654 : memref<512xf32, #tpu.memory_space<hbm>>) target_semaphore(%run_scoped3A : memref<!tpu.dma_semaphore, #tpu.memory_space<semaphore_mem>>)
      %dma_wait3A_2657 = arith.constant 0 : i32
      %dma_wait3A_2658 = tpu.memref_slice %arg11[%dma_wait3A_2657] : memref<528xf32, #tpu.memory_space<vmem>> -> memref<512xf32, #tpu.memory_space<vmem>>
      %dma_wait3A_2659 = tpu.memref_slice %arg6[%mul3A_2] : memref<16384xf32, #tpu.memory_space<hbm>> -> memref<512xf32, #tpu.memory_space<hbm>>
      %dma_wait3A_2660 = tpu.memref_slice %arg6[%mul3A_2] : memref<16384xf32, #tpu.memory_space<hbm>> -> memref<512xf32, #tpu.memory_space<hbm>>
      %dma_wait3A_2661 = arith.constant 0 : i32
      %dma_wait3A_2662 = tpu.memref_slice %arg11[%dma_wait3A_2661] : memref<528xf32, #tpu.memory_space<vmem>> -> memref<512xf32, #tpu.memory_space<vmem>>
      tpu.wait_dma2 semaphore(%run_scoped3A : memref<!tpu.dma_semaphore, #tpu.memory_space<semaphore_mem>>) src(%dma_wait3A_2662 : memref<512xf32, #tpu.memory_space<vmem>>) dst(%dma_wait3A_2660 : memref<512xf32, #tpu.memory_space<hbm>>)
      tpu.yield
    }) : () -> ()
    return
  }
}

</mosaic_0001>

<sc_bundles>
// kernel: kernel.3.cloned.1.call-start
scs
__scs_entry_jumppad:
0x0: {  	(pc) =	sbr.rel $0x88, $3  }
0x1: {  	(tag) =	ssettag $0x0;
	lr =	simm.s32 $0x1  }
0x2: {  	[smem:$0x3F9D] =	sst lr;
	_ =	strace $0xD0000000  }
0x3: {  	_ = 	snop  }
0x4: {  	_ = 	snop  }
0x5: {  	_ = 	snop  }
0x6: {  	_ = 	snop  }
0x7: {  	_ = 	snop  }
__scs_overlays_trampoline_lowered:
0x8: {  	[smem:$0x3FAC] =	sst s0  }
0x9: {  	[smem:$0x3FAD] =	sst s1  }
0xa: {  	[smem:$0x3FAE] =	sst s2  }
0xb: {  	[smem:$0x3FAF] =	sst s3  }
0xc: {  	[smem:$0x3FB0] =	sst s4  }
0xd: {  	[smem:$0x3FB1] =	sst s5  }
0xe: {  	[smem:$0x3FB2] =	sst s6  }
0xf: {  	[smem:$0x3FB3] =	sst s7  }
0x10: {  	[smem:$0x3FB4] =	sst s8  }
0x11: {  	[smem:$0x3FB5] =	sst s9;
	s0 =	simm.s32 @!p0 $0x0  }
0x12: {  	s1 =	sld [smem:$0x3F9B];
	s0 =	simm.s32 @p0 $0x1  }
0x13: {  	[smem:$0x3FB6] =	sst s0;
	s0 =	simm.s32 @!p1 $0x0  }
0x14: {  	s2 =	sld [smem:$0x3F9A];
	s0 =	simm.s32 @p1 $0x1  }
0x15: {  	[smem:$0x3FB7] =	sst s0;
	s0 =	simm.s32 @!p2 $0x0  }
0x16: {  	s3 =	sld [smem:$0x3FDB];
	s0 =	simm.s32 @p2 $0x1  }
0x17: {  	s4 =	simm.s32 $0x1BF5;
	[smem:$0x3FB9] =	sst s0  }
0x18: {  	s0 =	sld [smem:$0x3F9C];
	_ =	swait.ge [sflag:s4], $0x0  }
0x19: {  	s7 =	sld [smem:$0x3F9D]  }
0x1a: {  	s8 =	sadd.s32 $0xFFFFE003, lr  }
0x1b: {  	s9 =	sadd.s32 $0xFFFFFEF7, lr;
	s5 =	simm.s32 $0xFFFFFFFF;
	p2 =	slt.u32 s8, $0xFFFFF086  }
0x1c: {  	p1 =	slt.u32 s9, $0xF7A;
	s5 =	simm.s32 @!p2 $0x0  }
0x1d: {  	s5 =	simm.s32 @p1 $0x1;
	p0 =	seq.s32 s7, s2  }
0x1e: {  	s7 =	smul.u32 @!p0 $0xF7A, s2;
	p2 =	seq.s32 @!p0 s5, $0x0  }
0x1f: {  	s9 =	smul.u32 $0xF7A, s1;
	s8 =	simm.s32 @!p0 $0x1BF5;
	p2 =	por !p2, p0  }
0x20: {  	[sflag:s8] =	ssyncset.s32 @!p0 $0xFFFFF086;
	s6 =	sadd.s32 @!p0 s3, s7;
	s7 =	simm.s32 @!p0 $0x108  }
0x21: {  	s3 =	sadd.s32 s3, s9;
	s6 =	sadd.s32 @!p0 $0x88, s6;
	s7 =	simm.s32 @p2 $0x1082  }
0x22: {  	[simem:s7], [sflag:s8] =	dma.local @!p0 [hbm:s6], $0xF7A  }
0x23: {  	s9 =	sor.u32 $0xD0000000, s2;
	s6 =	simm.s32 $0x108;
	_ =	swait.ge @!p0 [sflag:s8], $0x0  }
0x24: {  	s3 =	sadd.s32 $0x88, s3;
	s6 =	simm.s32 @!p1 $0x1082;
	[sflag:s4] =	ssyncset.s32 $0xFFFFF086  }
0x25: {  	[simem:s6], [sflag:s4] =	dma.local [hbm:s3], $0xF7A  }
0x26: {  	[smem:$0x3F9D] =	sst s1;
	(tag) =	ssettag s2;
	_ =	strace s9  }
0x27: {  	s1 =	sld [smem:$0x3FAD]  }
0x28: {  	s2 =	sld [smem:$0x3FAE]  }
0x29: {  	s4 =	sld [smem:$0x3FB0]  }
0x2a: {  	p0 =	seq.s32 s5, $0x0;
	s5 =	sld [smem:$0x3FB1]  }
0x2b: {  	s6 =	sld [smem:$0x3FB2]  }
0x2c: {  	s7 =	sld [smem:$0x3FB3]  }
0x2d: {  	s3 =	simm.s32 $0x108;
	s8 =	sld [smem:$0x3FB4]  }
0x2e: {  	s3 =	simm.s32 @!p0 $0x1082;
	s9 =	sld [smem:$0x3FB5]  }
0x2f: {  	lr =	sadd.s32 s0, s3;
	s0 =	sld [smem:$0x3FAC]  }
0x30: {  	s3 =	sld [smem:$0x3FAF]  }
0x31: {  	[smem:$0x3FB8] =	sst s10  }
0x32: {  	s10 =	sld [smem:$0x3FB6];
	_ =	sdelay $0x3  }
0x33: {  	p0 =	seq.s32 s10, $0x1;
	s10 =	sld [smem:$0x3FB8];
	_ =	sdelay $0x3  }
0x34: {  	[smem:$0x3FB8] =	sst s10  }
0x35: {  	s10 =	sld [smem:$0x3FB7];
	_ =	sdelay $0x3  }
0x36: {  	p1 =	seq.s32 s10, $0x1;
	s10 =	sld [smem:$0x3FB8];
	_ =	sdelay $0x3  }
0x37: {  	[smem:$0x3FB8] =	sst s10  }
0x38: {  	s10 =	sld [smem:$0x3FB9]  }
0x39: {  	_ = 	snop;
	(pc) =	sbr.ind lr, $3  }
0x3a: {  	_ = 	snop  }
0x3b: {  	_ = 	snop  }
0x3c: {  	p2 =	seq.s32 s10, $0x1;
	s10 =	sld [smem:$0x3FB8]  }
0x3d: {  	_ =	shalt  }
0x3e: {  	_ =	shalt  }
0x3f: {  	_ =	shalt  }
0x40: {  	_ =	shalt  }
0x41: {  	_ =	shalt  }
0x42: {  	_ =	shalt  }
0x43: {  	_ =	shalt  }
0x44: {  	_ =	shalt  }
0x45: {  	_ =	shalt  }
0x46: {  	_ =	shalt  }
0x47: {  	_ =	shalt  }
0x48: {  	_ =	shalt  }
0x49: {  	_ =	shalt  }
0x4a: {  	_ =	shalt  }
0x4b: {  	_ =	shalt  }
0x4c: {  	_ =	shalt  }
0x4d: {  	_ =	shalt  }
0x4e: {  	_ =	shalt  }
0x4f: {  	_ =	shalt  }
0x50: {  	_ =	shalt  }
0x51: {  	_ =	shalt  }
0x52: {  	_ =	shalt  }
0x53: {  	_ =	shalt  }
0x54: {  	_ =	shalt  }
0x55: {  	_ =	shalt  }
0x56: {  	_ =	shalt  }
0x57: {  	_ =	shalt  }
0x58: {  	_ =	shalt  }
0x59: {  	_ =	shalt  }
0x5a: {  	_ =	shalt  }
0x5b: {  	_ =	shalt  }
0x5c: {  	_ =	shalt  }
0x5d: {  	_ =	shalt  }
0x5e: {  	_ =	shalt  }
0x5f: {  	_ =	shalt  }
0x60: {  	_ =	shalt  }
0x61: {  	_ =	shalt  }
0x62: {  	_ =	shalt  }
0x63: {  	_ =	shalt  }
0x64: {  	_ =	shalt  }
0x65: {  	_ =	shalt  }
0x66: {  	_ =	shalt  }
0x67: {  	_ =	shalt  }
0x68: {  	_ =	shalt  }
0x69: {  	_ =	shalt  }
0x6a: {  	_ =	shalt  }
0x6b: {  	_ =	shalt  }
0x6c: {  	_ =	shalt  }
0x6d: {  	_ =	shalt  }
0x6e: {  	_ =	shalt  }
0x6f: {  	_ =	shalt  }
0x70: {  	_ =	shalt  }
0x71: {  	_ =	shalt  }
0x72: {  	_ =	shalt  }
0x73: {  	_ =	shalt  }
0x74: {  	_ =	shalt  }
0x75: {  	_ =	shalt  }
0x76: {  	_ =	shalt  }
0x77: {  	_ =	shalt  }
0x78: {  	_ =	shalt  }
0x79: {  	_ =	shalt  }
0x7a: {  	_ =	shalt  }
0x7b: {  	_ =	shalt  }
0x7c: {  	_ =	shalt  }
0x7d: {  	_ =	shalt  }
0x7e: {  	_ =	shalt  }
0x7f: {  	_ =	shalt  }
0x80: {  	_ =	shalt  }
0x81: {  	_ =	shalt  }
0x82: {  	_ =	shalt  }
0x83: {  	_ =	shalt  }
0x84: {  	_ =	shalt  }
0x85: {  	_ =	shalt  }
0x86: {  	_ =	shalt  }
0x87: {  	_ =	shalt  }
.Lfunc_end0:
.L_simem_size_0:
called_computation_lowered:
.L_overlay_start_0:
0x88: {  	s2 =	sld [smem:$0x3FD9]  }
0x89: {  	s3 =	sld [smem:$0x3FFE];
	_ =	sdelay $0x1  }
0x8a: {  	s1 =	srdreg.scid  }
0x8b: {  	s0 =	sand.u32 $0x1, s1  }
0x8c: {  	s18 =	sshll.u32 s0, $0xA;
	s2 =	sadd.s32 s3, s2  }
0x8d: {  	s2 =	sadd.s32 s2, s18  }
0x8e: {  	[smem:$0x3FC4] =	sst s2  }
0x8f: {  	_ = 	snop  }
0x90: {  	s2 =	sld [smem:$0x3FC9]  }
0x91: {  	s19 =	sld [smem:$0x3FC8]  }
0x92: {  	s4 =	sld [smem:$0x3FC7]  }
0x93: {  	s5 =	sld [smem:$0x3FC6]  }
0x94: {  	s6 =	sld [smem:$0x3FD0];
	(tm) =	ssettm $0x1  }
0x95: {  	s7 =	sld [smem:$0x3FFB];
	_ =	sdelay $0x3  }
0x96: {  	_ =	strace s7  }
0x97: {  	s7 =	sld [smem:$0x3FFC];
	_ =	sdelay $0x3  }
0x98: {  	_ =	strace s7  }
0x99: {  	s7 =	sld [smem:$0x3FFD];
	_ =	sdelay $0x3  }
0x9a: {  	_ =	strace s7  }
0x9b: {  	_ =	strace $0x8FFFFFFF  }
0x9c: {  	s20 =	sld [smem:$0x3FDB];
	_ =	sdelay $0x1  }
0x9d: {  	s8 =	simm.s32 $_scs_section_size  }
0x9e: {  	s9 =	simm.s32 $_size__tile_overlayer_lowered;
	s10 =	simm.s32 $_tile_overlayer_lowered  }
0x9f: {  	s23 =	simm.s32 $0x1BFF;
	s22 =	sshll.u32 s10, $0x1;
	s7 =	sadd.s32 s8, s20  }
0xa0: {  	s11 =	simm.s32 $0x0;
	s21 =	sshll.u32 s9, $0x1;
	s9 =	sadd.s32 s22, s7  }
0xa1: {  	[timem:s11], [sflag:s23] =	dma.local [hbm:s9], s21  }
0xa2: {  	_ =	swait.ge [sflag:s23], s21  }
0xa3: {  	s8 =	ssub.s32 $0x0, s21;
	[sflag:s23] =	ssyncset.done $0x0  }
0xa4: {  	[sflag:s23] =	ssyncadd.s32 s8;
	_ =	sdelay $0x1  }
0xa5: {  	s24 =	simm.s32 $0x1B8B  }
0xa6: {  	_ =	swait.ge [sflag:s24], $0x1  }
0xa7: {  	[sflag:s24] =	ssyncset.done $0x0  }
0xa8: {  	s25 =	simm.s32 $0x1B8E;
	[sflag:s24] =	ssyncadd.s32 $0xFFFFFFFF  }
0xa9: {  	s26 =	simm.s32 $execute0_lowered;
	[smem:$0x3FD2] =	sst s25  }
0xaa: {  	s8 =	sshll.u32 s26, $0x1;
	_ =	strace $0x80000046;
	[dreg:$0x1] =	wrdreg $0xFFFFFFFF  }
0xab: {  	s28 =	simm.s32 $_size_execute0_lowered;
	s7 =	sadd.s32 s7, s8;
	[dreg:$0x0] =	wrdreg $0x0  }
0xac: {  	s8 =	sshll.u32 s28, $0x1;
	[dreg:$0x2] =	wrdreg s7  }
0xad: {  	[dreg:$0x3] =	wrdreg s8  }
0xae: {  	[dreg:$0x4] =	wrdreg $0xC0  }
0xaf: {  	_ =	task [dreg:s11], $0x5FFFF  }
0xb0: {  	[dreg:$0x1] =	wrdreg $0xFFFFFFFF  }
0xb1: {  	[dreg:$0x0] =	wrdreg $0x60  }
0xb2: {  	[dreg:$0x2] =	wrdreg s2  }
0xb3: {  	[dreg:$0x3] =	wrdreg s19  }
0xb4: {  	[dreg:$0x4] =	wrdreg s4  }
0xb5: {  	[dreg:$0x5] =	wrdreg s5  }
0xb6: {  	[dreg:$0x6] =	wrdreg s6  }
0xb7: {  	[dreg:$0x7] =	wrdreg $0x9  }
0xb8: {  	_ =	task.clear_ibuf [dreg:s11], $0x8FFFF;
	_ =	strace $0x90000046  }
0xb9: {  	s29 =	simm.s32 $0x9;
	_ =	strace $0x80000048  }
0xba: {  	_ =	swait.ge [sflag:s29], $0x1  }
0xbb: {  	[sflag:s29] =	ssyncadd.s32 $0xFFFFFFFF  }
0xbc: {  	_ =	strace $0x90000048  }
0xbd: {  	_ =	sfence  }
0xbe: {  	s30 =	sld [smem:$0x0];
	_ =	sdelay $0x2  }
0xbf: {  	s31 =	sshll.u32 s1, $0xD;
	s1 =	sshrl.u32 s1, $0x2  }
0xc0: {  	s3 =	sand.u32 $0x4000, s31;
	s1 =	sadd.s32 s1, s30  }
0xc1: {  	s0 =	sor.u32 s3, s0;
	s1 =	sshll.u32 s1, $0x11  }
0xc2: {  	s0 =	sor.u32 s1, s0  }
0xc3: {  	s0 =	sadd.s32 $0x8F2B, s0  }
0xc4: {  	[sflag:s0] =	ssyncadd.remote.s32 $0x1  }
0xc5: {  	_ =	sfence.sel $0xFFFF  }
0xc6: {  	[dreg:$0x0] =	wrdreg $0xFFFFFFFF;
	(pc) =	sbr.abs _section_cstart, $3  }
0xc7: {  	[dreg:$0x1] =	wrdreg $0xFFFFFFFF  }
0xc8: {  	_ =	task.clear_ibuf [dreg:s11], $0x2FFFF;
	_ =	strace $0x9FFFFFFF  }
0xc9: {  	(tm) =	ssettm $0x7FFFFFFF  }
tec
execute0_lowered:
.L_overlay_start_1:
0x0: {  	(tag) =	ssettag $0x1  }
0x1: {  	s0 =	rddreg [dreg:$0x0];
	v0 =	vlaneseq.u32  }
0x2: {  	s3 =	rddreg [dreg:$0x1];
	v0 =	vand.u32 $0x3, v0  }
0x3: {  	s1 =	rddreg [dreg:$0x2];
	v0 =	vmul.u32 $0x400, v0  }
0x4: {  	s2 =	rddreg [dreg:$0x3]  }
0x5: {  	s7 =	rddreg [dreg:$0x4];
	s5 =	srdreg.scid;
	s4 =	simm.s32 $0x0;
	v1 =	vor.u32 $0x2000, v0;
	v2 =	vor.u32 $0x2080, v0;
	v3 =	vor.u32 $0x2100, v0  }
0x6: {  	s8 =	stileid.u32;
	s11 =	simm.s32 $0x500;
	s13 =	simm.s32 $0xE500;
	v4 =	vor.u32 $0x2180, v0;
	v5 =	vor.u32 $0x2200, v0;
	v6 =	vor.u32 $0x2280, v0  }
0x7: {  	s18 =	simm.s32 $0x3;
	s19 =	simm.s32 $0x4;
	s20 =	simm.s32 $0x5;
	v7 =	vor.u32 $0x2300, v0;
	v8 =	vor.u32 $0x2380, v0;
	v9 =	vor.u32 $0x9000, v0  }
0x8: {  	s21 =	simm.s32 $0x6;
	s22 =	simm.s32 $0x7;
	s23 =	simm.s32 $0x1;
	v10 =	vor.u32 $0x9080, v0;
	v11 =	vor.u32 $0x9100, v0;
	v12 =	vor.u32 $0x9180, v0  }
0x9: {  	s24 =	simm.s32 $0x2;
	s26 =	simm.s32 $0x0;
	s5 =	sand.u32 $0x1, s5;
	v13 =	vor.u32 $0x9200, v0;
	v14 =	vor.u32 $0x9280, v0;
	v15 =	vor.u32 $0x9300, v0  }
0xa: {  	s8 =	sshll.u32 s8, $0x7;
	s6 =	ssub.s32 $0x2, s5;
	s5 =	sshll.u32 s5, $0x6;
	v16 =	vor.u32 $0x9380, v0;
	v17 =	vor.u32 $0x3000, v0;
	v18 =	vor.u32 $0x3080, v0  }
0xb: {  	[smem:$0x7FF] =	sst s4;
	s9 =	sshrl.u32 s6, $0x1;
	s8 =	sor.u32 s5, s8;
	v19 =	vor.u32 $0x3100, v0;
	v20 =	vor.u32 $0x3180, v0;
	v21 =	vor.u32 $0x3200, v0  }
0xc: {  	_ =	strace $0x80000047;
	s9 =	ssub.s32 s6, s9;
	s0 =	sadd.s32 s0, s8;
	v22 =	vor.u32 $0x3280, v0;
	v23 =	vor.u32 $0x3300, v0;
	v24 =	vor.u32 $0x3380, v0  }
0xd: {  	s31 =	sadd.s32 s3, s8;
	s7 =	sadd.s32 s7, s8;
	v25 =	vor.u32 $0xA000, v0;
	v26 =	vor.u32 $0xA080, v0;
	v27 =	vor.u32 $0xA100, v0;
	[dreg:$0x6] =	wrdreg s0  }
0xe: {  	v28 =	vor.u32 $0xA180, v0;
	v29 =	vor.u32 $0xA200, v0;
	v30 =	vor.u32 $0xA280, v0;
	[dreg:$0x7] =	wrdreg s31;
	s8 =	smax.u32 s9, $0x1;
	s9 =	simm.s32 $0x8  }
.LBB2_1:
0xf: {  	s0 =	rddreg [dreg:$0x6]  }
0x10: {  	[tilespmem:s4], [sflag:$0x8] =	stream.linear.gather [hbm4b:s0+s4], $0x200, $0x38;
	[tilespmem:$0x1C780] =	vst v63  }
0x11: {  	_ =	swait.ge [sflag:s9], $0x200  }
0x12: {  	[sflag:s9] =	ssyncset.done $0x0  }
0x13: {  	s3 =	simm.s32 $0x280;
	s10 =	rddreg [dreg:$0x7];
	[sflag:s9] =	ssyncadd.s32 $0xFFFFFE00  }
0x14: {  	[tilespmem:s3], [sflag:$0x8] =	stream.linear.gather [hbm4b:s10+s4], $0x200, $0x38;
	[tilespmem:$0x1C780] =	vst v63  }
0x15: {  	_ =	swait.ge [sflag:s9], $0x200  }
0x16: {  	[sflag:s9] =	ssyncset.done $0x0  }
0x17: {  	[sflag:s9] =	ssyncadd.s32 $0xFFFFFE00  }
0x18: {  	v31 =	vld [tilespmem:$0x0];
	_ =	sdelay $0x3  }
0x19: {  	v32 =	vld [tilespmem:$0x280]  }
0x1a: {  	v31 =	vand.u32 $0xFFFFFF80, v31  }
0x1b: {  	v31 =	vadd.s32 s1, v31  }
0x1c: {  	(v2sf) =	vpush v31, $0x0;
	_ =	sdelay $0x1  }
0x1d: {  	v32 =	vand.u32 $0xFFFFFF80, v32  }
0x1e: {  	v32 =	vadd.s32 s2, v32  }
0x1f: {  	(v2sf) =	vpush v32, $0x0;
	_ =	sdelay $0x3  }
0x20: {  	(v2sf) =	vpush v31, $0x1;
	_ =	sdelay $0x3  }
0x21: {  	(v2sf) =	vpush v32, $0x1;
	_ =	sdelay $0x2  }
0x22: {  	s12 =	spop (v2sf)  }
0x23: {  	(v2sf) =	vpush v31, $0x2;
	[tilespmem:s11], [sflag:$0x1] =	stream.linear.gather [hbm4b:s12+s4], $0x400, $0x38;
	[tilespmem:$0x1C780] =	vst v63  }
0x24: {  	s14 =	simm.s32 $0x7500;
	s0 =	sadd.s32 $0xF4280, s12  }
0x25: {  	[tilespmem:s14], [sflag:$0x1] =	stream.linear.gather [hbm4b:s0+s4], $0x400, $0x38;
	[tilespmem:$0x1C780] =	vst v63  }
0x26: {  	s15 =	spop (v2sf)  }
0x27: {  	(v2sf) =	vpush v32, $0x2;
	[tilespmem:s13], [sflag:$0x1] =	stream.linear.gather [hbm4b:s15+s4], $0x400, $0x38;
	[tilespmem:$0x1C780] =	vst v63  }
0x28: {  	s16 =	simm.s32 $0x15500;
	s0 =	sadd.s32 $0xF4280, s15  }
0x29: {  	[tilespmem:s16], [sflag:$0x1] =	stream.linear.gather [hbm4b:s0+s4], $0x400, $0x38;
	[tilespmem:$0x1C780] =	vst v63  }
0x2a: {  	s25 =	simm.s32 $0x900;
	s17 =	spop (v2sf)  }
0x2b: {  	(v2sf) =	vpush v31, $0x3;
	[tilespmem:s25], [sflag:$0x1] =	stream.linear.gather [hbm4b:s17+s4], $0x400, $0x38;
	[tilespmem:$0x1C780] =	vst v63  }
0x2c: {  	s5 =	simm.s32 $0x7900;
	s0 =	sadd.s32 $0xF4280, s17  }
0x2d: {  	[tilespmem:s5], [sflag:$0x1] =	stream.linear.gather [hbm4b:s0+s4], $0x400, $0x38;
	[tilespmem:$0x1C780] =	vst v63  }
0x2e: {  	s10 =	simm.s32 $0xE900;
	s6 =	spop (v2sf)  }
0x2f: {  	(v2sf) =	vpush v32, $0x3;
	[tilespmem:s10], [sflag:$0x1] =	stream.linear.gather [hbm4b:s6+s4], $0x400, $0x38;
	[tilespmem:$0x1C780] =	vst v63  }
0x30: {  	s12 =	simm.s32 $0x15900;
	s0 =	sadd.s32 $0xF4280, s6  }
0x31: {  	[tilespmem:s12], [sflag:$0x1] =	stream.linear.gather [hbm4b:s0+s4], $0x400, $0x38;
	[tilespmem:$0x1C780] =	vst v63  }
0x32: {  	s15 =	simm.s32 $0xD00;
	s14 =	spop (v2sf)  }
0x33: {  	[tilespmem:s15], [sflag:$0x1] =	stream.linear.gather [hbm4b:s14+s4], $0x400, $0x38;
	[tilespmem:$0x1C780] =	vst v63  }
0x34: {  	s16 =	simm.s32 $0x7D00;
	s0 =	sadd.s32 $0xF4280, s14  }
0x35: {  	[tilespmem:s16], [sflag:$0x1] =	stream.linear.gather [hbm4b:s0+s4], $0x400, $0x38;
	[tilespmem:$0x1C780] =	vst v63  }
0x36: {  	s25 =	simm.s32 $0xED00;
	s17 =	spop (v2sf)  }
0x37: {  	[tilespmem:s25], [sflag:$0x1] =	stream.linear.gather [hbm4b:s17+s4], $0x400, $0x38;
	[tilespmem:$0x1C780] =	vst v63  }
0x38: {  	s5 =	simm.s32 $0x15D00;
	s0 =	sadd.s32 $0xF4280, s17  }
0x39: {  	[tilespmem:s5], [sflag:$0x1] =	stream.linear.gather [hbm4b:s0+s4], $0x400, $0x38;
	[tilespmem:$0x1C780] =	vst v63  }
0x3a: {  	s10 =	simm.s32 $0x1100;
	s6 =	spop (v2sf)  }
0x3b: {  	[tilespmem:s10], [sflag:$0x1] =	stream.linear.gather [hbm4b:s6+s4], $0x400, $0x38;
	[tilespmem:$0x1C780] =	vst v63  }
0x3c: {  	s12 =	simm.s32 $0x8100;
	s0 =	sadd.s32 $0xF4280, s6  }
0x3d: {  	[tilespmem:s12], [sflag:$0x1] =	stream.linear.gather [hbm4b:s0+s4], $0x400, $0x38;
	[tilespmem:$0x1C780] =	vst v63  }
0x3e: {  	s15 =	simm.s32 $0xF100;
	s14 =	spop (v2sf)  }
0x3f: {  	[tilespmem:s15], [sflag:$0x1] =	stream.linear.gather [hbm4b:s14+s4], $0x400, $0x38;
	[tilespmem:$0x1C780] =	vst v63  }
0x40: {  	s16 =	simm.s32 $0x16100;
	s0 =	sadd.s32 $0xF4280, s14  }
0x41: {  	[tilespmem:s16], [sflag:$0x1] =	stream.linear.gather [hbm4b:s0+s4], $0x400, $0x38;
	[tilespmem:$0x1C780] =	vst v63  }
0x42: {  	v31 =	vld [tilespmem:$0x4];
	_ =	sdelay $0x3  }
0x43: {  	v49 =	vld [tilespmem:$0x284]  }
0x44: {  	v31 =	vand.u32 $0xFFFFFF80, v31  }
0x45: {  	v31 =	vadd.s32 s1, v31  }
0x46: {  	(v2sf) =	vpush v31, $0x0;
	_ =	sdelay $0x1  }
0x47: {  	v32 =	vand.u32 $0xFFFFFF80, v49  }
0x48: {  	v32 =	vadd.s32 s2, v32  }
0x49: {  	(v2sf) =	vpush v32, $0x0;
	_ =	sdelay $0x3  }
0x4a: {  	(v2sf) =	vpush v31, $0x1;
	_ =	sdelay $0x3  }
0x4b: {  	(v2sf) =	vpush v32, $0x1;
	_ =	sdelay $0x2  }
0x4c: {  	s25 =	simm.s32 $0x1500;
	s17 =	spop (v2sf)  }
0x4d: {  	(v2sf) =	vpush v31, $0x2;
	[tilespmem:s25], [sflag:$0x2] =	stream.linear.gather [hbm4b:s17+s4], $0x400, $0x38;
	[tilespmem:$0x1C780] =	vst v63  }
0x4e: {  	s5 =	simm.s32 $0x8500;
	s0 =	sadd.s32 $0xF4280, s17  }
0x4f: {  	[tilespmem:s5], [sflag:$0x2] =	stream.linear.gather [hbm4b:s0+s4], $0x400, $0x38;
	[tilespmem:$0x1C780] =	vst v63  }
0x50: {  	s10 =	simm.s32 $0xF500;
	s6 =	spop (v2sf)  }
0x51: {  	(v2sf) =	vpush v32, $0x2;
	[tilespmem:s10], [sflag:$0x2] =	stream.linear.gather [hbm4b:s6+s4], $0x400, $0x38;
	[tilespmem:$0x1C780] =	vst v63  }
0x52: {  	s12 =	simm.s32 $0x16500;
	s0 =	sadd.s32 $0xF4280, s6  }
0x53: {  	[tilespmem:s12], [sflag:$0x2] =	stream.linear.gather [hbm4b:s0+s4], $0x400, $0x38;
	[tilespmem:$0x1C780] =	vst v63  }
0x54: {  	s15 =	simm.s32 $0x1900;
	s14 =	spop (v2sf)  }
0x55: {  	(v2sf) =	vpush v31, $0x3;
	[tilespmem:s15], [sflag:$0x2] =	stream.linear.gather [hbm4b:s14+s4], $0x400, $0x38;
	[tilespmem:$0x1C780] =	vst v63  }
0x56: {  	s16 =	simm.s32 $0x8900;
	s0 =	sadd.s32 $0xF4280, s14  }
0x57: {  	[tilespmem:s16], [sflag:$0x2] =	stream.linear.gather [hbm4b:s0+s4], $0x400, $0x38;
	[tilespmem:$0x1C780] =	vst v63  }
0x58: {  	s25 =	simm.s32 $0xF900;
	s17 =	spop (v2sf)  }
0x59: {  	(v2sf) =	vpush v32, $0x3;
	[tilespmem:s25], [sflag:$0x2] =	stream.linear.gather [hbm4b:s17+s4], $0x400, $0x38;
	[tilespmem:$0x1C780] =	vst v63  }
0x5a: {  	s5 =	simm.s32 $0x16900;
	s0 =	sadd.s32 $0xF4280, s17  }
0x5b: {  	[tilespmem:s5], [sflag:$0x2] =	stream.linear.gather [hbm4b:s0+s4], $0x400, $0x38;
	[tilespmem:$0x1C780] =	vst v63  }
0x5c: {  	s10 =	simm.s32 $0x1D00;
	s6 =	spop (v2sf)  }
0x5d: {  	[tilespmem:s10], [sflag:$0x2] =	stream.linear.gather [hbm4b:s6+s4], $0x400, $0x38;
	[tilespmem:$0x1C780] =	vst v63  }
0x5e: {  	s12 =	simm.s32 $0x8D00;
	s0 =	sadd.s32 $0xF4280, s6  }
0x5f: {  	[tilespmem:s12], [sflag:$0x2] =	stream.linear.gather [hbm4b:s0+s4], $0x400, $0x38;
	[tilespmem:$0x1C780] =	vst v63  }
0x60: {  	s15 =	simm.s32 $0xFD00;
	s14 =	spop (v2sf)  }
0x61: {  	[tilespmem:s15], [sflag:$0x2] =	stream.linear.gather [hbm4b:s14+s4], $0x400, $0x38;
	[tilespmem:$0x1C780] =	vst v63  }
0x62: {  	s16 =	simm.s32 $0x16D00;
	s0 =	sadd.s32 $0xF4280, s14  }
0x63: {  	[tilespmem:s16], [sflag:$0x2] =	stream.linear.gather [hbm4b:s0+s4], $0x400, $0x38;
	[tilespmem:$0x1C780] =	vst v63  }
0x64: {  	s25 =	simm.s32 $0x2100;
	s17 =	spop (v2sf)  }
0x65: {  	[tilespmem:s25], [sflag:$0x2] =	stream.linear.gather [hbm4b:s17+s4], $0x400, $0x38;
	[tilespmem:$0x1C780] =	vst v63  }
0x66: {  	s5 =	simm.s32 $0x9100;
	s0 =	sadd.s32 $0xF4280, s17  }
0x67: {  	[tilespmem:s5], [sflag:$0x2] =	stream.linear.gather [hbm4b:s0+s4], $0x400, $0x38;
	[tilespmem:$0x1C780] =	vst v63  }
0x68: {  	s10 =	simm.s32 $0x10100;
	s6 =	spop (v2sf)  }
0x69: {  	[tilespmem:s10], [sflag:$0x2] =	stream.linear.gather [hbm4b:s6+s4], $0x400, $0x38;
	[tilespmem:$0x1C780] =	vst v63  }
0x6a: {  	s12 =	simm.s32 $0x17100;
	s0 =	sadd.s32 $0xF4280, s6  }
0x6b: {  	[tilespmem:s12], [sflag:$0x2] =	stream.linear.gather [hbm4b:s0+s4], $0x400, $0x38;
	[tilespmem:$0x1C780] =	vst v63  }
0x6c: {  	v31 =	vld [tilespmem:$0x8];
	_ =	sdelay $0x3  }
0x6d: {  	v50 =	vld [tilespmem:$0x288]  }
0x6e: {  	v31 =	vand.u32 $0xFFFFFF80, v31  }
0x6f: {  	v31 =	vadd.s32 s1, v31  }
0x70: {  	(v2sf) =	vpush v31, $0x0;
	_ =	sdelay $0x1  }
0x71: {  	v32 =	vand.u32 $0xFFFFFF80, v50  }
0x72: {  	v32 =	vadd.s32 s2, v32  }
0x73: {  	(v2sf) =	vpush v32, $0x0;
	_ =	sdelay $0x3  }
0x74: {  	(v2sf) =	vpush v31, $0x1;
	_ =	sdelay $0x3  }
0x75: {  	(v2sf) =	vpush v32, $0x1;
	_ =	sdelay $0x2  }
0x76: {  	s15 =	simm.s32 $0x2500;
	s14 =	spop (v2sf)  }
0x77: {  	(v2sf) =	vpush v31, $0x2;
	[tilespmem:s15], [sflag:$0x3] =	stream.linear.gather [hbm4b:s14+s4], $0x400, $0x38;
	[tilespmem:$0x1C780] =	vst v63  }
0x78: {  	s16 =	simm.s32 $0x9500;
	s0 =	sadd.s32 $0xF4280, s14  }
0x79: {  	[tilespmem:s16], [sflag:$0x3] =	stream.linear.gather [hbm4b:s0+s4], $0x400, $0x38;
	[tilespmem:$0x1C780] =	vst v63  }
0x7a: {  	s25 =	simm.s32 $0x10500;
	s17 =	spop (v2sf)  }
0x7b: {  	(v2sf) =	vpush v32, $0x2;
	[tilespmem:s25], [sflag:$0x3] =	stream.linear.gather [hbm4b:s17+s4], $0x400, $0x38;
	[tilespmem:$0x1C780] =	vst v63  }
0x7c: {  	s5 =	simm.s32 $0x17500;
	s0 =	sadd.s32 $0xF4280, s17  }
0x7d: {  	[tilespmem:s5], [sflag:$0x3] =	stream.linear.gather [hbm4b:s0+s4], $0x400, $0x38;
	[tilespmem:$0x1C780] =	vst v63  }
0x7e: {  	s10 =	simm.s32 $0x2900;
	s6 =	spop (v2sf)  }
0x7f: {  	(v2sf) =	vpush v31, $0x3;
	[tilespmem:s10], [sflag:$0x3] =	stream.linear.gather [hbm4b:s6+s4], $0x400, $0x38;
	[tilespmem:$0x1C780] =	vst v63  }
0x80: {  	s12 =	simm.s32 $0x9900;
	s0 =	sadd.s32 $0xF4280, s6  }
0x81: {  	[tilespmem:s12], [sflag:$0x3] =	stream.linear.gather [hbm4b:s0+s4], $0x400, $0x38;
	[tilespmem:$0x1C780] =	vst v63  }
0x82: {  	s15 =	simm.s32 $0x10900;
	s14 =	spop (v2sf)  }
0x83: {  	(v2sf) =	vpush v32, $0x3;
	[tilespmem:s15], [sflag:$0x3] =	stream.linear.gather [hbm4b:s14+s4], $0x400, $0x38;
	[tilespmem:$0x1C780] =	vst v63  }
0x84: {  	s16 =	simm.s32 $0x17900;
	s0 =	sadd.s32 $0xF4280, s14  }
0x85: {  	[tilespmem:s16], [sflag:$0x3] =	stream.linear.gather [hbm4b:s0+s4], $0x400, $0x38;
	[tilespmem:$0x1C780] =	vst v63  }
0x86: {  	s25 =	simm.s32 $0x2D00;
	s17 =	spop (v2sf)  }
0x87: {  	[tilespmem:s25], [sflag:$0x3] =	stream.linear.gather [hbm4b:s17+s4], $0x400, $0x38;
	[tilespmem:$0x1C780] =	vst v63  }
0x88: {  	s5 =	simm.s32 $0x9D00;
	s0 =	sadd.s32 $0xF4280, s17  }
0x89: {  	[tilespmem:s5], [sflag:$0x3] =	stream.linear.gather [hbm4b:s0+s4], $0x400, $0x38;
	[tilespmem:$0x1C780] =	vst v63  }
0x8a: {  	s10 =	simm.s32 $0x10D00;
	s6 =	spop (v2sf)  }
0x8b: {  	[tilespmem:s10], [sflag:$0x3] =	stream.linear.gather [hbm4b:s6+s4], $0x400, $0x38;
	[tilespmem:$0x1C780] =	vst v63  }
0x8c: {  	s12 =	simm.s32 $0x17D00;
	s0 =	sadd.s32 $0xF4280, s6  }
0x8d: {  	[tilespmem:s12], [sflag:$0x3] =	stream.linear.gather [hbm4b:s0+s4], $0x400, $0x38;
	[tilespmem:$0x1C780] =	vst v63  }
0x8e: {  	s15 =	simm.s32 $0x3100;
	s14 =	spop (v2sf)  }
0x8f: {  	[tilespmem:s15], [sflag:$0x3] =	stream.linear.gather [hbm4b:s14+s4], $0x400, $0x38;
	[tilespmem:$0x1C780] =	vst v63  }
0x90: {  	s16 =	simm.s32 $0xA100;
	s0 =	sadd.s32 $0xF4280, s14  }
0x91: {  	[tilespmem:s16], [sflag:$0x3] =	stream.linear.gather [hbm4b:s0+s4], $0x400, $0x38;
	[tilespmem:$0x1C780] =	vst v63  }
0x92: {  	s25 =	simm.s32 $0x11100;
	s17 =	spop (v2sf)  }
0x93: {  	[tilespmem:s25], [sflag:$0x3] =	stream.linear.gather [hbm4b:s17+s4], $0x400, $0x38;
	[tilespmem:$0x1C780] =	vst v63  }
0x94: {  	s5 =	simm.s32 $0x18100;
	s0 =	sadd.s32 $0xF4280, s17  }
0x95: {  	[tilespmem:s5], [sflag:$0x3] =	stream.linear.gather [hbm4b:s0+s4], $0x400, $0x38;
	[tilespmem:$0x1C780] =	vst v63  }
0x96: {  	v31 =	vld [tilespmem:$0xC];
	_ =	sdelay $0x3  }
0x97: {  	v51 =	vld [tilespmem:$0x28C]  }
0x98: {  	v31 =	vand.u32 $0xFFFFFF80, v31  }
0x99: {  	v31 =	vadd.s32 s1, v31  }
0x9a: {  	(v2sf) =	vpush v31, $0x0;
	_ =	sdelay $0x1  }
0x9b: {  	v32 =	vand.u32 $0xFFFFFF80, v51  }
0x9c: {  	v32 =	vadd.s32 s2, v32  }
0x9d: {  	(v2sf) =	vpush v32, $0x0;
	_ =	sdelay $0x3  }
0x9e: {  	(v2sf) =	vpush v31, $0x1;
	_ =	sdelay $0x3  }
0x9f: {  	(v2sf) =	vpush v32, $0x1;
	_ =	sdelay $0x2  }
0xa0: {  	s10 =	simm.s32 $0x3500;
	s6 =	spop (v2sf)  }
0xa1: {  	(v2sf) =	vpush v31, $0x2;
	[tilespmem:s10], [sflag:$0x4] =	stream.linear.gather [hbm4b:s6+s4], $0x400, $0x38;
	[tilespmem:$0x1C780] =	vst v63  }
0xa2: {  	s12 =	simm.s32 $0xA500;
	s0 =	sadd.s32 $0xF4280, s6  }
0xa3: {  	[tilespmem:s12], [sflag:$0x4] =	stream.linear.gather [hbm4b:s0+s4], $0x400, $0x38;
	[tilespmem:$0x1C780] =	vst v63  }
0xa4: {  	s15 =	simm.s32 $0x11500;
	s14 =	spop (v2sf)  }
0xa5: {  	(v2sf) =	vpush v32, $0x2;
	[tilespmem:s15], [sflag:$0x4] =	stream.linear.gather [hbm4b:s14+s4], $0x400, $0x38;
	[tilespmem:$0x1C780] =	vst v63  }
0xa6: {  	s16 =	simm.s32 $0x18500;
	s0 =	sadd.s32 $0xF4280, s14  }
0xa7: {  	[tilespmem:s16], [sflag:$0x4] =	stream.linear.gather [hbm4b:s0+s4], $0x400, $0x38;
	[tilespmem:$0x1C780] =	vst v63  }
0xa8: {  	s25 =	simm.s32 $0x3900;
	s17 =	spop (v2sf)  }
0xa9: {  	(v2sf) =	vpush v31, $0x3;
	[tilespmem:s25], [sflag:$0x4] =	stream.linear.gather [hbm4b:s17+s4], $0x400, $0x38;
	[tilespmem:$0x1C780] =	vst v63  }
0xaa: {  	s5 =	simm.s32 $0xA900;
	s0 =	sadd.s32 $0xF4280, s17  }
0xab: {  	[tilespmem:s5], [sflag:$0x4] =	stream.linear.gather [hbm4b:s0+s4], $0x400, $0x38;
	[tilespmem:$0x1C780] =	vst v63  }
0xac: {  	s10 =	simm.s32 $0x11900;
	s6 =	spop (v2sf)  }
0xad: {  	(v2sf) =	vpush v32, $0x3;
	[tilespmem:s10], [sflag:$0x4] =	stream.linear.gather [hbm4b:s6+s4], $0x400, $0x38;
	[tilespmem:$0x1C780] =	vst v63  }
0xae: {  	s12 =	simm.s32 $0x18900;
	s0 =	sadd.s32 $0xF4280, s6  }
0xaf: {  	[tilespmem:s12], [sflag:$0x4] =	stream.linear.gather [hbm4b:s0+s4], $0x400, $0x38;
	[tilespmem:$0x1C780] =	vst v63  }
0xb0: {  	s15 =	simm.s32 $0x3D00;
	s14 =	spop (v2sf)  }
0xb1: {  	[tilespmem:s15], [sflag:$0x4] =	stream.linear.gather [hbm4b:s14+s4], $0x400, $0x38;
	[tilespmem:$0x1C780] =	vst v63  }
0xb2: {  	s16 =	simm.s32 $0xAD00;
	s0 =	sadd.s32 $0xF4280, s14  }
0xb3: {  	[tilespmem:s16], [sflag:$0x4] =	stream.linear.gather [hbm4b:s0+s4], $0x400, $0x38;
	[tilespmem:$0x1C780] =	vst v63  }
0xb4: {  	s25 =	simm.s32 $0x11D00;
	s17 =	spop (v2sf)  }
0xb5: {  	[tilespmem:s25], [sflag:$0x4] =	stream.linear.gather [hbm4b:s17+s4], $0x400, $0x38;
	[tilespmem:$0x1C780] =	vst v63  }
0xb6: {  	s5 =	simm.s32 $0x18D00;
	s0 =	sadd.s32 $0xF4280, s17  }
0xb7: {  	[tilespmem:s5], [sflag:$0x4] =	stream.linear.gather [hbm4b:s0+s4], $0x400, $0x38;
	[tilespmem:$0x1C780] =	vst v63  }
0xb8: {  	s10 =	simm.s32 $0x4100;
	s6 =	spop (v2sf)  }
0xb9: {  	[tilespmem:s10], [sflag:$0x4] =	stream.linear.gather [hbm4b:s6+s4], $0x400, $0x38;
	[tilespmem:$0x1C780] =	vst v63  }
0xba: {  	s12 =	simm.s32 $0xB100;
	s0 =	sadd.s32 $0xF4280, s6  }
0xbb: {  	[tilespmem:s12], [sflag:$0x4] =	stream.linear.gather [hbm4b:s0+s4], $0x400, $0x38;
	[tilespmem:$0x1C780] =	vst v63  }
0xbc: {  	s15 =	simm.s32 $0x12100;
	s14 =	spop (v2sf)  }
0xbd: {  	[tilespmem:s15], [sflag:$0x4] =	stream.linear.gather [hbm4b:s14+s4], $0x400, $0x38;
	[tilespmem:$0x1C780] =	vst v63  }
0xbe: {  	s16 =	simm.s32 $0x19100;
	s0 =	sadd.s32 $0xF4280, s14  }
0xbf: {  	[tilespmem:s16], [sflag:$0x4] =	stream.linear.gather [hbm4b:s0+s4], $0x400, $0x38;
	[tilespmem:$0x1C780] =	vst v63  }
0xc0: {  	v31 =	vld [tilespmem:$0x10];
	_ =	sdelay $0x3  }
0xc1: {  	v52 =	vld [tilespmem:$0x290]  }
0xc2: {  	v31 =	vand.u32 $0xFFFFFF80, v31  }
0xc3: {  	v31 =	vadd.s32 s1, v31  }
0xc4: {  	(v2sf) =	vpush v31, $0x0;
	_ =	sdelay $0x1  }
0xc5: {  	v32 =	vand.u32 $0xFFFFFF80, v52  }
0xc6: {  	v32 =	vadd.s32 s2, v32  }
0xc7: {  	(v2sf) =	vpush v32, $0x0;
	_ =	sdelay $0x3  }
0xc8: {  	(v2sf) =	vpush v31, $0x1;
	_ =	sdelay $0x3  }
0xc9: {  	(v2sf) =	vpush v32, $0x1;
	_ =	sdelay $0x2  }
0xca: {  	s25 =	simm.s32 $0x4500;
	s17 =	spop (v2sf)  }
0xcb: {  	(v2sf) =	vpush v31, $0x2;
	[tilespmem:s25], [sflag:$0x5] =	stream.linear.gather [hbm4b:s17+s4], $0x400, $0x38;
	[tilespmem:$0x1C780] =	vst v63  }
0xcc: {  	s5 =	simm.s32 $0xB500;
	s0 =	sadd.s32 $0xF4280, s17  }
0xcd: {  	[tilespmem:s5], [sflag:$0x5] =	stream.linear.gather [hbm4b:s0+s4], $0x400, $0x38;
	[tilespmem:$0x1C780] =	vst v63  }
0xce: {  	s10 =	simm.s32 $0x12500;
	s6 =	spop (v2sf)  }
0xcf: {  	(v2sf) =	vpush v32, $0x2;
	[tilespmem:s10], [sflag:$0x5] =	stream.linear.gather [hbm4b:s6+s4], $0x400, $0x38;
	[tilespmem:$0x1C780] =	vst v63  }
0xd0: {  	s12 =	simm.s32 $0x19500;
	s0 =	sadd.s32 $0xF4280, s6  }
0xd1: {  	[tilespmem:s12], [sflag:$0x5] =	stream.linear.gather [hbm4b:s0+s4], $0x400, $0x38;
	[tilespmem:$0x1C780] =	vst v63  }
0xd2: {  	s15 =	simm.s32 $0x4900;
	s14 =	spop (v2sf)  }
0xd3: {  	(v2sf) =	vpush v31, $0x3;
	[tilespmem:s15], [sflag:$0x5] =	stream.linear.gather [hbm4b:s14+s4], $0x400, $0x38;
	[tilespmem:$0x1C780] =	vst v63  }
0xd4: {  	s16 =	simm.s32 $0xB900;
	s0 =	sadd.s32 $0xF4280, s14  }
0xd5: {  	[tilespmem:s16], [sflag:$0x5] =	stream.linear.gather [hbm4b:s0+s4], $0x400, $0x38;
	[tilespmem:$0x1C780] =	vst v63  }
0xd6: {  	s25 =	simm.s32 $0x12900;
	s17 =	spop (v2sf)  }
0xd7: {  	(v2sf) =	vpush v32, $0x3;
	[tilespmem:s25], [sflag:$0x5] =	stream.linear.gather [hbm4b:s17+s4], $0x400, $0x38;
	[tilespmem:$0x1C780] =	vst v63  }
0xd8: {  	s5 =	simm.s32 $0x19900;
	s0 =	sadd.s32 $0xF4280, s17  }
0xd9: {  	[tilespmem:s5], [sflag:$0x5] =	stream.linear.gather [hbm4b:s0+s4], $0x400, $0x38;
	[tilespmem:$0x1C780] =	vst v63  }
0xda: {  	s10 =	simm.s32 $0x4D00;
	s6 =	spop (v2sf)  }
0xdb: {  	[tilespmem:s10], [sflag:$0x5] =	stream.linear.gather [hbm4b:s6+s4], $0x400, $0x38;
	[tilespmem:$0x1C780] =	vst v63  }
0xdc: {  	s12 =	simm.s32 $0xBD00;
	s0 =	sadd.s32 $0xF4280, s6  }
0xdd: {  	[tilespmem:s12], [sflag:$0x5] =	stream.linear.gather [hbm4b:s0+s4], $0x400, $0x38;
	[tilespmem:$0x1C780] =	vst v63  }
0xde: {  	s15 =	simm.s32 $0x12D00;
	s14 =	spop (v2sf)  }
0xdf: {  	[tilespmem:s15], [sflag:$0x5] =	stream.linear.gather [hbm4b:s14+s4], $0x400, $0x38;
	[tilespmem:$0x1C780] =	vst v63  }
0xe0: {  	s16 =	simm.s32 $0x19D00;
	s0 =	sadd.s32 $0xF4280, s14  }
0xe1: {  	[tilespmem:s16], [sflag:$0x5] =	stream.linear.gather [hbm4b:s0+s4], $0x400, $0x38;
	[tilespmem:$0x1C780] =	vst v63  }
0xe2: {  	s25 =	simm.s32 $0x5100;
	s17 =	spop (v2sf)  }
0xe3: {  	[tilespmem:s25], [sflag:$0x5] =	stream.linear.gather [hbm4b:s17+s4], $0x400, $0x38;
	[tilespmem:$0x1C780] =	vst v63  }
0xe4: {  	s5 =	simm.s32 $0xC100;
	s0 =	sadd.s32 $0xF4280, s17  }
0xe5: {  	[tilespmem:s5], [sflag:$0x5] =	stream.linear.gather [hbm4b:s0+s4], $0x400, $0x38;
	[tilespmem:$0x1C780] =	vst v63  }
0xe6: {  	s10 =	simm.s32 $0x13100;
	s6 =	spop (v2sf)  }
0xe7: {  	[tilespmem:s10], [sflag:$0x5] =	stream.linear.gather [hbm4b:s6+s4], $0x400, $0x38;
	[tilespmem:$0x1C780] =	vst v63  }
0xe8: {  	s12 =	simm.s32 $0x1A100;
	s0 =	sadd.s32 $0xF4280, s6  }
0xe9: {  	[tilespmem:s12], [sflag:$0x5] =	stream.linear.gather [hbm4b:s0+s4], $0x400, $0x38;
	[tilespmem:$0x1C780] =	vst v63  }
0xea: {  	v31 =	vld [tilespmem:$0x14];
	_ =	sdelay $0x3  }
0xeb: {  	v53 =	vld [tilespmem:$0x294]  }
0xec: {  	v31 =	vand.u32 $0xFFFFFF80, v31  }
0xed: {  	v31 =	vadd.s32 s1, v31  }
0xee: {  	(v2sf) =	vpush v31, $0x0;
	_ =	sdelay $0x1  }
0xef: {  	v32 =	vand.u32 $0xFFFFFF80, v53  }
0xf0: {  	v32 =	vadd.s32 s2, v32  }
0xf1: {  	(v2sf) =	vpush v32, $0x0;
	_ =	sdelay $0x3  }
0xf2: {  	(v2sf) =	vpush v31, $0x1;
	_ =	sdelay $0x3  }
0xf3: {  	(v2sf) =	vpush v32, $0x1;
	_ =	sdelay $0x2  }
0xf4: {  	s15 =	simm.s32 $0x5500;
	s14 =	spop (v2sf)  }
0xf5: {  	(v2sf) =	vpush v31, $0x2;
	[tilespmem:s15], [sflag:$0x6] =	stream.linear.gather [hbm4b:s14+s4], $0x400, $0x38;
	[tilespmem:$0x1C780] =	vst v63  }
0xf6: {  	s16 =	simm.s32 $0xC500;
	s0 =	sadd.s32 $0xF4280, s14  }
0xf7: {  	[tilespmem:s16], [sflag:$0x6] =	stream.linear.gather [hbm4b:s0+s4], $0x400, $0x38;
	[tilespmem:$0x1C780] =	vst v63  }
0xf8: {  	s25 =	simm.s32 $0x13500;
	s17 =	spop (v2sf)  }
0xf9: {  	(v2sf) =	vpush v32, $0x2;
	[tilespmem:s25], [sflag:$0x6] =	stream.linear.gather [hbm4b:s17+s4], $0x400, $0x38;
	[tilespmem:$0x1C780] =	vst v63  }
0xfa: {  	s5 =	simm.s32 $0x1A500;
	s0 =	sadd.s32 $0xF4280, s17  }
0xfb: {  	[tilespmem:s5], [sflag:$0x6] =	stream.linear.gather [hbm4b:s0+s4], $0x400, $0x38;
	[tilespmem:$0x1C780] =	vst v63  }
0xfc: {  	s10 =	simm.s32 $0x5900;
	s6 =	spop (v2sf)  }
0xfd: {  	(v2sf) =	vpush v31, $0x3;
	[tilespmem:s10], [sflag:$0x6] =	stream.linear.gather [hbm4b:s6+s4], $0x400, $0x38;
	[tilespmem:$0x1C780] =	vst v63  }
0xfe: {  	s12 =	simm.s32 $0xC900;
	s0 =	sadd.s32 $0xF4280, s6  }
0xff: {  	[tilespmem:s12], [sflag:$0x6] =	stream.linear.gather [hbm4b:s0+s4], $0x400, $0x38;
	[tilespmem:$0x1C780] =	vst v63  }
0x100: {  	s15 =	simm.s32 $0x13900;
	s14 =	spop (v2sf)  }
0x101: {  	(v2sf) =	vpush v32, $0x3;
	[tilespmem:s15], [sflag:$0x6] =	stream.linear.gather [hbm4b:s14+s4], $0x400, $0x38;
	[tilespmem:$0x1C780] =	vst v63  }
0x102: {  	s16 =	simm.s32 $0x1A900;
	s0 =	sadd.s32 $0xF4280, s14  }
0x103: {  	[tilespmem:s16], [sflag:$0x6] =	stream.linear.gather [hbm4b:s0+s4], $0x400, $0x38;
	[tilespmem:$0x1C780] =	vst v63  }
0x104: {  	s25 =	simm.s32 $0x5D00;
	s17 =	spop (v2sf)  }
0x105: {  	[tilespmem:s25], [sflag:$0x6] =	stream.linear.gather [hbm4b:s17+s4], $0x400, $0x38;
	[tilespmem:$0x1C780] =	vst v63  }
0x106: {  	s5 =	simm.s32 $0xCD00;
	s0 =	sadd.s32 $0xF4280, s17  }
0x107: {  	[tilespmem:s5], [sflag:$0x6] =	stream.linear.gather [hbm4b:s0+s4], $0x400, $0x38;
	[tilespmem:$0x1C780] =	vst v63  }
0x108: {  	s10 =	simm.s32 $0x13D00;
	s6 =	spop (v2sf)  }
0x109: {  	[tilespmem:s10], [sflag:$0x6] =	stream.linear.gather [hbm4b:s6+s4], $0x400, $0x38;
	[tilespmem:$0x1C780] =	vst v63  }
0x10a: {  	s12 =	simm.s32 $0x1AD00;
	s0 =	sadd.s32 $0xF4280, s6  }
0x10b: {  	[tilespmem:s12], [sflag:$0x6] =	stream.linear.gather [hbm4b:s0+s4], $0x400, $0x38;
	[tilespmem:$0x1C780] =	vst v63  }
0x10c: {  	s15 =	simm.s32 $0x6100;
	s14 =	spop (v2sf)  }
0x10d: {  	[tilespmem:s15], [sflag:$0x6] =	stream.linear.gather [hbm4b:s14+s4], $0x400, $0x38;
	[tilespmem:$0x1C780] =	vst v63  }
0x10e: {  	s16 =	simm.s32 $0xD100;
	s0 =	sadd.s32 $0xF4280, s14  }
0x10f: {  	[tilespmem:s16], [sflag:$0x6] =	stream.linear.gather [hbm4b:s0+s4], $0x400, $0x38;
	[tilespmem:$0x1C780] =	vst v63  }
0x110: {  	s25 =	simm.s32 $0x14100;
	s17 =	spop (v2sf)  }
0x111: {  	[tilespmem:s25], [sflag:$0x6] =	stream.linear.gather [hbm4b:s17+s4], $0x400, $0x38;
	[tilespmem:$0x1C780] =	vst v63  }
0x112: {  	s5 =	simm.s32 $0x1B100;
	s0 =	sadd.s32 $0xF4280, s17  }
0x113: {  	[tilespmem:s5], [sflag:$0x6] =	stream.linear.gather [hbm4b:s0+s4], $0x400, $0x38;
	[tilespmem:$0x1C780] =	vst v63  }
0x114: {  	v31 =	vld [tilespmem:$0x18];
	_ =	sdelay $0x3  }
0x115: {  	v54 =	vld [tilespmem:$0x298]  }
0x116: {  	v31 =	vand.u32 $0xFFFFFF80, v31  }
0x117: {  	v31 =	vadd.s32 s1, v31  }
0x118: {  	(v2sf) =	vpush v31, $0x0;
	_ =	sdelay $0x1  }
0x119: {  	v32 =	vand.u32 $0xFFFFFF80, v54  }
0x11a: {  	v32 =	vadd.s32 s2, v32  }
0x11b: {  	(v2sf) =	vpush v32, $0x0;
	_ =	sdelay $0x3  }
0x11c: {  	(v2sf) =	vpush v31, $0x1;
	_ =	sdelay $0x3  }
0x11d: {  	(v2sf) =	vpush v32, $0x1;
	_ =	sdelay $0x2  }
0x11e: {  	s10 =	simm.s32 $0x6500;
	s6 =	spop (v2sf)  }
0x11f: {  	(v2sf) =	vpush v31, $0x2;
	[tilespmem:s10], [sflag:$0x7] =	stream.linear.gather [hbm4b:s6+s4], $0x400, $0x38;
	[tilespmem:$0x1C780] =	vst v63  }
0x120: {  	s12 =	simm.s32 $0xD500;
	s0 =	sadd.s32 $0xF4280, s6  }
0x121: {  	[tilespmem:s12], [sflag:$0x7] =	stream.linear.gather [hbm4b:s0+s4], $0x400, $0x38;
	[tilespmem:$0x1C780] =	vst v63  }
0x122: {  	s15 =	simm.s32 $0x14500;
	s14 =	spop (v2sf)  }
0x123: {  	(v2sf) =	vpush v32, $0x2;
	[tilespmem:s15], [sflag:$0x7] =	stream.linear.gather [hbm4b:s14+s4], $0x400, $0x38;
	[tilespmem:$0x1C780] =	vst v63  }
0x124: {  	s16 =	simm.s32 $0x1B500;
	s0 =	sadd.s32 $0xF4280, s14  }
0x125: {  	[tilespmem:s16], [sflag:$0x7] =	stream.linear.gather [hbm4b:s0+s4], $0x400, $0x38;
	[tilespmem:$0x1C780] =	vst v63  }
0x126: {  	s25 =	simm.s32 $0x6900;
	s17 =	spop (v2sf)  }
0x127: {  	(v2sf) =	vpush v31, $0x3;
	[tilespmem:s25], [sflag:$0x7] =	stream.linear.gather [hbm4b:s17+s4], $0x400, $0x38;
	[tilespmem:$0x1C780] =	vst v63  }
0x128: {  	s5 =	simm.s32 $0xD900;
	s0 =	sadd.s32 $0xF4280, s17  }
0x129: {  	[tilespmem:s5], [sflag:$0x7] =	stream.linear.gather [hbm4b:s0+s4], $0x400, $0x38;
	[tilespmem:$0x1C780] =	vst v63  }
0x12a: {  	s10 =	simm.s32 $0x14900;
	s6 =	spop (v2sf)  }
0x12b: {  	[tilespmem:s10], [sflag:$0x7] =	stream.linear.gather [hbm4b:s6+s4], $0x400, $0x38;
	[tilespmem:$0x1C780] =	vst v63  }
0x12c: {  	s12 =	simm.s32 $0x1B900;
	s0 =	sadd.s32 $0xF4280, s6  }
0x12d: {  	(v2sf) =	vpush v32, $0x3;
	[tilespmem:s12], [sflag:$0x7] =	stream.linear.gather [hbm4b:s0+s4], $0x400, $0x38;
	[tilespmem:$0x1C780] =	vst v63  }
0x12e: {  	s15 =	simm.s32 $0x6D00;
	s14 =	spop (v2sf)  }
0x12f: {  	[tilespmem:s15], [sflag:$0x7] =	stream.linear.gather [hbm4b:s14+s4], $0x400, $0x38;
	[tilespmem:$0x1C780] =	vst v63  }
0x130: {  	s16 =	simm.s32 $0xDD00;
	s0 =	sadd.s32 $0xF4280, s14  }
0x131: {  	[tilespmem:s16], [sflag:$0x7] =	stream.linear.gather [hbm4b:s0+s4], $0x400, $0x38;
	[tilespmem:$0x1C780] =	vst v63  }
0x132: {  	s25 =	simm.s32 $0x14D00;
	s17 =	spop (v2sf)  }
0x133: {  	[tilespmem:s25], [sflag:$0x7] =	stream.linear.gather [hbm4b:s17+s4], $0x400, $0x38;
	[tilespmem:$0x1C780] =	vst v63  }
0x134: {  	s5 =	simm.s32 $0x1BD00;
	s15 =	smul.u32 $0x25, s4;
	s0 =	sadd.s32 $0xF4280, s17  }
0x135: {  	[tilespmem:s5], [sflag:$0x7] =	stream.linear.gather [hbm4b:s0+s4], $0x400, $0x38;
	[tilespmem:$0x1C780] =	vst v63  }
0x136: {  	s10 =	simm.s32 $0x7100;
	s6 =	spop (v2sf);
	s3 =	sshrl.u32 s15, $0x8  }
0x137: {  	[tilespmem:s10], [sflag:$0x7] =	stream.linear.gather [hbm4b:s6+s4], $0x400, $0x38;
	[tilespmem:$0x1C780] =	vst v63  }
0x138: {  	s10 =	ssub.s32 $0x0, s3  }
0x139: {  	s12 =	simm.s32 $0xE100;
	s0 =	sadd.s32 $0xF4280, s6;
	s10 =	sand.u32 $0xFE, s10  }
0x13a: {  	[tilespmem:s12], [sflag:$0x7] =	stream.linear.gather [hbm4b:s0+s4], $0x400, $0x38;
	[tilespmem:$0x1C780] =	vst v63  }
0x13b: {  	s10 =	sshrl.u32 s10, $0x1  }
0x13c: {  	s14 =	spop (v2sf);
	s5 =	simm.s32 $0x15100;
	s3 =	sadd.s32 s3, s10  }
0x13d: {  	[tilespmem:s5], [sflag:$0x7] =	stream.linear.gather [hbm4b:s14+s4], $0x400, $0x38;
	[tilespmem:$0x1C780] =	vst v63  }
0x13e: {  	s3 =	sand.u32 $0xFC, s3  }
0x13f: {  	s3 =	sshrl.u32 s3, $0x2  }
0x140: {  	s16 =	simm.s32 $0x1C100;
	s0 =	sadd.s32 $0xF4280, s14;
	s3 =	smul.u32 $0x7, s3  }
0x141: {  	[tilespmem:s16], [sflag:$0x7] =	stream.linear.gather [hbm4b:s0+s4], $0x400, $0x38;
	[tilespmem:$0x1C780] =	vst v63  }
0x142: {  	s17 =	ssub.s32 $0x0, s3  }
0x143: {  	s0 =	sand.u32 $0xFF, s17  }
0x144: {  	s31 =	sadd.s32 $0x1, s0  }
0x145: {  	_ =	swait.ge [sflag:s31], $0x800  }
0x146: {  	[sflag:s31] =	ssyncset.done $0x0  }
0x147: {  	[sflag:s31] =	ssyncadd.s32 $0xFFFFF800  }
0x148: {  	_ =	swait.ge [sflag:s31], $0x800  }
0x149: {  	[sflag:s31] =	ssyncset.done $0x0  }
0x14a: {  	[sflag:s31] =	ssyncadd.s32 $0xFFFFF800  }
0x14b: {  	_ =	swait.ge [sflag:s31], $0x800  }
0x14c: {  	[sflag:s31] =	ssyncset.done $0x0  }
0x14d: {  	[sflag:s31] =	ssyncadd.s32 $0xFFFFF800  }
0x14e: {  	_ =	swait.ge [sflag:s31], $0x800  }
0x14f: {  	[sflag:s31] =	ssyncset.done $0x0  }
0x150: {  	[sflag:s31] =	ssyncadd.s32 $0xFFFFF800  }
0x151: {  	_ =	swait.ge [sflag:s31], $0x800  }
0x152: {  	[sflag:s31] =	ssyncset.done $0x0  }
0x153: {  	[sflag:s31] =	ssyncadd.s32 $0xFFFFF800  }
0x154: {  	_ =	swait.ge [sflag:s31], $0x800  }
0x155: {  	[sflag:s31] =	ssyncset.done $0x0  }
0x156: {  	[sflag:s31] =	ssyncadd.s32 $0xFFFFF800  }
0x157: {  	_ =	swait.ge [sflag:s31], $0x800  }
0x158: {  	[sflag:s31] =	ssyncset.done $0x0  }
0x159: {  	[sflag:s31] =	ssyncadd.s32 $0xFFFFF800  }
0x15a: {  	_ =	swait.ge [sflag:s31], $0x800  }
0x15b: {  	[sflag:s31] =	ssyncset.done $0x0  }
0x15c: {  	s28 =	simm.s32 $0x1C;
	[sflag:s31] =	ssyncadd.s32 $0xFFFFF800  }
0x15d: {  	s29 =	simm.s32 $0x29C;
	v31 =	vld [tilespmem:s28+$0xFFFFFFE4]  }
0x15e: {  	v55 =	vld [tilespmem:s29+$0xFFFFFFE4]  }
0x15f: {  	s25 =	sshll.u32 s0, $0x9  }
0x160: {  	v33 =	vmov s25  }
0x161: {  	v33 =	vshll.u32 v33, $0x3  }
0x162: {  	v33 =	vor.u32 v0, v33;
	v31 =	vand.u32 $0x7F, v31  }
0x163: {  	v32 =	vand.u32 $0x7F, v55;
	v34 =	vor.u32 v33, v31  }
0x164: {  	v35 =	vor.u32 $0x80, v33;
	v36 =	vor.u32 v33, v32  }
0x165: {  	v37 =	vor.u32 v35, v32  }
0x166: {  	v38 =	vor.u32 $0x100, v33;
	v35 =	vor.u32 v35, v31  }
0x167: {  	v39 =	vor.u32 v38, v31  }
0x168: {  	v40 =	vor.u32 $0x180, v33;
	v38 =	vor.u32 v38, v32;
	v34 =	vld.idx.msk [tilespmem:v34+s11+$0x0], $0xffff  }
0x169: {  	v41 =	vor.u32 v40, v31;
	v36 =	vld.idx.msk [tilespmem:v36+s13+$0x0], $0xffff  }
0x16a: {  	v42 =	vor.u32 $0x200, v33;
	v40 =	vor.u32 v40, v32;
	v37 =	vld.idx.msk [tilespmem:v37+s13+$0x0], $0xffff  }
0x16b: {  	v43 =	vor.u32 v42, v31;
	v35 =	vld.idx.msk [tilespmem:v35+s11+$0x0], $0xffff  }
0x16c: {  	v44 =	vor.u32 $0x280, v33;
	v42 =	vor.u32 v42, v32;
	v39 =	vld.idx.msk [tilespmem:v39+s11+$0x0], $0xffff  }
0x16d: {  	v45 =	vor.u32 v44, v31;
	v38 =	vld.idx.msk [tilespmem:v38+s13+$0x0], $0xffff  }
0x16e: {  	v46 =	vor.u32 $0x300, v33;
	v44 =	vor.u32 v44, v32;
	v41 =	vld.idx.msk [tilespmem:v41+s11+$0x0], $0xffff;
	v34 =	vmul.f32 v36, v34  }
0x16f: {  	v56 =	vor.u32 $0x380, v33;
	v47 =	vor.u32 v46, v31;
	v40 =	vld.idx.msk [tilespmem:v40+s13+$0x0], $0xffff  }
0x170: {  	v46 =	vor.u32 v46, v32;
	v43 =	vld.idx.msk [tilespmem:v43+s11+$0x0], $0xffff;
	v35 =	vmul.f32 v37, v35;
	v34 =	vadd.f32 $0.0e+00, v34  }
0x171: {  	v57 =	vadd.s32 $0x7000, v33;
	v48 =	vor.u32 v56, v31;
	v42 =	vld.idx.msk [tilespmem:v42+s13+$0x0], $0xffff  }
0x172: {  	v45 =	vld.idx.msk [tilespmem:v45+s11+$0x0], $0xffff;
	v36 =	vor.u32 v56, v32;
	v58 =	vmul.f32 v38, v39;
	v34 =	vadd.f32 v35, v34  }
0x173: {  	v59 =	vadd.s32 $0x7080, v33;
	v60 =	vor.u32 v57, v31;
	v44 =	vld.idx.msk [tilespmem:v44+s13+$0x0], $0xffff  }
0x174: {  	v47 =	vld.idx.msk [tilespmem:v47+s11+$0x0], $0xffff;
	v37 =	vor.u32 v57, v32;
	v61 =	vmul.f32 v40, v41;
	v34 =	vadd.f32 v58, v34  }
0x175: {  	v62 =	vadd.s32 $0x7100, v33;
	v63 =	vor.u32 v59, v31;
	v46 =	vld.idx.msk [tilespmem:v46+s13+$0x0], $0xffff  }
0x176: {  	v48 =	vld.idx.msk [tilespmem:v48+s11+$0x0], $0xffff;
	v38 =	vor.u32 v59, v32;
	v52 =	vmul.f32 v42, v43;
	v34 =	vadd.f32 v61, v34  }
0x177: {  	v53 =	vadd.s32 $0x7180, v33;
	v54 =	vor.u32 v62, v31;
	v36 =	vld.idx.msk [tilespmem:v36+s13+$0x0], $0xffff  }
0x178: {  	v40 =	vor.u32 v62, v32;
	v39 =	vld.idx.msk [tilespmem:v60+s11+$0x0], $0xffff;
	v55 =	vmul.f32 v44, v45;
	v34 =	vadd.f32 v52, v34  }
0x179: {  	v56 =	vadd.s32 $0x7200, v33;
	v57 =	vor.u32 v53, v31;
	v37 =	vld.idx.msk [tilespmem:v37+s13+$0x0], $0xffff  }
0x17a: {  	v42 =	vor.u32 v53, v32;
	v41 =	vld.idx.msk [tilespmem:v63+s11+$0x0], $0xffff;
	v58 =	vmul.f32 v46, v47;
	v34 =	vadd.f32 v55, v34  }
0x17b: {  	v59 =	vadd.s32 $0x7280, v33;
	v44 =	vor.u32 v56, v32;
	v38 =	vld.idx.msk [tilespmem:v38+s13+$0x0], $0xffff  }
0x17c: {  	v43 =	vld.idx.msk [tilespmem:v54+s11+$0x0], $0xffff;
	v60 =	vor.u32 v56, v31;
	v61 =	vmul.f32 v36, v48;
	v34 =	vadd.f32 v58, v34  }
0x17d: {  	v62 =	vadd.s32 $0x7300, v33;
	v40 =	vld.idx.msk [tilespmem:v40+s13+$0x0], $0xffff;
	v46 =	vor.u32 v59, v32  }
0x17e: {  	v63 =	vor.u32 v59, v31;
	v45 =	vld.idx.msk [tilespmem:v57+s11+$0x0], $0xffff;
	v52 =	vmul.f32 v37, v39;
	v34 =	vadd.f32 v61, v34  }
0x17f: {  	v33 =	vadd.s32 $0x7380, v33;
	v53 =	vor.u32 v62, v31;
	v54 =	vld.idx.msk [tilespmem:v42+s13+$0x0], $0xffff  }
0x180: {  	v57 =	vld.idx.msk [tilespmem:v44+s13+$0x0], $0xffff;
	v36 =	vor.u32 v62, v32;
	v56 =	vmul.f32 v38, v41;
	v34 =	vadd.f32 v52, v34  }
0x181: {  	v31 =	vor.u32 v33, v31;
	v55 =	vld.idx.msk [tilespmem:v60+s11+$0x0], $0xffff  }
0x182: {  	v32 =	vor.u32 v33, v32;
	v59 =	vmul.f32 v40, v43;
	v60 =	vld.idx.msk [tilespmem:v46+s13+$0x0], $0xffff;
	v34 =	vadd.f32 v56, v34  }
0x183: {  	v58 =	vld.idx.msk [tilespmem:v63+s11+$0x0], $0xffff  }
0x184: {  	v37 =	vld.idx.msk [tilespmem:v53+s11+$0x0], $0xffff;
	v61 =	vmul.f32 v54, v45;
	v34 =	vadd.f32 v59, v34  }
0x185: {  	v36 =	vld.idx.msk [tilespmem:v36+s13+$0x0], $0xffff  }
0x186: {  	v31 =	vld.idx.msk [tilespmem:v31+s11+$0x0], $0xffff;
	v62 =	vmul.f32 v57, v55;
	v34 =	vadd.f32 v61, v34  }
0x187: {  	v32 =	vld.idx.msk [tilespmem:v32+s13+$0x0], $0xffff  }
0x188: {  	v33 =	vmul.f32 v60, v58;
	v34 =	vadd.f32 v62, v34;
	_ =	sdelay $0x1  }
0x189: {  	v63 =	vmul.f32 v36, v37;
	v33 =	vadd.f32 v33, v34;
	_ =	sdelay $0x1  }
0x18a: {  	s30 =	simm.s32 $0x1C504;
	v31 =	vmul.f32 v32, v31;
	v33 =	vadd.f32 v63, v33  }
0x18b: {  	s12 =	simm.s32 $0x1C;
	s10 =	simm.s32 $0x1C500;
	s14 =	simm.s32 $0x29C  }
0x18c: {  	s16 =	simm.s32 $0x2;
	s3 =	simm.s32 $0x1;
	s0 =	sshll.u32 s0, $0xC;
	v31 =	vadd.f32 v31, v33  }
.LBB2_2:
0x18d: {  	s28 =	sadd.s32 $0x4, s28  }
0x18e: {  	s29 =	sadd.s32 $0x4, s29;
	s17 =	smov.u32 s16;
	s15 =	sadd.s32 $0x1, s16  }
0x18f: {  	p0 =	sne.s32 s16, $0x78;
	[tilespmem:s10+$0x0] =	vst v31;
	s10 =	smov.u32 s30  }
0x190: {  	v31 =	vld [tilespmem:s12+$0x0];
	s12 =	smov.u32 s28;
	_ =	sdelay $0x4  }
0x191: {  	v32 =	vld [tilespmem:s14+$0x0];
	v31 =	vand.u32 $0xFFFFFF80, v31;
	s14 =	smov.u32 s29  }
0x192: {  	v31 =	vadd.s32 s1, v31  }
0x193: {  	(v2sf) =	vpush v31, $0x0;
	_ =	sdelay $0x1  }
0x194: {  	s16 =	smul.u32 $0x25, s3  }
0x195: {  	v32 =	vand.u32 $0xFFFFFF80, v32  }
0x196: {  	s16 =	sshrl.u32 s16, $0x8;
	v32 =	vadd.s32 s2, v32  }
0x197: {  	s25 =	ssub.s32 s3, s16;
	(v2sf) =	vpush v32, $0x0;
	_ =	sdelay $0x2  }
0x198: {  	s25 =	sand.u32 $0xFE, s25  }
0x199: {  	s25 =	sshrl.u32 s25, $0x1;
	(v2sf) =	vpush v31, $0x1  }
0x19a: {  	s16 =	sadd.s32 s16, s25;
	_ =	sdelay $0x1  }
0x19b: {  	s16 =	sand.u32 $0xFC, s16  }
0x19c: {  	s16 =	sshrl.u32 s16, $0x2;
	(v2sf) =	vpush v32, $0x1  }
0x19d: {  	s16 =	smul.u32 $0x7, s16  }
0x19e: {  	s25 =	sor.u32 $0x500, s0;
	s5 =	spop (v2sf)  }
0x19f: {  	[tilespmem:s25], [sflag:s31] =	stream.linear.gather [hbm4b:s5+s4], $0x400, $0x38;
	[tilespmem:$0x1C780] =	vst v63  }
0x1a0: {  	s3 =	ssub.s32 s3, s16;
	s16 =	sadd.s32 $0x7500, s0;
	s5 =	sadd.s32 $0xF4280, s5;
	(v2sf) =	vpush v31, $0x2  }
0x1a1: {  	[tilespmem:s16], [sflag:s31] =	stream.linear.gather [hbm4b:s5+s4], $0x400, $0x38;
	[tilespmem:$0x1C780] =	vst v63  }
0x1a2: {  	s16 =	sand.u32 $0xFF, s3;
	s5 =	sadd.s32 $0xE500, s0;
	s3 =	smov.u32 s17  }
0x1a3: {  	s25 =	sshll.u32 s16, $0x9;
	s17 =	sshll.u32 s16, $0xC;
	s6 =	spop (v2sf)  }
0x1a4: {  	v33 =	vmov s25;
	[tilespmem:s5], [sflag:s31] =	stream.linear.gather [hbm4b:s6+s4], $0x400, $0x38;
	(v2sf) =	vpush v32, $0x2;
	[tilespmem:$0x1C780] =	vst v63  }
0x1a5: {  	v33 =	vshll.u32 v33, $0x3;
	s5 =	sadd.s32 $0xF4280, s6;
	s6 =	sadd.s32 $0x15500, s0  }
0x1a6: {  	[tilespmem:s6], [sflag:s31] =	stream.linear.gather [hbm4b:s5+s4], $0x400, $0x38;
	[tilespmem:$0x1C780] =	vst v63  }
0x1a7: {  	s5 =	sor.u32 $0x900, s0;
	s6 =	spop (v2sf)  }
0x1a8: {  	[tilespmem:s5], [sflag:s31] =	stream.linear.gather [hbm4b:s6+s4], $0x400, $0x38;
	(v2sf) =	vpush v31, $0x3;
	[tilespmem:$0x1C780] =	vst v63  }
0x1a9: {  	s5 =	sadd.s32 $0xF4280, s6;
	s6 =	sadd.s32 $0x7900, s0  }
0x1aa: {  	[tilespmem:s6], [sflag:s31] =	stream.linear.gather [hbm4b:s5+s4], $0x400, $0x38;
	[tilespmem:$0x1C780] =	vst v63  }
0x1ab: {  	s5 =	sadd.s32 $0xE900, s0;
	s6 =	spop (v2sf)  }
0x1ac: {  	[tilespmem:s5], [sflag:s31] =	stream.linear.gather [hbm4b:s6+s4], $0x400, $0x38;
	(v2sf) =	vpush v32, $0x3;
	[tilespmem:$0x1C780] =	vst v63  }
0x1ad: {  	s5 =	sadd.s32 $0xF4280, s6;
	s6 =	sadd.s32 $0x15900, s0  }
0x1ae: {  	[tilespmem:s6], [sflag:s31] =	stream.linear.gather [hbm4b:s5+s4], $0x400, $0x38;
	[tilespmem:$0x1C780] =	vst v63  }
0x1af: {  	s5 =	sor.u32 $0xD00, s0;
	s6 =	spop (v2sf)  }
0x1b0: {  	[tilespmem:s5], [sflag:s31] =	stream.linear.gather [hbm4b:s6+s4], $0x400, $0x38;
	[tilespmem:$0x1C780] =	vst v63  }
0x1b1: {  	s5 =	sadd.s32 $0xF4280, s6;
	s6 =	sadd.s32 $0x7D00, s0  }
0x1b2: {  	[tilespmem:s6], [sflag:s31] =	stream.linear.gather [hbm4b:s5+s4], $0x400, $0x38;
	[tilespmem:$0x1C780] =	vst v63  }
0x1b3: {  	s5 =	sadd.s32 $0xED00, s0;
	s6 =	spop (v2sf)  }
0x1b4: {  	[tilespmem:s5], [sflag:s31] =	stream.linear.gather [hbm4b:s6+s4], $0x400, $0x38;
	[tilespmem:$0x1C780] =	vst v63  }
0x1b5: {  	s5 =	sadd.s32 $0xF4280, s6;
	s6 =	sadd.s32 $0x15D00, s0  }
0x1b6: {  	[tilespmem:s6], [sflag:s31] =	stream.linear.gather [hbm4b:s5+s4], $0x400, $0x38;
	[tilespmem:$0x1C780] =	vst v63  }
0x1b7: {  	s5 =	sadd.s32 $0x1100, s0;
	s6 =	spop (v2sf)  }
0x1b8: {  	[tilespmem:s5], [sflag:s31] =	stream.linear.gather [hbm4b:s6+s4], $0x400, $0x38;
	[tilespmem:$0x1C780] =	vst v63  }
0x1b9: {  	s5 =	sadd.s32 $0xF4280, s6;
	s6 =	sor.u32 $0x8100, s0  }
0x1ba: {  	[tilespmem:s6], [sflag:s31] =	stream.linear.gather [hbm4b:s5+s4], $0x400, $0x38;
	[tilespmem:$0x1C780] =	vst v63  }
0x1bb: {  	s5 =	sadd.s32 $0xF100, s0;
	s6 =	spop (v2sf)  }
0x1bc: {  	[tilespmem:s5], [sflag:s31] =	stream.linear.gather [hbm4b:s6+s4], $0x400, $0x38;
	[tilespmem:$0x1C780] =	vst v63  }
0x1bd: {  	s5 =	sadd.s32 $0xF4280, s6;
	s6 =	sadd.s32 $0x16100, s0;
	s0 =	smov.u32 s17  }
0x1be: {  	[tilespmem:s6], [sflag:s31] =	stream.linear.gather [hbm4b:s5+s4], $0x400, $0x38;
	[tilespmem:$0x1C780] =	vst v63  }
0x1bf: {  	_ = 	snop  }
0x1c0: {  	s31 =	sadd.s32 $0x1, s16  }
0x1c1: {  	_ =	swait.ge [sflag:s31], $0x800  }
0x1c2: {  	[sflag:s31] =	ssyncset.done $0x0  }
0x1c3: {  	[sflag:s31] =	ssyncadd.s32 $0xFFFFF800  }
0x1c4: {  	_ =	swait.ge [sflag:s31], $0x800  }
0x1c5: {  	[sflag:s31] =	ssyncset.done $0x0  }
0x1c6: {  	[sflag:s31] =	ssyncadd.s32 $0xFFFFF800  }
0x1c7: {  	_ =	swait.ge [sflag:s31], $0x800  }
0x1c8: {  	[sflag:s31] =	ssyncset.done $0x0  }
0x1c9: {  	[sflag:s31] =	ssyncadd.s32 $0xFFFFF800  }
0x1ca: {  	_ =	swait.ge [sflag:s31], $0x800  }
0x1cb: {  	[sflag:s31] =	ssyncset.done $0x0  }
0x1cc: {  	[sflag:s31] =	ssyncadd.s32 $0xFFFFF800  }
0x1cd: {  	_ =	swait.ge [sflag:s31], $0x800  }
0x1ce: {  	[sflag:s31] =	ssyncset.done $0x0  }
0x1cf: {  	[sflag:s31] =	ssyncadd.s32 $0xFFFFF800  }
0x1d0: {  	_ =	swait.ge [sflag:s31], $0x800  }
0x1d1: {  	[sflag:s31] =	ssyncset.done $0x0  }
0x1d2: {  	[sflag:s31] =	ssyncadd.s32 $0xFFFFF800  }
0x1d3: {  	_ =	swait.ge [sflag:s31], $0x800  }
0x1d4: {  	[sflag:s31] =	ssyncset.done $0x0  }
0x1d5: {  	[sflag:s31] =	ssyncadd.s32 $0xFFFFF800  }
0x1d6: {  	_ =	swait.ge [sflag:s31], $0x800  }
0x1d7: {  	[sflag:s31] =	ssyncset.done $0x0  }
0x1d8: {  	v31 =	vor.u32 v0, v33;
	[sflag:s31] =	ssyncadd.s32 $0xFFFFF800  }
0x1d9: {  	v33 =	vor.u32 $0x80, v31;
	v34 =	vor.u32 $0x280, v31;
	v35 =	vadd.s32 $0x7180, v31;
	v32 =	vld [tilespmem:s28+$0xFFFFFFE4]  }
0x1da: {  	v37 =	vor.u32 $0x200, v31;
	v38 =	vadd.s32 $0x7100, v31;
	v36 =	vld [tilespmem:s29+$0xFFFFFFE4]  }
0x1db: {  	v39 =	vor.u32 $0x100, v31;
	v40 =	vadd.s32 $0x7080, v31  }
0x1dc: {  	v41 =	vor.u32 $0x180, v31;
	v42 =	vor.u32 $0x380, v31;
	v43 =	vadd.s32 $0x7380, v31  }
0x1dd: {  	v44 =	vor.u32 $0x300, v31;
	v45 =	vadd.s32 $0x7280, v31;
	v46 =	vadd.s32 $0x7300, v31  }
0x1de: {  	v47 =	vadd.s32 $0x7000, v31;
	v48 =	vadd.s32 $0x7200, v31;
	v32 =	vand.u32 $0x7F, v32  }
0x1df: {  	v49 =	vor.u32 v31, v32;
	v36 =	vand.u32 $0x7F, v36;
	v50 =	vor.u32 v33, v32  }
0x1e0: {  	v31 =	vor.u32 v31, v36;
	v33 =	vor.u32 v33, v36;
	v51 =	vor.u32 v39, v36  }
0x1e1: {  	v52 =	vor.u32 v41, v32;
	v39 =	vor.u32 v39, v32;
	v41 =	vor.u32 v41, v36  }
0x1e2: {  	v53 =	vor.u32 v37, v32;
	v37 =	vor.u32 v37, v36;
	v54 =	vor.u32 v34, v36  }
0x1e3: {  	v55 =	vor.u32 v44, v32;
	v34 =	vor.u32 v34, v32;
	v44 =	vor.u32 v44, v36  }
0x1e4: {  	v56 =	vor.u32 v42, v32;
	v42 =	vor.u32 v42, v36;
	v57 =	vor.u32 v47, v36;
	v49 =	vld.idx.msk [tilespmem:v49+s11+$0x0], $0xffff  }
0x1e5: {  	v58 =	vor.u32 v40, v32;
	v47 =	vor.u32 v47, v32;
	v40 =	vor.u32 v40, v36;
	v31 =	vld.idx.msk [tilespmem:v31+s13+$0x0], $0xffff  }
0x1e6: {  	v59 =	vor.u32 v38, v32;
	v38 =	vor.u32 v38, v36;
	v60 =	vor.u32 v35, v36;
	v33 =	vld.idx.msk [tilespmem:v33+s13+$0x0], $0xffff  }
0x1e7: {  	v61 =	vor.u32 v48, v32;
	v35 =	vor.u32 v35, v32;
	v48 =	vor.u32 v48, v36;
	v50 =	vld.idx.msk [tilespmem:v50+s11+$0x0], $0xffff  }
0x1e8: {  	v62 =	vor.u32 v45, v32;
	v45 =	vor.u32 v45, v36;
	v63 =	vor.u32 v46, v36;
	v39 =	vld.idx.msk [tilespmem:v39+s11+$0x0], $0xffff  }
0x1e9: {  	v46 =	vor.u32 v46, v32;
	v32 =	vor.u32 v43, v32;
	v36 =	vor.u32 v43, v36;
	v51 =	vld.idx.msk [tilespmem:v51+s13+$0x0], $0xffff  }
0x1ea: {  	v43 =	vld.idx.msk [tilespmem:v52+s11+$0x0], $0xffff  }
0x1eb: {  	v31 =	vmul.f32 v31, v49;
	v41 =	vld.idx.msk [tilespmem:v41+s13+$0x0], $0xffff  }
0x1ec: {  	v49 =	vld.idx.msk [tilespmem:v53+s11+$0x0], $0xffff  }
0x1ed: {  	v31 =	vadd.f32 $0.0e+00, v31;
	v33 =	vmul.f32 v33, v50;
	v37 =	vld.idx.msk [tilespmem:v37+s13+$0x0], $0xffff  }
0x1ee: {  	v34 =	vld.idx.msk [tilespmem:v34+s11+$0x0], $0xffff  }
0x1ef: {  	v31 =	vadd.f32 v33, v31;
	v33 =	vmul.f32 v51, v39;
	v39 =	vld.idx.msk [tilespmem:v54+s13+$0x0], $0xffff  }
0x1f0: {  	v50 =	vld.idx.msk [tilespmem:v55+s11+$0x0], $0xffff  }
0x1f1: {  	v31 =	vadd.f32 v33, v31;
	v33 =	vmul.f32 v41, v43;
	v41 =	vld.idx.msk [tilespmem:v44+s13+$0x0], $0xffff  }
0x1f2: {  	v43 =	vld.idx.msk [tilespmem:v56+s11+$0x0], $0xffff  }
0x1f3: {  	v31 =	vadd.f32 v33, v31;
	v33 =	vmul.f32 v37, v49;
	v37 =	vld.idx.msk [tilespmem:v42+s13+$0x0], $0xffff  }
0x1f4: {  	v42 =	vld.idx.msk [tilespmem:v47+s11+$0x0], $0xffff  }
0x1f5: {  	v31 =	vadd.f32 v33, v31;
	v33 =	vmul.f32 v39, v34;
	v34 =	vld.idx.msk [tilespmem:v57+s13+$0x0], $0xffff  }
0x1f6: {  	v39 =	vld.idx.msk [tilespmem:v58+s11+$0x0], $0xffff  }
0x1f7: {  	v31 =	vadd.f32 v33, v31;
	v33 =	vmul.f32 v41, v50;
	v40 =	vld.idx.msk [tilespmem:v40+s13+$0x0], $0xffff  }
0x1f8: {  	v41 =	vld.idx.msk [tilespmem:v59+s11+$0x0], $0xffff  }
0x1f9: {  	v31 =	vadd.f32 v33, v31;
	v33 =	vmul.f32 v37, v43;
	v37 =	vld.idx.msk [tilespmem:v38+s13+$0x0], $0xffff  }
0x1fa: {  	v35 =	vld.idx.msk [tilespmem:v35+s11+$0x0], $0xffff  }
0x1fb: {  	v31 =	vadd.f32 v33, v31;
	v33 =	vmul.f32 v34, v42;
	v34 =	vld.idx.msk [tilespmem:v60+s13+$0x0], $0xffff  }
0x1fc: {  	v38 =	vld.idx.msk [tilespmem:v61+s11+$0x0], $0xffff  }
0x1fd: {  	v31 =	vadd.f32 v33, v31;
	v33 =	vmul.f32 v40, v39;
	v39 =	vld.idx.msk [tilespmem:v48+s13+$0x0], $0xffff  }
0x1fe: {  	v40 =	vld.idx.msk [tilespmem:v62+s11+$0x0], $0xffff  }
0x1ff: {  	v31 =	vadd.f32 v33, v31;
	v33 =	vmul.f32 v37, v41;
	v37 =	vld.idx.msk [tilespmem:v45+s13+$0x0], $0xffff  }
0x200: {  	v41 =	vld.idx.msk [tilespmem:v46+s11+$0x0], $0xffff  }
0x201: {  	v31 =	vadd.f32 v33, v31;
	v33 =	vmul.f32 v34, v35;
	v34 =	vld.idx.msk [tilespmem:v63+s13+$0x0], $0xffff  }
0x202: {  	v32 =	vld.idx.msk [tilespmem:v32+s11+$0x0], $0xffff  }
0x203: {  	v31 =	vadd.f32 v33, v31;
	v33 =	vmul.f32 v39, v38;
	v35 =	vld.idx.msk [tilespmem:v36+s13+$0x0], $0xffff;
	_ =	sdelay $0x1  }
0x204: {  	v31 =	vadd.f32 v33, v31;
	v33 =	vmul.f32 v37, v40;
	_ =	sdelay $0x1  }
.Ltmp0:
0x205: {  	v31 =	vadd.f32 v33, v31;
	v33 =	vmul.f32 v34, v41;
	(pc) =	sbr.rel @p0 .LBB2_2-.Ltmp0, $3  }
0x206: {  	_ = 	snop  }
0x207: {  	v31 =	vadd.f32 v33, v31;
	v32 =	vmul.f32 v35, v32;
	_ =	sdelay $0x1  }
0x208: {  	s30 =	sadd.s32 $0x4, s30;
	s16 =	smov.u32 s15;
	v31 =	vadd.f32 v32, v31  }
0x209: {  	_ = 	snop  }
0x20a: {  	[tilespmem:s10+$0x0] =	vst v31  }
0x20b: {  	v31 =	vld [tilespmem:s12+$0x0];
	_ =	sdelay $0x3  }
0x20c: {  	v32 =	vld [tilespmem:s14+$0x0]  }
0x20d: {  	v31 =	vand.u32 $0xFFFFFF80, v31  }
0x20e: {  	v31 =	vadd.s32 s1, v31  }
0x20f: {  	(v2sf) =	vpush v31, $0x0;
	_ =	sdelay $0x1  }
0x210: {  	v32 =	vand.u32 $0xFFFFFF80, v32  }
0x211: {  	v32 =	vadd.s32 s2, v32  }
0x212: {  	(v2sf) =	vpush v32, $0x0;
	_ =	sdelay $0x3  }
0x213: {  	(v2sf) =	vpush v31, $0x1;
	_ =	sdelay $0x3  }
0x214: {  	(v2sf) =	vpush v32, $0x1;
	_ =	sdelay $0x2  }
0x215: {  	s5 =	sor.u32 $0x500, s0;
	s6 =	spop (v2sf)  }
0x216: {  	(v2sf) =	vpush v31, $0x2;
	[tilespmem:s5], [sflag:s31] =	stream.linear.gather [hbm4b:s6+s4], $0x400, $0x38;
	[tilespmem:$0x1C780] =	vst v63  }
0x217: {  	s16 =	sadd.s32 $0x7500, s0;
	s15 =	sadd.s32 $0xF4280, s6  }
0x218: {  	[tilespmem:s16], [sflag:s31] =	stream.linear.gather [hbm4b:s15+s4], $0x400, $0x38;
	[tilespmem:$0x1C780] =	vst v63  }
0x219: {  	s17 =	sadd.s32 $0xE500, s0;
	s25 =	spop (v2sf)  }
0x21a: {  	(v2sf) =	vpush v32, $0x2;
	[tilespmem:s17], [sflag:s31] =	stream.linear.gather [hbm4b:s25+s4], $0x400, $0x38;
	[tilespmem:$0x1C780] =	vst v63  }
0x21b: {  	s10 =	sadd.s32 $0x15500, s0;
	s6 =	sadd.s32 $0xF4280, s25  }
0x21c: {  	[tilespmem:s10], [sflag:s31] =	stream.linear.gather [hbm4b:s6+s4], $0x400, $0x38;
	[tilespmem:$0x1C780] =	vst v63  }
0x21d: {  	s12 =	sor.u32 $0x900, s0;
	s14 =	spop (v2sf)  }
0x21e: {  	[tilespmem:s12], [sflag:s31] =	stream.linear.gather [hbm4b:s14+s4], $0x400, $0x38;
	[tilespmem:$0x1C780] =	vst v63  }
0x21f: {  	(v2sf) =	vpush v31, $0x3;
	s15 =	sadd.s32 $0xF4280, s14;
	s16 =	sadd.s32 $0x7900, s0  }
0x220: {  	[tilespmem:s16], [sflag:s31] =	stream.linear.gather [hbm4b:s15+s4], $0x400, $0x38;
	[tilespmem:$0x1C780] =	vst v63  }
0x221: {  	s17 =	sadd.s32 $0xE900, s0;
	s25 =	spop (v2sf)  }
0x222: {  	[tilespmem:s17], [sflag:s31] =	stream.linear.gather [hbm4b:s25+s4], $0x400, $0x38;
	[tilespmem:$0x1C780] =	vst v63  }
0x223: {  	s6 =	sadd.s32 $0xF4280, s25;
	s10 =	sadd.s32 $0x15900, s0  }
0x224: {  	[tilespmem:s10], [sflag:s31] =	stream.linear.gather [hbm4b:s6+s4], $0x400, $0x38;
	[tilespmem:$0x1C780] =	vst v63  }
0x225: {  	(v2sf) =	vpush v32, $0x3;
	s12 =	sor.u32 $0xD00, s0;
	s14 =	spop (v2sf)  }
0x226: {  	[tilespmem:s12], [sflag:s31] =	stream.linear.gather [hbm4b:s14+s4], $0x400, $0x38;
	[tilespmem:$0x1C780] =	vst v63  }
0x227: {  	s16 =	sadd.s32 $0x7D00, s0;
	s15 =	sadd.s32 $0xF4280, s14  }
0x228: {  	[tilespmem:s16], [sflag:s31] =	stream.linear.gather [hbm4b:s15+s4], $0x400, $0x38;
	[tilespmem:$0x1C780] =	vst v63  }
0x229: {  	s17 =	sadd.s32 $0xED00, s0;
	s25 =	spop (v2sf);
	s14 =	smul.u32 $0x25, s3  }
0x22a: {  	[tilespmem:s17], [sflag:s31] =	stream.linear.gather [hbm4b:s25+s4], $0x400, $0x38;
	[tilespmem:$0x1C780] =	vst v63  }
0x22b: {  	s10 =	sadd.s32 $0xF4280, s25;
	s12 =	sadd.s32 $0x15D00, s0;
	s5 =	sshrl.u32 s14, $0x8  }
0x22c: {  	[tilespmem:s12], [sflag:s31] =	stream.linear.gather [hbm4b:s10+s4], $0x400, $0x38;
	[tilespmem:$0x1C780] =	vst v63  }
0x22d: {  	s12 =	ssub.s32 s3, s5  }
0x22e: {  	s15 =	sadd.s32 $0x1100, s0;
	s16 =	spop (v2sf);
	s6 =	sand.u32 $0xFE, s12  }
0x22f: {  	[tilespmem:s15], [sflag:s31] =	stream.linear.gather [hbm4b:s16+s4], $0x400, $0x38;
	[tilespmem:$0x1C780] =	vst v63  }
0x230: {  	s6 =	sshrl.u32 s6, $0x1  }
0x231: {  	s17 =	sadd.s32 $0xF4280, s16;
	s25 =	sor.u32 $0x8100, s0;
	s5 =	sadd.s32 s5, s6  }
0x232: {  	[tilespmem:s25], [sflag:s31] =	stream.linear.gather [hbm4b:s17+s4], $0x400, $0x38;
	[tilespmem:$0x1C780] =	vst v63  }
0x233: {  	s5 =	sand.u32 $0xFC, s5  }
0x234: {  	s14 =	sadd.s32 $0xF100, s0;
	s15 =	spop (v2sf);
	s5 =	sshrl.u32 s5, $0x2  }
0x235: {  	[tilespmem:s14], [sflag:s31] =	stream.linear.gather [hbm4b:s15+s4], $0x400, $0x38;
	[tilespmem:$0x1C780] =	vst v63  }
0x236: {  	s16 =	sadd.s32 $0xF4280, s15;
	s17 =	sadd.s32 $0x16100, s0;
	s5 =	smul.u32 $0x7, s5  }
0x237: {  	[tilespmem:s17], [sflag:s31] =	stream.linear.gather [hbm4b:s16+s4], $0x400, $0x38;
	[tilespmem:$0x1C780] =	vst v63  }
0x238: {  	s25 =	ssub.s32 s3, s5  }
0x239: {  	s3 =	sand.u32 $0xFF, s25  }
0x23a: {  	s0 =	sadd.s32 $0x1, s3  }
0x23b: {  	_ =	swait.ge [sflag:s0], $0x800  }
0x23c: {  	[sflag:s0] =	ssyncset.done $0x0  }
0x23d: {  	[sflag:s0] =	ssyncadd.s32 $0xFFFFF800  }
0x23e: {  	_ =	swait.ge [sflag:s0], $0x800  }
0x23f: {  	[sflag:s0] =	ssyncset.done $0x0  }
0x240: {  	[sflag:s0] =	ssyncadd.s32 $0xFFFFF800  }
0x241: {  	_ =	swait.ge [sflag:s0], $0x800  }
0x242: {  	[sflag:s0] =	ssyncset.done $0x0  }
0x243: {  	[sflag:s0] =	ssyncadd.s32 $0xFFFFF800  }
0x244: {  	_ =	swait.ge [sflag:s0], $0x800  }
0x245: {  	[sflag:s0] =	ssyncset.done $0x0  }
0x246: {  	[sflag:s0] =	ssyncadd.s32 $0xFFFFF800  }
0x247: {  	_ =	swait.ge [sflag:s0], $0x800  }
0x248: {  	[sflag:s0] =	ssyncset.done $0x0  }
0x249: {  	[sflag:s0] =	ssyncadd.s32 $0xFFFFF800  }
0x24a: {  	_ =	swait.ge [sflag:s0], $0x800  }
0x24b: {  	[sflag:s0] =	ssyncset.done $0x0  }
0x24c: {  	[sflag:s0] =	ssyncadd.s32 $0xFFFFF800  }
0x24d: {  	_ =	swait.ge [sflag:s0], $0x800  }
0x24e: {  	[sflag:s0] =	ssyncset.done $0x0  }
0x24f: {  	[sflag:s0] =	ssyncadd.s32 $0xFFFFF800  }
0x250: {  	_ =	swait.ge [sflag:s0], $0x800  }
0x251: {  	[sflag:s0] =	ssyncset.done $0x0  }
0x252: {  	s31 =	sadd.s32 $0x4, s28;
	[sflag:s0] =	ssyncadd.s32 $0xFFFFF800  }
0x253: {  	s6 =	sadd.s32 $0x4, s29;
	v31 =	vld [tilespmem:s31+$0xFFFFFFE4]  }
0x254: {  	v57 =	vld [tilespmem:s6+$0xFFFFFFE4]  }
0x255: {  	s14 =	sshll.u32 s3, $0x9  }
0x256: {  	v33 =	vmov s14  }
0x257: {  	v33 =	vshll.u32 v33, $0x3  }
0x258: {  	v33 =	vor.u32 v0, v33;
	v31 =	vand.u32 $0x7F, v31  }
0x259: {  	v32 =	vand.u32 $0x7F, v57;
	v34 =	vor.u32 v33, v31  }
0x25a: {  	v35 =	vor.u32 $0x80, v33;
	v36 =	vor.u32 v33, v32  }
0x25b: {  	v37 =	vor.u32 v35, v32  }
0x25c: {  	v38 =	vor.u32 $0x100, v33;
	v35 =	vor.u32 v35, v31  }
0x25d: {  	v39 =	vor.u32 v38, v31  }
0x25e: {  	v40 =	vor.u32 $0x180, v33;
	v38 =	vor.u32 v38, v32;
	v34 =	vld.idx.msk [tilespmem:v34+s11+$0x0], $0xffff  }
0x25f: {  	v41 =	vor.u32 v40, v31;
	v36 =	vld.idx.msk [tilespmem:v36+s13+$0x0], $0xffff  }
0x260: {  	v42 =	vor.u32 $0x200, v33;
	v40 =	vor.u32 v40, v32;
	v37 =	vld.idx.msk [tilespmem:v37+s13+$0x0], $0xffff  }
0x261: {  	v43 =	vor.u32 v42, v31;
	v35 =	vld.idx.msk [tilespmem:v35+s11+$0x0], $0xffff  }
0x262: {  	v44 =	vor.u32 $0x280, v33;
	v42 =	vor.u32 v42, v32;
	v39 =	vld.idx.msk [tilespmem:v39+s11+$0x0], $0xffff  }
0x263: {  	v45 =	vor.u32 v44, v31;
	v38 =	vld.idx.msk [tilespmem:v38+s13+$0x0], $0xffff  }
0x264: {  	v46 =	vor.u32 $0x300, v33;
	v44 =	vor.u32 v44, v32;
	v41 =	vld.idx.msk [tilespmem:v41+s11+$0x0], $0xffff;
	v34 =	vmul.f32 v36, v34  }
0x265: {  	v58 =	vor.u32 $0x380, v33;
	v47 =	vor.u32 v46, v31;
	v40 =	vld.idx.msk [tilespmem:v40+s13+$0x0], $0xffff  }
0x266: {  	v46 =	vor.u32 v46, v32;
	v43 =	vld.idx.msk [tilespmem:v43+s11+$0x0], $0xffff;
	v35 =	vmul.f32 v37, v35;
	v34 =	vadd.f32 $0.0e+00, v34  }
0x267: {  	v59 =	vadd.s32 $0x7000, v33;
	v48 =	vor.u32 v58, v31;
	v42 =	vld.idx.msk [tilespmem:v42+s13+$0x0], $0xffff  }
0x268: {  	v45 =	vld.idx.msk [tilespmem:v45+s11+$0x0], $0xffff;
	v36 =	vor.u32 v58, v32;
	v60 =	vmul.f32 v38, v39;
	v34 =	vadd.f32 v35, v34  }
0x269: {  	v61 =	vadd.s32 $0x7080, v33;
	v62 =	vor.u32 v59, v31;
	v44 =	vld.idx.msk [tilespmem:v44+s13+$0x0], $0xffff  }
0x26a: {  	v47 =	vld.idx.msk [tilespmem:v47+s11+$0x0], $0xffff;
	v37 =	vor.u32 v59, v32;
	v63 =	vmul.f32 v40, v41;
	v34 =	vadd.f32 v60, v34  }
0x26b: {  	v52 =	vadd.s32 $0x7100, v33;
	v53 =	vor.u32 v61, v31;
	v46 =	vld.idx.msk [tilespmem:v46+s13+$0x0], $0xffff  }
0x26c: {  	v48 =	vld.idx.msk [tilespmem:v48+s11+$0x0], $0xffff;
	v38 =	vor.u32 v61, v32;
	v54 =	vmul.f32 v42, v43;
	v34 =	vadd.f32 v63, v34  }
0x26d: {  	v55 =	vadd.s32 $0x7180, v33;
	v56 =	vor.u32 v52, v31;
	v36 =	vld.idx.msk [tilespmem:v36+s13+$0x0], $0xffff  }
0x26e: {  	v40 =	vor.u32 v52, v32;
	v39 =	vld.idx.msk [tilespmem:v62+s11+$0x0], $0xffff;
	v57 =	vmul.f32 v44, v45;
	v34 =	vadd.f32 v54, v34  }
0x26f: {  	v58 =	vadd.s32 $0x7200, v33;
	v59 =	vor.u32 v55, v31;
	v37 =	vld.idx.msk [tilespmem:v37+s13+$0x0], $0xffff  }
0x270: {  	v42 =	vor.u32 v55, v32;
	v41 =	vld.idx.msk [tilespmem:v53+s11+$0x0], $0xffff;
	v60 =	vmul.f32 v46, v47;
	v34 =	vadd.f32 v57, v34  }
0x271: {  	v61 =	vadd.s32 $0x7280, v33;
	v44 =	vor.u32 v58, v32;
	v38 =	vld.idx.msk [tilespmem:v38+s13+$0x0], $0xffff  }
0x272: {  	v43 =	vld.idx.msk [tilespmem:v56+s11+$0x0], $0xffff;
	v62 =	vor.u32 v58, v31;
	v63 =	vmul.f32 v36, v48;
	v34 =	vadd.f32 v60, v34  }
0x273: {  	v52 =	vadd.s32 $0x7300, v33;
	v40 =	vld.idx.msk [tilespmem:v40+s13+$0x0], $0xffff;
	v46 =	vor.u32 v61, v32  }
0x274: {  	v53 =	vor.u32 v61, v31;
	v45 =	vld.idx.msk [tilespmem:v59+s11+$0x0], $0xffff;
	v54 =	vmul.f32 v37, v39;
	v34 =	vadd.f32 v63, v34  }
0x275: {  	v33 =	vadd.s32 $0x7380, v33;
	v55 =	vor.u32 v52, v31;
	v56 =	vld.idx.msk [tilespmem:v42+s13+$0x0], $0xffff  }
0x276: {  	v59 =	vld.idx.msk [tilespmem:v44+s13+$0x0], $0xffff;
	v36 =	vor.u32 v52, v32;
	v58 =	vmul.f32 v38, v41;
	v34 =	vadd.f32 v54, v34  }
0x277: {  	v31 =	vor.u32 v33, v31;
	v57 =	vld.idx.msk [tilespmem:v62+s11+$0x0], $0xffff  }
0x278: {  	v32 =	vor.u32 v33, v32;
	v61 =	vmul.f32 v40, v43;
	v62 =	vld.idx.msk [tilespmem:v46+s13+$0x0], $0xffff;
	v34 =	vadd.f32 v58, v34  }
0x279: {  	v60 =	vld.idx.msk [tilespmem:v53+s11+$0x0], $0xffff  }
0x27a: {  	v37 =	vld.idx.msk [tilespmem:v55+s11+$0x0], $0xffff;
	v63 =	vmul.f32 v56, v45;
	v34 =	vadd.f32 v61, v34  }
0x27b: {  	v36 =	vld.idx.msk [tilespmem:v36+s13+$0x0], $0xffff  }
0x27c: {  	v31 =	vld.idx.msk [tilespmem:v31+s11+$0x0], $0xffff;
	v39 =	vmul.f32 v59, v57;
	v34 =	vadd.f32 v63, v34  }
0x27d: {  	v32 =	vld.idx.msk [tilespmem:v32+s13+$0x0], $0xffff  }
0x27e: {  	v33 =	vmul.f32 v62, v60;
	v34 =	vadd.f32 v39, v34;
	_ =	sdelay $0x1  }
0x27f: {  	v40 =	vmul.f32 v36, v37;
	v33 =	vadd.f32 v33, v34;
	_ =	sdelay $0x1  }
0x280: {  	v31 =	vmul.f32 v32, v31;
	v33 =	vadd.f32 v40, v33;
	_ =	sdelay $0x1  }
0x281: {  	v31 =	vadd.f32 v31, v33;
	_ =	sdelay $0x1  }
0x282: {  	[tilespmem:s30+$0x0] =	vst v31  }
0x283: {  	v31 =	vld [tilespmem:s31+$0x0];
	_ =	sdelay $0x3  }
0x284: {  	v41 =	vld [tilespmem:s6+$0x0]  }
0x285: {  	v31 =	vand.u32 $0xFFFFFF80, v31  }
0x286: {  	v31 =	vadd.s32 s1, v31  }
0x287: {  	(v2sf) =	vpush v31, $0x0;
	_ =	sdelay $0x1  }
0x288: {  	v32 =	vand.u32 $0xFFFFFF80, v41  }
0x289: {  	v32 =	vadd.s32 s2, v32  }
0x28a: {  	(v2sf) =	vpush v32, $0x0;
	_ =	sdelay $0x3  }
0x28b: {  	(v2sf) =	vpush v31, $0x1;
	_ =	sdelay $0x3  }
0x28c: {  	(v2sf) =	vpush v32, $0x1;
	_ =	sdelay $0x1  }
0x28d: {  	s3 =	sshll.u32 s3, $0xC  }
0x28e: {  	s15 =	sor.u32 $0x500, s3;
	s16 =	spop (v2sf)  }
0x28f: {  	(v2sf) =	vpush v31, $0x2;
	[tilespmem:s15], [sflag:s0] =	stream.linear.gather [hbm4b:s16+s4], $0x400, $0x38;
	[tilespmem:$0x1C780] =	vst v63  }
0x290: {  	s25 =	sadd.s32 $0x7500, s3;
	s17 =	sadd.s32 $0xF4280, s16  }
0x291: {  	[tilespmem:s25], [sflag:s0] =	stream.linear.gather [hbm4b:s17+s4], $0x400, $0x38;
	[tilespmem:$0x1C780] =	vst v63  }
0x292: {  	s28 =	sadd.s32 $0xE500, s3;
	s29 =	spop (v2sf)  }
0x293: {  	(v2sf) =	vpush v32, $0x2;
	[tilespmem:s28], [sflag:s0] =	stream.linear.gather [hbm4b:s29+s4], $0x400, $0x38;
	[tilespmem:$0x1C780] =	vst v63  }
0x294: {  	s31 =	sadd.s32 $0x15500, s3;
	s30 =	sadd.s32 $0xF4280, s29  }
0x295: {  	[tilespmem:s31], [sflag:s0] =	stream.linear.gather [hbm4b:s30+s4], $0x400, $0x38;
	[tilespmem:$0x1C780] =	vst v63  }
0x296: {  	s6 =	sor.u32 $0x900, s3;
	s10 =	spop (v2sf)  }
0x297: {  	(v2sf) =	vpush v31, $0x3;
	[tilespmem:s6], [sflag:s0] =	stream.linear.gather [hbm4b:s10+s4], $0x400, $0x38;
	[tilespmem:$0x1C780] =	vst v63  }
0x298: {  	s14 =	sadd.s32 $0x7900, s3;
	s12 =	sadd.s32 $0xF4280, s10  }
0x299: {  	[tilespmem:s14], [sflag:s0] =	stream.linear.gather [hbm4b:s12+s4], $0x400, $0x38;
	[tilespmem:$0x1C780] =	vst v63  }
0x29a: {  	s15 =	sadd.s32 $0xE900, s3;
	s16 =	spop (v2sf)  }
0x29b: {  	(v2sf) =	vpush v32, $0x3;
	[tilespmem:s15], [sflag:s0] =	stream.linear.gather [hbm4b:s16+s4], $0x400, $0x38;
	[tilespmem:$0x1C780] =	vst v63  }
0x29c: {  	s25 =	sadd.s32 $0x15900, s3;
	s17 =	sadd.s32 $0xF4280, s16  }
0x29d: {  	[tilespmem:s25], [sflag:s0] =	stream.linear.gather [hbm4b:s17+s4], $0x400, $0x38;
	[tilespmem:$0x1C780] =	vst v63  }
0x29e: {  	s28 =	sor.u32 $0xD00, s3;
	s29 =	spop (v2sf)  }
0x29f: {  	[tilespmem:s28], [sflag:s0] =	stream.linear.gather [hbm4b:s29+s4], $0x400, $0x38;
	[tilespmem:$0x1C780] =	vst v63  }
0x2a0: {  	s31 =	sadd.s32 $0x7D00, s3;
	s30 =	sadd.s32 $0xF4280, s29  }
0x2a1: {  	[tilespmem:s31], [sflag:s0] =	stream.linear.gather [hbm4b:s30+s4], $0x400, $0x38;
	[tilespmem:$0x1C780] =	vst v63  }
0x2a2: {  	s6 =	sadd.s32 $0xED00, s3;
	s10 =	spop (v2sf)  }
0x2a3: {  	[tilespmem:s6], [sflag:s0] =	stream.linear.gather [hbm4b:s10+s4], $0x400, $0x38;
	[tilespmem:$0x1C780] =	vst v63  }
0x2a4: {  	s14 =	sadd.s32 $0x15D00, s3;
	s12 =	sadd.s32 $0xF4280, s10  }
0x2a5: {  	[tilespmem:s14], [sflag:s0] =	stream.linear.gather [hbm4b:s12+s4], $0x400, $0x38;
	[tilespmem:$0x1C780] =	vst v63  }
0x2a6: {  	s15 =	sadd.s32 $0x1100, s3;
	s16 =	spop (v2sf)  }
0x2a7: {  	[tilespmem:s15], [sflag:s0] =	stream.linear.gather [hbm4b:s16+s4], $0x400, $0x38;
	[tilespmem:$0x1C780] =	vst v63  }
0x2a8: {  	s25 =	sor.u32 $0x8100, s3;
	s17 =	sadd.s32 $0xF4280, s16  }
0x2a9: {  	[tilespmem:s25], [sflag:s0] =	stream.linear.gather [hbm4b:s17+s4], $0x400, $0x38;
	[tilespmem:$0x1C780] =	vst v63  }
0x2aa: {  	s28 =	sadd.s32 $0xF100, s3;
	s29 =	spop (v2sf)  }
0x2ab: {  	[tilespmem:s28], [sflag:s0] =	stream.linear.gather [hbm4b:s29+s4], $0x400, $0x38;
	[tilespmem:$0x1C780] =	vst v63  }
0x2ac: {  	s3 =	sadd.s32 $0x16100, s3;
	s30 =	sadd.s32 $0xF4280, s29  }
0x2ad: {  	[tilespmem:s3], [sflag:s0] =	stream.linear.gather [hbm4b:s30+s4], $0x400, $0x38;
	[tilespmem:$0x1C780] =	vst v63  }
0x2ae: {  	_ =	swait.ge [sflag:s18], $0x800  }
0x2af: {  	[sflag:s18] =	ssyncset.done $0x0  }
0x2b0: {  	[sflag:s18] =	ssyncadd.s32 $0xFFFFF800  }
0x2b1: {  	_ =	swait.ge [sflag:s18], $0x800  }
0x2b2: {  	[sflag:s18] =	ssyncset.done $0x0  }
0x2b3: {  	[sflag:s18] =	ssyncadd.s32 $0xFFFFF800  }
0x2b4: {  	_ =	swait.ge [sflag:s18], $0x800  }
0x2b5: {  	[sflag:s18] =	ssyncset.done $0x0  }
0x2b6: {  	[sflag:s18] =	ssyncadd.s32 $0xFFFFF800  }
0x2b7: {  	_ =	swait.ge [sflag:s18], $0x800  }
0x2b8: {  	[sflag:s18] =	ssyncset.done $0x0  }
0x2b9: {  	[sflag:s18] =	ssyncadd.s32 $0xFFFFF800  }
0x2ba: {  	_ =	swait.ge [sflag:s18], $0x800  }
0x2bb: {  	[sflag:s18] =	ssyncset.done $0x0  }
0x2bc: {  	[sflag:s18] =	ssyncadd.s32 $0xFFFFF800  }
0x2bd: {  	_ =	swait.ge [sflag:s18], $0x800  }
0x2be: {  	[sflag:s18] =	ssyncset.done $0x0  }
0x2bf: {  	[sflag:s18] =	ssyncadd.s32 $0xFFFFF800  }
0x2c0: {  	_ =	swait.ge [sflag:s18], $0x800  }
0x2c1: {  	[sflag:s18] =	ssyncset.done $0x0  }
0x2c2: {  	[sflag:s18] =	ssyncadd.s32 $0xFFFFF800  }
0x2c3: {  	_ =	swait.ge [sflag:s18], $0x800  }
0x2c4: {  	[sflag:s18] =	ssyncset.done $0x0  }
0x2c5: {  	[sflag:s18] =	ssyncadd.s32 $0xFFFFF800  }
0x2c6: {  	v31 =	vld [tilespmem:$0x1E4]  }
0x2c7: {  	v42 =	vld [tilespmem:$0x464];
	_ =	sdelay $0x3  }
0x2c8: {  	v31 =	vand.u32 $0x7F, v31  }
0x2c9: {  	v32 =	vand.u32 $0x7F, v42;
	v43 =	vor.u32 v1, v31  }
0x2ca: {  	v44 =	vor.u32 v1, v32  }
0x2cb: {  	v45 =	vor.u32 v2, v31  }
0x2cc: {  	v46 =	vor.u32 v2, v32  }
0x2cd: {  	v47 =	vor.u32 v3, v31  }
0x2ce: {  	v48 =	vor.u32 v3, v32;
	v33 =	vld.idx.msk [tilespmem:v43+s11+$0x0], $0xffff  }
0x2cf: {  	v49 =	vor.u32 v4, v31;
	v34 =	vld.idx.msk [tilespmem:v44+s13+$0x0], $0xffff  }
0x2d0: {  	v50 =	vor.u32 v4, v32;
	v35 =	vld.idx.msk [tilespmem:v45+s11+$0x0], $0xffff  }
0x2d1: {  	v51 =	vor.u32 v5, v31;
	v36 =	vld.idx.msk [tilespmem:v46+s13+$0x0], $0xffff  }
0x2d2: {  	v52 =	vor.u32 v5, v32;
	v37 =	vld.idx.msk [tilespmem:v47+s11+$0x0], $0xffff  }
0x2d3: {  	v53 =	vor.u32 v6, v31;
	v38 =	vld.idx.msk [tilespmem:v48+s13+$0x0], $0xffff  }
0x2d4: {  	v55 =	vor.u32 v6, v32;
	v54 =	vld.idx.msk [tilespmem:v49+s11+$0x0], $0xffff;
	v33 =	vmul.f32 v34, v33  }
0x2d5: {  	v56 =	vor.u32 v7, v31;
	v40 =	vld.idx.msk [tilespmem:v50+s13+$0x0], $0xffff  }
0x2d6: {  	v58 =	vor.u32 v7, v32;
	v57 =	vld.idx.msk [tilespmem:v51+s11+$0x0], $0xffff;
	v35 =	vmul.f32 v36, v35;
	v33 =	vadd.f32 $0.0e+00, v33  }
0x2d7: {  	v59 =	vor.u32 v8, v31;
	v42 =	vld.idx.msk [tilespmem:v52+s13+$0x0], $0xffff  }
0x2d8: {  	v62 =	vor.u32 v8, v32;
	v61 =	vld.idx.msk [tilespmem:v53+s11+$0x0], $0xffff;
	v60 =	vmul.f32 v38, v37;
	v33 =	vadd.f32 v35, v33  }
0x2d9: {  	v63 =	vor.u32 v9, v31;
	v39 =	vld.idx.msk [tilespmem:v55+s13+$0x0], $0xffff  }
0x2da: {  	v48 =	vld.idx.msk [tilespmem:v56+s11+$0x0], $0xffff;
	v49 =	vor.u32 v9, v32;
	v34 =	vmul.f32 v40, v54;
	v33 =	vadd.f32 v60, v33  }
0x2db: {  	v41 =	vld.idx.msk [tilespmem:v58+s13+$0x0], $0xffff;
	v53 =	vor.u32 v10, v32  }
0x2dc: {  	v50 =	vor.u32 v10, v31;
	v52 =	vld.idx.msk [tilespmem:v59+s11+$0x0], $0xffff;
	v51 =	vmul.f32 v42, v57;
	v33 =	vadd.f32 v34, v33  }
0x2dd: {  	v38 =	vld.idx.msk [tilespmem:v62+s13+$0x0], $0xffff;
	v54 =	vor.u32 v11, v31  }
0x2de: {  	v56 =	vld.idx.msk [tilespmem:v63+s11+$0x0], $0xffff;
	v55 =	vmul.f32 v39, v61;
	v57 =	vor.u32 v11, v32;
	v33 =	vadd.f32 v51, v33  }
0x2df: {  	v58 =	vor.u32 v12, v31;
	v40 =	vld.idx.msk [tilespmem:v49+s13+$0x0], $0xffff  }
0x2e0: {  	v59 =	vmul.f32 v41, v48;
	v61 =	vor.u32 v12, v32;
	v42 =	vld.idx.msk [tilespmem:v53+s13+$0x0], $0xffff;
	v33 =	vadd.f32 v55, v33  }
0x2e1: {  	v49 =	vor.u32 v13, v32;
	v60 =	vld.idx.msk [tilespmem:v50+s11+$0x0], $0xffff  }
0x2e2: {  	v62 =	vor.u32 v13, v31;
	v63 =	vmul.f32 v38, v52;
	v48 =	vld.idx.msk [tilespmem:v54+s11+$0x0], $0xffff;
	v33 =	vadd.f32 v59, v33  }
0x2e3: {  	v53 =	vor.u32 v14, v32;
	v39 =	vld.idx.msk [tilespmem:v57+s13+$0x0], $0xffff  }
0x2e4: {  	v52 =	vld.idx.msk [tilespmem:v58+s11+$0x0], $0xffff;
	v50 =	vor.u32 v14, v31;
	v51 =	vmul.f32 v40, v56;
	v33 =	vadd.f32 v63, v33  }
0x2e5: {  	v41 =	vld.idx.msk [tilespmem:v61+s13+$0x0], $0xffff;
	v54 =	vor.u32 v15, v31  }
0x2e6: {  	v57 =	vor.u32 v15, v32;
	v38 =	vld.idx.msk [tilespmem:v49+s13+$0x0], $0xffff;
	v55 =	vmul.f32 v42, v60;
	v33 =	vadd.f32 v51, v33  }
0x2e7: {  	v32 =	vor.u32 v16, v32;
	v56 =	vld.idx.msk [tilespmem:v62+s11+$0x0], $0xffff  }
0x2e8: {  	v31 =	vor.u32 v16, v31;
	v58 =	vmul.f32 v39, v48;
	v60 =	vld.idx.msk [tilespmem:v53+s13+$0x0], $0xffff;
	v33 =	vadd.f32 v55, v33  }
0x2e9: {  	v59 =	vld.idx.msk [tilespmem:v50+s11+$0x0], $0xffff  }
0x2ea: {  	v61 =	vmul.f32 v41, v52;
	v62 =	vld.idx.msk [tilespmem:v54+s11+$0x0], $0xffff;
	v33 =	vadd.f32 v58, v33  }
0x2eb: {  	v63 =	vld.idx.msk [tilespmem:v57+s13+$0x0], $0xffff  }
0x2ec: {  	v32 =	vld.idx.msk [tilespmem:v32+s13+$0x0], $0xffff;
	v43 =	vmul.f32 v38, v56;
	v33 =	vadd.f32 v61, v33  }
0x2ed: {  	v31 =	vld.idx.msk [tilespmem:v31+s11+$0x0], $0xffff  }
0x2ee: {  	v44 =	vmul.f32 v60, v59;
	v33 =	vadd.f32 v43, v33;
	_ =	sdelay $0x1  }
0x2ef: {  	v45 =	vmul.f32 v63, v62;
	v33 =	vadd.f32 v44, v33;
	_ =	sdelay $0x1  }
0x2f0: {  	v31 =	vmul.f32 v32, v31;
	v33 =	vadd.f32 v45, v33;
	_ =	sdelay $0x1  }
0x2f1: {  	v31 =	vadd.f32 v31, v33;
	_ =	sdelay $0x1  }
0x2f2: {  	[tilespmem:$0x1C6E4] =	vst v31  }
0x2f3: {  	_ =	swait.ge [sflag:s19], $0x800  }
0x2f4: {  	[sflag:s19] =	ssyncset.done $0x0  }
0x2f5: {  	[sflag:s19] =	ssyncadd.s32 $0xFFFFF800  }
0x2f6: {  	_ =	swait.ge [sflag:s19], $0x800  }
0x2f7: {  	[sflag:s19] =	ssyncset.done $0x0  }
0x2f8: {  	[sflag:s19] =	ssyncadd.s32 $0xFFFFF800  }
0x2f9: {  	_ =	swait.ge [sflag:s19], $0x800  }
0x2fa: {  	[sflag:s19] =	ssyncset.done $0x0  }
0x2fb: {  	[sflag:s19] =	ssyncadd.s32 $0xFFFFF800  }
0x2fc: {  	_ =	swait.ge [sflag:s19], $0x800  }
0x2fd: {  	[sflag:s19] =	ssyncset.done $0x0  }
0x2fe: {  	[sflag:s19] =	ssyncadd.s32 $0xFFFFF800  }
0x2ff: {  	_ =	swait.ge [sflag:s19], $0x800  }
0x300: {  	[sflag:s19] =	ssyncset.done $0x0  }
0x301: {  	[sflag:s19] =	ssyncadd.s32 $0xFFFFF800  }
0x302: {  	_ =	swait.ge [sflag:s19], $0x800  }
0x303: {  	[sflag:s19] =	ssyncset.done $0x0  }
0x304: {  	[sflag:s19] =	ssyncadd.s32 $0xFFFFF800  }
0x305: {  	_ =	swait.ge [sflag:s19], $0x800  }
0x306: {  	[sflag:s19] =	ssyncset.done $0x0  }
0x307: {  	[sflag:s19] =	ssyncadd.s32 $0xFFFFF800  }
0x308: {  	_ =	swait.ge [sflag:s19], $0x800  }
0x309: {  	[sflag:s19] =	ssyncset.done $0x0  }
0x30a: {  	[sflag:s19] =	ssyncadd.s32 $0xFFFFF800  }
0x30b: {  	v31 =	vld [tilespmem:$0x1E8]  }
0x30c: {  	v46 =	vld [tilespmem:$0x468];
	_ =	sdelay $0x3  }
0x30d: {  	v31 =	vand.u32 $0x7F, v31  }
0x30e: {  	v32 =	vand.u32 $0x7F, v46;
	v47 =	vor.u32 v17, v31  }
0x30f: {  	v48 =	vor.u32 v17, v32  }
0x310: {  	v49 =	vor.u32 v18, v31  }
0x311: {  	v50 =	vor.u32 v18, v32  }
0x312: {  	v51 =	vor.u32 v19, v31  }
0x313: {  	v52 =	vor.u32 v19, v32;
	v33 =	vld.idx.msk [tilespmem:v47+s11+$0x0], $0xffff  }
0x314: {  	v53 =	vor.u32 v20, v31;
	v34 =	vld.idx.msk [tilespmem:v48+s13+$0x0], $0xffff  }
0x315: {  	v54 =	vor.u32 v20, v32;
	v35 =	vld.idx.msk [tilespmem:v49+s11+$0x0], $0xffff  }
0x316: {  	v55 =	vor.u32 v21, v31;
	v36 =	vld.idx.msk [tilespmem:v50+s13+$0x0], $0xffff  }
0x317: {  	v56 =	vor.u32 v21, v32;
	v37 =	vld.idx.msk [tilespmem:v51+s11+$0x0], $0xffff  }
0x318: {  	v57 =	vor.u32 v22, v31;
	v38 =	vld.idx.msk [tilespmem:v52+s13+$0x0], $0xffff  }
0x319: {  	v59 =	vor.u32 v22, v32;
	v58 =	vld.idx.msk [tilespmem:v53+s11+$0x0], $0xffff  }
0x31a: {  	v60 =	vor.u32 v23, v31;
	v40 =	vld.idx.msk [tilespmem:v54+s13+$0x0], $0xffff;
	v33 =	vmul.f32 v34, v33  }
0x31b: {  	v62 =	vor.u32 v23, v32;
	v61 =	vld.idx.msk [tilespmem:v55+s11+$0x0], $0xffff  }
0x31c: {  	v63 =	vor.u32 v24, v31;
	v42 =	vld.idx.msk [tilespmem:v56+s13+$0x0], $0xffff;
	v35 =	vmul.f32 v36, v35;
	v33 =	vadd.f32 $0.0e+00, v33  }
0x31d: {  	v49 =	vld.idx.msk [tilespmem:v57+s11+$0x0], $0xffff;
	v50 =	vor.u32 v24, v32  }
0x31e: {  	v39 =	vld.idx.msk [tilespmem:v59+s13+$0x0], $0xffff;
	v51 =	vor.u32 v25, v31;
	v48 =	vmul.f32 v38, v37;
	v33 =	vadd.f32 v35, v33  }
0x31f: {  	v52 =	vld.idx.msk [tilespmem:v60+s11+$0x0], $0xffff;
	v53 =	vor.u32 v25, v32  }
0x320: {  	v41 =	vld.idx.msk [tilespmem:v62+s13+$0x0], $0xffff;
	v57 =	vor.u32 v26, v32;
	v34 =	vmul.f32 v40, v58;
	v33 =	vadd.f32 v48, v33  }
0x321: {  	v55 =	vld.idx.msk [tilespmem:v63+s11+$0x0], $0xffff;
	v56 =	vor.u32 v26, v31  }
0x322: {  	v54 =	vmul.f32 v42, v61;
	v38 =	vld.idx.msk [tilespmem:v50+s13+$0x0], $0xffff;
	v33 =	vadd.f32 v34, v33  }
0x323: {  	v60 =	vor.u32 v27, v31;
	v59 =	vld.idx.msk [tilespmem:v51+s11+$0x0], $0xffff  }
0x324: {  	v58 =	vmul.f32 v39, v49;
	v40 =	vld.idx.msk [tilespmem:v53+s13+$0x0], $0xffff;
	v61 =	vor.u32 v27, v32;
	v33 =	vadd.f32 v54, v33  }
0x325: {  	v63 =	vor.u32 v28, v31;
	v51 =	vld.idx.msk [tilespmem:v57+s13+$0x0], $0xffff  }
0x326: {  	v62 =	vmul.f32 v41, v52;
	v49 =	vor.u32 v28, v32;
	v48 =	vld.idx.msk [tilespmem:v56+s11+$0x0], $0xffff;
	v33 =	vadd.f32 v58, v33  }
0x327: {  	v52 =	vor.u32 v29, v31  }
0x328: {  	v39 =	vld.idx.msk [tilespmem:v60+s11+$0x0], $0xffff;
	v53 =	vor.u32 v29, v32;
	v50 =	vmul.f32 v38, v55;
	v33 =	vadd.f32 v62, v33  }
0x329: {  	v57 =	vor.u32 v30, v32;
	v55 =	vld.idx.msk [tilespmem:v61+s13+$0x0], $0xffff;
	v56 =	vor.u32 v30, v31  }
0x32a: {  	v35 =	vld.idx.msk [tilespmem:v63+s11+$0x0], $0xffff;
	v54 =	vmul.f32 v40, v59;
	v58 =	vor.u32 $0xA300, v0;
	v33 =	vadd.f32 v50, v33  }
0x32b: {  	v59 =	vld.idx.msk [tilespmem:v49+s13+$0x0], $0xffff;
	v36 =	vmul.f32 v51, v48;
	v60 =	vor.u32 v58, v31  }
0x32c: {  	v38 =	vld.idx.msk [tilespmem:v52+s11+$0x0], $0xffff;
	v61 =	vor.u32 v58, v32;
	v62 =	vor.u32 $0xA380, v0;
	v33 =	vadd.f32 v54, v33  }
0x32d: {  	v44 =	vld.idx.msk [tilespmem:v53+s13+$0x0], $0xffff;
	v31 =	vor.u32 v62, v31  }
0x32e: {  	v47 =	vld.idx.msk [tilespmem:v57+s13+$0x0], $0xffff;
	v63 =	vmul.f32 v55, v39;
	v32 =	vor.u32 v62, v32;
	v33 =	vadd.f32 v36, v33  }
0x32f: {  	v46 =	vld.idx.msk [tilespmem:v56+s11+$0x0], $0xffff  }
0x330: {  	v34 =	vmul.f32 v59, v35;
	v48 =	vld.idx.msk [tilespmem:v60+s11+$0x0], $0xffff;
	v33 =	vadd.f32 v63, v33  }
0x331: {  	v49 =	vld.idx.msk [tilespmem:v61+s13+$0x0], $0xffff  }
0x332: {  	v50 =	vmul.f32 v44, v38;
	v31 =	vld.idx.msk [tilespmem:v31+s11+$0x0], $0xffff;
	v33 =	vadd.f32 v34, v33  }
0x333: {  	v32 =	vld.idx.msk [tilespmem:v32+s13+$0x0], $0xffff  }
0x334: {  	v51 =	vmul.f32 v47, v46;
	v33 =	vadd.f32 v50, v33;
	_ =	sdelay $0x1  }
0x335: {  	v52 =	vmul.f32 v49, v48;
	v33 =	vadd.f32 v51, v33;
	_ =	sdelay $0x1  }
0x336: {  	v31 =	vmul.f32 v32, v31;
	v33 =	vadd.f32 v52, v33;
	_ =	sdelay $0x1  }
0x337: {  	v31 =	vadd.f32 v31, v33;
	_ =	sdelay $0x1  }
0x338: {  	[tilespmem:$0x1C6E8] =	vst v31  }
0x339: {  	_ =	swait.ge [sflag:s20], $0x800  }
0x33a: {  	[sflag:s20] =	ssyncset.done $0x0  }
0x33b: {  	[sflag:s20] =	ssyncadd.s32 $0xFFFFF800  }
0x33c: {  	_ =	swait.ge [sflag:s20], $0x800  }
0x33d: {  	[sflag:s20] =	ssyncset.done $0x0  }
0x33e: {  	[sflag:s20] =	ssyncadd.s32 $0xFFFFF800  }
0x33f: {  	_ =	swait.ge [sflag:s20], $0x800  }
0x340: {  	[sflag:s20] =	ssyncset.done $0x0  }
0x341: {  	[sflag:s20] =	ssyncadd.s32 $0xFFFFF800  }
0x342: {  	_ =	swait.ge [sflag:s20], $0x800  }
0x343: {  	[sflag:s20] =	ssyncset.done $0x0  }
0x344: {  	[sflag:s20] =	ssyncadd.s32 $0xFFFFF800  }
0x345: {  	_ =	swait.ge [sflag:s20], $0x800  }
0x346: {  	[sflag:s20] =	ssyncset.done $0x0  }
0x347: {  	[sflag:s20] =	ssyncadd.s32 $0xFFFFF800  }
0x348: {  	_ =	swait.ge [sflag:s20], $0x800  }
0x349: {  	[sflag:s20] =	ssyncset.done $0x0  }
0x34a: {  	[sflag:s20] =	ssyncadd.s32 $0xFFFFF800  }
0x34b: {  	_ =	swait.ge [sflag:s20], $0x800  }
0x34c: {  	[sflag:s20] =	ssyncset.done $0x0  }
0x34d: {  	[sflag:s20] =	ssyncadd.s32 $0xFFFFF800  }
0x34e: {  	_ =	swait.ge [sflag:s20], $0x800  }
0x34f: {  	[sflag:s20] =	ssyncset.done $0x0  }
0x350: {  	[sflag:s20] =	ssyncadd.s32 $0xFFFFF800  }
0x351: {  	v31 =	vld [tilespmem:$0x1EC]  }
0x352: {  	v53 =	vld [tilespmem:$0x46C];
	_ =	sdelay $0x3  }
0x353: {  	v54 =	vor.u32 $0x4000, v0;
	v31 =	vand.u32 $0x7F, v31  }
0x354: {  	v32 =	vand.u32 $0x7F, v53;
	v55 =	vor.u32 v54, v31  }
0x355: {  	v56 =	vor.u32 $0x4080, v0;
	v33 =	vor.u32 v54, v32  }
0x356: {  	v57 =	vor.u32 v56, v31  }
0x357: {  	v58 =	vor.u32 $0x4100, v0;
	v35 =	vor.u32 v56, v32  }
0x358: {  	v59 =	vor.u32 v58, v31  }
0x359: {  	v60 =	vor.u32 $0x4180, v0;
	v37 =	vor.u32 v58, v32;
	v34 =	vld.idx.msk [tilespmem:v55+s11+$0x0], $0xffff  }
0x35a: {  	v61 =	vor.u32 v60, v31;
	v33 =	vld.idx.msk [tilespmem:v33+s13+$0x0], $0xffff  }
0x35b: {  	v62 =	vor.u32 $0x4200, v0;
	v39 =	vor.u32 v60, v32;
	v36 =	vld.idx.msk [tilespmem:v57+s11+$0x0], $0xffff  }
0x35c: {  	v63 =	vor.u32 v62, v31;
	v35 =	vld.idx.msk [tilespmem:v35+s13+$0x0], $0xffff  }
0x35d: {  	v48 =	vor.u32 $0x4280, v0;
	v41 =	vor.u32 v62, v32;
	v38 =	vld.idx.msk [tilespmem:v59+s11+$0x0], $0xffff  }
0x35e: {  	v50 =	vor.u32 v48, v31;
	v49 =	vld.idx.msk [tilespmem:v37+s13+$0x0], $0xffff  }
0x35f: {  	v51 =	vor.u32 $0x4300, v0;
	v43 =	vor.u32 v48, v32;
	v40 =	vld.idx.msk [tilespmem:v61+s11+$0x0], $0xffff  }
0x360: {  	v53 =	vor.u32 v51, v31;
	v52 =	vld.idx.msk [tilespmem:v39+s13+$0x0], $0xffff;
	v33 =	vmul.f32 v33, v34  }
0x361: {  	v44 =	vor.u32 v51, v32;
	v54 =	vor.u32 $0x4380, v0;
	v42 =	vld.idx.msk [tilespmem:v63+s11+$0x0], $0xffff  }
0x362: {  	v56 =	vor.u32 v54, v31;
	v55 =	vld.idx.msk [tilespmem:v41+s13+$0x0], $0xffff;
	v35 =	vmul.f32 v35, v36;
	v33 =	vadd.f32 $0.0e+00, v33  }
0x363: {  	v58 =	vor.u32 $0xB000, v0;
	v37 =	vld.idx.msk [tilespmem:v50+s11+$0x0], $0xffff;
	v57 =	vor.u32 v54, v32  }
0x364: {  	v62 =	vor.u32 v58, v32;
	v43 =	vld.idx.msk [tilespmem:v43+s13+$0x0], $0xffff;
	v34 =	vmul.f32 v49, v38;
	v33 =	vadd.f32 v35, v33  }
0x365: {  	v48 =	vor.u32 $0xB080, v0;
	v59 =	vor.u32 v58, v31;
	v61 =	vld.idx.msk [tilespmem:v53+s11+$0x0], $0xffff  }
0x366: {  	v63 =	vld.idx.msk [tilespmem:v44+s13+$0x0], $0xffff;
	v60 =	vmul.f32 v52, v40;
	v52 =	vor.u32 v48, v32;
	v33 =	vadd.f32 v34, v33  }
0x367: {  	v51 =	vor.u32 v48, v31;
	v50 =	vld.idx.msk [tilespmem:v56+s11+$0x0], $0xffff  }
0x368: {  	v53 =	vor.u32 $0xB100, v0;
	v49 =	vmul.f32 v55, v42;
	v38 =	vld.idx.msk [tilespmem:v57+s13+$0x0], $0xffff;
	v33 =	vadd.f32 v60, v33  }
0x369: {  	v56 =	vor.u32 v53, v31;
	v39 =	vld.idx.msk [tilespmem:v62+s13+$0x0], $0xffff;
	v44 =	vor.u32 v53, v32  }
0x36a: {  	v54 =	vmul.f32 v43, v37;
	v55 =	vld.idx.msk [tilespmem:v59+s11+$0x0], $0xffff;
	v57 =	vor.u32 $0xB180, v0;
	v33 =	vadd.f32 v49, v33  }
0x36b: {  	v62 =	vor.u32 $0xB200, v0;
	v59 =	vor.u32 v57, v31;
	v48 =	vld.idx.msk [tilespmem:v52+s13+$0x0], $0xffff  }
0x36c: {  	v58 =	vmul.f32 v63, v61;
	v61 =	vor.u32 v57, v32;
	v60 =	vld.idx.msk [tilespmem:v51+s11+$0x0], $0xffff;
	v33 =	vadd.f32 v54, v33  }
0x36d: {  	v63 =	vmul.f32 v38, v50;
	v51 =	vor.u32 v62, v32  }
0x36e: {  	v50 =	vld.idx.msk [tilespmem:v56+s11+$0x0], $0xffff;
	v52 =	vor.u32 $0xB280, v0;
	v49 =	vor.u32 v62, v31;
	v33 =	vadd.f32 v58, v33  }
0x36f: {  	v57 =	vor.u32 $0xB300, v0;
	v56 =	vor.u32 v52, v32;
	v54 =	vld.idx.msk [tilespmem:v44+s13+$0x0], $0xffff  }
0x370: {  	v53 =	vmul.f32 v39, v55;
	v55 =	vor.u32 v52, v31;
	v36 =	vld.idx.msk [tilespmem:v59+s11+$0x0], $0xffff;
	v33 =	vadd.f32 v63, v33  }
0x371: {  	v59 =	vor.u32 v57, v31;
	v35 =	vmul.f32 v48, v60;
	v58 =	vld.idx.msk [tilespmem:v61+s13+$0x0], $0xffff  }
0x372: {  	v60 =	vor.u32 v57, v32;
	v43 =	vld.idx.msk [tilespmem:v51+s13+$0x0], $0xffff;
	v61 =	vor.u32 $0xB380, v0;
	v33 =	vadd.f32 v53, v33  }
0x373: {  	v38 =	vld.idx.msk [tilespmem:v49+s11+$0x0], $0xffff;
	v31 =	vor.u32 v61, v31  }
0x374: {  	v42 =	vld.idx.msk [tilespmem:v56+s13+$0x0], $0xffff;
	v32 =	vor.u32 v61, v32;
	v62 =	vmul.f32 v54, v50;
	v33 =	vadd.f32 v35, v33  }
0x375: {  	v63 =	vld.idx.msk [tilespmem:v55+s11+$0x0], $0xffff  }
0x376: {  	v44 =	vld.idx.msk [tilespmem:v59+s11+$0x0], $0xffff;
	v34 =	vmul.f32 v58, v36;
	v33 =	vadd.f32 v62, v33  }
0x377: {  	v45 =	vld.idx.msk [tilespmem:v60+s13+$0x0], $0xffff  }
0x378: {  	v46 =	vmul.f32 v43, v38;
	v31 =	vld.idx.msk [tilespmem:v31+s11+$0x0], $0xffff;
	v33 =	vadd.f32 v34, v33  }
0x379: {  	v32 =	vld.idx.msk [tilespmem:v32+s13+$0x0], $0xffff  }
0x37a: {  	v47 =	vmul.f32 v42, v63;
	v33 =	vadd.f32 v46, v33;
	_ =	sdelay $0x1  }
0x37b: {  	v48 =	vmul.f32 v45, v44;
	v33 =	vadd.f32 v47, v33;
	_ =	sdelay $0x1  }
0x37c: {  	v31 =	vmul.f32 v32, v31;
	v33 =	vadd.f32 v48, v33;
	_ =	sdelay $0x1  }
0x37d: {  	v31 =	vadd.f32 v31, v33;
	_ =	sdelay $0x1  }
0x37e: {  	[tilespmem:$0x1C6EC] =	vst v31  }
0x37f: {  	_ =	swait.ge [sflag:s21], $0x800  }
0x380: {  	[sflag:s21] =	ssyncset.done $0x0  }
0x381: {  	[sflag:s21] =	ssyncadd.s32 $0xFFFFF800  }
0x382: {  	_ =	swait.ge [sflag:s21], $0x800  }
0x383: {  	[sflag:s21] =	ssyncset.done $0x0  }
0x384: {  	[sflag:s21] =	ssyncadd.s32 $0xFFFFF800  }
0x385: {  	_ =	swait.ge [sflag:s21], $0x800  }
0x386: {  	[sflag:s21] =	ssyncset.done $0x0  }
0x387: {  	[sflag:s21] =	ssyncadd.s32 $0xFFFFF800  }
0x388: {  	_ =	swait.ge [sflag:s21], $0x800  }
0x389: {  	[sflag:s21] =	ssyncset.done $0x0  }
0x38a: {  	[sflag:s21] =	ssyncadd.s32 $0xFFFFF800  }
0x38b: {  	_ =	swait.ge [sflag:s21], $0x800  }
0x38c: {  	[sflag:s21] =	ssyncset.done $0x0  }
0x38d: {  	[sflag:s21] =	ssyncadd.s32 $0xFFFFF800  }
0x38e: {  	_ =	swait.ge [sflag:s21], $0x800  }
0x38f: {  	[sflag:s21] =	ssyncset.done $0x0  }
0x390: {  	[sflag:s21] =	ssyncadd.s32 $0xFFFFF800  }
0x391: {  	_ =	swait.ge [sflag:s21], $0x800  }
0x392: {  	[sflag:s21] =	ssyncset.done $0x0  }
0x393: {  	[sflag:s21] =	ssyncadd.s32 $0xFFFFF800  }
0x394: {  	_ =	swait.ge [sflag:s21], $0x800  }
0x395: {  	[sflag:s21] =	ssyncset.done $0x0  }
0x396: {  	[sflag:s21] =	ssyncadd.s32 $0xFFFFF800  }
0x397: {  	v31 =	vld [tilespmem:$0x1F0]  }
0x398: {  	v49 =	vld [tilespmem:$0x470];
	_ =	sdelay $0x3  }
0x399: {  	v50 =	vor.u32 $0x5000, v0;
	v31 =	vand.u32 $0x7F, v31  }
0x39a: {  	v32 =	vand.u32 $0x7F, v49;
	v51 =	vor.u32 v50, v31  }
0x39b: {  	v52 =	vor.u32 $0x5080, v0;
	v33 =	vor.u32 v50, v32  }
0x39c: {  	v53 =	vor.u32 v52, v31  }
0x39d: {  	v54 =	vor.u32 $0x5100, v0;
	v35 =	vor.u32 v52, v32  }
0x39e: {  	v55 =	vor.u32 v54, v31  }
0x39f: {  	v56 =	vor.u32 $0x5180, v0;
	v37 =	vor.u32 v54, v32;
	v34 =	vld.idx.msk [tilespmem:v51+s11+$0x0], $0xffff  }
0x3a0: {  	v57 =	vor.u32 v56, v31;
	v33 =	vld.idx.msk [tilespmem:v33+s13+$0x0], $0xffff  }
0x3a1: {  	v58 =	vor.u32 $0x5200, v0;
	v39 =	vor.u32 v56, v32;
	v36 =	vld.idx.msk [tilespmem:v53+s11+$0x0], $0xffff  }
0x3a2: {  	v59 =	vor.u32 v58, v31;
	v35 =	vld.idx.msk [tilespmem:v35+s13+$0x0], $0xffff  }
0x3a3: {  	v60 =	vor.u32 $0x5280, v0;
	v41 =	vor.u32 v58, v32;
	v38 =	vld.idx.msk [tilespmem:v55+s11+$0x0], $0xffff  }
0x3a4: {  	v62 =	vor.u32 v60, v31;
	v61 =	vld.idx.msk [tilespmem:v37+s13+$0x0], $0xffff  }
0x3a5: {  	v63 =	vor.u32 $0x5300, v0;
	v43 =	vor.u32 v60, v32;
	v40 =	vld.idx.msk [tilespmem:v57+s11+$0x0], $0xffff  }
0x3a6: {  	v49 =	vor.u32 v63, v31;
	v48 =	vld.idx.msk [tilespmem:v39+s13+$0x0], $0xffff;
	v33 =	vmul.f32 v33, v34  }
0x3a7: {  	v44 =	vor.u32 v63, v32;
	v50 =	vor.u32 $0x5380, v0;
	v42 =	vld.idx.msk [tilespmem:v59+s11+$0x0], $0xffff  }
0x3a8: {  	v52 =	vor.u32 v50, v31;
	v51 =	vld.idx.msk [tilespmem:v41+s13+$0x0], $0xffff;
	v35 =	vmul.f32 v35, v36;
	v33 =	vadd.f32 $0.0e+00, v33  }
0x3a9: {  	v54 =	vor.u32 $0xC000, v0;
	v37 =	vld.idx.msk [tilespmem:v62+s11+$0x0], $0xffff;
	v53 =	vor.u32 v50, v32  }
0x3aa: {  	v58 =	vor.u32 v54, v32;
	v43 =	vld.idx.msk [tilespmem:v43+s13+$0x0], $0xffff;
	v34 =	vmul.f32 v61, v38;
	v33 =	vadd.f32 v35, v33  }
0x3ab: {  	v60 =	vor.u32 $0xC080, v0;
	v55 =	vor.u32 v54, v31;
	v57 =	vld.idx.msk [tilespmem:v49+s11+$0x0], $0xffff  }
0x3ac: {  	v59 =	vld.idx.msk [tilespmem:v44+s13+$0x0], $0xffff;
	v56 =	vmul.f32 v48, v40;
	v48 =	vor.u32 v60, v32;
	v33 =	vadd.f32 v34, v33  }
0x3ad: {  	v63 =	vor.u32 v60, v31;
	v62 =	vld.idx.msk [tilespmem:v52+s11+$0x0], $0xffff  }
0x3ae: {  	v49 =	vor.u32 $0xC100, v0;
	v61 =	vmul.f32 v51, v42;
	v38 =	vld.idx.msk [tilespmem:v53+s13+$0x0], $0xffff;
	v33 =	vadd.f32 v56, v33  }
0x3af: {  	v52 =	vor.u32 v49, v31;
	v39 =	vld.idx.msk [tilespmem:v58+s13+$0x0], $0xffff;
	v44 =	vor.u32 v49, v32  }
0x3b0: {  	v50 =	vmul.f32 v43, v37;
	v51 =	vld.idx.msk [tilespmem:v55+s11+$0x0], $0xffff;
	v53 =	vor.u32 $0xC180, v0;
	v33 =	vadd.f32 v61, v33  }
0x3b1: {  	v58 =	vor.u32 $0xC200, v0;
	v55 =	vor.u32 v53, v31;
	v60 =	vld.idx.msk [tilespmem:v48+s13+$0x0], $0xffff  }
0x3b2: {  	v54 =	vmul.f32 v59, v57;
	v57 =	vor.u32 v53, v32;
	v56 =	vld.idx.msk [tilespmem:v63+s11+$0x0], $0xffff;
	v33 =	vadd.f32 v50, v33  }
0x3b3: {  	v59 =	vmul.f32 v38, v62;
	v63 =	vor.u32 v58, v32  }
0x3b4: {  	v62 =	vld.idx.msk [tilespmem:v52+s11+$0x0], $0xffff;
	v48 =	vor.u32 $0xC280, v0;
	v61 =	vor.u32 v58, v31;
	v33 =	vadd.f32 v54, v33  }
0x3b5: {  	v53 =	vor.u32 $0xC300, v0;
	v52 =	vor.u32 v48, v32;
	v50 =	vld.idx.msk [tilespmem:v44+s13+$0x0], $0xffff  }
0x3b6: {  	v49 =	vmul.f32 v39, v51;
	v51 =	vor.u32 v48, v31;
	v36 =	vld.idx.msk [tilespmem:v55+s11+$0x0], $0xffff;
	v33 =	vadd.f32 v59, v33  }
0x3b7: {  	v55 =	vor.u32 v53, v31;
	v35 =	vmul.f32 v60, v56;
	v54 =	vld.idx.msk [tilespmem:v57+s13+$0x0], $0xffff  }
0x3b8: {  	v56 =	vor.u32 v53, v32;
	v43 =	vld.idx.msk [tilespmem:v63+s13+$0x0], $0xffff;
	v57 =	vor.u32 $0xC380, v0;
	v33 =	vadd.f32 v49, v33  }
0x3b9: {  	v38 =	vld.idx.msk [tilespmem:v61+s11+$0x0], $0xffff;
	v31 =	vor.u32 v57, v31  }
0x3ba: {  	v60 =	vld.idx.msk [tilespmem:v52+s13+$0x0], $0xffff;
	v32 =	vor.u32 v57, v32;
	v58 =	vmul.f32 v50, v62;
	v33 =	vadd.f32 v35, v33  }
0x3bb: {  	v59 =	vld.idx.msk [tilespmem:v51+s11+$0x0], $0xffff  }
0x3bc: {  	v61 =	vld.idx.msk [tilespmem:v55+s11+$0x0], $0xffff;
	v34 =	vmul.f32 v54, v36;
	v33 =	vadd.f32 v58, v33  }
0x3bd: {  	v62 =	vld.idx.msk [tilespmem:v56+s13+$0x0], $0xffff  }
0x3be: {  	v63 =	vmul.f32 v43, v38;
	v31 =	vld.idx.msk [tilespmem:v31+s11+$0x0], $0xffff;
	v33 =	vadd.f32 v34, v33  }
0x3bf: {  	v32 =	vld.idx.msk [tilespmem:v32+s13+$0x0], $0xffff  }
0x3c0: {  	v37 =	vmul.f32 v60, v59;
	v33 =	vadd.f32 v63, v33;
	_ =	sdelay $0x1  }
0x3c1: {  	v38 =	vmul.f32 v62, v61;
	v33 =	vadd.f32 v37, v33;
	_ =	sdelay $0x1  }
0x3c2: {  	v31 =	vmul.f32 v32, v31;
	v33 =	vadd.f32 v38, v33;
	_ =	sdelay $0x1  }
0x3c3: {  	v31 =	vadd.f32 v31, v33;
	_ =	sdelay $0x1  }
0x3c4: {  	[tilespmem:$0x1C6F0] =	vst v31  }
0x3c5: {  	_ =	swait.ge [sflag:s22], $0x800  }
0x3c6: {  	[sflag:s22] =	ssyncset.done $0x0  }
0x3c7: {  	[sflag:s22] =	ssyncadd.s32 $0xFFFFF800  }
0x3c8: {  	_ =	swait.ge [sflag:s22], $0x800  }
0x3c9: {  	[sflag:s22] =	ssyncset.done $0x0  }
0x3ca: {  	[sflag:s22] =	ssyncadd.s32 $0xFFFFF800  }
0x3cb: {  	_ =	swait.ge [sflag:s22], $0x800  }
0x3cc: {  	[sflag:s22] =	ssyncset.done $0x0  }
0x3cd: {  	[sflag:s22] =	ssyncadd.s32 $0xFFFFF800  }
0x3ce: {  	_ =	swait.ge [sflag:s22], $0x800  }
0x3cf: {  	[sflag:s22] =	ssyncset.done $0x0  }
0x3d0: {  	[sflag:s22] =	ssyncadd.s32 $0xFFFFF800  }
0x3d1: {  	_ =	swait.ge [sflag:s22], $0x800  }
0x3d2: {  	[sflag:s22] =	ssyncset.done $0x0  }
0x3d3: {  	[sflag:s22] =	ssyncadd.s32 $0xFFFFF800  }
0x3d4: {  	_ =	swait.ge [sflag:s22], $0x800  }
0x3d5: {  	[sflag:s22] =	ssyncset.done $0x0  }
0x3d6: {  	[sflag:s22] =	ssyncadd.s32 $0xFFFFF800  }
0x3d7: {  	_ =	swait.ge [sflag:s22], $0x800  }
0x3d8: {  	[sflag:s22] =	ssyncset.done $0x0  }
0x3d9: {  	[sflag:s22] =	ssyncadd.s32 $0xFFFFF800  }
0x3da: {  	_ =	swait.ge [sflag:s22], $0x800  }
0x3db: {  	[sflag:s22] =	ssyncset.done $0x0  }
0x3dc: {  	[sflag:s22] =	ssyncadd.s32 $0xFFFFF800  }
0x3dd: {  	v31 =	vld [tilespmem:$0x1F4]  }
0x3de: {  	v39 =	vld [tilespmem:$0x474];
	_ =	sdelay $0x3  }
0x3df: {  	v40 =	vor.u32 $0x6000, v0;
	v31 =	vand.u32 $0x7F, v31  }
0x3e0: {  	v32 =	vand.u32 $0x7F, v39;
	v41 =	vor.u32 v40, v31  }
0x3e1: {  	v42 =	vor.u32 $0x6080, v0;
	v33 =	vor.u32 v40, v32  }
0x3e2: {  	v43 =	vor.u32 v42, v31  }
0x3e3: {  	v44 =	vor.u32 $0x6100, v0;
	v35 =	vor.u32 v42, v32  }
0x3e4: {  	v45 =	vor.u32 v44, v31  }
0x3e5: {  	v46 =	vor.u32 $0x6180, v0;
	v37 =	vor.u32 v44, v32;
	v34 =	vld.idx.msk [tilespmem:v41+s11+$0x0], $0xffff  }
0x3e6: {  	v47 =	vor.u32 v46, v31;
	v33 =	vld.idx.msk [tilespmem:v33+s13+$0x0], $0xffff  }
0x3e7: {  	v48 =	vor.u32 $0x6200, v0;
	v39 =	vor.u32 v46, v32;
	v36 =	vld.idx.msk [tilespmem:v43+s11+$0x0], $0xffff  }
0x3e8: {  	v50 =	vor.u32 $0x6280, v0;
	v49 =	vor.u32 v48, v31;
	v35 =	vld.idx.msk [tilespmem:v35+s13+$0x0], $0xffff  }
0x3e9: {  	v52 =	vor.u32 v50, v31;
	v38 =	vld.idx.msk [tilespmem:v45+s11+$0x0], $0xffff  }
0x3ea: {  	v53 =	vor.u32 $0x6300, v0;
	v41 =	vor.u32 v48, v32;
	v51 =	vld.idx.msk [tilespmem:v37+s13+$0x0], $0xffff  }
0x3eb: {  	v55 =	vor.u32 v53, v31;
	v40 =	vld.idx.msk [tilespmem:v47+s11+$0x0], $0xffff  }
0x3ec: {  	v43 =	vor.u32 v50, v32;
	v54 =	vld.idx.msk [tilespmem:v39+s13+$0x0], $0xffff;
	v33 =	vmul.f32 v33, v34  }
0x3ed: {  	v56 =	vor.u32 $0x6380, v0;
	v44 =	vor.u32 v53, v32;
	v42 =	vld.idx.msk [tilespmem:v49+s11+$0x0], $0xffff  }
0x3ee: {  	v58 =	vor.u32 v56, v31;
	v37 =	vld.idx.msk [tilespmem:v52+s11+$0x0], $0xffff;
	v35 =	vmul.f32 v35, v36;
	v33 =	vadd.f32 $0.0e+00, v33  }
0x3ef: {  	v60 =	vor.u32 $0xD000, v0;
	v59 =	vor.u32 v56, v32;
	v57 =	vld.idx.msk [tilespmem:v41+s13+$0x0], $0xffff  }
0x3f0: {  	v63 =	vld.idx.msk [tilespmem:v55+s11+$0x0], $0xffff;
	v48 =	vor.u32 v60, v32;
	v34 =	vmul.f32 v51, v38;
	v33 =	vadd.f32 v35, v33  }
0x3f1: {  	v61 =	vor.u32 v60, v31;
	v50 =	vor.u32 $0xD080, v0;
	v43 =	vld.idx.msk [tilespmem:v43+s13+$0x0], $0xffff  }
0x3f2: {  	v49 =	vld.idx.msk [tilespmem:v44+s13+$0x0], $0xffff;
	v62 =	vmul.f32 v54, v40;
	v54 =	vor.u32 v50, v32;
	v33 =	vadd.f32 v34, v33  }
0x3f3: {  	v52 =	vld.idx.msk [tilespmem:v58+s11+$0x0], $0xffff;
	v53 =	vor.u32 v50, v31  }
0x3f4: {  	v55 =	vor.u32 $0xD100, v0;
	v38 =	vld.idx.msk [tilespmem:v59+s13+$0x0], $0xffff;
	v51 =	vmul.f32 v57, v42;
	v33 =	vadd.f32 v62, v33  }
0x3f5: {  	v58 =	vor.u32 v55, v31;
	v44 =	vor.u32 v55, v32;
	v39 =	vld.idx.msk [tilespmem:v48+s13+$0x0], $0xffff  }
0x3f6: {  	v59 =	vor.u32 $0xD180, v0;
	v56 =	vmul.f32 v43, v37;
	v57 =	vld.idx.msk [tilespmem:v61+s11+$0x0], $0xffff;
	v33 =	vadd.f32 v51, v33  }
0x3f7: {  	v60 =	vmul.f32 v49, v63;
	v61 =	vor.u32 v59, v31;
	v50 =	vld.idx.msk [tilespmem:v54+s13+$0x0], $0xffff  }
0x3f8: {  	v48 =	vor.u32 $0xD200, v0;
	v63 =	vor.u32 v59, v32;
	v62 =	vld.idx.msk [tilespmem:v53+s11+$0x0], $0xffff;
	v33 =	vadd.f32 v56, v33  }
0x3f9: {  	v49 =	vmul.f32 v38, v52;
	v53 =	vor.u32 v48, v32  }
0x3fa: {  	v52 =	vld.idx.msk [tilespmem:v58+s11+$0x0], $0xffff;
	v54 =	vor.u32 $0xD280, v0;
	v51 =	vor.u32 v48, v31;
	v33 =	vadd.f32 v60, v33  }
0x3fb: {  	v59 =	vor.u32 $0xD300, v0;
	v58 =	vor.u32 v54, v32;
	v56 =	vld.idx.msk [tilespmem:v44+s13+$0x0], $0xffff  }
0x3fc: {  	v55 =	vmul.f32 v39, v57;
	v57 =	vor.u32 v54, v31;
	v36 =	vld.idx.msk [tilespmem:v61+s11+$0x0], $0xffff;
	v33 =	vadd.f32 v49, v33  }
0x3fd: {  	v61 =	vor.u32 v59, v31;
	v35 =	vmul.f32 v50, v62;
	v60 =	vld.idx.msk [tilespmem:v63+s13+$0x0], $0xffff  }
0x3fe: {  	v62 =	vor.u32 v59, v32;
	v43 =	vld.idx.msk [tilespmem:v53+s13+$0x0], $0xffff;
	v63 =	vor.u32 $0xD380, v0;
	v33 =	vadd.f32 v55, v33  }
0x3ff: {  	v38 =	vld.idx.msk [tilespmem:v51+s11+$0x0], $0xffff;
	v31 =	vor.u32 v63, v31  }
0x400: {  	v47 =	vld.idx.msk [tilespmem:v58+s13+$0x0], $0xffff;
	v32 =	vor.u32 v63, v32;
	v42 =	vmul.f32 v56, v52;
	v33 =	vadd.f32 v35, v33  }
0x401: {  	v46 =	vld.idx.msk [tilespmem:v57+s11+$0x0], $0xffff  }
0x402: {  	v48 =	vld.idx.msk [tilespmem:v61+s11+$0x0], $0xffff;
	v34 =	vmul.f32 v60, v36;
	v33 =	vadd.f32 v42, v33  }
0x403: {  	v49 =	vld.idx.msk [tilespmem:v62+s13+$0x0], $0xffff  }
0x404: {  	v50 =	vmul.f32 v43, v38;
	v31 =	vld.idx.msk [tilespmem:v31+s11+$0x0], $0xffff;
	v33 =	vadd.f32 v34, v33  }
0x405: {  	v32 =	vld.idx.msk [tilespmem:v32+s13+$0x0], $0xffff  }
0x406: {  	v51 =	vmul.f32 v47, v46;
	v33 =	vadd.f32 v50, v33;
	_ =	sdelay $0x1  }
0x407: {  	v52 =	vmul.f32 v49, v48;
	v33 =	vadd.f32 v51, v33;
	_ =	sdelay $0x1  }
0x408: {  	v31 =	vmul.f32 v32, v31;
	v33 =	vadd.f32 v52, v33;
	_ =	sdelay $0x1  }
0x409: {  	v31 =	vadd.f32 v31, v33;
	_ =	sdelay $0x1  }
0x40a: {  	[tilespmem:$0x1C6F4] =	vst v31  }
0x40b: {  	_ =	swait.ge [sflag:s23], $0x800  }
0x40c: {  	[sflag:s23] =	ssyncset.done $0x0  }
0x40d: {  	[sflag:s23] =	ssyncadd.s32 $0xFFFFF800  }
0x40e: {  	_ =	swait.ge [sflag:s23], $0x800  }
0x40f: {  	[sflag:s23] =	ssyncset.done $0x0  }
0x410: {  	[sflag:s23] =	ssyncadd.s32 $0xFFFFF800  }
0x411: {  	_ =	swait.ge [sflag:s23], $0x800  }
0x412: {  	[sflag:s23] =	ssyncset.done $0x0  }
0x413: {  	[sflag:s23] =	ssyncadd.s32 $0xFFFFF800  }
0x414: {  	_ =	swait.ge [sflag:s23], $0x800  }
0x415: {  	[sflag:s23] =	ssyncset.done $0x0  }
0x416: {  	[sflag:s23] =	ssyncadd.s32 $0xFFFFF800  }
0x417: {  	_ =	swait.ge [sflag:s23], $0x800  }
0x418: {  	[sflag:s23] =	ssyncset.done $0x0  }
0x419: {  	[sflag:s23] =	ssyncadd.s32 $0xFFFFF800  }
0x41a: {  	_ =	swait.ge [sflag:s23], $0x800  }
0x41b: {  	[sflag:s23] =	ssyncset.done $0x0  }
0x41c: {  	[sflag:s23] =	ssyncadd.s32 $0xFFFFF800  }
0x41d: {  	_ =	swait.ge [sflag:s23], $0x800  }
0x41e: {  	[sflag:s23] =	ssyncset.done $0x0  }
0x41f: {  	[sflag:s23] =	ssyncadd.s32 $0xFFFFF800  }
0x420: {  	_ =	swait.ge [sflag:s23], $0x800  }
0x421: {  	[sflag:s23] =	ssyncset.done $0x0  }
0x422: {  	[sflag:s23] =	ssyncadd.s32 $0xFFFFF800  }
0x423: {  	v31 =	vld [tilespmem:$0x1F8]  }
0x424: {  	v53 =	vld [tilespmem:$0x478];
	_ =	sdelay $0x3  }
0x425: {  	v31 =	vand.u32 $0x7F, v31  }
0x426: {  	v32 =	vand.u32 $0x7F, v53;
	v54 =	vor.u32 v0, v31  }
0x427: {  	v56 =	vor.u32 $0x80, v0;
	v55 =	vor.u32 v0, v32  }
0x428: {  	v57 =	vor.u32 v56, v31  }
0x429: {  	v58 =	vor.u32 $0x100, v0;
	v35 =	vor.u32 v56, v32  }
0x42a: {  	v59 =	vor.u32 v58, v31  }
0x42b: {  	v60 =	vor.u32 $0x180, v0;
	v37 =	vor.u32 v58, v32;
	v33 =	vld.idx.msk [tilespmem:v54+s11+$0x0], $0xffff  }
0x42c: {  	v61 =	vor.u32 v60, v31;
	v34 =	vld.idx.msk [tilespmem:v55+s13+$0x0], $0xffff  }
0x42d: {  	v62 =	vor.u32 $0x200, v0;
	v39 =	vor.u32 v60, v32;
	v36 =	vld.idx.msk [tilespmem:v57+s11+$0x0], $0xffff  }
0x42e: {  	v63 =	vor.u32 v62, v31;
	v35 =	vld.idx.msk [tilespmem:v35+s13+$0x0], $0xffff  }
0x42f: {  	v47 =	vor.u32 $0x280, v0;
	v41 =	vor.u32 v62, v32;
	v38 =	vld.idx.msk [tilespmem:v59+s11+$0x0], $0xffff  }
0x430: {  	v49 =	vor.u32 v47, v31;
	v48 =	vld.idx.msk [tilespmem:v37+s13+$0x0], $0xffff  }
0x431: {  	v50 =	vor.u32 $0x300, v0;
	v43 =	vor.u32 v47, v32;
	v40 =	vld.idx.msk [tilespmem:v61+s11+$0x0], $0xffff  }
0x432: {  	v52 =	vor.u32 v50, v31;
	v51 =	vld.idx.msk [tilespmem:v39+s13+$0x0], $0xffff;
	v33 =	vmul.f32 v34, v33  }
0x433: {  	v53 =	vor.u32 $0x380, v0;
	v44 =	vor.u32 v50, v32;
	v42 =	vld.idx.msk [tilespmem:v63+s11+$0x0], $0xffff  }
0x434: {  	v54 =	vld.idx.msk [tilespmem:v41+s13+$0x0], $0xffff;
	v55 =	vor.u32 v53, v31;
	v35 =	vmul.f32 v35, v36;
	v33 =	vadd.f32 $0.0e+00, v33  }
0x435: {  	v56 =	vor.u32 v53, v32;
	v37 =	vld.idx.msk [tilespmem:v49+s11+$0x0], $0xffff;
	v57 =	vor.u32 $0x7000, v0  }
0x436: {  	v43 =	vld.idx.msk [tilespmem:v43+s13+$0x0], $0xffff;
	v58 =	vor.u32 v57, v31;
	v34 =	vmul.f32 v48, v38;
	v33 =	vadd.f32 v35, v33  }
0x437: {  	v60 =	vld.idx.msk [tilespmem:v52+s11+$0x0], $0xffff;
	v63 =	vor.u32 $0x7080, v0;
	v61 =	vor.u32 v57, v32  }
0x438: {  	v62 =	vld.idx.msk [tilespmem:v44+s13+$0x0], $0xffff;
	v59 =	vmul.f32 v51, v40;
	v51 =	vor.u32 v63, v32;
	v33 =	vadd.f32 v34, v33  }
0x439: {  	v50 =	vor.u32 v63, v31;
	v49 =	vld.idx.msk [tilespmem:v55+s11+$0x0], $0xffff  }
0x43a: {  	v52 =	vor.u32 $0x7100, v0;
	v48 =	vmul.f32 v54, v42;
	v38 =	vld.idx.msk [tilespmem:v56+s13+$0x0], $0xffff;
	v33 =	vadd.f32 v59, v33  }
0x43b: {  	v44 =	vor.u32 v52, v32;
	v55 =	vor.u32 v52, v31;
	v54 =	vld.idx.msk [tilespmem:v58+s11+$0x0], $0xffff  }
0x43c: {  	v53 =	vmul.f32 v43, v37;
	v56 =	vor.u32 $0x7180, v0;
	v39 =	vld.idx.msk [tilespmem:v61+s13+$0x0], $0xffff;
	v33 =	vadd.f32 v48, v33  }
0x43d: {  	v57 =	vmul.f32 v62, v60;
	v58 =	vor.u32 v56, v31;
	v63 =	vld.idx.msk [tilespmem:v51+s13+$0x0], $0xffff  }
0x43e: {  	v60 =	vor.u32 v56, v32;
	v61 =	vor.u32 $0x7200, v0;
	v59 =	vld.idx.msk [tilespmem:v50+s11+$0x0], $0xffff;
	v33 =	vadd.f32 v53, v33  }
0x43f: {  	v62 =	vmul.f32 v38, v49;
	v50 =	vor.u32 v61, v32  }
0x440: {  	v49 =	vld.idx.msk [tilespmem:v55+s11+$0x0], $0xffff;
	v51 =	vor.u32 $0x7280, v0;
	v48 =	vor.u32 v61, v31;
	v33 =	vadd.f32 v57, v33  }
0x441: {  	v56 =	vor.u32 $0x7300, v0;
	v55 =	vor.u32 v51, v32;
	v53 =	vld.idx.msk [tilespmem:v44+s13+$0x0], $0xffff  }
0x442: {  	v52 =	vmul.f32 v39, v54;
	v54 =	vor.u32 v51, v31;
	v36 =	vld.idx.msk [tilespmem:v58+s11+$0x0], $0xffff;
	v33 =	vadd.f32 v62, v33  }
0x443: {  	v58 =	vor.u32 v56, v31;
	v35 =	vmul.f32 v63, v59;
	v57 =	vld.idx.msk [tilespmem:v60+s13+$0x0], $0xffff  }
0x444: {  	v59 =	vor.u32 v56, v32;
	v43 =	vld.idx.msk [tilespmem:v50+s13+$0x0], $0xffff;
	v60 =	vor.u32 $0x7380, v0;
	v33 =	vadd.f32 v52, v33  }
0x445: {  	v38 =	vld.idx.msk [tilespmem:v48+s11+$0x0], $0xffff;
	v31 =	vor.u32 v60, v31  }
0x446: {  	v63 =	vld.idx.msk [tilespmem:v55+s13+$0x0], $0xffff;
	v32 =	vor.u32 v60, v32;
	v61 =	vmul.f32 v53, v49;
	v33 =	vadd.f32 v35, v33  }
0x447: {  	v62 =	vld.idx.msk [tilespmem:v54+s11+$0x0], $0xffff  }
0x448: {  	v41 =	vld.idx.msk [tilespmem:v58+s11+$0x0], $0xffff;
	v34 =	vmul.f32 v57, v36;
	v33 =	vadd.f32 v61, v33  }
0x449: {  	v42 =	vld.idx.msk [tilespmem:v59+s13+$0x0], $0xffff  }
0x44a: {  	v44 =	vmul.f32 v43, v38;
	v31 =	vld.idx.msk [tilespmem:v31+s11+$0x0], $0xffff;
	v33 =	vadd.f32 v34, v33  }
0x44b: {  	v32 =	vld.idx.msk [tilespmem:v32+s13+$0x0], $0xffff  }
0x44c: {  	v45 =	vmul.f32 v63, v62;
	v33 =	vadd.f32 v44, v33;
	_ =	sdelay $0x1  }
0x44d: {  	v46 =	vmul.f32 v42, v41;
	v33 =	vadd.f32 v45, v33;
	_ =	sdelay $0x1  }
0x44e: {  	v31 =	vmul.f32 v32, v31;
	v33 =	vadd.f32 v46, v33;
	_ =	sdelay $0x1  }
0x44f: {  	v31 =	vadd.f32 v31, v33;
	_ =	sdelay $0x1  }
0x450: {  	[tilespmem:$0x1C6F8] =	vst v31  }
0x451: {  	_ =	swait.ge [sflag:s24], $0x800  }
0x452: {  	[sflag:s24] =	ssyncset.done $0x0  }
0x453: {  	[sflag:s24] =	ssyncadd.s32 $0xFFFFF800  }
0x454: {  	_ =	swait.ge [sflag:s24], $0x800  }
0x455: {  	[sflag:s24] =	ssyncset.done $0x0  }
0x456: {  	[sflag:s24] =	ssyncadd.s32 $0xFFFFF800  }
0x457: {  	_ =	swait.ge [sflag:s24], $0x800  }
0x458: {  	[sflag:s24] =	ssyncset.done $0x0  }
0x459: {  	[sflag:s24] =	ssyncadd.s32 $0xFFFFF800  }
0x45a: {  	_ =	swait.ge [sflag:s24], $0x800  }
0x45b: {  	[sflag:s24] =	ssyncset.done $0x0  }
0x45c: {  	[sflag:s24] =	ssyncadd.s32 $0xFFFFF800  }
0x45d: {  	_ =	swait.ge [sflag:s24], $0x800  }
0x45e: {  	[sflag:s24] =	ssyncset.done $0x0  }
0x45f: {  	[sflag:s24] =	ssyncadd.s32 $0xFFFFF800  }
0x460: {  	_ =	swait.ge [sflag:s24], $0x800  }
0x461: {  	[sflag:s24] =	ssyncset.done $0x0  }
0x462: {  	[sflag:s24] =	ssyncadd.s32 $0xFFFFF800  }
0x463: {  	_ =	swait.ge [sflag:s24], $0x800  }
0x464: {  	[sflag:s24] =	ssyncset.done $0x0  }
0x465: {  	[sflag:s24] =	ssyncadd.s32 $0xFFFFF800  }
0x466: {  	_ =	swait.ge [sflag:s24], $0x800  }
0x467: {  	[sflag:s24] =	ssyncset.done $0x0  }
0x468: {  	[sflag:s24] =	ssyncadd.s32 $0xFFFFF800  }
0x469: {  	v31 =	vld [tilespmem:$0x1FC]  }
0x46a: {  	v47 =	vld [tilespmem:$0x47C];
	_ =	sdelay $0x3  }
0x46b: {  	v48 =	vor.u32 $0x1000, v0;
	v31 =	vand.u32 $0x7F, v31  }
0x46c: {  	v32 =	vand.u32 $0x7F, v47;
	v49 =	vor.u32 v48, v31  }
0x46d: {  	v50 =	vor.u32 $0x1080, v0;
	v33 =	vor.u32 v48, v32  }
0x46e: {  	v51 =	vor.u32 v50, v31  }
0x46f: {  	v52 =	vor.u32 $0x1100, v0;
	v35 =	vor.u32 v50, v32  }
0x470: {  	v53 =	vor.u32 v52, v31  }
0x471: {  	v54 =	vor.u32 $0x1180, v0;
	v37 =	vor.u32 v52, v32;
	v34 =	vld.idx.msk [tilespmem:v49+s11+$0x0], $0xffff  }
0x472: {  	v55 =	vor.u32 v54, v31;
	v33 =	vld.idx.msk [tilespmem:v33+s13+$0x0], $0xffff  }
0x473: {  	v56 =	vor.u32 $0x1200, v0;
	v39 =	vor.u32 v54, v32;
	v36 =	vld.idx.msk [tilespmem:v51+s11+$0x0], $0xffff  }
0x474: {  	v57 =	vor.u32 v56, v31;
	v35 =	vld.idx.msk [tilespmem:v35+s13+$0x0], $0xffff  }
0x475: {  	v58 =	vor.u32 $0x1280, v0;
	v41 =	vor.u32 v56, v32;
	v38 =	vld.idx.msk [tilespmem:v53+s11+$0x0], $0xffff  }
0x476: {  	v60 =	vor.u32 v58, v31;
	v59 =	vld.idx.msk [tilespmem:v37+s13+$0x0], $0xffff  }
0x477: {  	v61 =	vor.u32 $0x1300, v0;
	v43 =	vor.u32 v58, v32;
	v40 =	vld.idx.msk [tilespmem:v55+s11+$0x0], $0xffff  }
0x478: {  	v63 =	vor.u32 v61, v31;
	v62 =	vld.idx.msk [tilespmem:v39+s13+$0x0], $0xffff;
	v33 =	vmul.f32 v33, v34  }
0x479: {  	v44 =	vor.u32 v61, v32;
	v48 =	vor.u32 $0x1380, v0;
	v42 =	vld.idx.msk [tilespmem:v57+s11+$0x0], $0xffff  }
0x47a: {  	v50 =	vor.u32 v48, v31;
	v49 =	vld.idx.msk [tilespmem:v41+s13+$0x0], $0xffff;
	v35 =	vmul.f32 v35, v36;
	v33 =	vadd.f32 $0.0e+00, v33  }
0x47b: {  	v52 =	vor.u32 $0x8000, v0;
	v37 =	vld.idx.msk [tilespmem:v60+s11+$0x0], $0xffff;
	v51 =	vor.u32 v48, v32  }
0x47c: {  	v56 =	vor.u32 v52, v32;
	v43 =	vld.idx.msk [tilespmem:v43+s13+$0x0], $0xffff;
	v34 =	vmul.f32 v59, v38;
	v33 =	vadd.f32 v35, v33  }
0x47d: {  	v58 =	vor.u32 $0x8080, v0;
	v53 =	vor.u32 v52, v31;
	v55 =	vld.idx.msk [tilespmem:v63+s11+$0x0], $0xffff  }
0x47e: {  	v57 =	vld.idx.msk [tilespmem:v44+s13+$0x0], $0xffff;
	v54 =	vmul.f32 v62, v40;
	v62 =	vor.u32 v58, v32;
	v33 =	vadd.f32 v34, v33  }
0x47f: {  	v61 =	vor.u32 v58, v31;
	v60 =	vld.idx.msk [tilespmem:v50+s11+$0x0], $0xffff  }
0x480: {  	v63 =	vor.u32 $0x8100, v0;
	v59 =	vmul.f32 v49, v42;
	v38 =	vld.idx.msk [tilespmem:v51+s13+$0x0], $0xffff;
	v33 =	vadd.f32 v54, v33  }
0x481: {  	v50 =	vor.u32 v63, v31;
	v39 =	vld.idx.msk [tilespmem:v56+s13+$0x0], $0xffff;
	v44 =	vor.u32 v63, v32  }
0x482: {  	v48 =	vmul.f32 v43, v37;
	v49 =	vld.idx.msk [tilespmem:v53+s11+$0x0], $0xffff;
	v51 =	vor.u32 $0x8180, v0;
	v33 =	vadd.f32 v59, v33  }
0x483: {  	v56 =	vor.u32 $0x8200, v0;
	v53 =	vor.u32 v51, v31;
	v58 =	vld.idx.msk [tilespmem:v62+s13+$0x0], $0xffff  }
0x484: {  	v52 =	vmul.f32 v57, v55;
	v55 =	vor.u32 v51, v32;
	v54 =	vld.idx.msk [tilespmem:v61+s11+$0x0], $0xffff;
	v33 =	vadd.f32 v48, v33  }
0x485: {  	v57 =	vmul.f32 v38, v60;
	v61 =	vor.u32 v56, v32  }
0x486: {  	v60 =	vld.idx.msk [tilespmem:v50+s11+$0x0], $0xffff;
	v62 =	vor.u32 $0x8280, v0;
	v59 =	vor.u32 v56, v31;
	v33 =	vadd.f32 v52, v33  }
0x487: {  	v51 =	vor.u32 $0x8300, v0;
	v50 =	vor.u32 v62, v32;
	v48 =	vld.idx.msk [tilespmem:v44+s13+$0x0], $0xffff  }
0x488: {  	v63 =	vmul.f32 v39, v49;
	v49 =	vor.u32 v62, v31;
	v36 =	vld.idx.msk [tilespmem:v53+s11+$0x0], $0xffff;
	v33 =	vadd.f32 v57, v33  }
0x489: {  	v53 =	vor.u32 v51, v31;
	v35 =	vmul.f32 v58, v54;
	v52 =	vld.idx.msk [tilespmem:v55+s13+$0x0], $0xffff  }
0x48a: {  	v54 =	vor.u32 v51, v32;
	v43 =	vld.idx.msk [tilespmem:v61+s13+$0x0], $0xffff;
	v55 =	vor.u32 $0x8380, v0;
	v33 =	vadd.f32 v63, v33  }
0x48b: {  	v38 =	vld.idx.msk [tilespmem:v59+s11+$0x0], $0xffff;
	v31 =	vor.u32 v55, v31  }
0x48c: {  	v58 =	vld.idx.msk [tilespmem:v50+s13+$0x0], $0xffff;
	v32 =	vor.u32 v55, v32;
	v56 =	vmul.f32 v48, v60;
	v33 =	vadd.f32 v35, v33  }
0x48d: {  	v57 =	vld.idx.msk [tilespmem:v49+s11+$0x0], $0xffff  }
0x48e: {  	v59 =	vld.idx.msk [tilespmem:v53+s11+$0x0], $0xffff;
	v34 =	vmul.f32 v52, v36;
	v33 =	vadd.f32 v56, v33  }
0x48f: {  	v60 =	vld.idx.msk [tilespmem:v54+s13+$0x0], $0xffff  }
0x490: {  	v61 =	vmul.f32 v43, v38;
	v31 =	vld.idx.msk [tilespmem:v31+s11+$0x0], $0xffff;
	v33 =	vadd.f32 v34, v33  }
0x491: {  	v32 =	vld.idx.msk [tilespmem:v32+s13+$0x0], $0xffff  }
0x492: {  	v62 =	vmul.f32 v58, v57;
	v33 =	vadd.f32 v61, v33;
	_ =	sdelay $0x1  }
0x493: {  	v63 =	vmul.f32 v60, v59;
	v33 =	vadd.f32 v62, v33;
	_ =	sdelay $0x1  }
0x494: {  	v31 =	vmul.f32 v32, v31;
	v33 =	vadd.f32 v63, v33;
	_ =	sdelay $0x1  }
0x495: {  	s26 =	sadd.s32 $0x1, s26;
	v31 =	vadd.f32 v31, v33  }
0x496: {  	p0 =	sne.s32 s26, s8  }
.Ltmp1:
0x497: {  	s31 =	simm.s32 $0x1C500;
	[tilespmem:$0x1C6FC] =	vst v31;
	(pc) =	sbr.rel @p0 .LBB2_1-.Ltmp1, $4  }
0x498: {  	[hbm4b:s7+s4] =	stream.linear.scatter [tilespmem:s31], [sflag:$0x8], $0x200, $0x38;
	[tilespmem:$0x1C780] =	vst v63  }
0x499: {  	_ =	swait.ge [sflag:s9], $0x200  }
0x49a: {  	[sflag:s9] =	ssyncset.done $0x0  }
0x49b: {  	[sflag:s9] =	ssyncadd.s32 $0xFFFFFE00  }
0x49c: {  	_ =	sfence.sel $0x180000  }
0x49d: {  	[bflag:$0x0] =	sbarrier.arrive $0xFFFF  }
0x49e: {  	_ =	strace $0x90000047  }
0x49f: {  	s0 =	stileid.u32;
	[bflag:$0x2] =	sbarrier.arrive $0xFFFF  }
0x4a0: {  	p0 =	sne.s32 s0, $0x0;
	s0 =	rddreg [dreg:$0x5]  }
0x4a1: {  	s0 =	sadd.s32 @!p0 $0x100000, s0  }
0x4a2: {  	[sflag:s0] =	ssyncadd.tile.s32 @!p0 $0x1;
	_ =	shalt  }
.Lfunc_end2:
_tile_overlayer_lowered:
.L_overlay_start_2:
0x4a3: {  	(tag) =	ssettag $0x2  }
0x4a4: {  	s0 =	rddreg [dreg:$0x0];
	s2 =	stileid.u32  }
0x4a5: {  	s1 =	rddreg [dreg:$0x1];
	p0 =	sne.s32 s2, $0x0  }
0x4a6: {  	s3 =	rddreg [dreg:$0x2];
	[bflag:$0x3] =	sbarrier.arrive $0xFFFF;
	s2 =	simm.s32 @!p0 $0x1C08  }
0x4a7: {  	[timem:s3], [sflag:s2] =	dma.local @!p0 [hbm:s0], s1  }
0x4a8: {  	s0 =	simm.s32 @!p0 $0x8  }
0x4a9: {  	_ =	swait.ge @!p0 [sflag:s0], s1  }
0x4aa: {  	s1 =	ssub.s32 @!p0 $0x0, s1;
	[sflag:s0] =	ssyncset.done @!p0 $0x0  }
0x4ab: {  	[sflag:s0] =	ssyncadd.s32 @!p0 s1  }
0x4ac: {  	[bflag:$0x3] =	sbarrier.arrive $0xFFFF  }
0x4ad: {  	_ =	shalt  }

</sc_bundles>
